<compile_context>
chip_gen: v7x
topology: tpu7x:2x2x1
jax: 0.10.2.dev20260603
libtpu: 0.0.44.dev20260713+nightly
codegen_flags: <defaults>
</compile_context>

<pallas_src>
import functools

import jax
import jax.numpy as jnp
from jax import lax
from jax.experimental import pallas as pl
from jax.experimental.pallas import tpu as pltpu
from jax.experimental.pallas import tpu_sc as plsc

N = 10000
D = 128
R_ENC = 8
E_PER = 40000
L = 2
B = 8192
EPS = 1e-5

NW = 32
NS = 16
E_PAD = 40960
CH = 80
CHUNKS_PER_W = (R_ENC * E_PAD) // (NW * CH)
ACC_ROWS = 10240
STRIPE = ACC_ROWS // NS
ROW_BLK = 1000



def _mm_body(x_ref, w_ref, z_ref):
    z_ref[...] = jnp.dot(x_ref[...], w_ref[...],
                         preferred_element_type=jnp.float32)


def _tc_matmul(x, w_cat):
    return pl.pallas_call(
        _mm_body,
        grid=(N // ROW_BLK,),
        in_specs=[
            pl.BlockSpec((ROW_BLK, D), lambda i: (i, 0)),
            pl.BlockSpec((D, (R_ENC + 1) * D), lambda i: (0, 0)),
        ],
        out_specs=pl.BlockSpec((ROW_BLK, (R_ENC + 1) * D), lambda i: (i, 0)),
        out_shape=jax.ShapeDtypeStruct((N, (R_ENC + 1) * D), jnp.float32),
    )(x, w_cat)


def _ln_body(zs_ref, m_ref, x_ref, g_ref, b_ref, o_ref, *, relu):
    tot = zs_ref[...] + m_ref[0] + m_ref[1]
    mu = jnp.mean(tot, axis=-1, keepdims=True)
    var = jnp.mean((tot - mu) * (tot - mu), axis=-1, keepdims=True)
    hh = (tot - mu) * lax.rsqrt(var + EPS) * g_ref[...] + b_ref[...]
    if relu:
        hh = jnp.maximum(hh, 0.0)
    o_ref[...] = x_ref[...] + hh


def _tc_layernorm(z, msg, x, g, b, relu):
    return pl.pallas_call(
        functools.partial(_ln_body, relu=relu),
        grid=(N // ROW_BLK,),
        in_specs=[
            pl.BlockSpec((ROW_BLK, D), lambda i: (i, 0)),
            pl.BlockSpec((2, ROW_BLK, D), lambda i: (0, i, 0)),
            pl.BlockSpec((ROW_BLK, D), lambda i: (i, 0)),
            pl.BlockSpec((1, D), lambda i: (0, 0)),
            pl.BlockSpec((1, D), lambda i: (0, 0)),
        ],
        out_specs=pl.BlockSpec((ROW_BLK, D), lambda i: (i, 0)),
        out_shape=jax.ShapeDtypeStruct((N, D), jnp.float32),
    )(z, msg, x, g, b)


def _score_body(a_ref, b_ref, c_ref, o_ref):
    o_ref[...] = jnp.sum(a_ref[...] * b_ref[...] * c_ref[...],
                         axis=-1, keepdims=True)


def _tc_score(xh, rd, xt):
    blk = 1024
    return pl.pallas_call(
        _score_body,
        grid=(B // blk,),
        in_specs=[pl.BlockSpec((blk, D), lambda i: (i, 0))] * 3,
        out_specs=pl.BlockSpec((blk, 1), lambda i: (i, 0)),
        out_shape=jax.ShapeDtypeStruct((B, 1), jnp.float32),
    )(xh, rd, xt)



@functools.cache
def _mesh():
    return plsc.VectorSubcoreMesh(core_axis_name="c", subcore_axis_name="s")


def _sc_aggregate(table, srcw, dstw, zeros):
    return _build_sc_aggregate()(table, srcw, dstw, zeros)


@functools.cache
def _build_sc_aggregate():
    return functools.partial(
        pl.kernel,
        out_type=jax.ShapeDtypeStruct((2, N, D), jnp.float32),
        mesh=_mesh(),
        scratch_types=[
            pltpu.VMEM((_PHASE_CH, CH), jnp.int32),
            pltpu.VMEM((_PHASE_CH, CH), jnp.int32),
            pltpu.VMEM((CH, D), jnp.float32),
            pltpu.VMEM((CH, D), jnp.float32),
            pltpu.VMEM((CH, D), jnp.float32),
            pltpu.VMEM((CH, D), jnp.float32),
            pltpu.VMEM_SHARED((ACC_ROWS, D), jnp.float32),
            pltpu.SemaphoreType.DMA,
            pltpu.SemaphoreType.DMA,
            pltpu.SemaphoreType.DMA,
            pltpu.SemaphoreType.DMA,
        ],
    )(_sc_aggregate_body)


_NBUF = 4
_PHASES = 4
_PHASE_CH = CHUNKS_PER_W // _PHASES


def _sc_aggregate_body(table_hbm, srcw_hbm, dstw_hbm, zeros_hbm, out_hbm,
                       src_v, dst_v, b0, b1, b2, b3, acc_sh, g0, g1, g2, g3):
    c = lax.axis_index("c")
    s = lax.axis_index("s")
    w = c * NS + s
    bufs = (b0, b1, b2, b3)
    gsem = (g0, g1, g2, g3)
    pltpu.sync_copy(zeros_hbm, acc_sh.at[pl.ds(s * STRIPE, STRIPE)])
    plsc.subcore_barrier()

    for ph in range(_PHASES):
        pltpu.sync_copy(srcw_hbm.at[w, pl.ds(ph * _PHASE_CH, _PHASE_CH)], src_v)
        pltpu.sync_copy(dstw_hbm.at[w, pl.ds(ph * _PHASE_CH, _PHASE_CH)], dst_v)
        for b in range(_NBUF):
            pltpu.async_copy(table_hbm.at[src_v.at[b]], bufs[b], gsem[b])

        def body(i, carry):
            for b in range(_NBUF):
                ch = i * _NBUF + b
                pltpu.make_async_copy(
                    table_hbm.at[src_v.at[ch]], bufs[b], gsem[b]).wait()
                pltpu.sync_copy(bufs[b], acc_sh.at[dst_v.at[ch]], add=True)
                pltpu.async_copy(
                    table_hbm.at[src_v.at[ch + _NBUF]], bufs[b], gsem[b])
            return carry

        lax.fori_loop(0, _PHASE_CH // _NBUF - 1, body, 0)
        for b in range(_NBUF):
            ch = _PHASE_CH - _NBUF + b
            pltpu.make_async_copy(
                table_hbm.at[src_v.at[ch]], bufs[b], gsem[b]).wait()
            pltpu.sync_copy(bufs[b], acc_sh.at[dst_v.at[ch]], add=True)
    plsc.subcore_barrier()
    @pl.when(s < NS - 1)
    def _():
        pltpu.sync_copy(acc_sh.at[pl.ds(s * STRIPE, STRIPE)],
                        out_hbm.at[c, pl.ds(s * STRIPE, STRIPE)])

    @pl.when(s == NS - 1)
    def _():
        pltpu.sync_copy(acc_sh.at[pl.ds((NS - 1) * STRIPE, N - (NS - 1) * STRIPE)],
                        out_hbm.at[c, pl.ds((NS - 1) * STRIPE, N - (NS - 1) * STRIPE)])


_B_PER_W = B // NW
_DCH = 128
_DEC_CH = _B_PER_W // _DCH


def _sc_decode(x, rel_dec, h2, r2, t2):
    return _build_sc_decode()(x, rel_dec, h2, r2, t2)


@functools.cache
def _build_sc_decode():
    return functools.partial(
        pl.kernel,
        out_type=(jax.ShapeDtypeStruct((B, D), jnp.float32),
                  jax.ShapeDtypeStruct((B, D), jnp.float32),
                  jax.ShapeDtypeStruct((B, D), jnp.float32)),
        mesh=_mesh(),
        scratch_types=[
            pltpu.VMEM((_DCH,), jnp.int32),
            pltpu.VMEM((_DCH, D), jnp.float32),
            pltpu.SemaphoreType.DMA,
        ],
    )(_sc_decode_body)


def _sc_decode_body(x_hbm, rd_hbm, h_hbm, r_hbm, t_hbm,
                    xh_out, rr_out, xt_out, idx_v, buf_v, sem):
    c = lax.axis_index("c")
    s = lax.axis_index("s")
    w = c * NS + s
    for k in range(_DEC_CH):
        row = w * _DEC_CH + k
        base = row * _DCH
        for tab, idx_hbm, out in ((x_hbm, h_hbm, xh_out),
                                  (rd_hbm, r_hbm, rr_out),
                                  (x_hbm, t_hbm, xt_out)):
            pltpu.sync_copy(idx_hbm.at[row], idx_v)
            pltpu.async_copy(tab.at[idx_v], buf_v, sem).wait()
            pltpu.sync_copy(buf_v, out.at[pl.ds(base, _DCH)])



def kernel(entity, self_w, rel_w, ln_g, ln_b, rel_dec, edges_by_rel, h, r, t):
    f32 = jnp.float32
    blocks = jnp.concatenate(
        [jnp.transpose(self_w, (0, 2, 1))[:, None], rel_w], axis=1)
    w_cat = jnp.transpose(blocks, (0, 2, 1, 3)).reshape(L, D, (R_ENC + 1) * D)

    src = edges_by_rel[:, 0]
    dst = edges_by_rel[:, 1]
    rel_off = 1 + jnp.arange(R_ENC, dtype=jnp.int32)[:, None]
    srcf = src * (R_ENC + 1) + rel_off
    srcf = jnp.pad(srcf, ((0, 0), (0, E_PAD - E_PER)), constant_values=0)
    dstf = jnp.pad(dst, ((0, 0), (0, E_PAD - E_PER)), constant_values=N)
    srcw = srcf.reshape(NW, CHUNKS_PER_W, CH)
    dstw = dstf.reshape(NW, CHUNKS_PER_W, CH)
    zeros = jnp.zeros((STRIPE, D), f32)

    ln_g2 = ln_g.reshape(L, 1, D)
    ln_b2 = ln_b.reshape(L, 1, D)

    x = entity
    for i in range(L):
        z = _tc_matmul(x, w_cat[i])
        zflat = z.reshape((R_ENC + 1) * N, D)
        msg = _sc_aggregate(zflat, srcw, dstw, zeros)
        x = _tc_layernorm(z, msg, x, ln_g2[i], ln_b2[i], relu=(i < L - 1))

    h2 = h.reshape(NW * _DEC_CH, _DCH)
    r2 = r.reshape(NW * _DEC_CH, _DCH)
    t2 = t.reshape(NW * _DEC_CH, _DCH)
    xh, rd, xt = _sc_decode(x, rel_dec, h2, r2, t2)
    return _tc_score(xh, rd, xt).reshape(B)

# --- scband reference (transcript-rebuilt; emitter-appended) ---
"""Pipeline reference for scband-rgcnlink-predictor-48086453846017 (READ-ONLY COPY).

The authoritative reference and input builder live on the scoring server;
editing this copy changes nothing except your own understanding.
"""

import jax, jax.numpy as jnp
import numpy as np

N = 10000      # num_entities
D = 128        # dim
R_ENC = 8      # encoder relations
E_PER = 40000  # edges per relation
L = 2          # num_layers
R_DEC = 100    # decoder relations
B = 8192       # number of triples to score
EPS = 1e-5


def setup_inputs(seed: int = 0) -> dict:
    key = jax.random.key(seed)
    ks = jax.random.split(key, 10)
    entity = jax.random.normal(ks[0], (N, D), dtype=jnp.float32) * 0.02
    # nn.Linear(in,out,bias=False) weight per layer, stored [L, out, in]
    self_w = jax.random.normal(ks[1], (L, D, D), dtype=jnp.float32) * (1.0 / np.sqrt(D))
    rel_w = jax.random.normal(ks[2], (L, R_ENC, D, D), dtype=jnp.float32) * (1.0 / np.sqrt(D))
    ln_g = jnp.ones((L, D), dtype=jnp.float32)
    ln_b = jnp.zeros((L, D), dtype=jnp.float32)
    rel_dec = jax.random.normal(ks[3], (R_DEC, D), dtype=jnp.float32) * 0.02
    edges_by_rel = jax.random.randint(ks[4], (R_ENC, 2, E_PER), 0, N, dtype=jnp.int32)
    h = jax.random.randint(ks[5], (B,), 0, N, dtype=jnp.int32)
    r = jax.random.randint(ks[6], (B,), 0, R_DEC, dtype=jnp.int32)
    t = jax.random.randint(ks[7], (B,), 0, N, dtype=jnp.int32)
    return {"entity": entity, "self_w": self_w, "rel_w": rel_w, "ln_g": ln_g,
            "ln_b": ln_b, "rel_dec": rel_dec, "edges_by_rel": edges_by_rel,
            "h": h, "r": r, "t": t}


def _layer_norm(x, g, b):
    mu = jnp.mean(x, axis=-1, keepdims=True)
    var = jnp.var(x, axis=-1, keepdims=True)
    return (x - mu) / jnp.sqrt(var + EPS) * g + b


def reference(entity, self_w, rel_w, ln_g, ln_b, rel_dec, edges_by_rel, h, r, t):
    # encode: x starts as entity embedding table
    x = entity
    for i in range(L):
        out = x @ self_w[i].T
        for rr in range(R_ENC):
            src = edges_by_rel[rr, 0]
            dst = edges_by_rel[rr, 1]
            msg = x[src] @ rel_w[i, rr]
            out = out.at[dst].add(msg)
        hh = _layer_norm(out, ln_g[i], ln_b[i])
        if i < L - 1:
            hh = jax.nn.relu(hh)
        x = x + hh  # dropout p=0.0 is identity
    # score(h, r, t)
    scores = jnp.sum(x[h] * rel_dec[r] * x[t], axis=-1)
    return scores

if __name__ == "__main__":
    import jax
    _d = setup_inputs()
    print(jax.jit(kernel)(*tuple(_d.values())))

</pallas_src>

<mosaic_0001>
#map = affine_map<(d0, d1) -> (0, 0)>
#map1 = affine_map<(d0, d1) -> (0, 0, 0)>
module attributes {stable_mosaic.version = 14 : i64} {
  func.func @_sc_aggregate_body(%arg0: i32, %arg1: i32, %arg2: memref<90000x128xf32, #tpu.memory_space<hbm>>, %arg3: memref<32x128x80xi32, #tpu.memory_space<hbm>>, %arg4: memref<32x128x80xi32, #tpu.memory_space<hbm>>, %arg5: memref<640x128xf32, #tpu.memory_space<hbm>>, %arg6: memref<2x10000x128xf32, #tpu.memory_space<hbm>>, %arg7: memref<32x80xi32, #tpu.memory_space<vmem>>, %arg8: memref<32x80xi32, #tpu.memory_space<vmem>>, %arg9: memref<80x128xf32, #tpu.memory_space<vmem>>, %arg10: memref<80x128xf32, #tpu.memory_space<vmem>>, %arg11: memref<80x128xf32, #tpu.memory_space<vmem>>, %arg12: memref<80x128xf32, #tpu.memory_space<vmem>>, %arg13: memref<10240x128xf32, #tpu.memory_space<vmem_shared>>, %arg14: memref<!tpu.dma_semaphore, #tpu.memory_space<semaphore_mem>>, %arg15: memref<!tpu.dma_semaphore, #tpu.memory_space<semaphore_mem>>, %arg16: memref<!tpu.dma_semaphore, #tpu.memory_space<semaphore_mem>>, %arg17: memref<!tpu.dma_semaphore, #tpu.memory_space<semaphore_mem>>) attributes {dimension_semantics = [#tpu.dimension_semantics<core_parallel>, #tpu.dimension_semantics<subcore_parallel>], iteration_bounds = array<i64: 2, 16>, scalar_prefetch = 0 : i64, scratch_operands = 11 : i64, tpu.core_type = #tpu.core_type<sc_vector_subcore>, window_params = [{transform_indices = #map}, {transform_indices = #map1}, {transform_indices = #map1}, {transform_indices = #map}, {transform_indices = #map1}]} {
    %mul3A = arith.constant 16 : i32
    %mul3A_0 = arith.muli %arg0, %mul3A : i32
    %add3A = arith.addi %mul3A_0, %arg1 : i32
    %mul3A_1 = arith.constant 640 : i32
    %mul3A_2 = arith.muli %arg1, %mul3A_1 : i32
    "tpu.region"() ({
      %run_scoped3A_270 = tpu.sem_alloc : memref<!tpu.dma_semaphore, #tpu.memory_space<semaphore_mem>>
      %dma_start3A_271 = arith.constant 0 : i32
      %dma_start3A_272 = tpu.memref_slice %arg13[%mul3A_2, %dma_start3A_271] : memref<10240x128xf32, #tpu.memory_space<vmem_shared>> -> memref<640x128xf32, #tpu.memory_space<vmem_shared>>
      tpu.enqueue_dma source(%arg5 : memref<640x128xf32, #tpu.memory_space<hbm>>) target(%dma_start3A_272 : memref<640x128xf32, #tpu.memory_space<vmem_shared>>) target_semaphore(%run_scoped3A_270 : memref<!tpu.dma_semaphore, #tpu.memory_space<semaphore_mem>>)
      %dma_wait3A_273 = arith.constant 0 : i32
      %dma_wait3A_274 = tpu.memref_slice %arg13[%mul3A_2, %dma_wait3A_273] : memref<10240x128xf32, #tpu.memory_space<vmem_shared>> -> memref<640x128xf32, #tpu.memory_space<vmem_shared>>
      tpu.wait_dma2 semaphore(%run_scoped3A_270 : memref<!tpu.dma_semaphore, #tpu.memory_space<semaphore_mem>>) src(%arg5 : memref<640x128xf32, #tpu.memory_space<hbm>>) dst(%dma_wait3A_274 : memref<640x128xf32, #tpu.memory_space<vmem_shared>>)
      tpu.yield
    }) : () -> ()
    %barrier3A = arith.constant 0 : index
    tpu.barrier barrier_id(%barrier3A)
    "tpu.region"() ({
      %run_scoped3A_270 = tpu.sem_alloc : memref<!tpu.dma_semaphore, #tpu.memory_space<semaphore_mem>>
      %dma_start3A_271 = arith.constant 0 : i32
      %dma_start3A_272 = arith.constant 0 : i32
      %dma_start3A_273 = tpu.memref_slice %arg3[%add3A, %dma_start3A_271, %dma_start3A_272] : memref<32x128x80xi32, #tpu.memory_space<hbm>> -> memref<1x32x80xi32, #tpu.memory_space<hbm>>
      %dma_start3A_274 = tpu.memref_squeeze %dma_start3A_273 : memref<1x32x80xi32, #tpu.memory_space<hbm>> -> memref<32x80xi32, #tpu.memory_space<hbm>>
      %dma_start3A_275 = arith.constant 0 : i32
      %dma_start3A_276 = arith.constant 0 : i32
      %dma_start3A_277 = tpu.memref_slice %arg3[%add3A, %dma_start3A_275, %dma_start3A_276] : memref<32x128x80xi32, #tpu.memory_space<hbm>> -> memref<1x32x80xi32, #tpu.memory_space<hbm>>
      %dma_start3A_278 = tpu.memref_squeeze %dma_start3A_277 : memref<1x32x80xi32, #tpu.memory_space<hbm>> -> memref<32x80xi32, #tpu.memory_space<hbm>>
      tpu.enqueue_dma source(%dma_start3A_278 : memref<32x80xi32, #tpu.memory_space<hbm>>) target(%arg7 : memref<32x80xi32, #tpu.memory_space<vmem>>) target_semaphore(%run_scoped3A_270 : memref<!tpu.dma_semaphore, #tpu.memory_space<semaphore_mem>>)
      %dma_wait3A_279 = arith.constant 0 : i32
      %dma_wait3A_280 = arith.constant 0 : i32
      %dma_wait3A_281 = tpu.memref_slice %arg3[%add3A, %dma_wait3A_279, %dma_wait3A_280] : memref<32x128x80xi32, #tpu.memory_space<hbm>> -> memref<1x32x80xi32, #tpu.memory_space<hbm>>
      %dma_wait3A_282 = tpu.memref_squeeze %dma_wait3A_281 : memref<1x32x80xi32, #tpu.memory_space<hbm>> -> memref<32x80xi32, #tpu.memory_space<hbm>>
      %dma_wait3A_283 = arith.constant 0 : i32
      %dma_wait3A_284 = arith.constant 0 : i32
      %dma_wait3A_285 = tpu.memref_slice %arg3[%add3A, %dma_wait3A_283, %dma_wait3A_284] : memref<32x128x80xi32, #tpu.memory_space<hbm>> -> memref<1x32x80xi32, #tpu.memory_space<hbm>>
      %dma_wait3A_286 = tpu.memref_squeeze %dma_wait3A_285 : memref<1x32x80xi32, #tpu.memory_space<hbm>> -> memref<32x80xi32, #tpu.memory_space<hbm>>
      tpu.wait_dma2 semaphore(%run_scoped3A_270 : memref<!tpu.dma_semaphore, #tpu.memory_space<semaphore_mem>>) src(%dma_wait3A_286 : memref<32x80xi32, #tpu.memory_space<hbm>>) dst(%arg7 : memref<32x80xi32, #tpu.memory_space<vmem>>)
      tpu.yield
    }) : () -> ()
    "tpu.region"() ({
      %run_scoped3A_270 = tpu.sem_alloc : memref<!tpu.dma_semaphore, #tpu.memory_space<semaphore_mem>>
      %dma_start3A_271 = arith.constant 0 : i32
      %dma_start3A_272 = arith.constant 0 : i32
      %dma_start3A_273 = tpu.memref_slice %arg4[%add3A, %dma_start3A_271, %dma_start3A_272] : memref<32x128x80xi32, #tpu.memory_space<hbm>> -> memref<1x32x80xi32, #tpu.memory_space<hbm>>
      %dma_start3A_274 = tpu.memref_squeeze %dma_start3A_273 : memref<1x32x80xi32, #tpu.memory_space<hbm>> -> memref<32x80xi32, #tpu.memory_space<hbm>>
      %dma_start3A_275 = arith.constant 0 : i32
      %dma_start3A_276 = arith.constant 0 : i32
      %dma_start3A_277 = tpu.memref_slice %arg4[%add3A, %dma_start3A_275, %dma_start3A_276] : memref<32x128x80xi32, #tpu.memory_space<hbm>> -> memref<1x32x80xi32, #tpu.memory_space<hbm>>
      %dma_start3A_278 = tpu.memref_squeeze %dma_start3A_277 : memref<1x32x80xi32, #tpu.memory_space<hbm>> -> memref<32x80xi32, #tpu.memory_space<hbm>>
      tpu.enqueue_dma source(%dma_start3A_278 : memref<32x80xi32, #tpu.memory_space<hbm>>) target(%arg8 : memref<32x80xi32, #tpu.memory_space<vmem>>) target_semaphore(%run_scoped3A_270 : memref<!tpu.dma_semaphore, #tpu.memory_space<semaphore_mem>>)
      %dma_wait3A_279 = arith.constant 0 : i32
      %dma_wait3A_280 = arith.constant 0 : i32
      %dma_wait3A_281 = tpu.memref_slice %arg4[%add3A, %dma_wait3A_279, %dma_wait3A_280] : memref<32x128x80xi32, #tpu.memory_space<hbm>> -> memref<1x32x80xi32, #tpu.memory_space<hbm>>
      %dma_wait3A_282 = tpu.memref_squeeze %dma_wait3A_281 : memref<1x32x80xi32, #tpu.memory_space<hbm>> -> memref<32x80xi32, #tpu.memory_space<hbm>>
      %dma_wait3A_283 = arith.constant 0 : i32
      %dma_wait3A_284 = arith.constant 0 : i32
      %dma_wait3A_285 = tpu.memref_slice %arg4[%add3A, %dma_wait3A_283, %dma_wait3A_284] : memref<32x128x80xi32, #tpu.memory_space<hbm>> -> memref<1x32x80xi32, #tpu.memory_space<hbm>>
      %dma_wait3A_286 = tpu.memref_squeeze %dma_wait3A_285 : memref<1x32x80xi32, #tpu.memory_space<hbm>> -> memref<32x80xi32, #tpu.memory_space<hbm>>
      tpu.wait_dma2 semaphore(%run_scoped3A_270 : memref<!tpu.dma_semaphore, #tpu.memory_space<semaphore_mem>>) src(%dma_wait3A_286 : memref<32x80xi32, #tpu.memory_space<hbm>>) dst(%arg8 : memref<32x80xi32, #tpu.memory_space<vmem>>)
      tpu.yield
    }) : () -> ()
    %dma_start3A = arith.constant 0 : i32
    %dma_start3A_3 = arith.constant 0 : i32
    %dma_start3A_4 = tpu.memref_slice %arg7[%dma_start3A, %dma_start3A_3] : memref<32x80xi32, #tpu.memory_space<vmem>> -> memref<1x80xi32, #tpu.memory_space<vmem>>
    %dma_start3A_5 = tpu.memref_squeeze %dma_start3A_4 : memref<1x80xi32, #tpu.memory_space<vmem>> -> memref<80xi32, #tpu.memory_space<vmem>>
    %dma_start3A_6 = arith.constant 0 : i32
    %dma_start3A_7 = arith.constant 0 : i32
    %dma_start3A_8 = tpu.memref_slice %arg2[%dma_start3A_6, %dma_start3A_7] : memref<90000x128xf32, #tpu.memory_space<hbm>> -> memref<90000x128xf32, #tpu.memory_space<hbm>>
    tpu.enqueue_indirect_dma source(%dma_start3A_8 : memref<90000x128xf32, #tpu.memory_space<hbm>>) target(%arg9 : memref<80x128xf32, #tpu.memory_space<vmem>>) offsets(%dma_start3A_5 : memref<80xi32, #tpu.memory_space<vmem>>) semaphore(%arg14 : memref<!tpu.dma_semaphore, #tpu.memory_space<semaphore_mem>>)
    %dma_start3A_9 = arith.constant 1 : i32
    %dma_start3A_10 = arith.constant 0 : i32
    %dma_start3A_11 = tpu.memref_slice %arg7[%dma_start3A_9, %dma_start3A_10] : memref<32x80xi32, #tpu.memory_space<vmem>> -> memref<1x80xi32, #tpu.memory_space<vmem>>
    %dma_start3A_12 = tpu.memref_squeeze %dma_start3A_11 : memref<1x80xi32, #tpu.memory_space<vmem>> -> memref<80xi32, #tpu.memory_space<vmem>>
    %dma_start3A_13 = arith.constant 0 : i32
    %dma_start3A_14 = arith.constant 0 : i32
    %dma_start3A_15 = tpu.memref_slice %arg2[%dma_start3A_13, %dma_start3A_14] : memref<90000x128xf32, #tpu.memory_space<hbm>> -> memref<90000x128xf32, #tpu.memory_space<hbm>>
    tpu.enqueue_indirect_dma source(%dma_start3A_15 : memref<90000x128xf32, #tpu.memory_space<hbm>>) target(%arg10 : memref<80x128xf32, #tpu.memory_space<vmem>>) offsets(%dma_start3A_12 : memref<80xi32, #tpu.memory_space<vmem>>) semaphore(%arg15 : memref<!tpu.dma_semaphore, #tpu.memory_space<semaphore_mem>>)
    %dma_start3A_16 = arith.constant 2 : i32
    %dma_start3A_17 = arith.constant 0 : i32
    %dma_start3A_18 = tpu.memref_slice %arg7[%dma_start3A_16, %dma_start3A_17] : memref<32x80xi32, #tpu.memory_space<vmem>> -> memref<1x80xi32, #tpu.memory_space<vmem>>
    %dma_start3A_19 = tpu.memref_squeeze %dma_start3A_18 : memref<1x80xi32, #tpu.memory_space<vmem>> -> memref<80xi32, #tpu.memory_space<vmem>>
    %dma_start3A_20 = arith.constant 0 : i32
    %dma_start3A_21 = arith.constant 0 : i32
    %dma_start3A_22 = tpu.memref_slice %arg2[%dma_start3A_20, %dma_start3A_21] : memref<90000x128xf32, #tpu.memory_space<hbm>> -> memref<90000x128xf32, #tpu.memory_space<hbm>>
    tpu.enqueue_indirect_dma source(%dma_start3A_22 : memref<90000x128xf32, #tpu.memory_space<hbm>>) target(%arg11 : memref<80x128xf32, #tpu.memory_space<vmem>>) offsets(%dma_start3A_19 : memref<80xi32, #tpu.memory_space<vmem>>) semaphore(%arg16 : memref<!tpu.dma_semaphore, #tpu.memory_space<semaphore_mem>>)
    %dma_start3A_23 = arith.constant 3 : i32
    %dma_start3A_24 = arith.constant 0 : i32
    %dma_start3A_25 = tpu.memref_slice %arg7[%dma_start3A_23, %dma_start3A_24] : memref<32x80xi32, #tpu.memory_space<vmem>> -> memref<1x80xi32, #tpu.memory_space<vmem>>
    %dma_start3A_26 = tpu.memref_squeeze %dma_start3A_25 : memref<1x80xi32, #tpu.memory_space<vmem>> -> memref<80xi32, #tpu.memory_space<vmem>>
    %dma_start3A_27 = arith.constant 0 : i32
    %dma_start3A_28 = arith.constant 0 : i32
    %dma_start3A_29 = tpu.memref_slice %arg2[%dma_start3A_27, %dma_start3A_28] : memref<90000x128xf32, #tpu.memory_space<hbm>> -> memref<90000x128xf32, #tpu.memory_space<hbm>>
    tpu.enqueue_indirect_dma source(%dma_start3A_29 : memref<90000x128xf32, #tpu.memory_space<hbm>>) target(%arg12 : memref<80x128xf32, #tpu.memory_space<vmem>>) offsets(%dma_start3A_26 : memref<80xi32, #tpu.memory_space<vmem>>) semaphore(%arg17 : memref<!tpu.dma_semaphore, #tpu.memory_space<semaphore_mem>>)
    %scan3A = arith.constant 0 : i32
    %scan3A_30 = arith.constant 0 : i32
    %scan3A_31 = arith.constant 7 : i32
    %scan3A_32 = arith.addi %scan3A_30, %scan3A_31 : i32
    %scan3A_33 = arith.constant 1 : i32
    scf.for %scan3A_270 = %scan3A_30 to %scan3A_32 step %scan3A_33  : i32 {
      %mul3A_271 = arith.constant 4 : i32
      %mul3A_272 = arith.muli %scan3A_270, %mul3A_271 : i32
      %add3A_273 = arith.constant 0 : i32
      %add3A_274 = arith.addi %mul3A_272, %add3A_273 : i32
      %dma_wait3A_275 = arith.constant 0 : i32
      %dma_wait3A_276 = tpu.memref_slice %arg7[%add3A_274, %dma_wait3A_275] : memref<32x80xi32, #tpu.memory_space<vmem>> -> memref<1x80xi32, #tpu.memory_space<vmem>>
      %dma_wait3A_277 = tpu.memref_squeeze %dma_wait3A_276 : memref<1x80xi32, #tpu.memory_space<vmem>> -> memref<80xi32, #tpu.memory_space<vmem>>
      %dma_wait3A_278 = arith.constant 0 : i32
      %dma_wait3A_279 = arith.constant 0 : i32
      %dma_wait3A_280 = tpu.memref_slice %arg2[%dma_wait3A_278, %dma_wait3A_279] : memref<90000x128xf32, #tpu.memory_space<hbm>> -> memref<90000x128xf32, #tpu.memory_space<hbm>>
      tpu.wait_indirect_dma semaphore(%arg14 : memref<!tpu.dma_semaphore, #tpu.memory_space<semaphore_mem>>) src(%dma_wait3A_280 : memref<90000x128xf32, #tpu.memory_space<hbm>>) dst(%arg9 : memref<80x128xf32, #tpu.memory_space<vmem>>)
      "tpu.region"() ({
        %run_scoped3A_343 = tpu.sem_alloc : memref<!tpu.dma_semaphore, #tpu.memory_space<semaphore_mem>>
        %dma_start3A_344 = arith.constant 0 : i32
        %dma_start3A_345 = tpu.memref_slice %arg8[%add3A_274, %dma_start3A_344] : memref<32x80xi32, #tpu.memory_space<vmem>> -> memref<1x80xi32, #tpu.memory_space<vmem>>
        %dma_start3A_346 = tpu.memref_squeeze %dma_start3A_345 : memref<1x80xi32, #tpu.memory_space<vmem>> -> memref<80xi32, #tpu.memory_space<vmem>>
        %dma_start3A_347 = arith.constant 0 : i32
        %dma_start3A_348 = arith.constant 0 : i32
        %dma_start3A_349 = tpu.memref_slice %arg13[%dma_start3A_347, %dma_start3A_348] : memref<10240x128xf32, #tpu.memory_space<vmem_shared>> -> memref<10240x128xf32, #tpu.memory_space<vmem_shared>>
        tpu.enqueue_indirect_dma source(%arg9 : memref<80x128xf32, #tpu.memory_space<vmem>>) target(%dma_start3A_349 : memref<10240x128xf32, #tpu.memory_space<vmem_shared>>) offsets(%dma_start3A_346 : memref<80xi32, #tpu.memory_space<vmem>>) semaphore(%run_scoped3A_343 : memref<!tpu.dma_semaphore, #tpu.memory_space<semaphore_mem>>) {add = true}
        %dma_wait3A_350 = arith.constant 0 : i32
        %dma_wait3A_351 = tpu.memref_slice %arg8[%add3A_274, %dma_wait3A_350] : memref<32x80xi32, #tpu.memory_space<vmem>> -> memref<1x80xi32, #tpu.memory_space<vmem>>
        %dma_wait3A_352 = tpu.memref_squeeze %dma_wait3A_351 : memref<1x80xi32, #tpu.memory_space<vmem>> -> memref<80xi32, #tpu.memory_space<vmem>>
        %dma_wait3A_353 = arith.constant 0 : i32
        %dma_wait3A_354 = arith.constant 0 : i32
        %dma_wait3A_355 = tpu.memref_slice %arg13[%dma_wait3A_353, %dma_wait3A_354] : memref<10240x128xf32, #tpu.memory_space<vmem_shared>> -> memref<10240x128xf32, #tpu.memory_space<vmem_shared>>
        tpu.wait_indirect_dma semaphore(%run_scoped3A_343 : memref<!tpu.dma_semaphore, #tpu.memory_space<semaphore_mem>>) src(%arg9 : memref<80x128xf32, #tpu.memory_space<vmem>>) dst(%dma_wait3A_355 : memref<10240x128xf32, #tpu.memory_space<vmem_shared>>)
        tpu.yield
      }) : () -> ()
      %add3A_281 = arith.constant 4 : i32
      %add3A_282 = arith.addi %add3A_274, %add3A_281 : i32
      %dma_start3A_283 = arith.constant 0 : i32
      %dma_start3A_284 = tpu.memref_slice %arg7[%add3A_282, %dma_start3A_283] : memref<32x80xi32, #tpu.memory_space<vmem>> -> memref<1x80xi32, #tpu.memory_space<vmem>>
      %dma_start3A_285 = tpu.memref_squeeze %dma_start3A_284 : memref<1x80xi32, #tpu.memory_space<vmem>> -> memref<80xi32, #tpu.memory_space<vmem>>
      %dma_start3A_286 = arith.constant 0 : i32
      %dma_start3A_287 = arith.constant 0 : i32
      %dma_start3A_288 = tpu.memref_slice %arg2[%dma_start3A_286, %dma_start3A_287] : memref<90000x128xf32, #tpu.memory_space<hbm>> -> memref<90000x128xf32, #tpu.memory_space<hbm>>
      tpu.enqueue_indirect_dma source(%dma_start3A_288 : memref<90000x128xf32, #tpu.memory_space<hbm>>) target(%arg9 : memref<80x128xf32, #tpu.memory_space<vmem>>) offsets(%dma_start3A_285 : memref<80xi32, #tpu.memory_space<vmem>>) semaphore(%arg14 : memref<!tpu.dma_semaphore, #tpu.memory_space<semaphore_mem>>)
      %mul3A_289 = arith.constant 4 : i32
      %mul3A_290 = arith.muli %scan3A_270, %mul3A_289 : i32
      %add3A_291 = arith.constant 1 : i32
      %add3A_292 = arith.addi %mul3A_290, %add3A_291 : i32
      %dma_wait3A_293 = arith.constant 0 : i32
      %dma_wait3A_294 = tpu.memref_slice %arg7[%add3A_292, %dma_wait3A_293] : memref<32x80xi32, #tpu.memory_space<vmem>> -> memref<1x80xi32, #tpu.memory_space<vmem>>
      %dma_wait3A_295 = tpu.memref_squeeze %dma_wait3A_294 : memref<1x80xi32, #tpu.memory_space<vmem>> -> memref<80xi32, #tpu.memory_space<vmem>>
      %dma_wait3A_296 = arith.constant 0 : i32
      %dma_wait3A_297 = arith.constant 0 : i32
      %dma_wait3A_298 = tpu.memref_slice %arg2[%dma_wait3A_296, %dma_wait3A_297] : memref<90000x128xf32, #tpu.memory_space<hbm>> -> memref<90000x128xf32, #tpu.memory_space<hbm>>
      tpu.wait_indirect_dma semaphore(%arg15 : memref<!tpu.dma_semaphore, #tpu.memory_space<semaphore_mem>>) src(%dma_wait3A_298 : memref<90000x128xf32, #tpu.memory_space<hbm>>) dst(%arg10 : memref<80x128xf32, #tpu.memory_space<vmem>>)
      "tpu.region"() ({
        %run_scoped3A_343 = tpu.sem_alloc : memref<!tpu.dma_semaphore, #tpu.memory_space<semaphore_mem>>
        %dma_start3A_344 = arith.constant 0 : i32
        %dma_start3A_345 = tpu.memref_slice %arg8[%add3A_292, %dma_start3A_344] : memref<32x80xi32, #tpu.memory_space<vmem>> -> memref<1x80xi32, #tpu.memory_space<vmem>>
        %dma_start3A_346 = tpu.memref_squeeze %dma_start3A_345 : memref<1x80xi32, #tpu.memory_space<vmem>> -> memref<80xi32, #tpu.memory_space<vmem>>
        %dma_start3A_347 = arith.constant 0 : i32
        %dma_start3A_348 = arith.constant 0 : i32
        %dma_start3A_349 = tpu.memref_slice %arg13[%dma_start3A_347, %dma_start3A_348] : memref<10240x128xf32, #tpu.memory_space<vmem_shared>> -> memref<10240x128xf32, #tpu.memory_space<vmem_shared>>
        tpu.enqueue_indirect_dma source(%arg10 : memref<80x128xf32, #tpu.memory_space<vmem>>) target(%dma_start3A_349 : memref<10240x128xf32, #tpu.memory_space<vmem_shared>>) offsets(%dma_start3A_346 : memref<80xi32, #tpu.memory_space<vmem>>) semaphore(%run_scoped3A_343 : memref<!tpu.dma_semaphore, #tpu.memory_space<semaphore_mem>>) {add = true}
        %dma_wait3A_350 = arith.constant 0 : i32
        %dma_wait3A_351 = tpu.memref_slice %arg8[%add3A_292, %dma_wait3A_350] : memref<32x80xi32, #tpu.memory_space<vmem>> -> memref<1x80xi32, #tpu.memory_space<vmem>>
        %dma_wait3A_352 = tpu.memref_squeeze %dma_wait3A_351 : memref<1x80xi32, #tpu.memory_space<vmem>> -> memref<80xi32, #tpu.memory_space<vmem>>
        %dma_wait3A_353 = arith.constant 0 : i32
        %dma_wait3A_354 = arith.constant 0 : i32
        %dma_wait3A_355 = tpu.memref_slice %arg13[%dma_wait3A_353, %dma_wait3A_354] : memref<10240x128xf32, #tpu.memory_space<vmem_shared>> -> memref<10240x128xf32, #tpu.memory_space<vmem_shared>>
        tpu.wait_indirect_dma semaphore(%run_scoped3A_343 : memref<!tpu.dma_semaphore, #tpu.memory_space<semaphore_mem>>) src(%arg10 : memref<80x128xf32, #tpu.memory_space<vmem>>) dst(%dma_wait3A_355 : memref<10240x128xf32, #tpu.memory_space<vmem_shared>>)
        tpu.yield
      }) : () -> ()
      %add3A_299 = arith.constant 4 : i32
      %add3A_300 = arith.addi %add3A_292, %add3A_299 : i32
      %dma_start3A_301 = arith.constant 0 : i32
      %dma_start3A_302 = tpu.memref_slice %arg7[%add3A_300, %dma_start3A_301] : memref<32x80xi32, #tpu.memory_space<vmem>> -> memref<1x80xi32, #tpu.memory_space<vmem>>
      %dma_start3A_303 = tpu.memref_squeeze %dma_start3A_302 : memref<1x80xi32, #tpu.memory_space<vmem>> -> memref<80xi32, #tpu.memory_space<vmem>>
      %dma_start3A_304 = arith.constant 0 : i32
      %dma_start3A_305 = arith.constant 0 : i32
      %dma_start3A_306 = tpu.memref_slice %arg2[%dma_start3A_304, %dma_start3A_305] : memref<90000x128xf32, #tpu.memory_space<hbm>> -> memref<90000x128xf32, #tpu.memory_space<hbm>>
      tpu.enqueue_indirect_dma source(%dma_start3A_306 : memref<90000x128xf32, #tpu.memory_space<hbm>>) target(%arg10 : memref<80x128xf32, #tpu.memory_space<vmem>>) offsets(%dma_start3A_303 : memref<80xi32, #tpu.memory_space<vmem>>) semaphore(%arg15 : memref<!tpu.dma_semaphore, #tpu.memory_space<semaphore_mem>>)
      %mul3A_307 = arith.constant 4 : i32
      %mul3A_308 = arith.muli %scan3A_270, %mul3A_307 : i32
      %add3A_309 = arith.constant 2 : i32
      %add3A_310 = arith.addi %mul3A_308, %add3A_309 : i32
      %dma_wait3A_311 = arith.constant 0 : i32
      %dma_wait3A_312 = tpu.memref_slice %arg7[%add3A_310, %dma_wait3A_311] : memref<32x80xi32, #tpu.memory_space<vmem>> -> memref<1x80xi32, #tpu.memory_space<vmem>>
      %dma_wait3A_313 = tpu.memref_squeeze %dma_wait3A_312 : memref<1x80xi32, #tpu.memory_space<vmem>> -> memref<80xi32, #tpu.memory_space<vmem>>
      %dma_wait3A_314 = arith.constant 0 : i32
      %dma_wait3A_315 = arith.constant 0 : i32
      %dma_wait3A_316 = tpu.memref_slice %arg2[%dma_wait3A_314, %dma_wait3A_315] : memref<90000x128xf32, #tpu.memory_space<hbm>> -> memref<90000x128xf32, #tpu.memory_space<hbm>>
      tpu.wait_indirect_dma semaphore(%arg16 : memref<!tpu.dma_semaphore, #tpu.memory_space<semaphore_mem>>) src(%dma_wait3A_316 : memref<90000x128xf32, #tpu.memory_space<hbm>>) dst(%arg11 : memref<80x128xf32, #tpu.memory_space<vmem>>)
      "tpu.region"() ({
        %run_scoped3A_343 = tpu.sem_alloc : memref<!tpu.dma_semaphore, #tpu.memory_space<semaphore_mem>>
        %dma_start3A_344 = arith.constant 0 : i32
        %dma_start3A_345 = tpu.memref_slice %arg8[%add3A_310, %dma_start3A_344] : memref<32x80xi32, #tpu.memory_space<vmem>> -> memref<1x80xi32, #tpu.memory_space<vmem>>
        %dma_start3A_346 = tpu.memref_squeeze %dma_start3A_345 : memref<1x80xi32, #tpu.memory_space<vmem>> -> memref<80xi32, #tpu.memory_space<vmem>>
        %dma_start3A_347 = arith.constant 0 : i32
        %dma_start3A_348 = arith.constant 0 : i32
        %dma_start3A_349 = tpu.memref_slice %arg13[%dma_start3A_347, %dma_start3A_348] : memref<10240x128xf32, #tpu.memory_space<vmem_shared>> -> memref<10240x128xf32, #tpu.memory_space<vmem_shared>>
        tpu.enqueue_indirect_dma source(%arg11 : memref<80x128xf32, #tpu.memory_space<vmem>>) target(%dma_start3A_349 : memref<10240x128xf32, #tpu.memory_space<vmem_shared>>) offsets(%dma_start3A_346 : memref<80xi32, #tpu.memory_space<vmem>>) semaphore(%run_scoped3A_343 : memref<!tpu.dma_semaphore, #tpu.memory_space<semaphore_mem>>) {add = true}
        %dma_wait3A_350 = arith.constant 0 : i32
        %dma_wait3A_351 = tpu.memref_slice %arg8[%add3A_310, %dma_wait3A_350] : memref<32x80xi32, #tpu.memory_space<vmem>> -> memref<1x80xi32, #tpu.memory_space<vmem>>
        %dma_wait3A_352 = tpu.memref_squeeze %dma_wait3A_351 : memref<1x80xi32, #tpu.memory_space<vmem>> -> memref<80xi32, #tpu.memory_space<vmem>>
        %dma_wait3A_353 = arith.constant 0 : i32
        %dma_wait3A_354 = arith.constant 0 : i32
        %dma_wait3A_355 = tpu.memref_slice %arg13[%dma_wait3A_353, %dma_wait3A_354] : memref<10240x128xf32, #tpu.memory_space<vmem_shared>> -> memref<10240x128xf32, #tpu.memory_space<vmem_shared>>
        tpu.wait_indirect_dma semaphore(%run_scoped3A_343 : memref<!tpu.dma_semaphore, #tpu.memory_space<semaphore_mem>>) src(%arg11 : memref<80x128xf32, #tpu.memory_space<vmem>>) dst(%dma_wait3A_355 : memref<10240x128xf32, #tpu.memory_space<vmem_shared>>)
        tpu.yield
      }) : () -> ()
      %add3A_317 = arith.constant 4 : i32
      %add3A_318 = arith.addi %add3A_310, %add3A_317 : i32
      %dma_start3A_319 = arith.constant 0 : i32
      %dma_start3A_320 = tpu.memref_slice %arg7[%add3A_318, %dma_start3A_319] : memref<32x80xi32, #tpu.memory_space<vmem>> -> memref<1x80xi32, #tpu.memory_space<vmem>>
      %dma_start3A_321 = tpu.memref_squeeze %dma_start3A_320 : memref<1x80xi32, #tpu.memory_space<vmem>> -> memref<80xi32, #tpu.memory_space<vmem>>
      %dma_start3A_322 = arith.constant 0 : i32
      %dma_start3A_323 = arith.constant 0 : i32
      %dma_start3A_324 = tpu.memref_slice %arg2[%dma_start3A_322, %dma_start3A_323] : memref<90000x128xf32, #tpu.memory_space<hbm>> -> memref<90000x128xf32, #tpu.memory_space<hbm>>
      tpu.enqueue_indirect_dma source(%dma_start3A_324 : memref<90000x128xf32, #tpu.memory_space<hbm>>) target(%arg11 : memref<80x128xf32, #tpu.memory_space<vmem>>) offsets(%dma_start3A_321 : memref<80xi32, #tpu.memory_space<vmem>>) semaphore(%arg16 : memref<!tpu.dma_semaphore, #tpu.memory_space<semaphore_mem>>)
      %mul3A_325 = arith.constant 4 : i32
      %mul3A_326 = arith.muli %scan3A_270, %mul3A_325 : i32
      %add3A_327 = arith.constant 3 : i32
      %add3A_328 = arith.addi %mul3A_326, %add3A_327 : i32
      %dma_wait3A_329 = arith.constant 0 : i32
      %dma_wait3A_330 = tpu.memref_slice %arg7[%add3A_328, %dma_wait3A_329] : memref<32x80xi32, #tpu.memory_space<vmem>> -> memref<1x80xi32, #tpu.memory_space<vmem>>
      %dma_wait3A_331 = tpu.memref_squeeze %dma_wait3A_330 : memref<1x80xi32, #tpu.memory_space<vmem>> -> memref<80xi32, #tpu.memory_space<vmem>>
      %dma_wait3A_332 = arith.constant 0 : i32
      %dma_wait3A_333 = arith.constant 0 : i32
      %dma_wait3A_334 = tpu.memref_slice %arg2[%dma_wait3A_332, %dma_wait3A_333] : memref<90000x128xf32, #tpu.memory_space<hbm>> -> memref<90000x128xf32, #tpu.memory_space<hbm>>
      tpu.wait_indirect_dma semaphore(%arg17 : memref<!tpu.dma_semaphore, #tpu.memory_space<semaphore_mem>>) src(%dma_wait3A_334 : memref<90000x128xf32, #tpu.memory_space<hbm>>) dst(%arg12 : memref<80x128xf32, #tpu.memory_space<vmem>>)
      "tpu.region"() ({
        %run_scoped3A_343 = tpu.sem_alloc : memref<!tpu.dma_semaphore, #tpu.memory_space<semaphore_mem>>
        %dma_start3A_344 = arith.constant 0 : i32
        %dma_start3A_345 = tpu.memref_slice %arg8[%add3A_328, %dma_start3A_344] : memref<32x80xi32, #tpu.memory_space<vmem>> -> memref<1x80xi32, #tpu.memory_space<vmem>>
        %dma_start3A_346 = tpu.memref_squeeze %dma_start3A_345 : memref<1x80xi32, #tpu.memory_space<vmem>> -> memref<80xi32, #tpu.memory_space<vmem>>
        %dma_start3A_347 = arith.constant 0 : i32
        %dma_start3A_348 = arith.constant 0 : i32
        %dma_start3A_349 = tpu.memref_slice %arg13[%dma_start3A_347, %dma_start3A_348] : memref<10240x128xf32, #tpu.memory_space<vmem_shared>> -> memref<10240x128xf32, #tpu.memory_space<vmem_shared>>
        tpu.enqueue_indirect_dma source(%arg12 : memref<80x128xf32, #tpu.memory_space<vmem>>) target(%dma_start3A_349 : memref<10240x128xf32, #tpu.memory_space<vmem_shared>>) offsets(%dma_start3A_346 : memref<80xi32, #tpu.memory_space<vmem>>) semaphore(%run_scoped3A_343 : memref<!tpu.dma_semaphore, #tpu.memory_space<semaphore_mem>>) {add = true}
        %dma_wait3A_350 = arith.constant 0 : i32
        %dma_wait3A_351 = tpu.memref_slice %arg8[%add3A_328, %dma_wait3A_350] : memref<32x80xi32, #tpu.memory_space<vmem>> -> memref<1x80xi32, #tpu.memory_space<vmem>>
        %dma_wait3A_352 = tpu.memref_squeeze %dma_wait3A_351 : memref<1x80xi32, #tpu.memory_space<vmem>> -> memref<80xi32, #tpu.memory_space<vmem>>
        %dma_wait3A_353 = arith.constant 0 : i32
        %dma_wait3A_354 = arith.constant 0 : i32
        %dma_wait3A_355 = tpu.memref_slice %arg13[%dma_wait3A_353, %dma_wait3A_354] : memref<10240x128xf32, #tpu.memory_space<vmem_shared>> -> memref<10240x128xf32, #tpu.memory_space<vmem_shared>>
        tpu.wait_indirect_dma semaphore(%run_scoped3A_343 : memref<!tpu.dma_semaphore, #tpu.memory_space<semaphore_mem>>) src(%arg12 : memref<80x128xf32, #tpu.memory_space<vmem>>) dst(%dma_wait3A_355 : memref<10240x128xf32, #tpu.memory_space<vmem_shared>>)
        tpu.yield
      }) : () -> ()
      %add3A_335 = arith.constant 4 : i32
      %add3A_336 = arith.addi %add3A_328, %add3A_335 : i32
      %dma_start3A_337 = arith.constant 0 : i32
      %dma_start3A_338 = tpu.memref_slice %arg7[%add3A_336, %dma_start3A_337] : memref<32x80xi32, #tpu.memory_space<vmem>> -> memref<1x80xi32, #tpu.memory_space<vmem>>
      %dma_start3A_339 = tpu.memref_squeeze %dma_start3A_338 : memref<1x80xi32, #tpu.memory_space<vmem>> -> memref<80xi32, #tpu.memory_space<vmem>>
      %dma_start3A_340 = arith.constant 0 : i32
      %dma_start3A_341 = arith.constant 0 : i32
      %dma_start3A_342 = tpu.memref_slice %arg2[%dma_start3A_340, %dma_start3A_341] : memref<90000x128xf32, #tpu.memory_space<hbm>> -> memref<90000x128xf32, #tpu.memory_space<hbm>>
      tpu.enqueue_indirect_dma source(%dma_start3A_342 : memref<90000x128xf32, #tpu.memory_space<hbm>>) target(%arg12 : memref<80x128xf32, #tpu.memory_space<vmem>>) offsets(%dma_start3A_339 : memref<80xi32, #tpu.memory_space<vmem>>) semaphore(%arg17 : memref<!tpu.dma_semaphore, #tpu.memory_space<semaphore_mem>>)
    }
    %scan3A_34 = arith.constant 7 : i32
    %dma_wait3A = arith.constant 28 : i32
    %dma_wait3A_35 = arith.constant 0 : i32
    %dma_wait3A_36 = tpu.memref_slice %arg7[%dma_wait3A, %dma_wait3A_35] : memref<32x80xi32, #tpu.memory_space<vmem>> -> memref<1x80xi32, #tpu.memory_space<vmem>>
    %dma_wait3A_37 = tpu.memref_squeeze %dma_wait3A_36 : memref<1x80xi32, #tpu.memory_space<vmem>> -> memref<80xi32, #tpu.memory_space<vmem>>
    %dma_wait3A_38 = arith.constant 0 : i32
    %dma_wait3A_39 = arith.constant 0 : i32
    %dma_wait3A_40 = tpu.memref_slice %arg2[%dma_wait3A_38, %dma_wait3A_39] : memref<90000x128xf32, #tpu.memory_space<hbm>> -> memref<90000x128xf32, #tpu.memory_space<hbm>>
    tpu.wait_indirect_dma semaphore(%arg14 : memref<!tpu.dma_semaphore, #tpu.memory_space<semaphore_mem>>) src(%dma_wait3A_40 : memref<90000x128xf32, #tpu.memory_space<hbm>>) dst(%arg9 : memref<80x128xf32, #tpu.memory_space<vmem>>)
    %run_scoped3A = arith.constant 28 : i32
    "tpu.region"() ({
      %run_scoped3A_270 = tpu.sem_alloc : memref<!tpu.dma_semaphore, #tpu.memory_space<semaphore_mem>>
      %dma_start3A_271 = arith.constant 0 : i32
      %dma_start3A_272 = tpu.memref_slice %arg8[%run_scoped3A, %dma_start3A_271] : memref<32x80xi32, #tpu.memory_space<vmem>> -> memref<1x80xi32, #tpu.memory_space<vmem>>
      %dma_start3A_273 = tpu.memref_squeeze %dma_start3A_272 : memref<1x80xi32, #tpu.memory_space<vmem>> -> memref<80xi32, #tpu.memory_space<vmem>>
      %dma_start3A_274 = arith.constant 0 : i32
      %dma_start3A_275 = arith.constant 0 : i32
      %dma_start3A_276 = tpu.memref_slice %arg13[%dma_start3A_274, %dma_start3A_275] : memref<10240x128xf32, #tpu.memory_space<vmem_shared>> -> memref<10240x128xf32, #tpu.memory_space<vmem_shared>>
      tpu.enqueue_indirect_dma source(%arg9 : memref<80x128xf32, #tpu.memory_space<vmem>>) target(%dma_start3A_276 : memref<10240x128xf32, #tpu.memory_space<vmem_shared>>) offsets(%dma_start3A_273 : memref<80xi32, #tpu.memory_space<vmem>>) semaphore(%run_scoped3A_270 : memref<!tpu.dma_semaphore, #tpu.memory_space<semaphore_mem>>) {add = true}
      %dma_wait3A_277 = arith.constant 0 : i32
      %dma_wait3A_278 = tpu.memref_slice %arg8[%run_scoped3A, %dma_wait3A_277] : memref<32x80xi32, #tpu.memory_space<vmem>> -> memref<1x80xi32, #tpu.memory_space<vmem>>
      %dma_wait3A_279 = tpu.memref_squeeze %dma_wait3A_278 : memref<1x80xi32, #tpu.memory_space<vmem>> -> memref<80xi32, #tpu.memory_space<vmem>>
      %dma_wait3A_280 = arith.constant 0 : i32
      %dma_wait3A_281 = arith.constant 0 : i32
      %dma_wait3A_282 = tpu.memref_slice %arg13[%dma_wait3A_280, %dma_wait3A_281] : memref<10240x128xf32, #tpu.memory_space<vmem_shared>> -> memref<10240x128xf32, #tpu.memory_space<vmem_shared>>
      tpu.wait_indirect_dma semaphore(%run_scoped3A_270 : memref<!tpu.dma_semaphore, #tpu.memory_space<semaphore_mem>>) src(%arg9 : memref<80x128xf32, #tpu.memory_space<vmem>>) dst(%dma_wait3A_282 : memref<10240x128xf32, #tpu.memory_space<vmem_shared>>)
      tpu.yield
    }) : () -> ()
    %dma_wait3A_41 = arith.constant 29 : i32
    %dma_wait3A_42 = arith.constant 0 : i32
    %dma_wait3A_43 = tpu.memref_slice %arg7[%dma_wait3A_41, %dma_wait3A_42] : memref<32x80xi32, #tpu.memory_space<vmem>> -> memref<1x80xi32, #tpu.memory_space<vmem>>
    %dma_wait3A_44 = tpu.memref_squeeze %dma_wait3A_43 : memref<1x80xi32, #tpu.memory_space<vmem>> -> memref<80xi32, #tpu.memory_space<vmem>>
    %dma_wait3A_45 = arith.constant 0 : i32
    %dma_wait3A_46 = arith.constant 0 : i32
    %dma_wait3A_47 = tpu.memref_slice %arg2[%dma_wait3A_45, %dma_wait3A_46] : memref<90000x128xf32, #tpu.memory_space<hbm>> -> memref<90000x128xf32, #tpu.memory_space<hbm>>
    tpu.wait_indirect_dma semaphore(%arg15 : memref<!tpu.dma_semaphore, #tpu.memory_space<semaphore_mem>>) src(%dma_wait3A_47 : memref<90000x128xf32, #tpu.memory_space<hbm>>) dst(%arg10 : memref<80x128xf32, #tpu.memory_space<vmem>>)
    %run_scoped3A_48 = arith.constant 29 : i32
    "tpu.region"() ({
      %run_scoped3A_270 = tpu.sem_alloc : memref<!tpu.dma_semaphore, #tpu.memory_space<semaphore_mem>>
      %dma_start3A_271 = arith.constant 0 : i32
      %dma_start3A_272 = tpu.memref_slice %arg8[%run_scoped3A_48, %dma_start3A_271] : memref<32x80xi32, #tpu.memory_space<vmem>> -> memref<1x80xi32, #tpu.memory_space<vmem>>
      %dma_start3A_273 = tpu.memref_squeeze %dma_start3A_272 : memref<1x80xi32, #tpu.memory_space<vmem>> -> memref<80xi32, #tpu.memory_space<vmem>>
      %dma_start3A_274 = arith.constant 0 : i32
      %dma_start3A_275 = arith.constant 0 : i32
      %dma_start3A_276 = tpu.memref_slice %arg13[%dma_start3A_274, %dma_start3A_275] : memref<10240x128xf32, #tpu.memory_space<vmem_shared>> -> memref<10240x128xf32, #tpu.memory_space<vmem_shared>>
      tpu.enqueue_indirect_dma source(%arg10 : memref<80x128xf32, #tpu.memory_space<vmem>>) target(%dma_start3A_276 : memref<10240x128xf32, #tpu.memory_space<vmem_shared>>) offsets(%dma_start3A_273 : memref<80xi32, #tpu.memory_space<vmem>>) semaphore(%run_scoped3A_270 : memref<!tpu.dma_semaphore, #tpu.memory_space<semaphore_mem>>) {add = true}
      %dma_wait3A_277 = arith.constant 0 : i32
      %dma_wait3A_278 = tpu.memref_slice %arg8[%run_scoped3A_48, %dma_wait3A_277] : memref<32x80xi32, #tpu.memory_space<vmem>> -> memref<1x80xi32, #tpu.memory_space<vmem>>
      %dma_wait3A_279 = tpu.memref_squeeze %dma_wait3A_278 : memref<1x80xi32, #tpu.memory_space<vmem>> -> memref<80xi32, #tpu.memory_space<vmem>>
      %dma_wait3A_280 = arith.constant 0 : i32
      %dma_wait3A_281 = arith.constant 0 : i32
      %dma_wait3A_282 = tpu.memref_slice %arg13[%dma_wait3A_280, %dma_wait3A_281] : memref<10240x128xf32, #tpu.memory_space<vmem_shared>> -> memref<10240x128xf32, #tpu.memory_space<vmem_shared>>
      tpu.wait_indirect_dma semaphore(%run_scoped3A_270 : memref<!tpu.dma_semaphore, #tpu.memory_space<semaphore_mem>>) src(%arg10 : memref<80x128xf32, #tpu.memory_space<vmem>>) dst(%dma_wait3A_282 : memref<10240x128xf32, #tpu.memory_space<vmem_shared>>)
      tpu.yield
    }) : () -> ()
    %dma_wait3A_49 = arith.constant 30 : i32
    %dma_wait3A_50 = arith.constant 0 : i32
    %dma_wait3A_51 = tpu.memref_slice %arg7[%dma_wait3A_49, %dma_wait3A_50] : memref<32x80xi32, #tpu.memory_space<vmem>> -> memref<1x80xi32, #tpu.memory_space<vmem>>
    %dma_wait3A_52 = tpu.memref_squeeze %dma_wait3A_51 : memref<1x80xi32, #tpu.memory_space<vmem>> -> memref<80xi32, #tpu.memory_space<vmem>>
    %dma_wait3A_53 = arith.constant 0 : i32
    %dma_wait3A_54 = arith.constant 0 : i32
    %dma_wait3A_55 = tpu.memref_slice %arg2[%dma_wait3A_53, %dma_wait3A_54] : memref<90000x128xf32, #tpu.memory_space<hbm>> -> memref<90000x128xf32, #tpu.memory_space<hbm>>
    tpu.wait_indirect_dma semaphore(%arg16 : memref<!tpu.dma_semaphore, #tpu.memory_space<semaphore_mem>>) src(%dma_wait3A_55 : memref<90000x128xf32, #tpu.memory_space<hbm>>) dst(%arg11 : memref<80x128xf32, #tpu.memory_space<vmem>>)
    %run_scoped3A_56 = arith.constant 30 : i32
    "tpu.region"() ({
      %run_scoped3A_270 = tpu.sem_alloc : memref<!tpu.dma_semaphore, #tpu.memory_space<semaphore_mem>>
      %dma_start3A_271 = arith.constant 0 : i32
      %dma_start3A_272 = tpu.memref_slice %arg8[%run_scoped3A_56, %dma_start3A_271] : memref<32x80xi32, #tpu.memory_space<vmem>> -> memref<1x80xi32, #tpu.memory_space<vmem>>
      %dma_start3A_273 = tpu.memref_squeeze %dma_start3A_272 : memref<1x80xi32, #tpu.memory_space<vmem>> -> memref<80xi32, #tpu.memory_space<vmem>>
      %dma_start3A_274 = arith.constant 0 : i32
      %dma_start3A_275 = arith.constant 0 : i32
      %dma_start3A_276 = tpu.memref_slice %arg13[%dma_start3A_274, %dma_start3A_275] : memref<10240x128xf32, #tpu.memory_space<vmem_shared>> -> memref<10240x128xf32, #tpu.memory_space<vmem_shared>>
      tpu.enqueue_indirect_dma source(%arg11 : memref<80x128xf32, #tpu.memory_space<vmem>>) target(%dma_start3A_276 : memref<10240x128xf32, #tpu.memory_space<vmem_shared>>) offsets(%dma_start3A_273 : memref<80xi32, #tpu.memory_space<vmem>>) semaphore(%run_scoped3A_270 : memref<!tpu.dma_semaphore, #tpu.memory_space<semaphore_mem>>) {add = true}
      %dma_wait3A_277 = arith.constant 0 : i32
      %dma_wait3A_278 = tpu.memref_slice %arg8[%run_scoped3A_56, %dma_wait3A_277] : memref<32x80xi32, #tpu.memory_space<vmem>> -> memref<1x80xi32, #tpu.memory_space<vmem>>
      %dma_wait3A_279 = tpu.memref_squeeze %dma_wait3A_278 : memref<1x80xi32, #tpu.memory_space<vmem>> -> memref<80xi32, #tpu.memory_space<vmem>>
      %dma_wait3A_280 = arith.constant 0 : i32
      %dma_wait3A_281 = arith.constant 0 : i32
      %dma_wait3A_282 = tpu.memref_slice %arg13[%dma_wait3A_280, %dma_wait3A_281] : memref<10240x128xf32, #tpu.memory_space<vmem_shared>> -> memref<10240x128xf32, #tpu.memory_space<vmem_shared>>
      tpu.wait_indirect_dma semaphore(%run_scoped3A_270 : memref<!tpu.dma_semaphore, #tpu.memory_space<semaphore_mem>>) src(%arg11 : memref<80x128xf32, #tpu.memory_space<vmem>>) dst(%dma_wait3A_282 : memref<10240x128xf32, #tpu.memory_space<vmem_shared>>)
      tpu.yield
    }) : () -> ()
    %dma_wait3A_57 = arith.constant 31 : i32
    %dma_wait3A_58 = arith.constant 0 : i32
    %dma_wait3A_59 = tpu.memref_slice %arg7[%dma_wait3A_57, %dma_wait3A_58] : memref<32x80xi32, #tpu.memory_space<vmem>> -> memref<1x80xi32, #tpu.memory_space<vmem>>
    %dma_wait3A_60 = tpu.memref_squeeze %dma_wait3A_59 : memref<1x80xi32, #tpu.memory_space<vmem>> -> memref<80xi32, #tpu.memory_space<vmem>>
    %dma_wait3A_61 = arith.constant 0 : i32
    %dma_wait3A_62 = arith.constant 0 : i32
    %dma_wait3A_63 = tpu.memref_slice %arg2[%dma_wait3A_61, %dma_wait3A_62] : memref<90000x128xf32, #tpu.memory_space<hbm>> -> memref<90000x128xf32, #tpu.memory_space<hbm>>
    tpu.wait_indirect_dma semaphore(%arg17 : memref<!tpu.dma_semaphore, #tpu.memory_space<semaphore_mem>>) src(%dma_wait3A_63 : memref<90000x128xf32, #tpu.memory_space<hbm>>) dst(%arg12 : memref<80x128xf32, #tpu.memory_space<vmem>>)
    %run_scoped3A_64 = arith.constant 31 : i32
    "tpu.region"() ({
      %run_scoped3A_270 = tpu.sem_alloc : memref<!tpu.dma_semaphore, #tpu.memory_space<semaphore_mem>>
      %dma_start3A_271 = arith.constant 0 : i32
      %dma_start3A_272 = tpu.memref_slice %arg8[%run_scoped3A_64, %dma_start3A_271] : memref<32x80xi32, #tpu.memory_space<vmem>> -> memref<1x80xi32, #tpu.memory_space<vmem>>
      %dma_start3A_273 = tpu.memref_squeeze %dma_start3A_272 : memref<1x80xi32, #tpu.memory_space<vmem>> -> memref<80xi32, #tpu.memory_space<vmem>>
      %dma_start3A_274 = arith.constant 0 : i32
      %dma_start3A_275 = arith.constant 0 : i32
      %dma_start3A_276 = tpu.memref_slice %arg13[%dma_start3A_274, %dma_start3A_275] : memref<10240x128xf32, #tpu.memory_space<vmem_shared>> -> memref<10240x128xf32, #tpu.memory_space<vmem_shared>>
      tpu.enqueue_indirect_dma source(%arg12 : memref<80x128xf32, #tpu.memory_space<vmem>>) target(%dma_start3A_276 : memref<10240x128xf32, #tpu.memory_space<vmem_shared>>) offsets(%dma_start3A_273 : memref<80xi32, #tpu.memory_space<vmem>>) semaphore(%run_scoped3A_270 : memref<!tpu.dma_semaphore, #tpu.memory_space<semaphore_mem>>) {add = true}
      %dma_wait3A_277 = arith.constant 0 : i32
      %dma_wait3A_278 = tpu.memref_slice %arg8[%run_scoped3A_64, %dma_wait3A_277] : memref<32x80xi32, #tpu.memory_space<vmem>> -> memref<1x80xi32, #tpu.memory_space<vmem>>
      %dma_wait3A_279 = tpu.memref_squeeze %dma_wait3A_278 : memref<1x80xi32, #tpu.memory_space<vmem>> -> memref<80xi32, #tpu.memory_space<vmem>>
      %dma_wait3A_280 = arith.constant 0 : i32
      %dma_wait3A_281 = arith.constant 0 : i32
      %dma_wait3A_282 = tpu.memref_slice %arg13[%dma_wait3A_280, %dma_wait3A_281] : memref<10240x128xf32, #tpu.memory_space<vmem_shared>> -> memref<10240x128xf32, #tpu.memory_space<vmem_shared>>
      tpu.wait_indirect_dma semaphore(%run_scoped3A_270 : memref<!tpu.dma_semaphore, #tpu.memory_space<semaphore_mem>>) src(%arg12 : memref<80x128xf32, #tpu.memory_space<vmem>>) dst(%dma_wait3A_282 : memref<10240x128xf32, #tpu.memory_space<vmem_shared>>)
      tpu.yield
    }) : () -> ()
    "tpu.region"() ({
      %run_scoped3A_270 = tpu.sem_alloc : memref<!tpu.dma_semaphore, #tpu.memory_space<semaphore_mem>>
      %dma_start3A_271 = arith.constant 32 : i32
      %dma_start3A_272 = arith.constant 0 : i32
      %dma_start3A_273 = tpu.memref_slice %arg3[%add3A, %dma_start3A_271, %dma_start3A_272] : memref<32x128x80xi32, #tpu.memory_space<hbm>> -> memref<1x32x80xi32, #tpu.memory_space<hbm>>
      %dma_start3A_274 = tpu.memref_squeeze %dma_start3A_273 : memref<1x32x80xi32, #tpu.memory_space<hbm>> -> memref<32x80xi32, #tpu.memory_space<hbm>>
      %dma_start3A_275 = arith.constant 32 : i32
      %dma_start3A_276 = arith.constant 0 : i32
      %dma_start3A_277 = tpu.memref_slice %arg3[%add3A, %dma_start3A_275, %dma_start3A_276] : memref<32x128x80xi32, #tpu.memory_space<hbm>> -> memref<1x32x80xi32, #tpu.memory_space<hbm>>
      %dma_start3A_278 = tpu.memref_squeeze %dma_start3A_277 : memref<1x32x80xi32, #tpu.memory_space<hbm>> -> memref<32x80xi32, #tpu.memory_space<hbm>>
      tpu.enqueue_dma source(%dma_start3A_278 : memref<32x80xi32, #tpu.memory_space<hbm>>) target(%arg7 : memref<32x80xi32, #tpu.memory_space<vmem>>) target_semaphore(%run_scoped3A_270 : memref<!tpu.dma_semaphore, #tpu.memory_space<semaphore_mem>>)
      %dma_wait3A_279 = arith.constant 32 : i32
      %dma_wait3A_280 = arith.constant 0 : i32
      %dma_wait3A_281 = tpu.memref_slice %arg3[%add3A, %dma_wait3A_279, %dma_wait3A_280] : memref<32x128x80xi32, #tpu.memory_space<hbm>> -> memref<1x32x80xi32, #tpu.memory_space<hbm>>
      %dma_wait3A_282 = tpu.memref_squeeze %dma_wait3A_281 : memref<1x32x80xi32, #tpu.memory_space<hbm>> -> memref<32x80xi32, #tpu.memory_space<hbm>>
      %dma_wait3A_283 = arith.constant 32 : i32
      %dma_wait3A_284 = arith.constant 0 : i32
      %dma_wait3A_285 = tpu.memref_slice %arg3[%add3A, %dma_wait3A_283, %dma_wait3A_284] : memref<32x128x80xi32, #tpu.memory_space<hbm>> -> memref<1x32x80xi32, #tpu.memory_space<hbm>>
      %dma_wait3A_286 = tpu.memref_squeeze %dma_wait3A_285 : memref<1x32x80xi32, #tpu.memory_space<hbm>> -> memref<32x80xi32, #tpu.memory_space<hbm>>
      tpu.wait_dma2 semaphore(%run_scoped3A_270 : memref<!tpu.dma_semaphore, #tpu.memory_space<semaphore_mem>>) src(%dma_wait3A_286 : memref<32x80xi32, #tpu.memory_space<hbm>>) dst(%arg7 : memref<32x80xi32, #tpu.memory_space<vmem>>)
      tpu.yield
    }) : () -> ()
    "tpu.region"() ({
      %run_scoped3A_270 = tpu.sem_alloc : memref<!tpu.dma_semaphore, #tpu.memory_space<semaphore_mem>>
      %dma_start3A_271 = arith.constant 32 : i32
      %dma_start3A_272 = arith.constant 0 : i32
      %dma_start3A_273 = tpu.memref_slice %arg4[%add3A, %dma_start3A_271, %dma_start3A_272] : memref<32x128x80xi32, #tpu.memory_space<hbm>> -> memref<1x32x80xi32, #tpu.memory_space<hbm>>
      %dma_start3A_274 = tpu.memref_squeeze %dma_start3A_273 : memref<1x32x80xi32, #tpu.memory_space<hbm>> -> memref<32x80xi32, #tpu.memory_space<hbm>>
      %dma_start3A_275 = arith.constant 32 : i32
      %dma_start3A_276 = arith.constant 0 : i32
      %dma_start3A_277 = tpu.memref_slice %arg4[%add3A, %dma_start3A_275, %dma_start3A_276] : memref<32x128x80xi32, #tpu.memory_space<hbm>> -> memref<1x32x80xi32, #tpu.memory_space<hbm>>
      %dma_start3A_278 = tpu.memref_squeeze %dma_start3A_277 : memref<1x32x80xi32, #tpu.memory_space<hbm>> -> memref<32x80xi32, #tpu.memory_space<hbm>>
      tpu.enqueue_dma source(%dma_start3A_278 : memref<32x80xi32, #tpu.memory_space<hbm>>) target(%arg8 : memref<32x80xi32, #tpu.memory_space<vmem>>) target_semaphore(%run_scoped3A_270 : memref<!tpu.dma_semaphore, #tpu.memory_space<semaphore_mem>>)
      %dma_wait3A_279 = arith.constant 32 : i32
      %dma_wait3A_280 = arith.constant 0 : i32
      %dma_wait3A_281 = tpu.memref_slice %arg4[%add3A, %dma_wait3A_279, %dma_wait3A_280] : memref<32x128x80xi32, #tpu.memory_space<hbm>> -> memref<1x32x80xi32, #tpu.memory_space<hbm>>
      %dma_wait3A_282 = tpu.memref_squeeze %dma_wait3A_281 : memref<1x32x80xi32, #tpu.memory_space<hbm>> -> memref<32x80xi32, #tpu.memory_space<hbm>>
      %dma_wait3A_283 = arith.constant 32 : i32
      %dma_wait3A_284 = arith.constant 0 : i32
      %dma_wait3A_285 = tpu.memref_slice %arg4[%add3A, %dma_wait3A_283, %dma_wait3A_284] : memref<32x128x80xi32, #tpu.memory_space<hbm>> -> memref<1x32x80xi32, #tpu.memory_space<hbm>>
      %dma_wait3A_286 = tpu.memref_squeeze %dma_wait3A_285 : memref<1x32x80xi32, #tpu.memory_space<hbm>> -> memref<32x80xi32, #tpu.memory_space<hbm>>
      tpu.wait_dma2 semaphore(%run_scoped3A_270 : memref<!tpu.dma_semaphore, #tpu.memory_space<semaphore_mem>>) src(%dma_wait3A_286 : memref<32x80xi32, #tpu.memory_space<hbm>>) dst(%arg8 : memref<32x80xi32, #tpu.memory_space<vmem>>)
      tpu.yield
    }) : () -> ()
    %dma_start3A_65 = arith.constant 0 : i32
    %dma_start3A_66 = arith.constant 0 : i32
    %dma_start3A_67 = tpu.memref_slice %arg7[%dma_start3A_65, %dma_start3A_66] : memref<32x80xi32, #tpu.memory_space<vmem>> -> memref<1x80xi32, #tpu.memory_space<vmem>>
    %dma_start3A_68 = tpu.memref_squeeze %dma_start3A_67 : memref<1x80xi32, #tpu.memory_space<vmem>> -> memref<80xi32, #tpu.memory_space<vmem>>
    %dma_start3A_69 = arith.constant 0 : i32
    %dma_start3A_70 = arith.constant 0 : i32
    %dma_start3A_71 = tpu.memref_slice %arg2[%dma_start3A_69, %dma_start3A_70] : memref<90000x128xf32, #tpu.memory_space<hbm>> -> memref<90000x128xf32, #tpu.memory_space<hbm>>
    tpu.enqueue_indirect_dma source(%dma_start3A_71 : memref<90000x128xf32, #tpu.memory_space<hbm>>) target(%arg9 : memref<80x128xf32, #tpu.memory_space<vmem>>) offsets(%dma_start3A_68 : memref<80xi32, #tpu.memory_space<vmem>>) semaphore(%arg14 : memref<!tpu.dma_semaphore, #tpu.memory_space<semaphore_mem>>)
    %dma_start3A_72 = arith.constant 1 : i32
    %dma_start3A_73 = arith.constant 0 : i32
    %dma_start3A_74 = tpu.memref_slice %arg7[%dma_start3A_72, %dma_start3A_73] : memref<32x80xi32, #tpu.memory_space<vmem>> -> memref<1x80xi32, #tpu.memory_space<vmem>>
    %dma_start3A_75 = tpu.memref_squeeze %dma_start3A_74 : memref<1x80xi32, #tpu.memory_space<vmem>> -> memref<80xi32, #tpu.memory_space<vmem>>
    %dma_start3A_76 = arith.constant 0 : i32
    %dma_start3A_77 = arith.constant 0 : i32
    %dma_start3A_78 = tpu.memref_slice %arg2[%dma_start3A_76, %dma_start3A_77] : memref<90000x128xf32, #tpu.memory_space<hbm>> -> memref<90000x128xf32, #tpu.memory_space<hbm>>
    tpu.enqueue_indirect_dma source(%dma_start3A_78 : memref<90000x128xf32, #tpu.memory_space<hbm>>) target(%arg10 : memref<80x128xf32, #tpu.memory_space<vmem>>) offsets(%dma_start3A_75 : memref<80xi32, #tpu.memory_space<vmem>>) semaphore(%arg15 : memref<!tpu.dma_semaphore, #tpu.memory_space<semaphore_mem>>)
    %dma_start3A_79 = arith.constant 2 : i32
    %dma_start3A_80 = arith.constant 0 : i32
    %dma_start3A_81 = tpu.memref_slice %arg7[%dma_start3A_79, %dma_start3A_80] : memref<32x80xi32, #tpu.memory_space<vmem>> -> memref<1x80xi32, #tpu.memory_space<vmem>>
    %dma_start3A_82 = tpu.memref_squeeze %dma_start3A_81 : memref<1x80xi32, #tpu.memory_space<vmem>> -> memref<80xi32, #tpu.memory_space<vmem>>
    %dma_start3A_83 = arith.constant 0 : i32
    %dma_start3A_84 = arith.constant 0 : i32
    %dma_start3A_85 = tpu.memref_slice %arg2[%dma_start3A_83, %dma_start3A_84] : memref<90000x128xf32, #tpu.memory_space<hbm>> -> memref<90000x128xf32, #tpu.memory_space<hbm>>
    tpu.enqueue_indirect_dma source(%dma_start3A_85 : memref<90000x128xf32, #tpu.memory_space<hbm>>) target(%arg11 : memref<80x128xf32, #tpu.memory_space<vmem>>) offsets(%dma_start3A_82 : memref<80xi32, #tpu.memory_space<vmem>>) semaphore(%arg16 : memref<!tpu.dma_semaphore, #tpu.memory_space<semaphore_mem>>)
    %dma_start3A_86 = arith.constant 3 : i32
    %dma_start3A_87 = arith.constant 0 : i32
    %dma_start3A_88 = tpu.memref_slice %arg7[%dma_start3A_86, %dma_start3A_87] : memref<32x80xi32, #tpu.memory_space<vmem>> -> memref<1x80xi32, #tpu.memory_space<vmem>>
    %dma_start3A_89 = tpu.memref_squeeze %dma_start3A_88 : memref<1x80xi32, #tpu.memory_space<vmem>> -> memref<80xi32, #tpu.memory_space<vmem>>
    %dma_start3A_90 = arith.constant 0 : i32
    %dma_start3A_91 = arith.constant 0 : i32
    %dma_start3A_92 = tpu.memref_slice %arg2[%dma_start3A_90, %dma_start3A_91] : memref<90000x128xf32, #tpu.memory_space<hbm>> -> memref<90000x128xf32, #tpu.memory_space<hbm>>
    tpu.enqueue_indirect_dma source(%dma_start3A_92 : memref<90000x128xf32, #tpu.memory_space<hbm>>) target(%arg12 : memref<80x128xf32, #tpu.memory_space<vmem>>) offsets(%dma_start3A_89 : memref<80xi32, #tpu.memory_space<vmem>>) semaphore(%arg17 : memref<!tpu.dma_semaphore, #tpu.memory_space<semaphore_mem>>)
    %scan3A_93 = arith.constant 0 : i32
    %scan3A_94 = arith.constant 0 : i32
    %scan3A_95 = arith.constant 7 : i32
    %scan3A_96 = arith.addi %scan3A_94, %scan3A_95 : i32
    %scan3A_97 = arith.constant 1 : i32
    scf.for %scan3A_270 = %scan3A_94 to %scan3A_96 step %scan3A_97  : i32 {
      %mul3A_271 = arith.constant 4 : i32
      %mul3A_272 = arith.muli %scan3A_270, %mul3A_271 : i32
      %add3A_273 = arith.constant 0 : i32
      %add3A_274 = arith.addi %mul3A_272, %add3A_273 : i32
      %dma_wait3A_275 = arith.constant 0 : i32
      %dma_wait3A_276 = tpu.memref_slice %arg7[%add3A_274, %dma_wait3A_275] : memref<32x80xi32, #tpu.memory_space<vmem>> -> memref<1x80xi32, #tpu.memory_space<vmem>>
      %dma_wait3A_277 = tpu.memref_squeeze %dma_wait3A_276 : memref<1x80xi32, #tpu.memory_space<vmem>> -> memref<80xi32, #tpu.memory_space<vmem>>
      %dma_wait3A_278 = arith.constant 0 : i32
      %dma_wait3A_279 = arith.constant 0 : i32
      %dma_wait3A_280 = tpu.memref_slice %arg2[%dma_wait3A_278, %dma_wait3A_279] : memref<90000x128xf32, #tpu.memory_space<hbm>> -> memref<90000x128xf32, #tpu.memory_space<hbm>>
      tpu.wait_indirect_dma semaphore(%arg14 : memref<!tpu.dma_semaphore, #tpu.memory_space<semaphore_mem>>) src(%dma_wait3A_280 : memref<90000x128xf32, #tpu.memory_space<hbm>>) dst(%arg9 : memref<80x128xf32, #tpu.memory_space<vmem>>)
      "tpu.region"() ({
        %run_scoped3A_343 = tpu.sem_alloc : memref<!tpu.dma_semaphore, #tpu.memory_space<semaphore_mem>>
        %dma_start3A_344 = arith.constant 0 : i32
        %dma_start3A_345 = tpu.memref_slice %arg8[%add3A_274, %dma_start3A_344] : memref<32x80xi32, #tpu.memory_space<vmem>> -> memref<1x80xi32, #tpu.memory_space<vmem>>
        %dma_start3A_346 = tpu.memref_squeeze %dma_start3A_345 : memref<1x80xi32, #tpu.memory_space<vmem>> -> memref<80xi32, #tpu.memory_space<vmem>>
        %dma_start3A_347 = arith.constant 0 : i32
        %dma_start3A_348 = arith.constant 0 : i32
        %dma_start3A_349 = tpu.memref_slice %arg13[%dma_start3A_347, %dma_start3A_348] : memref<10240x128xf32, #tpu.memory_space<vmem_shared>> -> memref<10240x128xf32, #tpu.memory_space<vmem_shared>>
        tpu.enqueue_indirect_dma source(%arg9 : memref<80x128xf32, #tpu.memory_space<vmem>>) target(%dma_start3A_349 : memref<10240x128xf32, #tpu.memory_space<vmem_shared>>) offsets(%dma_start3A_346 : memref<80xi32, #tpu.memory_space<vmem>>) semaphore(%run_scoped3A_343 : memref<!tpu.dma_semaphore, #tpu.memory_space<semaphore_mem>>) {add = true}
        %dma_wait3A_350 = arith.constant 0 : i32
        %dma_wait3A_351 = tpu.memref_slice %arg8[%add3A_274, %dma_wait3A_350] : memref<32x80xi32, #tpu.memory_space<vmem>> -> memref<1x80xi32, #tpu.memory_space<vmem>>
        %dma_wait3A_352 = tpu.memref_squeeze %dma_wait3A_351 : memref<1x80xi32, #tpu.memory_space<vmem>> -> memref<80xi32, #tpu.memory_space<vmem>>
        %dma_wait3A_353 = arith.constant 0 : i32
        %dma_wait3A_354 = arith.constant 0 : i32
        %dma_wait3A_355 = tpu.memref_slice %arg13[%dma_wait3A_353, %dma_wait3A_354] : memref<10240x128xf32, #tpu.memory_space<vmem_shared>> -> memref<10240x128xf32, #tpu.memory_space<vmem_shared>>
        tpu.wait_indirect_dma semaphore(%run_scoped3A_343 : memref<!tpu.dma_semaphore, #tpu.memory_space<semaphore_mem>>) src(%arg9 : memref<80x128xf32, #tpu.memory_space<vmem>>) dst(%dma_wait3A_355 : memref<10240x128xf32, #tpu.memory_space<vmem_shared>>)
        tpu.yield
      }) : () -> ()
      %add3A_281 = arith.constant 4 : i32
      %add3A_282 = arith.addi %add3A_274, %add3A_281 : i32
      %dma_start3A_283 = arith.constant 0 : i32
      %dma_start3A_284 = tpu.memref_slice %arg7[%add3A_282, %dma_start3A_283] : memref<32x80xi32, #tpu.memory_space<vmem>> -> memref<1x80xi32, #tpu.memory_space<vmem>>
      %dma_start3A_285 = tpu.memref_squeeze %dma_start3A_284 : memref<1x80xi32, #tpu.memory_space<vmem>> -> memref<80xi32, #tpu.memory_space<vmem>>
      %dma_start3A_286 = arith.constant 0 : i32
      %dma_start3A_287 = arith.constant 0 : i32
      %dma_start3A_288 = tpu.memref_slice %arg2[%dma_start3A_286, %dma_start3A_287] : memref<90000x128xf32, #tpu.memory_space<hbm>> -> memref<90000x128xf32, #tpu.memory_space<hbm>>
      tpu.enqueue_indirect_dma source(%dma_start3A_288 : memref<90000x128xf32, #tpu.memory_space<hbm>>) target(%arg9 : memref<80x128xf32, #tpu.memory_space<vmem>>) offsets(%dma_start3A_285 : memref<80xi32, #tpu.memory_space<vmem>>) semaphore(%arg14 : memref<!tpu.dma_semaphore, #tpu.memory_space<semaphore_mem>>)
      %mul3A_289 = arith.constant 4 : i32
      %mul3A_290 = arith.muli %scan3A_270, %mul3A_289 : i32
      %add3A_291 = arith.constant 1 : i32
      %add3A_292 = arith.addi %mul3A_290, %add3A_291 : i32
      %dma_wait3A_293 = arith.constant 0 : i32
      %dma_wait3A_294 = tpu.memref_slice %arg7[%add3A_292, %dma_wait3A_293] : memref<32x80xi32, #tpu.memory_space<vmem>> -> memref<1x80xi32, #tpu.memory_space<vmem>>
      %dma_wait3A_295 = tpu.memref_squeeze %dma_wait3A_294 : memref<1x80xi32, #tpu.memory_space<vmem>> -> memref<80xi32, #tpu.memory_space<vmem>>
      %dma_wait3A_296 = arith.constant 0 : i32
      %dma_wait3A_297 = arith.constant 0 : i32
      %dma_wait3A_298 = tpu.memref_slice %arg2[%dma_wait3A_296, %dma_wait3A_297] : memref<90000x128xf32, #tpu.memory_space<hbm>> -> memref<90000x128xf32, #tpu.memory_space<hbm>>
      tpu.wait_indirect_dma semaphore(%arg15 : memref<!tpu.dma_semaphore, #tpu.memory_space<semaphore_mem>>) src(%dma_wait3A_298 : memref<90000x128xf32, #tpu.memory_space<hbm>>) dst(%arg10 : memref<80x128xf32, #tpu.memory_space<vmem>>)
      "tpu.region"() ({
        %run_scoped3A_343 = tpu.sem_alloc : memref<!tpu.dma_semaphore, #tpu.memory_space<semaphore_mem>>
        %dma_start3A_344 = arith.constant 0 : i32
        %dma_start3A_345 = tpu.memref_slice %arg8[%add3A_292, %dma_start3A_344] : memref<32x80xi32, #tpu.memory_space<vmem>> -> memref<1x80xi32, #tpu.memory_space<vmem>>
        %dma_start3A_346 = tpu.memref_squeeze %dma_start3A_345 : memref<1x80xi32, #tpu.memory_space<vmem>> -> memref<80xi32, #tpu.memory_space<vmem>>
        %dma_start3A_347 = arith.constant 0 : i32
        %dma_start3A_348 = arith.constant 0 : i32
        %dma_start3A_349 = tpu.memref_slice %arg13[%dma_start3A_347, %dma_start3A_348] : memref<10240x128xf32, #tpu.memory_space<vmem_shared>> -> memref<10240x128xf32, #tpu.memory_space<vmem_shared>>
        tpu.enqueue_indirect_dma source(%arg10 : memref<80x128xf32, #tpu.memory_space<vmem>>) target(%dma_start3A_349 : memref<10240x128xf32, #tpu.memory_space<vmem_shared>>) offsets(%dma_start3A_346 : memref<80xi32, #tpu.memory_space<vmem>>) semaphore(%run_scoped3A_343 : memref<!tpu.dma_semaphore, #tpu.memory_space<semaphore_mem>>) {add = true}
        %dma_wait3A_350 = arith.constant 0 : i32
        %dma_wait3A_351 = tpu.memref_slice %arg8[%add3A_292, %dma_wait3A_350] : memref<32x80xi32, #tpu.memory_space<vmem>> -> memref<1x80xi32, #tpu.memory_space<vmem>>
        %dma_wait3A_352 = tpu.memref_squeeze %dma_wait3A_351 : memref<1x80xi32, #tpu.memory_space<vmem>> -> memref<80xi32, #tpu.memory_space<vmem>>
        %dma_wait3A_353 = arith.constant 0 : i32
        %dma_wait3A_354 = arith.constant 0 : i32
        %dma_wait3A_355 = tpu.memref_slice %arg13[%dma_wait3A_353, %dma_wait3A_354] : memref<10240x128xf32, #tpu.memory_space<vmem_shared>> -> memref<10240x128xf32, #tpu.memory_space<vmem_shared>>
        tpu.wait_indirect_dma semaphore(%run_scoped3A_343 : memref<!tpu.dma_semaphore, #tpu.memory_space<semaphore_mem>>) src(%arg10 : memref<80x128xf32, #tpu.memory_space<vmem>>) dst(%dma_wait3A_355 : memref<10240x128xf32, #tpu.memory_space<vmem_shared>>)
        tpu.yield
      }) : () -> ()
      %add3A_299 = arith.constant 4 : i32
      %add3A_300 = arith.addi %add3A_292, %add3A_299 : i32
      %dma_start3A_301 = arith.constant 0 : i32
      %dma_start3A_302 = tpu.memref_slice %arg7[%add3A_300, %dma_start3A_301] : memref<32x80xi32, #tpu.memory_space<vmem>> -> memref<1x80xi32, #tpu.memory_space<vmem>>
      %dma_start3A_303 = tpu.memref_squeeze %dma_start3A_302 : memref<1x80xi32, #tpu.memory_space<vmem>> -> memref<80xi32, #tpu.memory_space<vmem>>
      %dma_start3A_304 = arith.constant 0 : i32
      %dma_start3A_305 = arith.constant 0 : i32
      %dma_start3A_306 = tpu.memref_slice %arg2[%dma_start3A_304, %dma_start3A_305] : memref<90000x128xf32, #tpu.memory_space<hbm>> -> memref<90000x128xf32, #tpu.memory_space<hbm>>
      tpu.enqueue_indirect_dma source(%dma_start3A_306 : memref<90000x128xf32, #tpu.memory_space<hbm>>) target(%arg10 : memref<80x128xf32, #tpu.memory_space<vmem>>) offsets(%dma_start3A_303 : memref<80xi32, #tpu.memory_space<vmem>>) semaphore(%arg15 : memref<!tpu.dma_semaphore, #tpu.memory_space<semaphore_mem>>)
      %mul3A_307 = arith.constant 4 : i32
      %mul3A_308 = arith.muli %scan3A_270, %mul3A_307 : i32
      %add3A_309 = arith.constant 2 : i32
      %add3A_310 = arith.addi %mul3A_308, %add3A_309 : i32
      %dma_wait3A_311 = arith.constant 0 : i32
      %dma_wait3A_312 = tpu.memref_slice %arg7[%add3A_310, %dma_wait3A_311] : memref<32x80xi32, #tpu.memory_space<vmem>> -> memref<1x80xi32, #tpu.memory_space<vmem>>
      %dma_wait3A_313 = tpu.memref_squeeze %dma_wait3A_312 : memref<1x80xi32, #tpu.memory_space<vmem>> -> memref<80xi32, #tpu.memory_space<vmem>>
      %dma_wait3A_314 = arith.constant 0 : i32
      %dma_wait3A_315 = arith.constant 0 : i32
      %dma_wait3A_316 = tpu.memref_slice %arg2[%dma_wait3A_314, %dma_wait3A_315] : memref<90000x128xf32, #tpu.memory_space<hbm>> -> memref<90000x128xf32, #tpu.memory_space<hbm>>
      tpu.wait_indirect_dma semaphore(%arg16 : memref<!tpu.dma_semaphore, #tpu.memory_space<semaphore_mem>>) src(%dma_wait3A_316 : memref<90000x128xf32, #tpu.memory_space<hbm>>) dst(%arg11 : memref<80x128xf32, #tpu.memory_space<vmem>>)
      "tpu.region"() ({
        %run_scoped3A_343 = tpu.sem_alloc : memref<!tpu.dma_semaphore, #tpu.memory_space<semaphore_mem>>
        %dma_start3A_344 = arith.constant 0 : i32
        %dma_start3A_345 = tpu.memref_slice %arg8[%add3A_310, %dma_start3A_344] : memref<32x80xi32, #tpu.memory_space<vmem>> -> memref<1x80xi32, #tpu.memory_space<vmem>>
        %dma_start3A_346 = tpu.memref_squeeze %dma_start3A_345 : memref<1x80xi32, #tpu.memory_space<vmem>> -> memref<80xi32, #tpu.memory_space<vmem>>
        %dma_start3A_347 = arith.constant 0 : i32
        %dma_start3A_348 = arith.constant 0 : i32
        %dma_start3A_349 = tpu.memref_slice %arg13[%dma_start3A_347, %dma_start3A_348] : memref<10240x128xf32, #tpu.memory_space<vmem_shared>> -> memref<10240x128xf32, #tpu.memory_space<vmem_shared>>
        tpu.enqueue_indirect_dma source(%arg11 : memref<80x128xf32, #tpu.memory_space<vmem>>) target(%dma_start3A_349 : memref<10240x128xf32, #tpu.memory_space<vmem_shared>>) offsets(%dma_start3A_346 : memref<80xi32, #tpu.memory_space<vmem>>) semaphore(%run_scoped3A_343 : memref<!tpu.dma_semaphore, #tpu.memory_space<semaphore_mem>>) {add = true}
        %dma_wait3A_350 = arith.constant 0 : i32
        %dma_wait3A_351 = tpu.memref_slice %arg8[%add3A_310, %dma_wait3A_350] : memref<32x80xi32, #tpu.memory_space<vmem>> -> memref<1x80xi32, #tpu.memory_space<vmem>>
        %dma_wait3A_352 = tpu.memref_squeeze %dma_wait3A_351 : memref<1x80xi32, #tpu.memory_space<vmem>> -> memref<80xi32, #tpu.memory_space<vmem>>
        %dma_wait3A_353 = arith.constant 0 : i32
        %dma_wait3A_354 = arith.constant 0 : i32
        %dma_wait3A_355 = tpu.memref_slice %arg13[%dma_wait3A_353, %dma_wait3A_354] : memref<10240x128xf32, #tpu.memory_space<vmem_shared>> -> memref<10240x128xf32, #tpu.memory_space<vmem_shared>>
        tpu.wait_indirect_dma semaphore(%run_scoped3A_343 : memref<!tpu.dma_semaphore, #tpu.memory_space<semaphore_mem>>) src(%arg11 : memref<80x128xf32, #tpu.memory_space<vmem>>) dst(%dma_wait3A_355 : memref<10240x128xf32, #tpu.memory_space<vmem_shared>>)
        tpu.yield
      }) : () -> ()
      %add3A_317 = arith.constant 4 : i32
      %add3A_318 = arith.addi %add3A_310, %add3A_317 : i32
      %dma_start3A_319 = arith.constant 0 : i32
      %dma_start3A_320 = tpu.memref_slice %arg7[%add3A_318, %dma_start3A_319] : memref<32x80xi32, #tpu.memory_space<vmem>> -> memref<1x80xi32, #tpu.memory_space<vmem>>
      %dma_start3A_321 = tpu.memref_squeeze %dma_start3A_320 : memref<1x80xi32, #tpu.memory_space<vmem>> -> memref<80xi32, #tpu.memory_space<vmem>>
      %dma_start3A_322 = arith.constant 0 : i32
      %dma_start3A_323 = arith.constant 0 : i32
      %dma_start3A_324 = tpu.memref_slice %arg2[%dma_start3A_322, %dma_start3A_323] : memref<90000x128xf32, #tpu.memory_space<hbm>> -> memref<90000x128xf32, #tpu.memory_space<hbm>>
      tpu.enqueue_indirect_dma source(%dma_start3A_324 : memref<90000x128xf32, #tpu.memory_space<hbm>>) target(%arg11 : memref<80x128xf32, #tpu.memory_space<vmem>>) offsets(%dma_start3A_321 : memref<80xi32, #tpu.memory_space<vmem>>) semaphore(%arg16 : memref<!tpu.dma_semaphore, #tpu.memory_space<semaphore_mem>>)
      %mul3A_325 = arith.constant 4 : i32
      %mul3A_326 = arith.muli %scan3A_270, %mul3A_325 : i32
      %add3A_327 = arith.constant 3 : i32
      %add3A_328 = arith.addi %mul3A_326, %add3A_327 : i32
      %dma_wait3A_329 = arith.constant 0 : i32
      %dma_wait3A_330 = tpu.memref_slice %arg7[%add3A_328, %dma_wait3A_329] : memref<32x80xi32, #tpu.memory_space<vmem>> -> memref<1x80xi32, #tpu.memory_space<vmem>>
      %dma_wait3A_331 = tpu.memref_squeeze %dma_wait3A_330 : memref<1x80xi32, #tpu.memory_space<vmem>> -> memref<80xi32, #tpu.memory_space<vmem>>
      %dma_wait3A_332 = arith.constant 0 : i32
      %dma_wait3A_333 = arith.constant 0 : i32
      %dma_wait3A_334 = tpu.memref_slice %arg2[%dma_wait3A_332, %dma_wait3A_333] : memref<90000x128xf32, #tpu.memory_space<hbm>> -> memref<90000x128xf32, #tpu.memory_space<hbm>>
      tpu.wait_indirect_dma semaphore(%arg17 : memref<!tpu.dma_semaphore, #tpu.memory_space<semaphore_mem>>) src(%dma_wait3A_334 : memref<90000x128xf32, #tpu.memory_space<hbm>>) dst(%arg12 : memref<80x128xf32, #tpu.memory_space<vmem>>)
      "tpu.region"() ({
        %run_scoped3A_343 = tpu.sem_alloc : memref<!tpu.dma_semaphore, #tpu.memory_space<semaphore_mem>>
        %dma_start3A_344 = arith.constant 0 : i32
        %dma_start3A_345 = tpu.memref_slice %arg8[%add3A_328, %dma_start3A_344] : memref<32x80xi32, #tpu.memory_space<vmem>> -> memref<1x80xi32, #tpu.memory_space<vmem>>
        %dma_start3A_346 = tpu.memref_squeeze %dma_start3A_345 : memref<1x80xi32, #tpu.memory_space<vmem>> -> memref<80xi32, #tpu.memory_space<vmem>>
        %dma_start3A_347 = arith.constant 0 : i32
        %dma_start3A_348 = arith.constant 0 : i32
        %dma_start3A_349 = tpu.memref_slice %arg13[%dma_start3A_347, %dma_start3A_348] : memref<10240x128xf32, #tpu.memory_space<vmem_shared>> -> memref<10240x128xf32, #tpu.memory_space<vmem_shared>>
        tpu.enqueue_indirect_dma source(%arg12 : memref<80x128xf32, #tpu.memory_space<vmem>>) target(%dma_start3A_349 : memref<10240x128xf32, #tpu.memory_space<vmem_shared>>) offsets(%dma_start3A_346 : memref<80xi32, #tpu.memory_space<vmem>>) semaphore(%run_scoped3A_343 : memref<!tpu.dma_semaphore, #tpu.memory_space<semaphore_mem>>) {add = true}
        %dma_wait3A_350 = arith.constant 0 : i32
        %dma_wait3A_351 = tpu.memref_slice %arg8[%add3A_328, %dma_wait3A_350] : memref<32x80xi32, #tpu.memory_space<vmem>> -> memref<1x80xi32, #tpu.memory_space<vmem>>
        %dma_wait3A_352 = tpu.memref_squeeze %dma_wait3A_351 : memref<1x80xi32, #tpu.memory_space<vmem>> -> memref<80xi32, #tpu.memory_space<vmem>>
        %dma_wait3A_353 = arith.constant 0 : i32
        %dma_wait3A_354 = arith.constant 0 : i32
        %dma_wait3A_355 = tpu.memref_slice %arg13[%dma_wait3A_353, %dma_wait3A_354] : memref<10240x128xf32, #tpu.memory_space<vmem_shared>> -> memref<10240x128xf32, #tpu.memory_space<vmem_shared>>
        tpu.wait_indirect_dma semaphore(%run_scoped3A_343 : memref<!tpu.dma_semaphore, #tpu.memory_space<semaphore_mem>>) src(%arg12 : memref<80x128xf32, #tpu.memory_space<vmem>>) dst(%dma_wait3A_355 : memref<10240x128xf32, #tpu.memory_space<vmem_shared>>)
        tpu.yield
      }) : () -> ()
      %add3A_335 = arith.constant 4 : i32
      %add3A_336 = arith.addi %add3A_328, %add3A_335 : i32
      %dma_start3A_337 = arith.constant 0 : i32
      %dma_start3A_338 = tpu.memref_slice %arg7[%add3A_336, %dma_start3A_337] : memref<32x80xi32, #tpu.memory_space<vmem>> -> memref<1x80xi32, #tpu.memory_space<vmem>>
      %dma_start3A_339 = tpu.memref_squeeze %dma_start3A_338 : memref<1x80xi32, #tpu.memory_space<vmem>> -> memref<80xi32, #tpu.memory_space<vmem>>
      %dma_start3A_340 = arith.constant 0 : i32
      %dma_start3A_341 = arith.constant 0 : i32
      %dma_start3A_342 = tpu.memref_slice %arg2[%dma_start3A_340, %dma_start3A_341] : memref<90000x128xf32, #tpu.memory_space<hbm>> -> memref<90000x128xf32, #tpu.memory_space<hbm>>
      tpu.enqueue_indirect_dma source(%dma_start3A_342 : memref<90000x128xf32, #tpu.memory_space<hbm>>) target(%arg12 : memref<80x128xf32, #tpu.memory_space<vmem>>) offsets(%dma_start3A_339 : memref<80xi32, #tpu.memory_space<vmem>>) semaphore(%arg17 : memref<!tpu.dma_semaphore, #tpu.memory_space<semaphore_mem>>)
    }
    %scan3A_98 = arith.constant 7 : i32
    %dma_wait3A_99 = arith.constant 28 : i32
    %dma_wait3A_100 = arith.constant 0 : i32
    %dma_wait3A_101 = tpu.memref_slice %arg7[%dma_wait3A_99, %dma_wait3A_100] : memref<32x80xi32, #tpu.memory_space<vmem>> -> memref<1x80xi32, #tpu.memory_space<vmem>>
    %dma_wait3A_102 = tpu.memref_squeeze %dma_wait3A_101 : memref<1x80xi32, #tpu.memory_space<vmem>> -> memref<80xi32, #tpu.memory_space<vmem>>
    %dma_wait3A_103 = arith.constant 0 : i32
    %dma_wait3A_104 = arith.constant 0 : i32
    %dma_wait3A_105 = tpu.memref_slice %arg2[%dma_wait3A_103, %dma_wait3A_104] : memref<90000x128xf32, #tpu.memory_space<hbm>> -> memref<90000x128xf32, #tpu.memory_space<hbm>>
    tpu.wait_indirect_dma semaphore(%arg14 : memref<!tpu.dma_semaphore, #tpu.memory_space<semaphore_mem>>) src(%dma_wait3A_105 : memref<90000x128xf32, #tpu.memory_space<hbm>>) dst(%arg9 : memref<80x128xf32, #tpu.memory_space<vmem>>)
    %run_scoped3A_106 = arith.constant 28 : i32
    "tpu.region"() ({
      %run_scoped3A_270 = tpu.sem_alloc : memref<!tpu.dma_semaphore, #tpu.memory_space<semaphore_mem>>
      %dma_start3A_271 = arith.constant 0 : i32
      %dma_start3A_272 = tpu.memref_slice %arg8[%run_scoped3A_106, %dma_start3A_271] : memref<32x80xi32, #tpu.memory_space<vmem>> -> memref<1x80xi32, #tpu.memory_space<vmem>>
      %dma_start3A_273 = tpu.memref_squeeze %dma_start3A_272 : memref<1x80xi32, #tpu.memory_space<vmem>> -> memref<80xi32, #tpu.memory_space<vmem>>
      %dma_start3A_274 = arith.constant 0 : i32
      %dma_start3A_275 = arith.constant 0 : i32
      %dma_start3A_276 = tpu.memref_slice %arg13[%dma_start3A_274, %dma_start3A_275] : memref<10240x128xf32, #tpu.memory_space<vmem_shared>> -> memref<10240x128xf32, #tpu.memory_space<vmem_shared>>
      tpu.enqueue_indirect_dma source(%arg9 : memref<80x128xf32, #tpu.memory_space<vmem>>) target(%dma_start3A_276 : memref<10240x128xf32, #tpu.memory_space<vmem_shared>>) offsets(%dma_start3A_273 : memref<80xi32, #tpu.memory_space<vmem>>) semaphore(%run_scoped3A_270 : memref<!tpu.dma_semaphore, #tpu.memory_space<semaphore_mem>>) {add = true}
      %dma_wait3A_277 = arith.constant 0 : i32
      %dma_wait3A_278 = tpu.memref_slice %arg8[%run_scoped3A_106, %dma_wait3A_277] : memref<32x80xi32, #tpu.memory_space<vmem>> -> memref<1x80xi32, #tpu.memory_space<vmem>>
      %dma_wait3A_279 = tpu.memref_squeeze %dma_wait3A_278 : memref<1x80xi32, #tpu.memory_space<vmem>> -> memref<80xi32, #tpu.memory_space<vmem>>
      %dma_wait3A_280 = arith.constant 0 : i32
      %dma_wait3A_281 = arith.constant 0 : i32
      %dma_wait3A_282 = tpu.memref_slice %arg13[%dma_wait3A_280, %dma_wait3A_281] : memref<10240x128xf32, #tpu.memory_space<vmem_shared>> -> memref<10240x128xf32, #tpu.memory_space<vmem_shared>>
      tpu.wait_indirect_dma semaphore(%run_scoped3A_270 : memref<!tpu.dma_semaphore, #tpu.memory_space<semaphore_mem>>) src(%arg9 : memref<80x128xf32, #tpu.memory_space<vmem>>) dst(%dma_wait3A_282 : memref<10240x128xf32, #tpu.memory_space<vmem_shared>>)
      tpu.yield
    }) : () -> ()
    %dma_wait3A_107 = arith.constant 29 : i32
    %dma_wait3A_108 = arith.constant 0 : i32
    %dma_wait3A_109 = tpu.memref_slice %arg7[%dma_wait3A_107, %dma_wait3A_108] : memref<32x80xi32, #tpu.memory_space<vmem>> -> memref<1x80xi32, #tpu.memory_space<vmem>>
    %dma_wait3A_110 = tpu.memref_squeeze %dma_wait3A_109 : memref<1x80xi32, #tpu.memory_space<vmem>> -> memref<80xi32, #tpu.memory_space<vmem>>
    %dma_wait3A_111 = arith.constant 0 : i32
    %dma_wait3A_112 = arith.constant 0 : i32
    %dma_wait3A_113 = tpu.memref_slice %arg2[%dma_wait3A_111, %dma_wait3A_112] : memref<90000x128xf32, #tpu.memory_space<hbm>> -> memref<90000x128xf32, #tpu.memory_space<hbm>>
    tpu.wait_indirect_dma semaphore(%arg15 : memref<!tpu.dma_semaphore, #tpu.memory_space<semaphore_mem>>) src(%dma_wait3A_113 : memref<90000x128xf32, #tpu.memory_space<hbm>>) dst(%arg10 : memref<80x128xf32, #tpu.memory_space<vmem>>)
    %run_scoped3A_114 = arith.constant 29 : i32
    "tpu.region"() ({
      %run_scoped3A_270 = tpu.sem_alloc : memref<!tpu.dma_semaphore, #tpu.memory_space<semaphore_mem>>
      %dma_start3A_271 = arith.constant 0 : i32
      %dma_start3A_272 = tpu.memref_slice %arg8[%run_scoped3A_114, %dma_start3A_271] : memref<32x80xi32, #tpu.memory_space<vmem>> -> memref<1x80xi32, #tpu.memory_space<vmem>>
      %dma_start3A_273 = tpu.memref_squeeze %dma_start3A_272 : memref<1x80xi32, #tpu.memory_space<vmem>> -> memref<80xi32, #tpu.memory_space<vmem>>
      %dma_start3A_274 = arith.constant 0 : i32
      %dma_start3A_275 = arith.constant 0 : i32
      %dma_start3A_276 = tpu.memref_slice %arg13[%dma_start3A_274, %dma_start3A_275] : memref<10240x128xf32, #tpu.memory_space<vmem_shared>> -> memref<10240x128xf32, #tpu.memory_space<vmem_shared>>
      tpu.enqueue_indirect_dma source(%arg10 : memref<80x128xf32, #tpu.memory_space<vmem>>) target(%dma_start3A_276 : memref<10240x128xf32, #tpu.memory_space<vmem_shared>>) offsets(%dma_start3A_273 : memref<80xi32, #tpu.memory_space<vmem>>) semaphore(%run_scoped3A_270 : memref<!tpu.dma_semaphore, #tpu.memory_space<semaphore_mem>>) {add = true}
      %dma_wait3A_277 = arith.constant 0 : i32
      %dma_wait3A_278 = tpu.memref_slice %arg8[%run_scoped3A_114, %dma_wait3A_277] : memref<32x80xi32, #tpu.memory_space<vmem>> -> memref<1x80xi32, #tpu.memory_space<vmem>>
      %dma_wait3A_279 = tpu.memref_squeeze %dma_wait3A_278 : memref<1x80xi32, #tpu.memory_space<vmem>> -> memref<80xi32, #tpu.memory_space<vmem>>
      %dma_wait3A_280 = arith.constant 0 : i32
      %dma_wait3A_281 = arith.constant 0 : i32
      %dma_wait3A_282 = tpu.memref_slice %arg13[%dma_wait3A_280, %dma_wait3A_281] : memref<10240x128xf32, #tpu.memory_space<vmem_shared>> -> memref<10240x128xf32, #tpu.memory_space<vmem_shared>>
      tpu.wait_indirect_dma semaphore(%run_scoped3A_270 : memref<!tpu.dma_semaphore, #tpu.memory_space<semaphore_mem>>) src(%arg10 : memref<80x128xf32, #tpu.memory_space<vmem>>) dst(%dma_wait3A_282 : memref<10240x128xf32, #tpu.memory_space<vmem_shared>>)
      tpu.yield
    }) : () -> ()
    %dma_wait3A_115 = arith.constant 30 : i32
    %dma_wait3A_116 = arith.constant 0 : i32
    %dma_wait3A_117 = tpu.memref_slice %arg7[%dma_wait3A_115, %dma_wait3A_116] : memref<32x80xi32, #tpu.memory_space<vmem>> -> memref<1x80xi32, #tpu.memory_space<vmem>>
    %dma_wait3A_118 = tpu.memref_squeeze %dma_wait3A_117 : memref<1x80xi32, #tpu.memory_space<vmem>> -> memref<80xi32, #tpu.memory_space<vmem>>
    %dma_wait3A_119 = arith.constant 0 : i32
    %dma_wait3A_120 = arith.constant 0 : i32
    %dma_wait3A_121 = tpu.memref_slice %arg2[%dma_wait3A_119, %dma_wait3A_120] : memref<90000x128xf32, #tpu.memory_space<hbm>> -> memref<90000x128xf32, #tpu.memory_space<hbm>>
    tpu.wait_indirect_dma semaphore(%arg16 : memref<!tpu.dma_semaphore, #tpu.memory_space<semaphore_mem>>) src(%dma_wait3A_121 : memref<90000x128xf32, #tpu.memory_space<hbm>>) dst(%arg11 : memref<80x128xf32, #tpu.memory_space<vmem>>)
    %run_scoped3A_122 = arith.constant 30 : i32
    "tpu.region"() ({
      %run_scoped3A_270 = tpu.sem_alloc : memref<!tpu.dma_semaphore, #tpu.memory_space<semaphore_mem>>
      %dma_start3A_271 = arith.constant 0 : i32
      %dma_start3A_272 = tpu.memref_slice %arg8[%run_scoped3A_122, %dma_start3A_271] : memref<32x80xi32, #tpu.memory_space<vmem>> -> memref<1x80xi32, #tpu.memory_space<vmem>>
      %dma_start3A_273 = tpu.memref_squeeze %dma_start3A_272 : memref<1x80xi32, #tpu.memory_space<vmem>> -> memref<80xi32, #tpu.memory_space<vmem>>
      %dma_start3A_274 = arith.constant 0 : i32
      %dma_start3A_275 = arith.constant 0 : i32
      %dma_start3A_276 = tpu.memref_slice %arg13[%dma_start3A_274, %dma_start3A_275] : memref<10240x128xf32, #tpu.memory_space<vmem_shared>> -> memref<10240x128xf32, #tpu.memory_space<vmem_shared>>
      tpu.enqueue_indirect_dma source(%arg11 : memref<80x128xf32, #tpu.memory_space<vmem>>) target(%dma_start3A_276 : memref<10240x128xf32, #tpu.memory_space<vmem_shared>>) offsets(%dma_start3A_273 : memref<80xi32, #tpu.memory_space<vmem>>) semaphore(%run_scoped3A_270 : memref<!tpu.dma_semaphore, #tpu.memory_space<semaphore_mem>>) {add = true}
      %dma_wait3A_277 = arith.constant 0 : i32
      %dma_wait3A_278 = tpu.memref_slice %arg8[%run_scoped3A_122, %dma_wait3A_277] : memref<32x80xi32, #tpu.memory_space<vmem>> -> memref<1x80xi32, #tpu.memory_space<vmem>>
      %dma_wait3A_279 = tpu.memref_squeeze %dma_wait3A_278 : memref<1x80xi32, #tpu.memory_space<vmem>> -> memref<80xi32, #tpu.memory_space<vmem>>
      %dma_wait3A_280 = arith.constant 0 : i32
      %dma_wait3A_281 = arith.constant 0 : i32
      %dma_wait3A_282 = tpu.memref_slice %arg13[%dma_wait3A_280, %dma_wait3A_281] : memref<10240x128xf32, #tpu.memory_space<vmem_shared>> -> memref<10240x128xf32, #tpu.memory_space<vmem_shared>>
      tpu.wait_indirect_dma semaphore(%run_scoped3A_270 : memref<!tpu.dma_semaphore, #tpu.memory_space<semaphore_mem>>) src(%arg11 : memref<80x128xf32, #tpu.memory_space<vmem>>) dst(%dma_wait3A_282 : memref<10240x128xf32, #tpu.memory_space<vmem_shared>>)
      tpu.yield
    }) : () -> ()
    %dma_wait3A_123 = arith.constant 31 : i32
    %dma_wait3A_124 = arith.constant 0 : i32
    %dma_wait3A_125 = tpu.memref_slice %arg7[%dma_wait3A_123, %dma_wait3A_124] : memref<32x80xi32, #tpu.memory_space<vmem>> -> memref<1x80xi32, #tpu.memory_space<vmem>>
    %dma_wait3A_126 = tpu.memref_squeeze %dma_wait3A_125 : memref<1x80xi32, #tpu.memory_space<vmem>> -> memref<80xi32, #tpu.memory_space<vmem>>
    %dma_wait3A_127 = arith.constant 0 : i32
    %dma_wait3A_128 = arith.constant 0 : i32
    %dma_wait3A_129 = tpu.memref_slice %arg2[%dma_wait3A_127, %dma_wait3A_128] : memref<90000x128xf32, #tpu.memory_space<hbm>> -> memref<90000x128xf32, #tpu.memory_space<hbm>>
    tpu.wait_indirect_dma semaphore(%arg17 : memref<!tpu.dma_semaphore, #tpu.memory_space<semaphore_mem>>) src(%dma_wait3A_129 : memref<90000x128xf32, #tpu.memory_space<hbm>>) dst(%arg12 : memref<80x128xf32, #tpu.memory_space<vmem>>)
    %run_scoped3A_130 = arith.constant 31 : i32
    "tpu.region"() ({
      %run_scoped3A_270 = tpu.sem_alloc : memref<!tpu.dma_semaphore, #tpu.memory_space<semaphore_mem>>
      %dma_start3A_271 = arith.constant 0 : i32
      %dma_start3A_272 = tpu.memref_slice %arg8[%run_scoped3A_130, %dma_start3A_271] : memref<32x80xi32, #tpu.memory_space<vmem>> -> memref<1x80xi32, #tpu.memory_space<vmem>>
      %dma_start3A_273 = tpu.memref_squeeze %dma_start3A_272 : memref<1x80xi32, #tpu.memory_space<vmem>> -> memref<80xi32, #tpu.memory_space<vmem>>
      %dma_start3A_274 = arith.constant 0 : i32
      %dma_start3A_275 = arith.constant 0 : i32
      %dma_start3A_276 = tpu.memref_slice %arg13[%dma_start3A_274, %dma_start3A_275] : memref<10240x128xf32, #tpu.memory_space<vmem_shared>> -> memref<10240x128xf32, #tpu.memory_space<vmem_shared>>
      tpu.enqueue_indirect_dma source(%arg12 : memref<80x128xf32, #tpu.memory_space<vmem>>) target(%dma_start3A_276 : memref<10240x128xf32, #tpu.memory_space<vmem_shared>>) offsets(%dma_start3A_273 : memref<80xi32, #tpu.memory_space<vmem>>) semaphore(%run_scoped3A_270 : memref<!tpu.dma_semaphore, #tpu.memory_space<semaphore_mem>>) {add = true}
      %dma_wait3A_277 = arith.constant 0 : i32
      %dma_wait3A_278 = tpu.memref_slice %arg8[%run_scoped3A_130, %dma_wait3A_277] : memref<32x80xi32, #tpu.memory_space<vmem>> -> memref<1x80xi32, #tpu.memory_space<vmem>>
      %dma_wait3A_279 = tpu.memref_squeeze %dma_wait3A_278 : memref<1x80xi32, #tpu.memory_space<vmem>> -> memref<80xi32, #tpu.memory_space<vmem>>
      %dma_wait3A_280 = arith.constant 0 : i32
      %dma_wait3A_281 = arith.constant 0 : i32
      %dma_wait3A_282 = tpu.memref_slice %arg13[%dma_wait3A_280, %dma_wait3A_281] : memref<10240x128xf32, #tpu.memory_space<vmem_shared>> -> memref<10240x128xf32, #tpu.memory_space<vmem_shared>>
      tpu.wait_indirect_dma semaphore(%run_scoped3A_270 : memref<!tpu.dma_semaphore, #tpu.memory_space<semaphore_mem>>) src(%arg12 : memref<80x128xf32, #tpu.memory_space<vmem>>) dst(%dma_wait3A_282 : memref<10240x128xf32, #tpu.memory_space<vmem_shared>>)
      tpu.yield
    }) : () -> ()
    "tpu.region"() ({
      %run_scoped3A_270 = tpu.sem_alloc : memref<!tpu.dma_semaphore, #tpu.memory_space<semaphore_mem>>
      %dma_start3A_271 = arith.constant 64 : i32
      %dma_start3A_272 = arith.constant 0 : i32
      %dma_start3A_273 = tpu.memref_slice %arg3[%add3A, %dma_start3A_271, %dma_start3A_272] : memref<32x128x80xi32, #tpu.memory_space<hbm>> -> memref<1x32x80xi32, #tpu.memory_space<hbm>>
      %dma_start3A_274 = tpu.memref_squeeze %dma_start3A_273 : memref<1x32x80xi32, #tpu.memory_space<hbm>> -> memref<32x80xi32, #tpu.memory_space<hbm>>
      %dma_start3A_275 = arith.constant 64 : i32
      %dma_start3A_276 = arith.constant 0 : i32
      %dma_start3A_277 = tpu.memref_slice %arg3[%add3A, %dma_start3A_275, %dma_start3A_276] : memref<32x128x80xi32, #tpu.memory_space<hbm>> -> memref<1x32x80xi32, #tpu.memory_space<hbm>>
      %dma_start3A_278 = tpu.memref_squeeze %dma_start3A_277 : memref<1x32x80xi32, #tpu.memory_space<hbm>> -> memref<32x80xi32, #tpu.memory_space<hbm>>
      tpu.enqueue_dma source(%dma_start3A_278 : memref<32x80xi32, #tpu.memory_space<hbm>>) target(%arg7 : memref<32x80xi32, #tpu.memory_space<vmem>>) target_semaphore(%run_scoped3A_270 : memref<!tpu.dma_semaphore, #tpu.memory_space<semaphore_mem>>)
      %dma_wait3A_279 = arith.constant 64 : i32
      %dma_wait3A_280 = arith.constant 0 : i32
      %dma_wait3A_281 = tpu.memref_slice %arg3[%add3A, %dma_wait3A_279, %dma_wait3A_280] : memref<32x128x80xi32, #tpu.memory_space<hbm>> -> memref<1x32x80xi32, #tpu.memory_space<hbm>>
      %dma_wait3A_282 = tpu.memref_squeeze %dma_wait3A_281 : memref<1x32x80xi32, #tpu.memory_space<hbm>> -> memref<32x80xi32, #tpu.memory_space<hbm>>
      %dma_wait3A_283 = arith.constant 64 : i32
      %dma_wait3A_284 = arith.constant 0 : i32
      %dma_wait3A_285 = tpu.memref_slice %arg3[%add3A, %dma_wait3A_283, %dma_wait3A_284] : memref<32x128x80xi32, #tpu.memory_space<hbm>> -> memref<1x32x80xi32, #tpu.memory_space<hbm>>
      %dma_wait3A_286 = tpu.memref_squeeze %dma_wait3A_285 : memref<1x32x80xi32, #tpu.memory_space<hbm>> -> memref<32x80xi32, #tpu.memory_space<hbm>>
      tpu.wait_dma2 semaphore(%run_scoped3A_270 : memref<!tpu.dma_semaphore, #tpu.memory_space<semaphore_mem>>) src(%dma_wait3A_286 : memref<32x80xi32, #tpu.memory_space<hbm>>) dst(%arg7 : memref<32x80xi32, #tpu.memory_space<vmem>>)
      tpu.yield
    }) : () -> ()
    "tpu.region"() ({
      %run_scoped3A_270 = tpu.sem_alloc : memref<!tpu.dma_semaphore, #tpu.memory_space<semaphore_mem>>
      %dma_start3A_271 = arith.constant 64 : i32
      %dma_start3A_272 = arith.constant 0 : i32
      %dma_start3A_273 = tpu.memref_slice %arg4[%add3A, %dma_start3A_271, %dma_start3A_272] : memref<32x128x80xi32, #tpu.memory_space<hbm>> -> memref<1x32x80xi32, #tpu.memory_space<hbm>>
      %dma_start3A_274 = tpu.memref_squeeze %dma_start3A_273 : memref<1x32x80xi32, #tpu.memory_space<hbm>> -> memref<32x80xi32, #tpu.memory_space<hbm>>
      %dma_start3A_275 = arith.constant 64 : i32
      %dma_start3A_276 = arith.constant 0 : i32
      %dma_start3A_277 = tpu.memref_slice %arg4[%add3A, %dma_start3A_275, %dma_start3A_276] : memref<32x128x80xi32, #tpu.memory_space<hbm>> -> memref<1x32x80xi32, #tpu.memory_space<hbm>>
      %dma_start3A_278 = tpu.memref_squeeze %dma_start3A_277 : memref<1x32x80xi32, #tpu.memory_space<hbm>> -> memref<32x80xi32, #tpu.memory_space<hbm>>
      tpu.enqueue_dma source(%dma_start3A_278 : memref<32x80xi32, #tpu.memory_space<hbm>>) target(%arg8 : memref<32x80xi32, #tpu.memory_space<vmem>>) target_semaphore(%run_scoped3A_270 : memref<!tpu.dma_semaphore, #tpu.memory_space<semaphore_mem>>)
      %dma_wait3A_279 = arith.constant 64 : i32
      %dma_wait3A_280 = arith.constant 0 : i32
      %dma_wait3A_281 = tpu.memref_slice %arg4[%add3A, %dma_wait3A_279, %dma_wait3A_280] : memref<32x128x80xi32, #tpu.memory_space<hbm>> -> memref<1x32x80xi32, #tpu.memory_space<hbm>>
      %dma_wait3A_282 = tpu.memref_squeeze %dma_wait3A_281 : memref<1x32x80xi32, #tpu.memory_space<hbm>> -> memref<32x80xi32, #tpu.memory_space<hbm>>
      %dma_wait3A_283 = arith.constant 64 : i32
      %dma_wait3A_284 = arith.constant 0 : i32
      %dma_wait3A_285 = tpu.memref_slice %arg4[%add3A, %dma_wait3A_283, %dma_wait3A_284] : memref<32x128x80xi32, #tpu.memory_space<hbm>> -> memref<1x32x80xi32, #tpu.memory_space<hbm>>
      %dma_wait3A_286 = tpu.memref_squeeze %dma_wait3A_285 : memref<1x32x80xi32, #tpu.memory_space<hbm>> -> memref<32x80xi32, #tpu.memory_space<hbm>>
      tpu.wait_dma2 semaphore(%run_scoped3A_270 : memref<!tpu.dma_semaphore, #tpu.memory_space<semaphore_mem>>) src(%dma_wait3A_286 : memref<32x80xi32, #tpu.memory_space<hbm>>) dst(%arg8 : memref<32x80xi32, #tpu.memory_space<vmem>>)
      tpu.yield
    }) : () -> ()
    %dma_start3A_131 = arith.constant 0 : i32
    %dma_start3A_132 = arith.constant 0 : i32
    %dma_start3A_133 = tpu.memref_slice %arg7[%dma_start3A_131, %dma_start3A_132] : memref<32x80xi32, #tpu.memory_space<vmem>> -> memref<1x80xi32, #tpu.memory_space<vmem>>
    %dma_start3A_134 = tpu.memref_squeeze %dma_start3A_133 : memref<1x80xi32, #tpu.memory_space<vmem>> -> memref<80xi32, #tpu.memory_space<vmem>>
    %dma_start3A_135 = arith.constant 0 : i32
    %dma_start3A_136 = arith.constant 0 : i32
    %dma_start3A_137 = tpu.memref_slice %arg2[%dma_start3A_135, %dma_start3A_136] : memref<90000x128xf32, #tpu.memory_space<hbm>> -> memref<90000x128xf32, #tpu.memory_space<hbm>>
    tpu.enqueue_indirect_dma source(%dma_start3A_137 : memref<90000x128xf32, #tpu.memory_space<hbm>>) target(%arg9 : memref<80x128xf32, #tpu.memory_space<vmem>>) offsets(%dma_start3A_134 : memref<80xi32, #tpu.memory_space<vmem>>) semaphore(%arg14 : memref<!tpu.dma_semaphore, #tpu.memory_space<semaphore_mem>>)
    %dma_start3A_138 = arith.constant 1 : i32
    %dma_start3A_139 = arith.constant 0 : i32
    %dma_start3A_140 = tpu.memref_slice %arg7[%dma_start3A_138, %dma_start3A_139] : memref<32x80xi32, #tpu.memory_space<vmem>> -> memref<1x80xi32, #tpu.memory_space<vmem>>
    %dma_start3A_141 = tpu.memref_squeeze %dma_start3A_140 : memref<1x80xi32, #tpu.memory_space<vmem>> -> memref<80xi32, #tpu.memory_space<vmem>>
    %dma_start3A_142 = arith.constant 0 : i32
    %dma_start3A_143 = arith.constant 0 : i32
    %dma_start3A_144 = tpu.memref_slice %arg2[%dma_start3A_142, %dma_start3A_143] : memref<90000x128xf32, #tpu.memory_space<hbm>> -> memref<90000x128xf32, #tpu.memory_space<hbm>>
    tpu.enqueue_indirect_dma source(%dma_start3A_144 : memref<90000x128xf32, #tpu.memory_space<hbm>>) target(%arg10 : memref<80x128xf32, #tpu.memory_space<vmem>>) offsets(%dma_start3A_141 : memref<80xi32, #tpu.memory_space<vmem>>) semaphore(%arg15 : memref<!tpu.dma_semaphore, #tpu.memory_space<semaphore_mem>>)
    %dma_start3A_145 = arith.constant 2 : i32
    %dma_start3A_146 = arith.constant 0 : i32
    %dma_start3A_147 = tpu.memref_slice %arg7[%dma_start3A_145, %dma_start3A_146] : memref<32x80xi32, #tpu.memory_space<vmem>> -> memref<1x80xi32, #tpu.memory_space<vmem>>
    %dma_start3A_148 = tpu.memref_squeeze %dma_start3A_147 : memref<1x80xi32, #tpu.memory_space<vmem>> -> memref<80xi32, #tpu.memory_space<vmem>>
    %dma_start3A_149 = arith.constant 0 : i32
    %dma_start3A_150 = arith.constant 0 : i32
    %dma_start3A_151 = tpu.memref_slice %arg2[%dma_start3A_149, %dma_start3A_150] : memref<90000x128xf32, #tpu.memory_space<hbm>> -> memref<90000x128xf32, #tpu.memory_space<hbm>>
    tpu.enqueue_indirect_dma source(%dma_start3A_151 : memref<90000x128xf32, #tpu.memory_space<hbm>>) target(%arg11 : memref<80x128xf32, #tpu.memory_space<vmem>>) offsets(%dma_start3A_148 : memref<80xi32, #tpu.memory_space<vmem>>) semaphore(%arg16 : memref<!tpu.dma_semaphore, #tpu.memory_space<semaphore_mem>>)
    %dma_start3A_152 = arith.constant 3 : i32
    %dma_start3A_153 = arith.constant 0 : i32
    %dma_start3A_154 = tpu.memref_slice %arg7[%dma_start3A_152, %dma_start3A_153] : memref<32x80xi32, #tpu.memory_space<vmem>> -> memref<1x80xi32, #tpu.memory_space<vmem>>
    %dma_start3A_155 = tpu.memref_squeeze %dma_start3A_154 : memref<1x80xi32, #tpu.memory_space<vmem>> -> memref<80xi32, #tpu.memory_space<vmem>>
    %dma_start3A_156 = arith.constant 0 : i32
    %dma_start3A_157 = arith.constant 0 : i32
    %dma_start3A_158 = tpu.memref_slice %arg2[%dma_start3A_156, %dma_start3A_157] : memref<90000x128xf32, #tpu.memory_space<hbm>> -> memref<90000x128xf32, #tpu.memory_space<hbm>>
    tpu.enqueue_indirect_dma source(%dma_start3A_158 : memref<90000x128xf32, #tpu.memory_space<hbm>>) target(%arg12 : memref<80x128xf32, #tpu.memory_space<vmem>>) offsets(%dma_start3A_155 : memref<80xi32, #tpu.memory_space<vmem>>) semaphore(%arg17 : memref<!tpu.dma_semaphore, #tpu.memory_space<semaphore_mem>>)
    %scan3A_159 = arith.constant 0 : i32
    %scan3A_160 = arith.constant 0 : i32
    %scan3A_161 = arith.constant 7 : i32
    %scan3A_162 = arith.addi %scan3A_160, %scan3A_161 : i32
    %scan3A_163 = arith.constant 1 : i32
    scf.for %scan3A_270 = %scan3A_160 to %scan3A_162 step %scan3A_163  : i32 {
      %mul3A_271 = arith.constant 4 : i32
      %mul3A_272 = arith.muli %scan3A_270, %mul3A_271 : i32
      %add3A_273 = arith.constant 0 : i32
      %add3A_274 = arith.addi %mul3A_272, %add3A_273 : i32
      %dma_wait3A_275 = arith.constant 0 : i32
      %dma_wait3A_276 = tpu.memref_slice %arg7[%add3A_274, %dma_wait3A_275] : memref<32x80xi32, #tpu.memory_space<vmem>> -> memref<1x80xi32, #tpu.memory_space<vmem>>
      %dma_wait3A_277 = tpu.memref_squeeze %dma_wait3A_276 : memref<1x80xi32, #tpu.memory_space<vmem>> -> memref<80xi32, #tpu.memory_space<vmem>>
      %dma_wait3A_278 = arith.constant 0 : i32
      %dma_wait3A_279 = arith.constant 0 : i32
      %dma_wait3A_280 = tpu.memref_slice %arg2[%dma_wait3A_278, %dma_wait3A_279] : memref<90000x128xf32, #tpu.memory_space<hbm>> -> memref<90000x128xf32, #tpu.memory_space<hbm>>
      tpu.wait_indirect_dma semaphore(%arg14 : memref<!tpu.dma_semaphore, #tpu.memory_space<semaphore_mem>>) src(%dma_wait3A_280 : memref<90000x128xf32, #tpu.memory_space<hbm>>) dst(%arg9 : memref<80x128xf32, #tpu.memory_space<vmem>>)
      "tpu.region"() ({
        %run_scoped3A_343 = tpu.sem_alloc : memref<!tpu.dma_semaphore, #tpu.memory_space<semaphore_mem>>
        %dma_start3A_344 = arith.constant 0 : i32
        %dma_start3A_345 = tpu.memref_slice %arg8[%add3A_274, %dma_start3A_344] : memref<32x80xi32, #tpu.memory_space<vmem>> -> memref<1x80xi32, #tpu.memory_space<vmem>>
        %dma_start3A_346 = tpu.memref_squeeze %dma_start3A_345 : memref<1x80xi32, #tpu.memory_space<vmem>> -> memref<80xi32, #tpu.memory_space<vmem>>
        %dma_start3A_347 = arith.constant 0 : i32
        %dma_start3A_348 = arith.constant 0 : i32
        %dma_start3A_349 = tpu.memref_slice %arg13[%dma_start3A_347, %dma_start3A_348] : memref<10240x128xf32, #tpu.memory_space<vmem_shared>> -> memref<10240x128xf32, #tpu.memory_space<vmem_shared>>
        tpu.enqueue_indirect_dma source(%arg9 : memref<80x128xf32, #tpu.memory_space<vmem>>) target(%dma_start3A_349 : memref<10240x128xf32, #tpu.memory_space<vmem_shared>>) offsets(%dma_start3A_346 : memref<80xi32, #tpu.memory_space<vmem>>) semaphore(%run_scoped3A_343 : memref<!tpu.dma_semaphore, #tpu.memory_space<semaphore_mem>>) {add = true}
        %dma_wait3A_350 = arith.constant 0 : i32
        %dma_wait3A_351 = tpu.memref_slice %arg8[%add3A_274, %dma_wait3A_350] : memref<32x80xi32, #tpu.memory_space<vmem>> -> memref<1x80xi32, #tpu.memory_space<vmem>>
        %dma_wait3A_352 = tpu.memref_squeeze %dma_wait3A_351 : memref<1x80xi32, #tpu.memory_space<vmem>> -> memref<80xi32, #tpu.memory_space<vmem>>
        %dma_wait3A_353 = arith.constant 0 : i32
        %dma_wait3A_354 = arith.constant 0 : i32
        %dma_wait3A_355 = tpu.memref_slice %arg13[%dma_wait3A_353, %dma_wait3A_354] : memref<10240x128xf32, #tpu.memory_space<vmem_shared>> -> memref<10240x128xf32, #tpu.memory_space<vmem_shared>>
        tpu.wait_indirect_dma semaphore(%run_scoped3A_343 : memref<!tpu.dma_semaphore, #tpu.memory_space<semaphore_mem>>) src(%arg9 : memref<80x128xf32, #tpu.memory_space<vmem>>) dst(%dma_wait3A_355 : memref<10240x128xf32, #tpu.memory_space<vmem_shared>>)
        tpu.yield
      }) : () -> ()
      %add3A_281 = arith.constant 4 : i32
      %add3A_282 = arith.addi %add3A_274, %add3A_281 : i32
      %dma_start3A_283 = arith.constant 0 : i32
      %dma_start3A_284 = tpu.memref_slice %arg7[%add3A_282, %dma_start3A_283] : memref<32x80xi32, #tpu.memory_space<vmem>> -> memref<1x80xi32, #tpu.memory_space<vmem>>
      %dma_start3A_285 = tpu.memref_squeeze %dma_start3A_284 : memref<1x80xi32, #tpu.memory_space<vmem>> -> memref<80xi32, #tpu.memory_space<vmem>>
      %dma_start3A_286 = arith.constant 0 : i32
      %dma_start3A_287 = arith.constant 0 : i32
      %dma_start3A_288 = tpu.memref_slice %arg2[%dma_start3A_286, %dma_start3A_287] : memref<90000x128xf32, #tpu.memory_space<hbm>> -> memref<90000x128xf32, #tpu.memory_space<hbm>>
      tpu.enqueue_indirect_dma source(%dma_start3A_288 : memref<90000x128xf32, #tpu.memory_space<hbm>>) target(%arg9 : memref<80x128xf32, #tpu.memory_space<vmem>>) offsets(%dma_start3A_285 : memref<80xi32, #tpu.memory_space<vmem>>) semaphore(%arg14 : memref<!tpu.dma_semaphore, #tpu.memory_space<semaphore_mem>>)
      %mul3A_289 = arith.constant 4 : i32
      %mul3A_290 = arith.muli %scan3A_270, %mul3A_289 : i32
      %add3A_291 = arith.constant 1 : i32
      %add3A_292 = arith.addi %mul3A_290, %add3A_291 : i32
      %dma_wait3A_293 = arith.constant 0 : i32
      %dma_wait3A_294 = tpu.memref_slice %arg7[%add3A_292, %dma_wait3A_293] : memref<32x80xi32, #tpu.memory_space<vmem>> -> memref<1x80xi32, #tpu.memory_space<vmem>>
      %dma_wait3A_295 = tpu.memref_squeeze %dma_wait3A_294 : memref<1x80xi32, #tpu.memory_space<vmem>> -> memref<80xi32, #tpu.memory_space<vmem>>
      %dma_wait3A_296 = arith.constant 0 : i32
      %dma_wait3A_297 = arith.constant 0 : i32
      %dma_wait3A_298 = tpu.memref_slice %arg2[%dma_wait3A_296, %dma_wait3A_297] : memref<90000x128xf32, #tpu.memory_space<hbm>> -> memref<90000x128xf32, #tpu.memory_space<hbm>>
      tpu.wait_indirect_dma semaphore(%arg15 : memref<!tpu.dma_semaphore, #tpu.memory_space<semaphore_mem>>) src(%dma_wait3A_298 : memref<90000x128xf32, #tpu.memory_space<hbm>>) dst(%arg10 : memref<80x128xf32, #tpu.memory_space<vmem>>)
      "tpu.region"() ({
        %run_scoped3A_343 = tpu.sem_alloc : memref<!tpu.dma_semaphore, #tpu.memory_space<semaphore_mem>>
        %dma_start3A_344 = arith.constant 0 : i32
        %dma_start3A_345 = tpu.memref_slice %arg8[%add3A_292, %dma_start3A_344] : memref<32x80xi32, #tpu.memory_space<vmem>> -> memref<1x80xi32, #tpu.memory_space<vmem>>
        %dma_start3A_346 = tpu.memref_squeeze %dma_start3A_345 : memref<1x80xi32, #tpu.memory_space<vmem>> -> memref<80xi32, #tpu.memory_space<vmem>>
        %dma_start3A_347 = arith.constant 0 : i32
        %dma_start3A_348 = arith.constant 0 : i32
        %dma_start3A_349 = tpu.memref_slice %arg13[%dma_start3A_347, %dma_start3A_348] : memref<10240x128xf32, #tpu.memory_space<vmem_shared>> -> memref<10240x128xf32, #tpu.memory_space<vmem_shared>>
        tpu.enqueue_indirect_dma source(%arg10 : memref<80x128xf32, #tpu.memory_space<vmem>>) target(%dma_start3A_349 : memref<10240x128xf32, #tpu.memory_space<vmem_shared>>) offsets(%dma_start3A_346 : memref<80xi32, #tpu.memory_space<vmem>>) semaphore(%run_scoped3A_343 : memref<!tpu.dma_semaphore, #tpu.memory_space<semaphore_mem>>) {add = true}
        %dma_wait3A_350 = arith.constant 0 : i32
        %dma_wait3A_351 = tpu.memref_slice %arg8[%add3A_292, %dma_wait3A_350] : memref<32x80xi32, #tpu.memory_space<vmem>> -> memref<1x80xi32, #tpu.memory_space<vmem>>
        %dma_wait3A_352 = tpu.memref_squeeze %dma_wait3A_351 : memref<1x80xi32, #tpu.memory_space<vmem>> -> memref<80xi32, #tpu.memory_space<vmem>>
        %dma_wait3A_353 = arith.constant 0 : i32
        %dma_wait3A_354 = arith.constant 0 : i32
        %dma_wait3A_355 = tpu.memref_slice %arg13[%dma_wait3A_353, %dma_wait3A_354] : memref<10240x128xf32, #tpu.memory_space<vmem_shared>> -> memref<10240x128xf32, #tpu.memory_space<vmem_shared>>
        tpu.wait_indirect_dma semaphore(%run_scoped3A_343 : memref<!tpu.dma_semaphore, #tpu.memory_space<semaphore_mem>>) src(%arg10 : memref<80x128xf32, #tpu.memory_space<vmem>>) dst(%dma_wait3A_355 : memref<10240x128xf32, #tpu.memory_space<vmem_shared>>)
        tpu.yield
      }) : () -> ()
      %add3A_299 = arith.constant 4 : i32
      %add3A_300 = arith.addi %add3A_292, %add3A_299 : i32
      %dma_start3A_301 = arith.constant 0 : i32
      %dma_start3A_302 = tpu.memref_slice %arg7[%add3A_300, %dma_start3A_301] : memref<32x80xi32, #tpu.memory_space<vmem>> -> memref<1x80xi32, #tpu.memory_space<vmem>>
      %dma_start3A_303 = tpu.memref_squeeze %dma_start3A_302 : memref<1x80xi32, #tpu.memory_space<vmem>> -> memref<80xi32, #tpu.memory_space<vmem>>
      %dma_start3A_304 = arith.constant 0 : i32
      %dma_start3A_305 = arith.constant 0 : i32
      %dma_start3A_306 = tpu.memref_slice %arg2[%dma_start3A_304, %dma_start3A_305] : memref<90000x128xf32, #tpu.memory_space<hbm>> -> memref<90000x128xf32, #tpu.memory_space<hbm>>
      tpu.enqueue_indirect_dma source(%dma_start3A_306 : memref<90000x128xf32, #tpu.memory_space<hbm>>) target(%arg10 : memref<80x128xf32, #tpu.memory_space<vmem>>) offsets(%dma_start3A_303 : memref<80xi32, #tpu.memory_space<vmem>>) semaphore(%arg15 : memref<!tpu.dma_semaphore, #tpu.memory_space<semaphore_mem>>)
      %mul3A_307 = arith.constant 4 : i32
      %mul3A_308 = arith.muli %scan3A_270, %mul3A_307 : i32
      %add3A_309 = arith.constant 2 : i32
      %add3A_310 = arith.addi %mul3A_308, %add3A_309 : i32
      %dma_wait3A_311 = arith.constant 0 : i32
      %dma_wait3A_312 = tpu.memref_slice %arg7[%add3A_310, %dma_wait3A_311] : memref<32x80xi32, #tpu.memory_space<vmem>> -> memref<1x80xi32, #tpu.memory_space<vmem>>
      %dma_wait3A_313 = tpu.memref_squeeze %dma_wait3A_312 : memref<1x80xi32, #tpu.memory_space<vmem>> -> memref<80xi32, #tpu.memory_space<vmem>>
      %dma_wait3A_314 = arith.constant 0 : i32
      %dma_wait3A_315 = arith.constant 0 : i32
      %dma_wait3A_316 = tpu.memref_slice %arg2[%dma_wait3A_314, %dma_wait3A_315] : memref<90000x128xf32, #tpu.memory_space<hbm>> -> memref<90000x128xf32, #tpu.memory_space<hbm>>
      tpu.wait_indirect_dma semaphore(%arg16 : memref<!tpu.dma_semaphore, #tpu.memory_space<semaphore_mem>>) src(%dma_wait3A_316 : memref<90000x128xf32, #tpu.memory_space<hbm>>) dst(%arg11 : memref<80x128xf32, #tpu.memory_space<vmem>>)
      "tpu.region"() ({
        %run_scoped3A_343 = tpu.sem_alloc : memref<!tpu.dma_semaphore, #tpu.memory_space<semaphore_mem>>
        %dma_start3A_344 = arith.constant 0 : i32
        %dma_start3A_345 = tpu.memref_slice %arg8[%add3A_310, %dma_start3A_344] : memref<32x80xi32, #tpu.memory_space<vmem>> -> memref<1x80xi32, #tpu.memory_space<vmem>>
        %dma_start3A_346 = tpu.memref_squeeze %dma_start3A_345 : memref<1x80xi32, #tpu.memory_space<vmem>> -> memref<80xi32, #tpu.memory_space<vmem>>
        %dma_start3A_347 = arith.constant 0 : i32
        %dma_start3A_348 = arith.constant 0 : i32
        %dma_start3A_349 = tpu.memref_slice %arg13[%dma_start3A_347, %dma_start3A_348] : memref<10240x128xf32, #tpu.memory_space<vmem_shared>> -> memref<10240x128xf32, #tpu.memory_space<vmem_shared>>
        tpu.enqueue_indirect_dma source(%arg11 : memref<80x128xf32, #tpu.memory_space<vmem>>) target(%dma_start3A_349 : memref<10240x128xf32, #tpu.memory_space<vmem_shared>>) offsets(%dma_start3A_346 : memref<80xi32, #tpu.memory_space<vmem>>) semaphore(%run_scoped3A_343 : memref<!tpu.dma_semaphore, #tpu.memory_space<semaphore_mem>>) {add = true}
        %dma_wait3A_350 = arith.constant 0 : i32
        %dma_wait3A_351 = tpu.memref_slice %arg8[%add3A_310, %dma_wait3A_350] : memref<32x80xi32, #tpu.memory_space<vmem>> -> memref<1x80xi32, #tpu.memory_space<vmem>>
        %dma_wait3A_352 = tpu.memref_squeeze %dma_wait3A_351 : memref<1x80xi32, #tpu.memory_space<vmem>> -> memref<80xi32, #tpu.memory_space<vmem>>
        %dma_wait3A_353 = arith.constant 0 : i32
        %dma_wait3A_354 = arith.constant 0 : i32
        %dma_wait3A_355 = tpu.memref_slice %arg13[%dma_wait3A_353, %dma_wait3A_354] : memref<10240x128xf32, #tpu.memory_space<vmem_shared>> -> memref<10240x128xf32, #tpu.memory_space<vmem_shared>>
        tpu.wait_indirect_dma semaphore(%run_scoped3A_343 : memref<!tpu.dma_semaphore, #tpu.memory_space<semaphore_mem>>) src(%arg11 : memref<80x128xf32, #tpu.memory_space<vmem>>) dst(%dma_wait3A_355 : memref<10240x128xf32, #tpu.memory_space<vmem_shared>>)
        tpu.yield
      }) : () -> ()
      %add3A_317 = arith.constant 4 : i32
      %add3A_318 = arith.addi %add3A_310, %add3A_317 : i32
      %dma_start3A_319 = arith.constant 0 : i32
      %dma_start3A_320 = tpu.memref_slice %arg7[%add3A_318, %dma_start3A_319] : memref<32x80xi32, #tpu.memory_space<vmem>> -> memref<1x80xi32, #tpu.memory_space<vmem>>
      %dma_start3A_321 = tpu.memref_squeeze %dma_start3A_320 : memref<1x80xi32, #tpu.memory_space<vmem>> -> memref<80xi32, #tpu.memory_space<vmem>>
      %dma_start3A_322 = arith.constant 0 : i32
      %dma_start3A_323 = arith.constant 0 : i32
      %dma_start3A_324 = tpu.memref_slice %arg2[%dma_start3A_322, %dma_start3A_323] : memref<90000x128xf32, #tpu.memory_space<hbm>> -> memref<90000x128xf32, #tpu.memory_space<hbm>>
      tpu.enqueue_indirect_dma source(%dma_start3A_324 : memref<90000x128xf32, #tpu.memory_space<hbm>>) target(%arg11 : memref<80x128xf32, #tpu.memory_space<vmem>>) offsets(%dma_start3A_321 : memref<80xi32, #tpu.memory_space<vmem>>) semaphore(%arg16 : memref<!tpu.dma_semaphore, #tpu.memory_space<semaphore_mem>>)
      %mul3A_325 = arith.constant 4 : i32
      %mul3A_326 = arith.muli %scan3A_270, %mul3A_325 : i32
      %add3A_327 = arith.constant 3 : i32
      %add3A_328 = arith.addi %mul3A_326, %add3A_327 : i32
      %dma_wait3A_329 = arith.constant 0 : i32
      %dma_wait3A_330 = tpu.memref_slice %arg7[%add3A_328, %dma_wait3A_329] : memref<32x80xi32, #tpu.memory_space<vmem>> -> memref<1x80xi32, #tpu.memory_space<vmem>>
      %dma_wait3A_331 = tpu.memref_squeeze %dma_wait3A_330 : memref<1x80xi32, #tpu.memory_space<vmem>> -> memref<80xi32, #tpu.memory_space<vmem>>
      %dma_wait3A_332 = arith.constant 0 : i32
      %dma_wait3A_333 = arith.constant 0 : i32
      %dma_wait3A_334 = tpu.memref_slice %arg2[%dma_wait3A_332, %dma_wait3A_333] : memref<90000x128xf32, #tpu.memory_space<hbm>> -> memref<90000x128xf32, #tpu.memory_space<hbm>>
      tpu.wait_indirect_dma semaphore(%arg17 : memref<!tpu.dma_semaphore, #tpu.memory_space<semaphore_mem>>) src(%dma_wait3A_334 : memref<90000x128xf32, #tpu.memory_space<hbm>>) dst(%arg12 : memref<80x128xf32, #tpu.memory_space<vmem>>)
      "tpu.region"() ({
        %run_scoped3A_343 = tpu.sem_alloc : memref<!tpu.dma_semaphore, #tpu.memory_space<semaphore_mem>>
        %dma_start3A_344 = arith.constant 0 : i32
        %dma_start3A_345 = tpu.memref_slice %arg8[%add3A_328, %dma_start3A_344] : memref<32x80xi32, #tpu.memory_space<vmem>> -> memref<1x80xi32, #tpu.memory_space<vmem>>
        %dma_start3A_346 = tpu.memref_squeeze %dma_start3A_345 : memref<1x80xi32, #tpu.memory_space<vmem>> -> memref<80xi32, #tpu.memory_space<vmem>>
        %dma_start3A_347 = arith.constant 0 : i32
        %dma_start3A_348 = arith.constant 0 : i32
        %dma_start3A_349 = tpu.memref_slice %arg13[%dma_start3A_347, %dma_start3A_348] : memref<10240x128xf32, #tpu.memory_space<vmem_shared>> -> memref<10240x128xf32, #tpu.memory_space<vmem_shared>>
        tpu.enqueue_indirect_dma source(%arg12 : memref<80x128xf32, #tpu.memory_space<vmem>>) target(%dma_start3A_349 : memref<10240x128xf32, #tpu.memory_space<vmem_shared>>) offsets(%dma_start3A_346 : memref<80xi32, #tpu.memory_space<vmem>>) semaphore(%run_scoped3A_343 : memref<!tpu.dma_semaphore, #tpu.memory_space<semaphore_mem>>) {add = true}
        %dma_wait3A_350 = arith.constant 0 : i32
        %dma_wait3A_351 = tpu.memref_slice %arg8[%add3A_328, %dma_wait3A_350] : memref<32x80xi32, #tpu.memory_space<vmem>> -> memref<1x80xi32, #tpu.memory_space<vmem>>
        %dma_wait3A_352 = tpu.memref_squeeze %dma_wait3A_351 : memref<1x80xi32, #tpu.memory_space<vmem>> -> memref<80xi32, #tpu.memory_space<vmem>>
        %dma_wait3A_353 = arith.constant 0 : i32
        %dma_wait3A_354 = arith.constant 0 : i32
        %dma_wait3A_355 = tpu.memref_slice %arg13[%dma_wait3A_353, %dma_wait3A_354] : memref<10240x128xf32, #tpu.memory_space<vmem_shared>> -> memref<10240x128xf32, #tpu.memory_space<vmem_shared>>
        tpu.wait_indirect_dma semaphore(%run_scoped3A_343 : memref<!tpu.dma_semaphore, #tpu.memory_space<semaphore_mem>>) src(%arg12 : memref<80x128xf32, #tpu.memory_space<vmem>>) dst(%dma_wait3A_355 : memref<10240x128xf32, #tpu.memory_space<vmem_shared>>)
        tpu.yield
      }) : () -> ()
      %add3A_335 = arith.constant 4 : i32
      %add3A_336 = arith.addi %add3A_328, %add3A_335 : i32
      %dma_start3A_337 = arith.constant 0 : i32
      %dma_start3A_338 = tpu.memref_slice %arg7[%add3A_336, %dma_start3A_337] : memref<32x80xi32, #tpu.memory_space<vmem>> -> memref<1x80xi32, #tpu.memory_space<vmem>>
      %dma_start3A_339 = tpu.memref_squeeze %dma_start3A_338 : memref<1x80xi32, #tpu.memory_space<vmem>> -> memref<80xi32, #tpu.memory_space<vmem>>
      %dma_start3A_340 = arith.constant 0 : i32
      %dma_start3A_341 = arith.constant 0 : i32
      %dma_start3A_342 = tpu.memref_slice %arg2[%dma_start3A_340, %dma_start3A_341] : memref<90000x128xf32, #tpu.memory_space<hbm>> -> memref<90000x128xf32, #tpu.memory_space<hbm>>
      tpu.enqueue_indirect_dma source(%dma_start3A_342 : memref<90000x128xf32, #tpu.memory_space<hbm>>) target(%arg12 : memref<80x128xf32, #tpu.memory_space<vmem>>) offsets(%dma_start3A_339 : memref<80xi32, #tpu.memory_space<vmem>>) semaphore(%arg17 : memref<!tpu.dma_semaphore, #tpu.memory_space<semaphore_mem>>)
    }
    %scan3A_164 = arith.constant 7 : i32
    %dma_wait3A_165 = arith.constant 28 : i32
    %dma_wait3A_166 = arith.constant 0 : i32
    %dma_wait3A_167 = tpu.memref_slice %arg7[%dma_wait3A_165, %dma_wait3A_166] : memref<32x80xi32, #tpu.memory_space<vmem>> -> memref<1x80xi32, #tpu.memory_space<vmem>>
    %dma_wait3A_168 = tpu.memref_squeeze %dma_wait3A_167 : memref<1x80xi32, #tpu.memory_space<vmem>> -> memref<80xi32, #tpu.memory_space<vmem>>
    %dma_wait3A_169 = arith.constant 0 : i32
    %dma_wait3A_170 = arith.constant 0 : i32
    %dma_wait3A_171 = tpu.memref_slice %arg2[%dma_wait3A_169, %dma_wait3A_170] : memref<90000x128xf32, #tpu.memory_space<hbm>> -> memref<90000x128xf32, #tpu.memory_space<hbm>>
    tpu.wait_indirect_dma semaphore(%arg14 : memref<!tpu.dma_semaphore, #tpu.memory_space<semaphore_mem>>) src(%dma_wait3A_171 : memref<90000x128xf32, #tpu.memory_space<hbm>>) dst(%arg9 : memref<80x128xf32, #tpu.memory_space<vmem>>)
    %run_scoped3A_172 = arith.constant 28 : i32
    "tpu.region"() ({
      %run_scoped3A_270 = tpu.sem_alloc : memref<!tpu.dma_semaphore, #tpu.memory_space<semaphore_mem>>
      %dma_start3A_271 = arith.constant 0 : i32
      %dma_start3A_272 = tpu.memref_slice %arg8[%run_scoped3A_172, %dma_start3A_271] : memref<32x80xi32, #tpu.memory_space<vmem>> -> memref<1x80xi32, #tpu.memory_space<vmem>>
      %dma_start3A_273 = tpu.memref_squeeze %dma_start3A_272 : memref<1x80xi32, #tpu.memory_space<vmem>> -> memref<80xi32, #tpu.memory_space<vmem>>
      %dma_start3A_274 = arith.constant 0 : i32
      %dma_start3A_275 = arith.constant 0 : i32
      %dma_start3A_276 = tpu.memref_slice %arg13[%dma_start3A_274, %dma_start3A_275] : memref<10240x128xf32, #tpu.memory_space<vmem_shared>> -> memref<10240x128xf32, #tpu.memory_space<vmem_shared>>
      tpu.enqueue_indirect_dma source(%arg9 : memref<80x128xf32, #tpu.memory_space<vmem>>) target(%dma_start3A_276 : memref<10240x128xf32, #tpu.memory_space<vmem_shared>>) offsets(%dma_start3A_273 : memref<80xi32, #tpu.memory_space<vmem>>) semaphore(%run_scoped3A_270 : memref<!tpu.dma_semaphore, #tpu.memory_space<semaphore_mem>>) {add = true}
      %dma_wait3A_277 = arith.constant 0 : i32
      %dma_wait3A_278 = tpu.memref_slice %arg8[%run_scoped3A_172, %dma_wait3A_277] : memref<32x80xi32, #tpu.memory_space<vmem>> -> memref<1x80xi32, #tpu.memory_space<vmem>>
      %dma_wait3A_279 = tpu.memref_squeeze %dma_wait3A_278 : memref<1x80xi32, #tpu.memory_space<vmem>> -> memref<80xi32, #tpu.memory_space<vmem>>
      %dma_wait3A_280 = arith.constant 0 : i32
      %dma_wait3A_281 = arith.constant 0 : i32
      %dma_wait3A_282 = tpu.memref_slice %arg13[%dma_wait3A_280, %dma_wait3A_281] : memref<10240x128xf32, #tpu.memory_space<vmem_shared>> -> memref<10240x128xf32, #tpu.memory_space<vmem_shared>>
      tpu.wait_indirect_dma semaphore(%run_scoped3A_270 : memref<!tpu.dma_semaphore, #tpu.memory_space<semaphore_mem>>) src(%arg9 : memref<80x128xf32, #tpu.memory_space<vmem>>) dst(%dma_wait3A_282 : memref<10240x128xf32, #tpu.memory_space<vmem_shared>>)
      tpu.yield
    }) : () -> ()
    %dma_wait3A_173 = arith.constant 29 : i32
    %dma_wait3A_174 = arith.constant 0 : i32
    %dma_wait3A_175 = tpu.memref_slice %arg7[%dma_wait3A_173, %dma_wait3A_174] : memref<32x80xi32, #tpu.memory_space<vmem>> -> memref<1x80xi32, #tpu.memory_space<vmem>>
    %dma_wait3A_176 = tpu.memref_squeeze %dma_wait3A_175 : memref<1x80xi32, #tpu.memory_space<vmem>> -> memref<80xi32, #tpu.memory_space<vmem>>
    %dma_wait3A_177 = arith.constant 0 : i32
    %dma_wait3A_178 = arith.constant 0 : i32
    %dma_wait3A_179 = tpu.memref_slice %arg2[%dma_wait3A_177, %dma_wait3A_178] : memref<90000x128xf32, #tpu.memory_space<hbm>> -> memref<90000x128xf32, #tpu.memory_space<hbm>>
    tpu.wait_indirect_dma semaphore(%arg15 : memref<!tpu.dma_semaphore, #tpu.memory_space<semaphore_mem>>) src(%dma_wait3A_179 : memref<90000x128xf32, #tpu.memory_space<hbm>>) dst(%arg10 : memref<80x128xf32, #tpu.memory_space<vmem>>)
    %run_scoped3A_180 = arith.constant 29 : i32
    "tpu.region"() ({
      %run_scoped3A_270 = tpu.sem_alloc : memref<!tpu.dma_semaphore, #tpu.memory_space<semaphore_mem>>
      %dma_start3A_271 = arith.constant 0 : i32
      %dma_start3A_272 = tpu.memref_slice %arg8[%run_scoped3A_180, %dma_start3A_271] : memref<32x80xi32, #tpu.memory_space<vmem>> -> memref<1x80xi32, #tpu.memory_space<vmem>>
      %dma_start3A_273 = tpu.memref_squeeze %dma_start3A_272 : memref<1x80xi32, #tpu.memory_space<vmem>> -> memref<80xi32, #tpu.memory_space<vmem>>
      %dma_start3A_274 = arith.constant 0 : i32
      %dma_start3A_275 = arith.constant 0 : i32
      %dma_start3A_276 = tpu.memref_slice %arg13[%dma_start3A_274, %dma_start3A_275] : memref<10240x128xf32, #tpu.memory_space<vmem_shared>> -> memref<10240x128xf32, #tpu.memory_space<vmem_shared>>
      tpu.enqueue_indirect_dma source(%arg10 : memref<80x128xf32, #tpu.memory_space<vmem>>) target(%dma_start3A_276 : memref<10240x128xf32, #tpu.memory_space<vmem_shared>>) offsets(%dma_start3A_273 : memref<80xi32, #tpu.memory_space<vmem>>) semaphore(%run_scoped3A_270 : memref<!tpu.dma_semaphore, #tpu.memory_space<semaphore_mem>>) {add = true}
      %dma_wait3A_277 = arith.constant 0 : i32
      %dma_wait3A_278 = tpu.memref_slice %arg8[%run_scoped3A_180, %dma_wait3A_277] : memref<32x80xi32, #tpu.memory_space<vmem>> -> memref<1x80xi32, #tpu.memory_space<vmem>>
      %dma_wait3A_279 = tpu.memref_squeeze %dma_wait3A_278 : memref<1x80xi32, #tpu.memory_space<vmem>> -> memref<80xi32, #tpu.memory_space<vmem>>
      %dma_wait3A_280 = arith.constant 0 : i32
      %dma_wait3A_281 = arith.constant 0 : i32
      %dma_wait3A_282 = tpu.memref_slice %arg13[%dma_wait3A_280, %dma_wait3A_281] : memref<10240x128xf32, #tpu.memory_space<vmem_shared>> -> memref<10240x128xf32, #tpu.memory_space<vmem_shared>>
      tpu.wait_indirect_dma semaphore(%run_scoped3A_270 : memref<!tpu.dma_semaphore, #tpu.memory_space<semaphore_mem>>) src(%arg10 : memref<80x128xf32, #tpu.memory_space<vmem>>) dst(%dma_wait3A_282 : memref<10240x128xf32, #tpu.memory_space<vmem_shared>>)
      tpu.yield
    }) : () -> ()
    %dma_wait3A_181 = arith.constant 30 : i32
    %dma_wait3A_182 = arith.constant 0 : i32
    %dma_wait3A_183 = tpu.memref_slice %arg7[%dma_wait3A_181, %dma_wait3A_182] : memref<32x80xi32, #tpu.memory_space<vmem>> -> memref<1x80xi32, #tpu.memory_space<vmem>>
    %dma_wait3A_184 = tpu.memref_squeeze %dma_wait3A_183 : memref<1x80xi32, #tpu.memory_space<vmem>> -> memref<80xi32, #tpu.memory_space<vmem>>
    %dma_wait3A_185 = arith.constant 0 : i32
    %dma_wait3A_186 = arith.constant 0 : i32
    %dma_wait3A_187 = tpu.memref_slice %arg2[%dma_wait3A_185, %dma_wait3A_186] : memref<90000x128xf32, #tpu.memory_space<hbm>> -> memref<90000x128xf32, #tpu.memory_space<hbm>>
    tpu.wait_indirect_dma semaphore(%arg16 : memref<!tpu.dma_semaphore, #tpu.memory_space<semaphore_mem>>) src(%dma_wait3A_187 : memref<90000x128xf32, #tpu.memory_space<hbm>>) dst(%arg11 : memref<80x128xf32, #tpu.memory_space<vmem>>)
    %run_scoped3A_188 = arith.constant 30 : i32
    "tpu.region"() ({
      %run_scoped3A_270 = tpu.sem_alloc : memref<!tpu.dma_semaphore, #tpu.memory_space<semaphore_mem>>
      %dma_start3A_271 = arith.constant 0 : i32
      %dma_start3A_272 = tpu.memref_slice %arg8[%run_scoped3A_188, %dma_start3A_271] : memref<32x80xi32, #tpu.memory_space<vmem>> -> memref<1x80xi32, #tpu.memory_space<vmem>>
      %dma_start3A_273 = tpu.memref_squeeze %dma_start3A_272 : memref<1x80xi32, #tpu.memory_space<vmem>> -> memref<80xi32, #tpu.memory_space<vmem>>
      %dma_start3A_274 = arith.constant 0 : i32
      %dma_start3A_275 = arith.constant 0 : i32
      %dma_start3A_276 = tpu.memref_slice %arg13[%dma_start3A_274, %dma_start3A_275] : memref<10240x128xf32, #tpu.memory_space<vmem_shared>> -> memref<10240x128xf32, #tpu.memory_space<vmem_shared>>
      tpu.enqueue_indirect_dma source(%arg11 : memref<80x128xf32, #tpu.memory_space<vmem>>) target(%dma_start3A_276 : memref<10240x128xf32, #tpu.memory_space<vmem_shared>>) offsets(%dma_start3A_273 : memref<80xi32, #tpu.memory_space<vmem>>) semaphore(%run_scoped3A_270 : memref<!tpu.dma_semaphore, #tpu.memory_space<semaphore_mem>>) {add = true}
      %dma_wait3A_277 = arith.constant 0 : i32
      %dma_wait3A_278 = tpu.memref_slice %arg8[%run_scoped3A_188, %dma_wait3A_277] : memref<32x80xi32, #tpu.memory_space<vmem>> -> memref<1x80xi32, #tpu.memory_space<vmem>>
      %dma_wait3A_279 = tpu.memref_squeeze %dma_wait3A_278 : memref<1x80xi32, #tpu.memory_space<vmem>> -> memref<80xi32, #tpu.memory_space<vmem>>
      %dma_wait3A_280 = arith.constant 0 : i32
      %dma_wait3A_281 = arith.constant 0 : i32
      %dma_wait3A_282 = tpu.memref_slice %arg13[%dma_wait3A_280, %dma_wait3A_281] : memref<10240x128xf32, #tpu.memory_space<vmem_shared>> -> memref<10240x128xf32, #tpu.memory_space<vmem_shared>>
      tpu.wait_indirect_dma semaphore(%run_scoped3A_270 : memref<!tpu.dma_semaphore, #tpu.memory_space<semaphore_mem>>) src(%arg11 : memref<80x128xf32, #tpu.memory_space<vmem>>) dst(%dma_wait3A_282 : memref<10240x128xf32, #tpu.memory_space<vmem_shared>>)
      tpu.yield
    }) : () -> ()
    %dma_wait3A_189 = arith.constant 31 : i32
    %dma_wait3A_190 = arith.constant 0 : i32
    %dma_wait3A_191 = tpu.memref_slice %arg7[%dma_wait3A_189, %dma_wait3A_190] : memref<32x80xi32, #tpu.memory_space<vmem>> -> memref<1x80xi32, #tpu.memory_space<vmem>>
    %dma_wait3A_192 = tpu.memref_squeeze %dma_wait3A_191 : memref<1x80xi32, #tpu.memory_space<vmem>> -> memref<80xi32, #tpu.memory_space<vmem>>
    %dma_wait3A_193 = arith.constant 0 : i32
    %dma_wait3A_194 = arith.constant 0 : i32
    %dma_wait3A_195 = tpu.memref_slice %arg2[%dma_wait3A_193, %dma_wait3A_194] : memref<90000x128xf32, #tpu.memory_space<hbm>> -> memref<90000x128xf32, #tpu.memory_space<hbm>>
    tpu.wait_indirect_dma semaphore(%arg17 : memref<!tpu.dma_semaphore, #tpu.memory_space<semaphore_mem>>) src(%dma_wait3A_195 : memref<90000x128xf32, #tpu.memory_space<hbm>>) dst(%arg12 : memref<80x128xf32, #tpu.memory_space<vmem>>)
    %run_scoped3A_196 = arith.constant 31 : i32
    "tpu.region"() ({
      %run_scoped3A_270 = tpu.sem_alloc : memref<!tpu.dma_semaphore, #tpu.memory_space<semaphore_mem>>
      %dma_start3A_271 = arith.constant 0 : i32
      %dma_start3A_272 = tpu.memref_slice %arg8[%run_scoped3A_196, %dma_start3A_271] : memref<32x80xi32, #tpu.memory_space<vmem>> -> memref<1x80xi32, #tpu.memory_space<vmem>>
      %dma_start3A_273 = tpu.memref_squeeze %dma_start3A_272 : memref<1x80xi32, #tpu.memory_space<vmem>> -> memref<80xi32, #tpu.memory_space<vmem>>
      %dma_start3A_274 = arith.constant 0 : i32
      %dma_start3A_275 = arith.constant 0 : i32
      %dma_start3A_276 = tpu.memref_slice %arg13[%dma_start3A_274, %dma_start3A_275] : memref<10240x128xf32, #tpu.memory_space<vmem_shared>> -> memref<10240x128xf32, #tpu.memory_space<vmem_shared>>
      tpu.enqueue_indirect_dma source(%arg12 : memref<80x128xf32, #tpu.memory_space<vmem>>) target(%dma_start3A_276 : memref<10240x128xf32, #tpu.memory_space<vmem_shared>>) offsets(%dma_start3A_273 : memref<80xi32, #tpu.memory_space<vmem>>) semaphore(%run_scoped3A_270 : memref<!tpu.dma_semaphore, #tpu.memory_space<semaphore_mem>>) {add = true}
      %dma_wait3A_277 = arith.constant 0 : i32
      %dma_wait3A_278 = tpu.memref_slice %arg8[%run_scoped3A_196, %dma_wait3A_277] : memref<32x80xi32, #tpu.memory_space<vmem>> -> memref<1x80xi32, #tpu.memory_space<vmem>>
      %dma_wait3A_279 = tpu.memref_squeeze %dma_wait3A_278 : memref<1x80xi32, #tpu.memory_space<vmem>> -> memref<80xi32, #tpu.memory_space<vmem>>
      %dma_wait3A_280 = arith.constant 0 : i32
      %dma_wait3A_281 = arith.constant 0 : i32
      %dma_wait3A_282 = tpu.memref_slice %arg13[%dma_wait3A_280, %dma_wait3A_281] : memref<10240x128xf32, #tpu.memory_space<vmem_shared>> -> memref<10240x128xf32, #tpu.memory_space<vmem_shared>>
      tpu.wait_indirect_dma semaphore(%run_scoped3A_270 : memref<!tpu.dma_semaphore, #tpu.memory_space<semaphore_mem>>) src(%arg12 : memref<80x128xf32, #tpu.memory_space<vmem>>) dst(%dma_wait3A_282 : memref<10240x128xf32, #tpu.memory_space<vmem_shared>>)
      tpu.yield
    }) : () -> ()
    "tpu.region"() ({
      %run_scoped3A_270 = tpu.sem_alloc : memref<!tpu.dma_semaphore, #tpu.memory_space<semaphore_mem>>
      %dma_start3A_271 = arith.constant 96 : i32
      %dma_start3A_272 = arith.constant 0 : i32
      %dma_start3A_273 = tpu.memref_slice %arg3[%add3A, %dma_start3A_271, %dma_start3A_272] : memref<32x128x80xi32, #tpu.memory_space<hbm>> -> memref<1x32x80xi32, #tpu.memory_space<hbm>>
      %dma_start3A_274 = tpu.memref_squeeze %dma_start3A_273 : memref<1x32x80xi32, #tpu.memory_space<hbm>> -> memref<32x80xi32, #tpu.memory_space<hbm>>
      %dma_start3A_275 = arith.constant 96 : i32
      %dma_start3A_276 = arith.constant 0 : i32
      %dma_start3A_277 = tpu.memref_slice %arg3[%add3A, %dma_start3A_275, %dma_start3A_276] : memref<32x128x80xi32, #tpu.memory_space<hbm>> -> memref<1x32x80xi32, #tpu.memory_space<hbm>>
      %dma_start3A_278 = tpu.memref_squeeze %dma_start3A_277 : memref<1x32x80xi32, #tpu.memory_space<hbm>> -> memref<32x80xi32, #tpu.memory_space<hbm>>
      tpu.enqueue_dma source(%dma_start3A_278 : memref<32x80xi32, #tpu.memory_space<hbm>>) target(%arg7 : memref<32x80xi32, #tpu.memory_space<vmem>>) target_semaphore(%run_scoped3A_270 : memref<!tpu.dma_semaphore, #tpu.memory_space<semaphore_mem>>)
      %dma_wait3A_279 = arith.constant 96 : i32
      %dma_wait3A_280 = arith.constant 0 : i32
      %dma_wait3A_281 = tpu.memref_slice %arg3[%add3A, %dma_wait3A_279, %dma_wait3A_280] : memref<32x128x80xi32, #tpu.memory_space<hbm>> -> memref<1x32x80xi32, #tpu.memory_space<hbm>>
      %dma_wait3A_282 = tpu.memref_squeeze %dma_wait3A_281 : memref<1x32x80xi32, #tpu.memory_space<hbm>> -> memref<32x80xi32, #tpu.memory_space<hbm>>
      %dma_wait3A_283 = arith.constant 96 : i32
      %dma_wait3A_284 = arith.constant 0 : i32
      %dma_wait3A_285 = tpu.memref_slice %arg3[%add3A, %dma_wait3A_283, %dma_wait3A_284] : memref<32x128x80xi32, #tpu.memory_space<hbm>> -> memref<1x32x80xi32, #tpu.memory_space<hbm>>
      %dma_wait3A_286 = tpu.memref_squeeze %dma_wait3A_285 : memref<1x32x80xi32, #tpu.memory_space<hbm>> -> memref<32x80xi32, #tpu.memory_space<hbm>>
      tpu.wait_dma2 semaphore(%run_scoped3A_270 : memref<!tpu.dma_semaphore, #tpu.memory_space<semaphore_mem>>) src(%dma_wait3A_286 : memref<32x80xi32, #tpu.memory_space<hbm>>) dst(%arg7 : memref<32x80xi32, #tpu.memory_space<vmem>>)
      tpu.yield
    }) : () -> ()
    "tpu.region"() ({
      %run_scoped3A_270 = tpu.sem_alloc : memref<!tpu.dma_semaphore, #tpu.memory_space<semaphore_mem>>
      %dma_start3A_271 = arith.constant 96 : i32
      %dma_start3A_272 = arith.constant 0 : i32
      %dma_start3A_273 = tpu.memref_slice %arg4[%add3A, %dma_start3A_271, %dma_start3A_272] : memref<32x128x80xi32, #tpu.memory_space<hbm>> -> memref<1x32x80xi32, #tpu.memory_space<hbm>>
      %dma_start3A_274 = tpu.memref_squeeze %dma_start3A_273 : memref<1x32x80xi32, #tpu.memory_space<hbm>> -> memref<32x80xi32, #tpu.memory_space<hbm>>
      %dma_start3A_275 = arith.constant 96 : i32
      %dma_start3A_276 = arith.constant 0 : i32
      %dma_start3A_277 = tpu.memref_slice %arg4[%add3A, %dma_start3A_275, %dma_start3A_276] : memref<32x128x80xi32, #tpu.memory_space<hbm>> -> memref<1x32x80xi32, #tpu.memory_space<hbm>>
      %dma_start3A_278 = tpu.memref_squeeze %dma_start3A_277 : memref<1x32x80xi32, #tpu.memory_space<hbm>> -> memref<32x80xi32, #tpu.memory_space<hbm>>
      tpu.enqueue_dma source(%dma_start3A_278 : memref<32x80xi32, #tpu.memory_space<hbm>>) target(%arg8 : memref<32x80xi32, #tpu.memory_space<vmem>>) target_semaphore(%run_scoped3A_270 : memref<!tpu.dma_semaphore, #tpu.memory_space<semaphore_mem>>)
      %dma_wait3A_279 = arith.constant 96 : i32
      %dma_wait3A_280 = arith.constant 0 : i32
      %dma_wait3A_281 = tpu.memref_slice %arg4[%add3A, %dma_wait3A_279, %dma_wait3A_280] : memref<32x128x80xi32, #tpu.memory_space<hbm>> -> memref<1x32x80xi32, #tpu.memory_space<hbm>>
      %dma_wait3A_282 = tpu.memref_squeeze %dma_wait3A_281 : memref<1x32x80xi32, #tpu.memory_space<hbm>> -> memref<32x80xi32, #tpu.memory_space<hbm>>
      %dma_wait3A_283 = arith.constant 96 : i32
      %dma_wait3A_284 = arith.constant 0 : i32
      %dma_wait3A_285 = tpu.memref_slice %arg4[%add3A, %dma_wait3A_283, %dma_wait3A_284] : memref<32x128x80xi32, #tpu.memory_space<hbm>> -> memref<1x32x80xi32, #tpu.memory_space<hbm>>
      %dma_wait3A_286 = tpu.memref_squeeze %dma_wait3A_285 : memref<1x32x80xi32, #tpu.memory_space<hbm>> -> memref<32x80xi32, #tpu.memory_space<hbm>>
      tpu.wait_dma2 semaphore(%run_scoped3A_270 : memref<!tpu.dma_semaphore, #tpu.memory_space<semaphore_mem>>) src(%dma_wait3A_286 : memref<32x80xi32, #tpu.memory_space<hbm>>) dst(%arg8 : memref<32x80xi32, #tpu.memory_space<vmem>>)
      tpu.yield
    }) : () -> ()
    %dma_start3A_197 = arith.constant 0 : i32
    %dma_start3A_198 = arith.constant 0 : i32
    %dma_start3A_199 = tpu.memref_slice %arg7[%dma_start3A_197, %dma_start3A_198] : memref<32x80xi32, #tpu.memory_space<vmem>> -> memref<1x80xi32, #tpu.memory_space<vmem>>
    %dma_start3A_200 = tpu.memref_squeeze %dma_start3A_199 : memref<1x80xi32, #tpu.memory_space<vmem>> -> memref<80xi32, #tpu.memory_space<vmem>>
    %dma_start3A_201 = arith.constant 0 : i32
    %dma_start3A_202 = arith.constant 0 : i32
    %dma_start3A_203 = tpu.memref_slice %arg2[%dma_start3A_201, %dma_start3A_202] : memref<90000x128xf32, #tpu.memory_space<hbm>> -> memref<90000x128xf32, #tpu.memory_space<hbm>>
    tpu.enqueue_indirect_dma source(%dma_start3A_203 : memref<90000x128xf32, #tpu.memory_space<hbm>>) target(%arg9 : memref<80x128xf32, #tpu.memory_space<vmem>>) offsets(%dma_start3A_200 : memref<80xi32, #tpu.memory_space<vmem>>) semaphore(%arg14 : memref<!tpu.dma_semaphore, #tpu.memory_space<semaphore_mem>>)
    %dma_start3A_204 = arith.constant 1 : i32
    %dma_start3A_205 = arith.constant 0 : i32
    %dma_start3A_206 = tpu.memref_slice %arg7[%dma_start3A_204, %dma_start3A_205] : memref<32x80xi32, #tpu.memory_space<vmem>> -> memref<1x80xi32, #tpu.memory_space<vmem>>
    %dma_start3A_207 = tpu.memref_squeeze %dma_start3A_206 : memref<1x80xi32, #tpu.memory_space<vmem>> -> memref<80xi32, #tpu.memory_space<vmem>>
    %dma_start3A_208 = arith.constant 0 : i32
    %dma_start3A_209 = arith.constant 0 : i32
    %dma_start3A_210 = tpu.memref_slice %arg2[%dma_start3A_208, %dma_start3A_209] : memref<90000x128xf32, #tpu.memory_space<hbm>> -> memref<90000x128xf32, #tpu.memory_space<hbm>>
    tpu.enqueue_indirect_dma source(%dma_start3A_210 : memref<90000x128xf32, #tpu.memory_space<hbm>>) target(%arg10 : memref<80x128xf32, #tpu.memory_space<vmem>>) offsets(%dma_start3A_207 : memref<80xi32, #tpu.memory_space<vmem>>) semaphore(%arg15 : memref<!tpu.dma_semaphore, #tpu.memory_space<semaphore_mem>>)
    %dma_start3A_211 = arith.constant 2 : i32
    %dma_start3A_212 = arith.constant 0 : i32
    %dma_start3A_213 = tpu.memref_slice %arg7[%dma_start3A_211, %dma_start3A_212] : memref<32x80xi32, #tpu.memory_space<vmem>> -> memref<1x80xi32, #tpu.memory_space<vmem>>
    %dma_start3A_214 = tpu.memref_squeeze %dma_start3A_213 : memref<1x80xi32, #tpu.memory_space<vmem>> -> memref<80xi32, #tpu.memory_space<vmem>>
    %dma_start3A_215 = arith.constant 0 : i32
    %dma_start3A_216 = arith.constant 0 : i32
    %dma_start3A_217 = tpu.memref_slice %arg2[%dma_start3A_215, %dma_start3A_216] : memref<90000x128xf32, #tpu.memory_space<hbm>> -> memref<90000x128xf32, #tpu.memory_space<hbm>>
    tpu.enqueue_indirect_dma source(%dma_start3A_217 : memref<90000x128xf32, #tpu.memory_space<hbm>>) target(%arg11 : memref<80x128xf32, #tpu.memory_space<vmem>>) offsets(%dma_start3A_214 : memref<80xi32, #tpu.memory_space<vmem>>) semaphore(%arg16 : memref<!tpu.dma_semaphore, #tpu.memory_space<semaphore_mem>>)
    %dma_start3A_218 = arith.constant 3 : i32
    %dma_start3A_219 = arith.constant 0 : i32
    %dma_start3A_220 = tpu.memref_slice %arg7[%dma_start3A_218, %dma_start3A_219] : memref<32x80xi32, #tpu.memory_space<vmem>> -> memref<1x80xi32, #tpu.memory_space<vmem>>
    %dma_start3A_221 = tpu.memref_squeeze %dma_start3A_220 : memref<1x80xi32, #tpu.memory_space<vmem>> -> memref<80xi32, #tpu.memory_space<vmem>>
    %dma_start3A_222 = arith.constant 0 : i32
    %dma_start3A_223 = arith.constant 0 : i32
    %dma_start3A_224 = tpu.memref_slice %arg2[%dma_start3A_222, %dma_start3A_223] : memref<90000x128xf32, #tpu.memory_space<hbm>> -> memref<90000x128xf32, #tpu.memory_space<hbm>>
    tpu.enqueue_indirect_dma source(%dma_start3A_224 : memref<90000x128xf32, #tpu.memory_space<hbm>>) target(%arg12 : memref<80x128xf32, #tpu.memory_space<vmem>>) offsets(%dma_start3A_221 : memref<80xi32, #tpu.memory_space<vmem>>) semaphore(%arg17 : memref<!tpu.dma_semaphore, #tpu.memory_space<semaphore_mem>>)
    %scan3A_225 = arith.constant 0 : i32
    %scan3A_226 = arith.constant 0 : i32
    %scan3A_227 = arith.constant 7 : i32
    %scan3A_228 = arith.addi %scan3A_226, %scan3A_227 : i32
    %scan3A_229 = arith.constant 1 : i32
    scf.for %scan3A_270 = %scan3A_226 to %scan3A_228 step %scan3A_229  : i32 {
      %mul3A_271 = arith.constant 4 : i32
      %mul3A_272 = arith.muli %scan3A_270, %mul3A_271 : i32
      %add3A_273 = arith.constant 0 : i32
      %add3A_274 = arith.addi %mul3A_272, %add3A_273 : i32
      %dma_wait3A_275 = arith.constant 0 : i32
      %dma_wait3A_276 = tpu.memref_slice %arg7[%add3A_274, %dma_wait3A_275] : memref<32x80xi32, #tpu.memory_space<vmem>> -> memref<1x80xi32, #tpu.memory_space<vmem>>
      %dma_wait3A_277 = tpu.memref_squeeze %dma_wait3A_276 : memref<1x80xi32, #tpu.memory_space<vmem>> -> memref<80xi32, #tpu.memory_space<vmem>>
      %dma_wait3A_278 = arith.constant 0 : i32
      %dma_wait3A_279 = arith.constant 0 : i32
      %dma_wait3A_280 = tpu.memref_slice %arg2[%dma_wait3A_278, %dma_wait3A_279] : memref<90000x128xf32, #tpu.memory_space<hbm>> -> memref<90000x128xf32, #tpu.memory_space<hbm>>
      tpu.wait_indirect_dma semaphore(%arg14 : memref<!tpu.dma_semaphore, #tpu.memory_space<semaphore_mem>>) src(%dma_wait3A_280 : memref<90000x128xf32, #tpu.memory_space<hbm>>) dst(%arg9 : memref<80x128xf32, #tpu.memory_space<vmem>>)
      "tpu.region"() ({
        %run_scoped3A_343 = tpu.sem_alloc : memref<!tpu.dma_semaphore, #tpu.memory_space<semaphore_mem>>
        %dma_start3A_344 = arith.constant 0 : i32
        %dma_start3A_345 = tpu.memref_slice %arg8[%add3A_274, %dma_start3A_344] : memref<32x80xi32, #tpu.memory_space<vmem>> -> memref<1x80xi32, #tpu.memory_space<vmem>>
        %dma_start3A_346 = tpu.memref_squeeze %dma_start3A_345 : memref<1x80xi32, #tpu.memory_space<vmem>> -> memref<80xi32, #tpu.memory_space<vmem>>
        %dma_start3A_347 = arith.constant 0 : i32
        %dma_start3A_348 = arith.constant 0 : i32
        %dma_start3A_349 = tpu.memref_slice %arg13[%dma_start3A_347, %dma_start3A_348] : memref<10240x128xf32, #tpu.memory_space<vmem_shared>> -> memref<10240x128xf32, #tpu.memory_space<vmem_shared>>
        tpu.enqueue_indirect_dma source(%arg9 : memref<80x128xf32, #tpu.memory_space<vmem>>) target(%dma_start3A_349 : memref<10240x128xf32, #tpu.memory_space<vmem_shared>>) offsets(%dma_start3A_346 : memref<80xi32, #tpu.memory_space<vmem>>) semaphore(%run_scoped3A_343 : memref<!tpu.dma_semaphore, #tpu.memory_space<semaphore_mem>>) {add = true}
        %dma_wait3A_350 = arith.constant 0 : i32
        %dma_wait3A_351 = tpu.memref_slice %arg8[%add3A_274, %dma_wait3A_350] : memref<32x80xi32, #tpu.memory_space<vmem>> -> memref<1x80xi32, #tpu.memory_space<vmem>>
        %dma_wait3A_352 = tpu.memref_squeeze %dma_wait3A_351 : memref<1x80xi32, #tpu.memory_space<vmem>> -> memref<80xi32, #tpu.memory_space<vmem>>
        %dma_wait3A_353 = arith.constant 0 : i32
        %dma_wait3A_354 = arith.constant 0 : i32
        %dma_wait3A_355 = tpu.memref_slice %arg13[%dma_wait3A_353, %dma_wait3A_354] : memref<10240x128xf32, #tpu.memory_space<vmem_shared>> -> memref<10240x128xf32, #tpu.memory_space<vmem_shared>>
        tpu.wait_indirect_dma semaphore(%run_scoped3A_343 : memref<!tpu.dma_semaphore, #tpu.memory_space<semaphore_mem>>) src(%arg9 : memref<80x128xf32, #tpu.memory_space<vmem>>) dst(%dma_wait3A_355 : memref<10240x128xf32, #tpu.memory_space<vmem_shared>>)
        tpu.yield
      }) : () -> ()
      %add3A_281 = arith.constant 4 : i32
      %add3A_282 = arith.addi %add3A_274, %add3A_281 : i32
      %dma_start3A_283 = arith.constant 0 : i32
      %dma_start3A_284 = tpu.memref_slice %arg7[%add3A_282, %dma_start3A_283] : memref<32x80xi32, #tpu.memory_space<vmem>> -> memref<1x80xi32, #tpu.memory_space<vmem>>
      %dma_start3A_285 = tpu.memref_squeeze %dma_start3A_284 : memref<1x80xi32, #tpu.memory_space<vmem>> -> memref<80xi32, #tpu.memory_space<vmem>>
      %dma_start3A_286 = arith.constant 0 : i32
      %dma_start3A_287 = arith.constant 0 : i32
      %dma_start3A_288 = tpu.memref_slice %arg2[%dma_start3A_286, %dma_start3A_287] : memref<90000x128xf32, #tpu.memory_space<hbm>> -> memref<90000x128xf32, #tpu.memory_space<hbm>>
      tpu.enqueue_indirect_dma source(%dma_start3A_288 : memref<90000x128xf32, #tpu.memory_space<hbm>>) target(%arg9 : memref<80x128xf32, #tpu.memory_space<vmem>>) offsets(%dma_start3A_285 : memref<80xi32, #tpu.memory_space<vmem>>) semaphore(%arg14 : memref<!tpu.dma_semaphore, #tpu.memory_space<semaphore_mem>>)
      %mul3A_289 = arith.constant 4 : i32
      %mul3A_290 = arith.muli %scan3A_270, %mul3A_289 : i32
      %add3A_291 = arith.constant 1 : i32
      %add3A_292 = arith.addi %mul3A_290, %add3A_291 : i32
      %dma_wait3A_293 = arith.constant 0 : i32
      %dma_wait3A_294 = tpu.memref_slice %arg7[%add3A_292, %dma_wait3A_293] : memref<32x80xi32, #tpu.memory_space<vmem>> -> memref<1x80xi32, #tpu.memory_space<vmem>>
      %dma_wait3A_295 = tpu.memref_squeeze %dma_wait3A_294 : memref<1x80xi32, #tpu.memory_space<vmem>> -> memref<80xi32, #tpu.memory_space<vmem>>
      %dma_wait3A_296 = arith.constant 0 : i32
      %dma_wait3A_297 = arith.constant 0 : i32
      %dma_wait3A_298 = tpu.memref_slice %arg2[%dma_wait3A_296, %dma_wait3A_297] : memref<90000x128xf32, #tpu.memory_space<hbm>> -> memref<90000x128xf32, #tpu.memory_space<hbm>>
      tpu.wait_indirect_dma semaphore(%arg15 : memref<!tpu.dma_semaphore, #tpu.memory_space<semaphore_mem>>) src(%dma_wait3A_298 : memref<90000x128xf32, #tpu.memory_space<hbm>>) dst(%arg10 : memref<80x128xf32, #tpu.memory_space<vmem>>)
      "tpu.region"() ({
        %run_scoped3A_343 = tpu.sem_alloc : memref<!tpu.dma_semaphore, #tpu.memory_space<semaphore_mem>>
        %dma_start3A_344 = arith.constant 0 : i32
        %dma_start3A_345 = tpu.memref_slice %arg8[%add3A_292, %dma_start3A_344] : memref<32x80xi32, #tpu.memory_space<vmem>> -> memref<1x80xi32, #tpu.memory_space<vmem>>
        %dma_start3A_346 = tpu.memref_squeeze %dma_start3A_345 : memref<1x80xi32, #tpu.memory_space<vmem>> -> memref<80xi32, #tpu.memory_space<vmem>>
        %dma_start3A_347 = arith.constant 0 : i32
        %dma_start3A_348 = arith.constant 0 : i32
        %dma_start3A_349 = tpu.memref_slice %arg13[%dma_start3A_347, %dma_start3A_348] : memref<10240x128xf32, #tpu.memory_space<vmem_shared>> -> memref<10240x128xf32, #tpu.memory_space<vmem_shared>>
        tpu.enqueue_indirect_dma source(%arg10 : memref<80x128xf32, #tpu.memory_space<vmem>>) target(%dma_start3A_349 : memref<10240x128xf32, #tpu.memory_space<vmem_shared>>) offsets(%dma_start3A_346 : memref<80xi32, #tpu.memory_space<vmem>>) semaphore(%run_scoped3A_343 : memref<!tpu.dma_semaphore, #tpu.memory_space<semaphore_mem>>) {add = true}
        %dma_wait3A_350 = arith.constant 0 : i32
        %dma_wait3A_351 = tpu.memref_slice %arg8[%add3A_292, %dma_wait3A_350] : memref<32x80xi32, #tpu.memory_space<vmem>> -> memref<1x80xi32, #tpu.memory_space<vmem>>
        %dma_wait3A_352 = tpu.memref_squeeze %dma_wait3A_351 : memref<1x80xi32, #tpu.memory_space<vmem>> -> memref<80xi32, #tpu.memory_space<vmem>>
        %dma_wait3A_353 = arith.constant 0 : i32
        %dma_wait3A_354 = arith.constant 0 : i32
        %dma_wait3A_355 = tpu.memref_slice %arg13[%dma_wait3A_353, %dma_wait3A_354] : memref<10240x128xf32, #tpu.memory_space<vmem_shared>> -> memref<10240x128xf32, #tpu.memory_space<vmem_shared>>
        tpu.wait_indirect_dma semaphore(%run_scoped3A_343 : memref<!tpu.dma_semaphore, #tpu.memory_space<semaphore_mem>>) src(%arg10 : memref<80x128xf32, #tpu.memory_space<vmem>>) dst(%dma_wait3A_355 : memref<10240x128xf32, #tpu.memory_space<vmem_shared>>)
        tpu.yield
      }) : () -> ()
      %add3A_299 = arith.constant 4 : i32
      %add3A_300 = arith.addi %add3A_292, %add3A_299 : i32
      %dma_start3A_301 = arith.constant 0 : i32
      %dma_start3A_302 = tpu.memref_slice %arg7[%add3A_300, %dma_start3A_301] : memref<32x80xi32, #tpu.memory_space<vmem>> -> memref<1x80xi32, #tpu.memory_space<vmem>>
      %dma_start3A_303 = tpu.memref_squeeze %dma_start3A_302 : memref<1x80xi32, #tpu.memory_space<vmem>> -> memref<80xi32, #tpu.memory_space<vmem>>
      %dma_start3A_304 = arith.constant 0 : i32
      %dma_start3A_305 = arith.constant 0 : i32
      %dma_start3A_306 = tpu.memref_slice %arg2[%dma_start3A_304, %dma_start3A_305] : memref<90000x128xf32, #tpu.memory_space<hbm>> -> memref<90000x128xf32, #tpu.memory_space<hbm>>
      tpu.enqueue_indirect_dma source(%dma_start3A_306 : memref<90000x128xf32, #tpu.memory_space<hbm>>) target(%arg10 : memref<80x128xf32, #tpu.memory_space<vmem>>) offsets(%dma_start3A_303 : memref<80xi32, #tpu.memory_space<vmem>>) semaphore(%arg15 : memref<!tpu.dma_semaphore, #tpu.memory_space<semaphore_mem>>)
      %mul3A_307 = arith.constant 4 : i32
      %mul3A_308 = arith.muli %scan3A_270, %mul3A_307 : i32
      %add3A_309 = arith.constant 2 : i32
      %add3A_310 = arith.addi %mul3A_308, %add3A_309 : i32
      %dma_wait3A_311 = arith.constant 0 : i32
      %dma_wait3A_312 = tpu.memref_slice %arg7[%add3A_310, %dma_wait3A_311] : memref<32x80xi32, #tpu.memory_space<vmem>> -> memref<1x80xi32, #tpu.memory_space<vmem>>
      %dma_wait3A_313 = tpu.memref_squeeze %dma_wait3A_312 : memref<1x80xi32, #tpu.memory_space<vmem>> -> memref<80xi32, #tpu.memory_space<vmem>>
      %dma_wait3A_314 = arith.constant 0 : i32
      %dma_wait3A_315 = arith.constant 0 : i32
      %dma_wait3A_316 = tpu.memref_slice %arg2[%dma_wait3A_314, %dma_wait3A_315] : memref<90000x128xf32, #tpu.memory_space<hbm>> -> memref<90000x128xf32, #tpu.memory_space<hbm>>
      tpu.wait_indirect_dma semaphore(%arg16 : memref<!tpu.dma_semaphore, #tpu.memory_space<semaphore_mem>>) src(%dma_wait3A_316 : memref<90000x128xf32, #tpu.memory_space<hbm>>) dst(%arg11 : memref<80x128xf32, #tpu.memory_space<vmem>>)
      "tpu.region"() ({
        %run_scoped3A_343 = tpu.sem_alloc : memref<!tpu.dma_semaphore, #tpu.memory_space<semaphore_mem>>
        %dma_start3A_344 = arith.constant 0 : i32
        %dma_start3A_345 = tpu.memref_slice %arg8[%add3A_310, %dma_start3A_344] : memref<32x80xi32, #tpu.memory_space<vmem>> -> memref<1x80xi32, #tpu.memory_space<vmem>>
        %dma_start3A_346 = tpu.memref_squeeze %dma_start3A_345 : memref<1x80xi32, #tpu.memory_space<vmem>> -> memref<80xi32, #tpu.memory_space<vmem>>
        %dma_start3A_347 = arith.constant 0 : i32
        %dma_start3A_348 = arith.constant 0 : i32
        %dma_start3A_349 = tpu.memref_slice %arg13[%dma_start3A_347, %dma_start3A_348] : memref<10240x128xf32, #tpu.memory_space<vmem_shared>> -> memref<10240x128xf32, #tpu.memory_space<vmem_shared>>
        tpu.enqueue_indirect_dma source(%arg11 : memref<80x128xf32, #tpu.memory_space<vmem>>) target(%dma_start3A_349 : memref<10240x128xf32, #tpu.memory_space<vmem_shared>>) offsets(%dma_start3A_346 : memref<80xi32, #tpu.memory_space<vmem>>) semaphore(%run_scoped3A_343 : memref<!tpu.dma_semaphore, #tpu.memory_space<semaphore_mem>>) {add = true}
        %dma_wait3A_350 = arith.constant 0 : i32
        %dma_wait3A_351 = tpu.memref_slice %arg8[%add3A_310, %dma_wait3A_350] : memref<32x80xi32, #tpu.memory_space<vmem>> -> memref<1x80xi32, #tpu.memory_space<vmem>>
        %dma_wait3A_352 = tpu.memref_squeeze %dma_wait3A_351 : memref<1x80xi32, #tpu.memory_space<vmem>> -> memref<80xi32, #tpu.memory_space<vmem>>
        %dma_wait3A_353 = arith.constant 0 : i32
        %dma_wait3A_354 = arith.constant 0 : i32
        %dma_wait3A_355 = tpu.memref_slice %arg13[%dma_wait3A_353, %dma_wait3A_354] : memref<10240x128xf32, #tpu.memory_space<vmem_shared>> -> memref<10240x128xf32, #tpu.memory_space<vmem_shared>>
        tpu.wait_indirect_dma semaphore(%run_scoped3A_343 : memref<!tpu.dma_semaphore, #tpu.memory_space<semaphore_mem>>) src(%arg11 : memref<80x128xf32, #tpu.memory_space<vmem>>) dst(%dma_wait3A_355 : memref<10240x128xf32, #tpu.memory_space<vmem_shared>>)
        tpu.yield
      }) : () -> ()
      %add3A_317 = arith.constant 4 : i32
      %add3A_318 = arith.addi %add3A_310, %add3A_317 : i32
      %dma_start3A_319 = arith.constant 0 : i32
      %dma_start3A_320 = tpu.memref_slice %arg7[%add3A_318, %dma_start3A_319] : memref<32x80xi32, #tpu.memory_space<vmem>> -> memref<1x80xi32, #tpu.memory_space<vmem>>
      %dma_start3A_321 = tpu.memref_squeeze %dma_start3A_320 : memref<1x80xi32, #tpu.memory_space<vmem>> -> memref<80xi32, #tpu.memory_space<vmem>>
      %dma_start3A_322 = arith.constant 0 : i32
      %dma_start3A_323 = arith.constant 0 : i32
      %dma_start3A_324 = tpu.memref_slice %arg2[%dma_start3A_322, %dma_start3A_323] : memref<90000x128xf32, #tpu.memory_space<hbm>> -> memref<90000x128xf32, #tpu.memory_space<hbm>>
      tpu.enqueue_indirect_dma source(%dma_start3A_324 : memref<90000x128xf32, #tpu.memory_space<hbm>>) target(%arg11 : memref<80x128xf32, #tpu.memory_space<vmem>>) offsets(%dma_start3A_321 : memref<80xi32, #tpu.memory_space<vmem>>) semaphore(%arg16 : memref<!tpu.dma_semaphore, #tpu.memory_space<semaphore_mem>>)
      %mul3A_325 = arith.constant 4 : i32
      %mul3A_326 = arith.muli %scan3A_270, %mul3A_325 : i32
      %add3A_327 = arith.constant 3 : i32
      %add3A_328 = arith.addi %mul3A_326, %add3A_327 : i32
      %dma_wait3A_329 = arith.constant 0 : i32
      %dma_wait3A_330 = tpu.memref_slice %arg7[%add3A_328, %dma_wait3A_329] : memref<32x80xi32, #tpu.memory_space<vmem>> -> memref<1x80xi32, #tpu.memory_space<vmem>>
      %dma_wait3A_331 = tpu.memref_squeeze %dma_wait3A_330 : memref<1x80xi32, #tpu.memory_space<vmem>> -> memref<80xi32, #tpu.memory_space<vmem>>
      %dma_wait3A_332 = arith.constant 0 : i32
      %dma_wait3A_333 = arith.constant 0 : i32
      %dma_wait3A_334 = tpu.memref_slice %arg2[%dma_wait3A_332, %dma_wait3A_333] : memref<90000x128xf32, #tpu.memory_space<hbm>> -> memref<90000x128xf32, #tpu.memory_space<hbm>>
      tpu.wait_indirect_dma semaphore(%arg17 : memref<!tpu.dma_semaphore, #tpu.memory_space<semaphore_mem>>) src(%dma_wait3A_334 : memref<90000x128xf32, #tpu.memory_space<hbm>>) dst(%arg12 : memref<80x128xf32, #tpu.memory_space<vmem>>)
      "tpu.region"() ({
        %run_scoped3A_343 = tpu.sem_alloc : memref<!tpu.dma_semaphore, #tpu.memory_space<semaphore_mem>>
        %dma_start3A_344 = arith.constant 0 : i32
        %dma_start3A_345 = tpu.memref_slice %arg8[%add3A_328, %dma_start3A_344] : memref<32x80xi32, #tpu.memory_space<vmem>> -> memref<1x80xi32, #tpu.memory_space<vmem>>
        %dma_start3A_346 = tpu.memref_squeeze %dma_start3A_345 : memref<1x80xi32, #tpu.memory_space<vmem>> -> memref<80xi32, #tpu.memory_space<vmem>>
        %dma_start3A_347 = arith.constant 0 : i32
        %dma_start3A_348 = arith.constant 0 : i32
        %dma_start3A_349 = tpu.memref_slice %arg13[%dma_start3A_347, %dma_start3A_348] : memref<10240x128xf32, #tpu.memory_space<vmem_shared>> -> memref<10240x128xf32, #tpu.memory_space<vmem_shared>>
        tpu.enqueue_indirect_dma source(%arg12 : memref<80x128xf32, #tpu.memory_space<vmem>>) target(%dma_start3A_349 : memref<10240x128xf32, #tpu.memory_space<vmem_shared>>) offsets(%dma_start3A_346 : memref<80xi32, #tpu.memory_space<vmem>>) semaphore(%run_scoped3A_343 : memref<!tpu.dma_semaphore, #tpu.memory_space<semaphore_mem>>) {add = true}
        %dma_wait3A_350 = arith.constant 0 : i32
        %dma_wait3A_351 = tpu.memref_slice %arg8[%add3A_328, %dma_wait3A_350] : memref<32x80xi32, #tpu.memory_space<vmem>> -> memref<1x80xi32, #tpu.memory_space<vmem>>
        %dma_wait3A_352 = tpu.memref_squeeze %dma_wait3A_351 : memref<1x80xi32, #tpu.memory_space<vmem>> -> memref<80xi32, #tpu.memory_space<vmem>>
        %dma_wait3A_353 = arith.constant 0 : i32
        %dma_wait3A_354 = arith.constant 0 : i32
        %dma_wait3A_355 = tpu.memref_slice %arg13[%dma_wait3A_353, %dma_wait3A_354] : memref<10240x128xf32, #tpu.memory_space<vmem_shared>> -> memref<10240x128xf32, #tpu.memory_space<vmem_shared>>
        tpu.wait_indirect_dma semaphore(%run_scoped3A_343 : memref<!tpu.dma_semaphore, #tpu.memory_space<semaphore_mem>>) src(%arg12 : memref<80x128xf32, #tpu.memory_space<vmem>>) dst(%dma_wait3A_355 : memref<10240x128xf32, #tpu.memory_space<vmem_shared>>)
        tpu.yield
      }) : () -> ()
      %add3A_335 = arith.constant 4 : i32
      %add3A_336 = arith.addi %add3A_328, %add3A_335 : i32
      %dma_start3A_337 = arith.constant 0 : i32
      %dma_start3A_338 = tpu.memref_slice %arg7[%add3A_336, %dma_start3A_337] : memref<32x80xi32, #tpu.memory_space<vmem>> -> memref<1x80xi32, #tpu.memory_space<vmem>>
      %dma_start3A_339 = tpu.memref_squeeze %dma_start3A_338 : memref<1x80xi32, #tpu.memory_space<vmem>> -> memref<80xi32, #tpu.memory_space<vmem>>
      %dma_start3A_340 = arith.constant 0 : i32
      %dma_start3A_341 = arith.constant 0 : i32
      %dma_start3A_342 = tpu.memref_slice %arg2[%dma_start3A_340, %dma_start3A_341] : memref<90000x128xf32, #tpu.memory_space<hbm>> -> memref<90000x128xf32, #tpu.memory_space<hbm>>
      tpu.enqueue_indirect_dma source(%dma_start3A_342 : memref<90000x128xf32, #tpu.memory_space<hbm>>) target(%arg12 : memref<80x128xf32, #tpu.memory_space<vmem>>) offsets(%dma_start3A_339 : memref<80xi32, #tpu.memory_space<vmem>>) semaphore(%arg17 : memref<!tpu.dma_semaphore, #tpu.memory_space<semaphore_mem>>)
    }
    %scan3A_230 = arith.constant 7 : i32
    %dma_wait3A_231 = arith.constant 28 : i32
    %dma_wait3A_232 = arith.constant 0 : i32
    %dma_wait3A_233 = tpu.memref_slice %arg7[%dma_wait3A_231, %dma_wait3A_232] : memref<32x80xi32, #tpu.memory_space<vmem>> -> memref<1x80xi32, #tpu.memory_space<vmem>>
    %dma_wait3A_234 = tpu.memref_squeeze %dma_wait3A_233 : memref<1x80xi32, #tpu.memory_space<vmem>> -> memref<80xi32, #tpu.memory_space<vmem>>
    %dma_wait3A_235 = arith.constant 0 : i32
    %dma_wait3A_236 = arith.constant 0 : i32
    %dma_wait3A_237 = tpu.memref_slice %arg2[%dma_wait3A_235, %dma_wait3A_236] : memref<90000x128xf32, #tpu.memory_space<hbm>> -> memref<90000x128xf32, #tpu.memory_space<hbm>>
    tpu.wait_indirect_dma semaphore(%arg14 : memref<!tpu.dma_semaphore, #tpu.memory_space<semaphore_mem>>) src(%dma_wait3A_237 : memref<90000x128xf32, #tpu.memory_space<hbm>>) dst(%arg9 : memref<80x128xf32, #tpu.memory_space<vmem>>)
    %run_scoped3A_238 = arith.constant 28 : i32
    "tpu.region"() ({
      %run_scoped3A_270 = tpu.sem_alloc : memref<!tpu.dma_semaphore, #tpu.memory_space<semaphore_mem>>
      %dma_start3A_271 = arith.constant 0 : i32
      %dma_start3A_272 = tpu.memref_slice %arg8[%run_scoped3A_238, %dma_start3A_271] : memref<32x80xi32, #tpu.memory_space<vmem>> -> memref<1x80xi32, #tpu.memory_space<vmem>>
      %dma_start3A_273 = tpu.memref_squeeze %dma_start3A_272 : memref<1x80xi32, #tpu.memory_space<vmem>> -> memref<80xi32, #tpu.memory_space<vmem>>
      %dma_start3A_274 = arith.constant 0 : i32
      %dma_start3A_275 = arith.constant 0 : i32
      %dma_start3A_276 = tpu.memref_slice %arg13[%dma_start3A_274, %dma_start3A_275] : memref<10240x128xf32, #tpu.memory_space<vmem_shared>> -> memref<10240x128xf32, #tpu.memory_space<vmem_shared>>
      tpu.enqueue_indirect_dma source(%arg9 : memref<80x128xf32, #tpu.memory_space<vmem>>) target(%dma_start3A_276 : memref<10240x128xf32, #tpu.memory_space<vmem_shared>>) offsets(%dma_start3A_273 : memref<80xi32, #tpu.memory_space<vmem>>) semaphore(%run_scoped3A_270 : memref<!tpu.dma_semaphore, #tpu.memory_space<semaphore_mem>>) {add = true}
      %dma_wait3A_277 = arith.constant 0 : i32
      %dma_wait3A_278 = tpu.memref_slice %arg8[%run_scoped3A_238, %dma_wait3A_277] : memref<32x80xi32, #tpu.memory_space<vmem>> -> memref<1x80xi32, #tpu.memory_space<vmem>>
      %dma_wait3A_279 = tpu.memref_squeeze %dma_wait3A_278 : memref<1x80xi32, #tpu.memory_space<vmem>> -> memref<80xi32, #tpu.memory_space<vmem>>
      %dma_wait3A_280 = arith.constant 0 : i32
      %dma_wait3A_281 = arith.constant 0 : i32
      %dma_wait3A_282 = tpu.memref_slice %arg13[%dma_wait3A_280, %dma_wait3A_281] : memref<10240x128xf32, #tpu.memory_space<vmem_shared>> -> memref<10240x128xf32, #tpu.memory_space<vmem_shared>>
      tpu.wait_indirect_dma semaphore(%run_scoped3A_270 : memref<!tpu.dma_semaphore, #tpu.memory_space<semaphore_mem>>) src(%arg9 : memref<80x128xf32, #tpu.memory_space<vmem>>) dst(%dma_wait3A_282 : memref<10240x128xf32, #tpu.memory_space<vmem_shared>>)
      tpu.yield
    }) : () -> ()
    %dma_wait3A_239 = arith.constant 29 : i32
    %dma_wait3A_240 = arith.constant 0 : i32
    %dma_wait3A_241 = tpu.memref_slice %arg7[%dma_wait3A_239, %dma_wait3A_240] : memref<32x80xi32, #tpu.memory_space<vmem>> -> memref<1x80xi32, #tpu.memory_space<vmem>>
    %dma_wait3A_242 = tpu.memref_squeeze %dma_wait3A_241 : memref<1x80xi32, #tpu.memory_space<vmem>> -> memref<80xi32, #tpu.memory_space<vmem>>
    %dma_wait3A_243 = arith.constant 0 : i32
    %dma_wait3A_244 = arith.constant 0 : i32
    %dma_wait3A_245 = tpu.memref_slice %arg2[%dma_wait3A_243, %dma_wait3A_244] : memref<90000x128xf32, #tpu.memory_space<hbm>> -> memref<90000x128xf32, #tpu.memory_space<hbm>>
    tpu.wait_indirect_dma semaphore(%arg15 : memref<!tpu.dma_semaphore, #tpu.memory_space<semaphore_mem>>) src(%dma_wait3A_245 : memref<90000x128xf32, #tpu.memory_space<hbm>>) dst(%arg10 : memref<80x128xf32, #tpu.memory_space<vmem>>)
    %run_scoped3A_246 = arith.constant 29 : i32
    "tpu.region"() ({
      %run_scoped3A_270 = tpu.sem_alloc : memref<!tpu.dma_semaphore, #tpu.memory_space<semaphore_mem>>
      %dma_start3A_271 = arith.constant 0 : i32
      %dma_start3A_272 = tpu.memref_slice %arg8[%run_scoped3A_246, %dma_start3A_271] : memref<32x80xi32, #tpu.memory_space<vmem>> -> memref<1x80xi32, #tpu.memory_space<vmem>>
      %dma_start3A_273 = tpu.memref_squeeze %dma_start3A_272 : memref<1x80xi32, #tpu.memory_space<vmem>> -> memref<80xi32, #tpu.memory_space<vmem>>
      %dma_start3A_274 = arith.constant 0 : i32
      %dma_start3A_275 = arith.constant 0 : i32
      %dma_start3A_276 = tpu.memref_slice %arg13[%dma_start3A_274, %dma_start3A_275] : memref<10240x128xf32, #tpu.memory_space<vmem_shared>> -> memref<10240x128xf32, #tpu.memory_space<vmem_shared>>
      tpu.enqueue_indirect_dma source(%arg10 : memref<80x128xf32, #tpu.memory_space<vmem>>) target(%dma_start3A_276 : memref<10240x128xf32, #tpu.memory_space<vmem_shared>>) offsets(%dma_start3A_273 : memref<80xi32, #tpu.memory_space<vmem>>) semaphore(%run_scoped3A_270 : memref<!tpu.dma_semaphore, #tpu.memory_space<semaphore_mem>>) {add = true}
      %dma_wait3A_277 = arith.constant 0 : i32
      %dma_wait3A_278 = tpu.memref_slice %arg8[%run_scoped3A_246, %dma_wait3A_277] : memref<32x80xi32, #tpu.memory_space<vmem>> -> memref<1x80xi32, #tpu.memory_space<vmem>>
      %dma_wait3A_279 = tpu.memref_squeeze %dma_wait3A_278 : memref<1x80xi32, #tpu.memory_space<vmem>> -> memref<80xi32, #tpu.memory_space<vmem>>
      %dma_wait3A_280 = arith.constant 0 : i32
      %dma_wait3A_281 = arith.constant 0 : i32
      %dma_wait3A_282 = tpu.memref_slice %arg13[%dma_wait3A_280, %dma_wait3A_281] : memref<10240x128xf32, #tpu.memory_space<vmem_shared>> -> memref<10240x128xf32, #tpu.memory_space<vmem_shared>>
      tpu.wait_indirect_dma semaphore(%run_scoped3A_270 : memref<!tpu.dma_semaphore, #tpu.memory_space<semaphore_mem>>) src(%arg10 : memref<80x128xf32, #tpu.memory_space<vmem>>) dst(%dma_wait3A_282 : memref<10240x128xf32, #tpu.memory_space<vmem_shared>>)
      tpu.yield
    }) : () -> ()
    %dma_wait3A_247 = arith.constant 30 : i32
    %dma_wait3A_248 = arith.constant 0 : i32
    %dma_wait3A_249 = tpu.memref_slice %arg7[%dma_wait3A_247, %dma_wait3A_248] : memref<32x80xi32, #tpu.memory_space<vmem>> -> memref<1x80xi32, #tpu.memory_space<vmem>>
    %dma_wait3A_250 = tpu.memref_squeeze %dma_wait3A_249 : memref<1x80xi32, #tpu.memory_space<vmem>> -> memref<80xi32, #tpu.memory_space<vmem>>
    %dma_wait3A_251 = arith.constant 0 : i32
    %dma_wait3A_252 = arith.constant 0 : i32
    %dma_wait3A_253 = tpu.memref_slice %arg2[%dma_wait3A_251, %dma_wait3A_252] : memref<90000x128xf32, #tpu.memory_space<hbm>> -> memref<90000x128xf32, #tpu.memory_space<hbm>>
    tpu.wait_indirect_dma semaphore(%arg16 : memref<!tpu.dma_semaphore, #tpu.memory_space<semaphore_mem>>) src(%dma_wait3A_253 : memref<90000x128xf32, #tpu.memory_space<hbm>>) dst(%arg11 : memref<80x128xf32, #tpu.memory_space<vmem>>)
    %run_scoped3A_254 = arith.constant 30 : i32
    "tpu.region"() ({
      %run_scoped3A_270 = tpu.sem_alloc : memref<!tpu.dma_semaphore, #tpu.memory_space<semaphore_mem>>
      %dma_start3A_271 = arith.constant 0 : i32
      %dma_start3A_272 = tpu.memref_slice %arg8[%run_scoped3A_254, %dma_start3A_271] : memref<32x80xi32, #tpu.memory_space<vmem>> -> memref<1x80xi32, #tpu.memory_space<vmem>>
      %dma_start3A_273 = tpu.memref_squeeze %dma_start3A_272 : memref<1x80xi32, #tpu.memory_space<vmem>> -> memref<80xi32, #tpu.memory_space<vmem>>
      %dma_start3A_274 = arith.constant 0 : i32
      %dma_start3A_275 = arith.constant 0 : i32
      %dma_start3A_276 = tpu.memref_slice %arg13[%dma_start3A_274, %dma_start3A_275] : memref<10240x128xf32, #tpu.memory_space<vmem_shared>> -> memref<10240x128xf32, #tpu.memory_space<vmem_shared>>
      tpu.enqueue_indirect_dma source(%arg11 : memref<80x128xf32, #tpu.memory_space<vmem>>) target(%dma_start3A_276 : memref<10240x128xf32, #tpu.memory_space<vmem_shared>>) offsets(%dma_start3A_273 : memref<80xi32, #tpu.memory_space<vmem>>) semaphore(%run_scoped3A_270 : memref<!tpu.dma_semaphore, #tpu.memory_space<semaphore_mem>>) {add = true}
      %dma_wait3A_277 = arith.constant 0 : i32
      %dma_wait3A_278 = tpu.memref_slice %arg8[%run_scoped3A_254, %dma_wait3A_277] : memref<32x80xi32, #tpu.memory_space<vmem>> -> memref<1x80xi32, #tpu.memory_space<vmem>>
      %dma_wait3A_279 = tpu.memref_squeeze %dma_wait3A_278 : memref<1x80xi32, #tpu.memory_space<vmem>> -> memref<80xi32, #tpu.memory_space<vmem>>
      %dma_wait3A_280 = arith.constant 0 : i32
      %dma_wait3A_281 = arith.constant 0 : i32
      %dma_wait3A_282 = tpu.memref_slice %arg13[%dma_wait3A_280, %dma_wait3A_281] : memref<10240x128xf32, #tpu.memory_space<vmem_shared>> -> memref<10240x128xf32, #tpu.memory_space<vmem_shared>>
      tpu.wait_indirect_dma semaphore(%run_scoped3A_270 : memref<!tpu.dma_semaphore, #tpu.memory_space<semaphore_mem>>) src(%arg11 : memref<80x128xf32, #tpu.memory_space<vmem>>) dst(%dma_wait3A_282 : memref<10240x128xf32, #tpu.memory_space<vmem_shared>>)
      tpu.yield
    }) : () -> ()
    %dma_wait3A_255 = arith.constant 31 : i32
    %dma_wait3A_256 = arith.constant 0 : i32
    %dma_wait3A_257 = tpu.memref_slice %arg7[%dma_wait3A_255, %dma_wait3A_256] : memref<32x80xi32, #tpu.memory_space<vmem>> -> memref<1x80xi32, #tpu.memory_space<vmem>>
    %dma_wait3A_258 = tpu.memref_squeeze %dma_wait3A_257 : memref<1x80xi32, #tpu.memory_space<vmem>> -> memref<80xi32, #tpu.memory_space<vmem>>
    %dma_wait3A_259 = arith.constant 0 : i32
    %dma_wait3A_260 = arith.constant 0 : i32
    %dma_wait3A_261 = tpu.memref_slice %arg2[%dma_wait3A_259, %dma_wait3A_260] : memref<90000x128xf32, #tpu.memory_space<hbm>> -> memref<90000x128xf32, #tpu.memory_space<hbm>>
    tpu.wait_indirect_dma semaphore(%arg17 : memref<!tpu.dma_semaphore, #tpu.memory_space<semaphore_mem>>) src(%dma_wait3A_261 : memref<90000x128xf32, #tpu.memory_space<hbm>>) dst(%arg12 : memref<80x128xf32, #tpu.memory_space<vmem>>)
    %run_scoped3A_262 = arith.constant 31 : i32
    "tpu.region"() ({
      %run_scoped3A_270 = tpu.sem_alloc : memref<!tpu.dma_semaphore, #tpu.memory_space<semaphore_mem>>
      %dma_start3A_271 = arith.constant 0 : i32
      %dma_start3A_272 = tpu.memref_slice %arg8[%run_scoped3A_262, %dma_start3A_271] : memref<32x80xi32, #tpu.memory_space<vmem>> -> memref<1x80xi32, #tpu.memory_space<vmem>>
      %dma_start3A_273 = tpu.memref_squeeze %dma_start3A_272 : memref<1x80xi32, #tpu.memory_space<vmem>> -> memref<80xi32, #tpu.memory_space<vmem>>
      %dma_start3A_274 = arith.constant 0 : i32
      %dma_start3A_275 = arith.constant 0 : i32
      %dma_start3A_276 = tpu.memref_slice %arg13[%dma_start3A_274, %dma_start3A_275] : memref<10240x128xf32, #tpu.memory_space<vmem_shared>> -> memref<10240x128xf32, #tpu.memory_space<vmem_shared>>
      tpu.enqueue_indirect_dma source(%arg12 : memref<80x128xf32, #tpu.memory_space<vmem>>) target(%dma_start3A_276 : memref<10240x128xf32, #tpu.memory_space<vmem_shared>>) offsets(%dma_start3A_273 : memref<80xi32, #tpu.memory_space<vmem>>) semaphore(%run_scoped3A_270 : memref<!tpu.dma_semaphore, #tpu.memory_space<semaphore_mem>>) {add = true}
      %dma_wait3A_277 = arith.constant 0 : i32
      %dma_wait3A_278 = tpu.memref_slice %arg8[%run_scoped3A_262, %dma_wait3A_277] : memref<32x80xi32, #tpu.memory_space<vmem>> -> memref<1x80xi32, #tpu.memory_space<vmem>>
      %dma_wait3A_279 = tpu.memref_squeeze %dma_wait3A_278 : memref<1x80xi32, #tpu.memory_space<vmem>> -> memref<80xi32, #tpu.memory_space<vmem>>
      %dma_wait3A_280 = arith.constant 0 : i32
      %dma_wait3A_281 = arith.constant 0 : i32
      %dma_wait3A_282 = tpu.memref_slice %arg13[%dma_wait3A_280, %dma_wait3A_281] : memref<10240x128xf32, #tpu.memory_space<vmem_shared>> -> memref<10240x128xf32, #tpu.memory_space<vmem_shared>>
      tpu.wait_indirect_dma semaphore(%run_scoped3A_270 : memref<!tpu.dma_semaphore, #tpu.memory_space<semaphore_mem>>) src(%arg12 : memref<80x128xf32, #tpu.memory_space<vmem>>) dst(%dma_wait3A_282 : memref<10240x128xf32, #tpu.memory_space<vmem_shared>>)
      tpu.yield
    }) : () -> ()
    %barrier3A_263 = arith.constant 0 : index
    tpu.barrier barrier_id(%barrier3A_263)
    %lt3A = arith.constant 15 : i32
    %lt3A_264 = arith.cmpi slt, %arg1, %lt3A : i32
    %convert_element_type3A = arith.extui %lt3A_264 : i1 to i32
    %cond3A = arith.constant 0 : i32
    %cond3A_265 = arith.cmpi ne, %convert_element_type3A, %cond3A : i32
    scf.if %cond3A_265 {
      %mul3A_270 = arith.constant 640 : i32
      %mul3A_271 = arith.muli %arg1, %mul3A_270 : i32
      %mul3A_272 = arith.constant 640 : i32
      %mul3A_273 = arith.muli %arg1, %mul3A_272 : i32
      "tpu.region"() ({
        %run_scoped3A_274 = tpu.sem_alloc : memref<!tpu.dma_semaphore, #tpu.memory_space<semaphore_mem>>
        %dma_start3A_275 = arith.constant 0 : i32
        %dma_start3A_276 = tpu.memref_slice %arg6[%arg0, %mul3A_273, %dma_start3A_275] : memref<2x10000x128xf32, #tpu.memory_space<hbm>> -> memref<1x640x128xf32, #tpu.memory_space<hbm>>
        %dma_start3A_277 = tpu.memref_squeeze %dma_start3A_276 : memref<1x640x128xf32, #tpu.memory_space<hbm>> -> memref<640x128xf32, #tpu.memory_space<hbm>>
        %dma_start3A_278 = arith.constant 0 : i32
        %dma_start3A_279 = tpu.memref_slice %arg13[%mul3A_271, %dma_start3A_278] : memref<10240x128xf32, #tpu.memory_space<vmem_shared>> -> memref<640x128xf32, #tpu.memory_space<vmem_shared>>
        tpu.enqueue_dma source(%dma_start3A_279 : memref<640x128xf32, #tpu.memory_space<vmem_shared>>) target(%dma_start3A_277 : memref<640x128xf32, #tpu.memory_space<hbm>>) target_semaphore(%run_scoped3A_274 : memref<!tpu.dma_semaphore, #tpu.memory_space<semaphore_mem>>)
        %dma_wait3A_280 = arith.constant 0 : i32
        %dma_wait3A_281 = tpu.memref_slice %arg6[%arg0, %mul3A_273, %dma_wait3A_280] : memref<2x10000x128xf32, #tpu.memory_space<hbm>> -> memref<1x640x128xf32, #tpu.memory_space<hbm>>
        %dma_wait3A_282 = tpu.memref_squeeze %dma_wait3A_281 : memref<1x640x128xf32, #tpu.memory_space<hbm>> -> memref<640x128xf32, #tpu.memory_space<hbm>>
        %dma_wait3A_283 = arith.constant 0 : i32
        %dma_wait3A_284 = tpu.memref_slice %arg13[%mul3A_271, %dma_wait3A_283] : memref<10240x128xf32, #tpu.memory_space<vmem_shared>> -> memref<640x128xf32, #tpu.memory_space<vmem_shared>>
        tpu.wait_dma2 semaphore(%run_scoped3A_274 : memref<!tpu.dma_semaphore, #tpu.memory_space<semaphore_mem>>) src(%dma_wait3A_284 : memref<640x128xf32, #tpu.memory_space<vmem_shared>>) dst(%dma_wait3A_282 : memref<640x128xf32, #tpu.memory_space<hbm>>)
        tpu.yield
      }) : () -> ()
    } else {
    }
    %eq3A = arith.constant 15 : i32
    %eq3A_266 = arith.cmpi eq, %arg1, %eq3A : i32
    %convert_element_type3A_267 = arith.extui %eq3A_266 : i1 to i32
    %cond3A_268 = arith.constant 0 : i32
    %cond3A_269 = arith.cmpi ne, %convert_element_type3A_267, %cond3A_268 : i32
    scf.if %cond3A_269 {
      "tpu.region"() ({
        %run_scoped3A_270 = tpu.sem_alloc : memref<!tpu.dma_semaphore, #tpu.memory_space<semaphore_mem>>
        %dma_start3A_271 = arith.constant 9600 : i32
        %dma_start3A_272 = arith.constant 0 : i32
        %dma_start3A_273 = tpu.memref_slice %arg6[%arg0, %dma_start3A_271, %dma_start3A_272] : memref<2x10000x128xf32, #tpu.memory_space<hbm>> -> memref<1x400x128xf32, #tpu.memory_space<hbm>>
        %dma_start3A_274 = tpu.memref_squeeze %dma_start3A_273 : memref<1x400x128xf32, #tpu.memory_space<hbm>> -> memref<400x128xf32, #tpu.memory_space<hbm>>
        %dma_start3A_275 = arith.constant 9600 : i32
        %dma_start3A_276 = arith.constant 0 : i32
        %dma_start3A_277 = tpu.memref_slice %arg13[%dma_start3A_275, %dma_start3A_276] : memref<10240x128xf32, #tpu.memory_space<vmem_shared>> -> memref<400x128xf32, #tpu.memory_space<vmem_shared>>
        tpu.enqueue_dma source(%dma_start3A_277 : memref<400x128xf32, #tpu.memory_space<vmem_shared>>) target(%dma_start3A_274 : memref<400x128xf32, #tpu.memory_space<hbm>>) target_semaphore(%run_scoped3A_270 : memref<!tpu.dma_semaphore, #tpu.memory_space<semaphore_mem>>)
        %dma_wait3A_278 = arith.constant 9600 : i32
        %dma_wait3A_279 = arith.constant 0 : i32
        %dma_wait3A_280 = tpu.memref_slice %arg6[%arg0, %dma_wait3A_278, %dma_wait3A_279] : memref<2x10000x128xf32, #tpu.memory_space<hbm>> -> memref<1x400x128xf32, #tpu.memory_space<hbm>>
        %dma_wait3A_281 = tpu.memref_squeeze %dma_wait3A_280 : memref<1x400x128xf32, #tpu.memory_space<hbm>> -> memref<400x128xf32, #tpu.memory_space<hbm>>
        %dma_wait3A_282 = arith.constant 9600 : i32
        %dma_wait3A_283 = arith.constant 0 : i32
        %dma_wait3A_284 = tpu.memref_slice %arg13[%dma_wait3A_282, %dma_wait3A_283] : memref<10240x128xf32, #tpu.memory_space<vmem_shared>> -> memref<400x128xf32, #tpu.memory_space<vmem_shared>>
        tpu.wait_dma2 semaphore(%run_scoped3A_270 : memref<!tpu.dma_semaphore, #tpu.memory_space<semaphore_mem>>) src(%dma_wait3A_284 : memref<400x128xf32, #tpu.memory_space<vmem_shared>>) dst(%dma_wait3A_281 : memref<400x128xf32, #tpu.memory_space<hbm>>)
        tpu.yield
      }) : () -> ()
    } else {
    }
    return
  }
}

#map = affine_map<(d0, d1) -> (0, 0)>
module attributes {stable_mosaic.version = 14 : i64} {
  func.func @_sc_decode_body(%arg0: i32, %arg1: i32, %arg2: memref<10000x128xf32, #tpu.memory_space<hbm>>, %arg3: memref<100x128xf32, #tpu.memory_space<hbm>>, %arg4: memref<64x128xi32, #tpu.memory_space<hbm>>, %arg5: memref<64x128xi32, #tpu.memory_space<hbm>>, %arg6: memref<64x128xi32, #tpu.memory_space<hbm>>, %arg7: memref<8192x128xf32, #tpu.memory_space<hbm>>, %arg8: memref<8192x128xf32, #tpu.memory_space<hbm>>, %arg9: memref<8192x128xf32, #tpu.memory_space<hbm>>, %arg10: memref<128xi32, #tpu.memory_space<vmem>>, %arg11: memref<128x128xf32, #tpu.memory_space<vmem>>, %arg12: memref<!tpu.dma_semaphore, #tpu.memory_space<semaphore_mem>>) attributes {dimension_semantics = [#tpu.dimension_semantics<core_parallel>, #tpu.dimension_semantics<subcore_parallel>], iteration_bounds = array<i64: 2, 16>, scalar_prefetch = 0 : i64, scratch_operands = 3 : i64, tpu.core_type = #tpu.core_type<sc_vector_subcore>, window_params = [{transform_indices = #map}, {transform_indices = #map}, {transform_indices = #map}, {transform_indices = #map}, {transform_indices = #map}, {transform_indices = #map}, {transform_indices = #map}, {transform_indices = #map}]} {
    %mul3A = arith.constant 16 : i32
    %mul3A_0 = arith.muli %arg0, %mul3A : i32
    %add3A = arith.addi %mul3A_0, %arg1 : i32
    %mul3A_1 = arith.constant 2 : i32
    %mul3A_2 = arith.muli %add3A, %mul3A_1 : i32
    %add3A_3 = arith.constant 0 : i32
    %add3A_4 = arith.addi %mul3A_2, %add3A_3 : i32
    %mul3A_5 = arith.constant 128 : i32
    %mul3A_6 = arith.muli %add3A_4, %mul3A_5 : i32
    "tpu.region"() ({
      %run_scoped3A = tpu.sem_alloc : memref<!tpu.dma_semaphore, #tpu.memory_space<semaphore_mem>>
      %dma_start3A_47 = arith.constant 0 : i32
      %dma_start3A_48 = tpu.memref_slice %arg4[%add3A_4, %dma_start3A_47] : memref<64x128xi32, #tpu.memory_space<hbm>> -> memref<1x128xi32, #tpu.memory_space<hbm>>
      %dma_start3A_49 = tpu.memref_squeeze %dma_start3A_48 : memref<1x128xi32, #tpu.memory_space<hbm>> -> memref<128xi32, #tpu.memory_space<hbm>>
      %dma_start3A_50 = arith.constant 0 : i32
      %dma_start3A_51 = tpu.memref_slice %arg4[%add3A_4, %dma_start3A_50] : memref<64x128xi32, #tpu.memory_space<hbm>> -> memref<1x128xi32, #tpu.memory_space<hbm>>
      %dma_start3A_52 = tpu.memref_squeeze %dma_start3A_51 : memref<1x128xi32, #tpu.memory_space<hbm>> -> memref<128xi32, #tpu.memory_space<hbm>>
      tpu.enqueue_dma source(%dma_start3A_52 : memref<128xi32, #tpu.memory_space<hbm>>) target(%arg10 : memref<128xi32, #tpu.memory_space<vmem>>) target_semaphore(%run_scoped3A : memref<!tpu.dma_semaphore, #tpu.memory_space<semaphore_mem>>)
      %dma_wait3A_53 = arith.constant 0 : i32
      %dma_wait3A_54 = tpu.memref_slice %arg4[%add3A_4, %dma_wait3A_53] : memref<64x128xi32, #tpu.memory_space<hbm>> -> memref<1x128xi32, #tpu.memory_space<hbm>>
      %dma_wait3A_55 = tpu.memref_squeeze %dma_wait3A_54 : memref<1x128xi32, #tpu.memory_space<hbm>> -> memref<128xi32, #tpu.memory_space<hbm>>
      %dma_wait3A_56 = arith.constant 0 : i32
      %dma_wait3A_57 = tpu.memref_slice %arg4[%add3A_4, %dma_wait3A_56] : memref<64x128xi32, #tpu.memory_space<hbm>> -> memref<1x128xi32, #tpu.memory_space<hbm>>
      %dma_wait3A_58 = tpu.memref_squeeze %dma_wait3A_57 : memref<1x128xi32, #tpu.memory_space<hbm>> -> memref<128xi32, #tpu.memory_space<hbm>>
      tpu.wait_dma2 semaphore(%run_scoped3A : memref<!tpu.dma_semaphore, #tpu.memory_space<semaphore_mem>>) src(%dma_wait3A_58 : memref<128xi32, #tpu.memory_space<hbm>>) dst(%arg10 : memref<128xi32, #tpu.memory_space<vmem>>)
      tpu.yield
    }) : () -> ()
    %dma_start3A = arith.constant 0 : i32
    %dma_start3A_7 = arith.constant 0 : i32
    %dma_start3A_8 = tpu.memref_slice %arg2[%dma_start3A, %dma_start3A_7] : memref<10000x128xf32, #tpu.memory_space<hbm>> -> memref<10000x128xf32, #tpu.memory_space<hbm>>
    tpu.enqueue_indirect_dma source(%dma_start3A_8 : memref<10000x128xf32, #tpu.memory_space<hbm>>) target(%arg11 : memref<128x128xf32, #tpu.memory_space<vmem>>) offsets(%arg10 : memref<128xi32, #tpu.memory_space<vmem>>) semaphore(%arg12 : memref<!tpu.dma_semaphore, #tpu.memory_space<semaphore_mem>>)
    %dma_wait3A = arith.constant 0 : i32
    %dma_wait3A_9 = arith.constant 0 : i32
    %dma_wait3A_10 = tpu.memref_slice %arg2[%dma_wait3A, %dma_wait3A_9] : memref<10000x128xf32, #tpu.memory_space<hbm>> -> memref<10000x128xf32, #tpu.memory_space<hbm>>
    tpu.wait_indirect_dma semaphore(%arg12 : memref<!tpu.dma_semaphore, #tpu.memory_space<semaphore_mem>>) src(%dma_wait3A_10 : memref<10000x128xf32, #tpu.memory_space<hbm>>) dst(%arg11 : memref<128x128xf32, #tpu.memory_space<vmem>>)
    "tpu.region"() ({
      %run_scoped3A = tpu.sem_alloc : memref<!tpu.dma_semaphore, #tpu.memory_space<semaphore_mem>>
      %dma_start3A_47 = arith.constant 0 : i32
      %dma_start3A_48 = tpu.memref_slice %arg7[%mul3A_6, %dma_start3A_47] : memref<8192x128xf32, #tpu.memory_space<hbm>> -> memref<128x128xf32, #tpu.memory_space<hbm>>
      %dma_start3A_49 = arith.constant 0 : i32
      %dma_start3A_50 = tpu.memref_slice %arg7[%mul3A_6, %dma_start3A_49] : memref<8192x128xf32, #tpu.memory_space<hbm>> -> memref<128x128xf32, #tpu.memory_space<hbm>>
      tpu.enqueue_dma source(%arg11 : memref<128x128xf32, #tpu.memory_space<vmem>>) target(%dma_start3A_50 : memref<128x128xf32, #tpu.memory_space<hbm>>) target_semaphore(%run_scoped3A : memref<!tpu.dma_semaphore, #tpu.memory_space<semaphore_mem>>)
      %dma_wait3A_51 = arith.constant 0 : i32
      %dma_wait3A_52 = tpu.memref_slice %arg7[%mul3A_6, %dma_wait3A_51] : memref<8192x128xf32, #tpu.memory_space<hbm>> -> memref<128x128xf32, #tpu.memory_space<hbm>>
      %dma_wait3A_53 = arith.constant 0 : i32
      %dma_wait3A_54 = tpu.memref_slice %arg7[%mul3A_6, %dma_wait3A_53] : memref<8192x128xf32, #tpu.memory_space<hbm>> -> memref<128x128xf32, #tpu.memory_space<hbm>>
      tpu.wait_dma2 semaphore(%run_scoped3A : memref<!tpu.dma_semaphore, #tpu.memory_space<semaphore_mem>>) src(%arg11 : memref<128x128xf32, #tpu.memory_space<vmem>>) dst(%dma_wait3A_54 : memref<128x128xf32, #tpu.memory_space<hbm>>)
      tpu.yield
    }) : () -> ()
    "tpu.region"() ({
      %run_scoped3A = tpu.sem_alloc : memref<!tpu.dma_semaphore, #tpu.memory_space<semaphore_mem>>
      %dma_start3A_47 = arith.constant 0 : i32
      %dma_start3A_48 = tpu.memref_slice %arg5[%add3A_4, %dma_start3A_47] : memref<64x128xi32, #tpu.memory_space<hbm>> -> memref<1x128xi32, #tpu.memory_space<hbm>>
      %dma_start3A_49 = tpu.memref_squeeze %dma_start3A_48 : memref<1x128xi32, #tpu.memory_space<hbm>> -> memref<128xi32, #tpu.memory_space<hbm>>
      %dma_start3A_50 = arith.constant 0 : i32
      %dma_start3A_51 = tpu.memref_slice %arg5[%add3A_4, %dma_start3A_50] : memref<64x128xi32, #tpu.memory_space<hbm>> -> memref<1x128xi32, #tpu.memory_space<hbm>>
      %dma_start3A_52 = tpu.memref_squeeze %dma_start3A_51 : memref<1x128xi32, #tpu.memory_space<hbm>> -> memref<128xi32, #tpu.memory_space<hbm>>
      tpu.enqueue_dma source(%dma_start3A_52 : memref<128xi32, #tpu.memory_space<hbm>>) target(%arg10 : memref<128xi32, #tpu.memory_space<vmem>>) target_semaphore(%run_scoped3A : memref<!tpu.dma_semaphore, #tpu.memory_space<semaphore_mem>>)
      %dma_wait3A_53 = arith.constant 0 : i32
      %dma_wait3A_54 = tpu.memref_slice %arg5[%add3A_4, %dma_wait3A_53] : memref<64x128xi32, #tpu.memory_space<hbm>> -> memref<1x128xi32, #tpu.memory_space<hbm>>
      %dma_wait3A_55 = tpu.memref_squeeze %dma_wait3A_54 : memref<1x128xi32, #tpu.memory_space<hbm>> -> memref<128xi32, #tpu.memory_space<hbm>>
      %dma_wait3A_56 = arith.constant 0 : i32
      %dma_wait3A_57 = tpu.memref_slice %arg5[%add3A_4, %dma_wait3A_56] : memref<64x128xi32, #tpu.memory_space<hbm>> -> memref<1x128xi32, #tpu.memory_space<hbm>>
      %dma_wait3A_58 = tpu.memref_squeeze %dma_wait3A_57 : memref<1x128xi32, #tpu.memory_space<hbm>> -> memref<128xi32, #tpu.memory_space<hbm>>
      tpu.wait_dma2 semaphore(%run_scoped3A : memref<!tpu.dma_semaphore, #tpu.memory_space<semaphore_mem>>) src(%dma_wait3A_58 : memref<128xi32, #tpu.memory_space<hbm>>) dst(%arg10 : memref<128xi32, #tpu.memory_space<vmem>>)
      tpu.yield
    }) : () -> ()
    %dma_start3A_11 = arith.constant 0 : i32
    %dma_start3A_12 = arith.constant 0 : i32
    %dma_start3A_13 = tpu.memref_slice %arg3[%dma_start3A_11, %dma_start3A_12] : memref<100x128xf32, #tpu.memory_space<hbm>> -> memref<100x128xf32, #tpu.memory_space<hbm>>
    tpu.enqueue_indirect_dma source(%dma_start3A_13 : memref<100x128xf32, #tpu.memory_space<hbm>>) target(%arg11 : memref<128x128xf32, #tpu.memory_space<vmem>>) offsets(%arg10 : memref<128xi32, #tpu.memory_space<vmem>>) semaphore(%arg12 : memref<!tpu.dma_semaphore, #tpu.memory_space<semaphore_mem>>)
    %dma_wait3A_14 = arith.constant 0 : i32
    %dma_wait3A_15 = arith.constant 0 : i32
    %dma_wait3A_16 = tpu.memref_slice %arg3[%dma_wait3A_14, %dma_wait3A_15] : memref<100x128xf32, #tpu.memory_space<hbm>> -> memref<100x128xf32, #tpu.memory_space<hbm>>
    tpu.wait_indirect_dma semaphore(%arg12 : memref<!tpu.dma_semaphore, #tpu.memory_space<semaphore_mem>>) src(%dma_wait3A_16 : memref<100x128xf32, #tpu.memory_space<hbm>>) dst(%arg11 : memref<128x128xf32, #tpu.memory_space<vmem>>)
    "tpu.region"() ({
      %run_scoped3A = tpu.sem_alloc : memref<!tpu.dma_semaphore, #tpu.memory_space<semaphore_mem>>
      %dma_start3A_47 = arith.constant 0 : i32
      %dma_start3A_48 = tpu.memref_slice %arg8[%mul3A_6, %dma_start3A_47] : memref<8192x128xf32, #tpu.memory_space<hbm>> -> memref<128x128xf32, #tpu.memory_space<hbm>>
      %dma_start3A_49 = arith.constant 0 : i32
      %dma_start3A_50 = tpu.memref_slice %arg8[%mul3A_6, %dma_start3A_49] : memref<8192x128xf32, #tpu.memory_space<hbm>> -> memref<128x128xf32, #tpu.memory_space<hbm>>
      tpu.enqueue_dma source(%arg11 : memref<128x128xf32, #tpu.memory_space<vmem>>) target(%dma_start3A_50 : memref<128x128xf32, #tpu.memory_space<hbm>>) target_semaphore(%run_scoped3A : memref<!tpu.dma_semaphore, #tpu.memory_space<semaphore_mem>>)
      %dma_wait3A_51 = arith.constant 0 : i32
      %dma_wait3A_52 = tpu.memref_slice %arg8[%mul3A_6, %dma_wait3A_51] : memref<8192x128xf32, #tpu.memory_space<hbm>> -> memref<128x128xf32, #tpu.memory_space<hbm>>
      %dma_wait3A_53 = arith.constant 0 : i32
      %dma_wait3A_54 = tpu.memref_slice %arg8[%mul3A_6, %dma_wait3A_53] : memref<8192x128xf32, #tpu.memory_space<hbm>> -> memref<128x128xf32, #tpu.memory_space<hbm>>
      tpu.wait_dma2 semaphore(%run_scoped3A : memref<!tpu.dma_semaphore, #tpu.memory_space<semaphore_mem>>) src(%arg11 : memref<128x128xf32, #tpu.memory_space<vmem>>) dst(%dma_wait3A_54 : memref<128x128xf32, #tpu.memory_space<hbm>>)
      tpu.yield
    }) : () -> ()
    "tpu.region"() ({
      %run_scoped3A = tpu.sem_alloc : memref<!tpu.dma_semaphore, #tpu.memory_space<semaphore_mem>>
      %dma_start3A_47 = arith.constant 0 : i32
      %dma_start3A_48 = tpu.memref_slice %arg6[%add3A_4, %dma_start3A_47] : memref<64x128xi32, #tpu.memory_space<hbm>> -> memref<1x128xi32, #tpu.memory_space<hbm>>
      %dma_start3A_49 = tpu.memref_squeeze %dma_start3A_48 : memref<1x128xi32, #tpu.memory_space<hbm>> -> memref<128xi32, #tpu.memory_space<hbm>>
      %dma_start3A_50 = arith.constant 0 : i32
      %dma_start3A_51 = tpu.memref_slice %arg6[%add3A_4, %dma_start3A_50] : memref<64x128xi32, #tpu.memory_space<hbm>> -> memref<1x128xi32, #tpu.memory_space<hbm>>
      %dma_start3A_52 = tpu.memref_squeeze %dma_start3A_51 : memref<1x128xi32, #tpu.memory_space<hbm>> -> memref<128xi32, #tpu.memory_space<hbm>>
      tpu.enqueue_dma source(%dma_start3A_52 : memref<128xi32, #tpu.memory_space<hbm>>) target(%arg10 : memref<128xi32, #tpu.memory_space<vmem>>) target_semaphore(%run_scoped3A : memref<!tpu.dma_semaphore, #tpu.memory_space<semaphore_mem>>)
      %dma_wait3A_53 = arith.constant 0 : i32
      %dma_wait3A_54 = tpu.memref_slice %arg6[%add3A_4, %dma_wait3A_53] : memref<64x128xi32, #tpu.memory_space<hbm>> -> memref<1x128xi32, #tpu.memory_space<hbm>>
      %dma_wait3A_55 = tpu.memref_squeeze %dma_wait3A_54 : memref<1x128xi32, #tpu.memory_space<hbm>> -> memref<128xi32, #tpu.memory_space<hbm>>
      %dma_wait3A_56 = arith.constant 0 : i32
      %dma_wait3A_57 = tpu.memref_slice %arg6[%add3A_4, %dma_wait3A_56] : memref<64x128xi32, #tpu.memory_space<hbm>> -> memref<1x128xi32, #tpu.memory_space<hbm>>
      %dma_wait3A_58 = tpu.memref_squeeze %dma_wait3A_57 : memref<1x128xi32, #tpu.memory_space<hbm>> -> memref<128xi32, #tpu.memory_space<hbm>>
      tpu.wait_dma2 semaphore(%run_scoped3A : memref<!tpu.dma_semaphore, #tpu.memory_space<semaphore_mem>>) src(%dma_wait3A_58 : memref<128xi32, #tpu.memory_space<hbm>>) dst(%arg10 : memref<128xi32, #tpu.memory_space<vmem>>)
      tpu.yield
    }) : () -> ()
    %dma_start3A_17 = arith.constant 0 : i32
    %dma_start3A_18 = arith.constant 0 : i32
    %dma_start3A_19 = tpu.memref_slice %arg2[%dma_start3A_17, %dma_start3A_18] : memref<10000x128xf32, #tpu.memory_space<hbm>> -> memref<10000x128xf32, #tpu.memory_space<hbm>>
    tpu.enqueue_indirect_dma source(%dma_start3A_19 : memref<10000x128xf32, #tpu.memory_space<hbm>>) target(%arg11 : memref<128x128xf32, #tpu.memory_space<vmem>>) offsets(%arg10 : memref<128xi32, #tpu.memory_space<vmem>>) semaphore(%arg12 : memref<!tpu.dma_semaphore, #tpu.memory_space<semaphore_mem>>)
    %dma_wait3A_20 = arith.constant 0 : i32
    %dma_wait3A_21 = arith.constant 0 : i32
    %dma_wait3A_22 = tpu.memref_slice %arg2[%dma_wait3A_20, %dma_wait3A_21] : memref<10000x128xf32, #tpu.memory_space<hbm>> -> memref<10000x128xf32, #tpu.memory_space<hbm>>
    tpu.wait_indirect_dma semaphore(%arg12 : memref<!tpu.dma_semaphore, #tpu.memory_space<semaphore_mem>>) src(%dma_wait3A_22 : memref<10000x128xf32, #tpu.memory_space<hbm>>) dst(%arg11 : memref<128x128xf32, #tpu.memory_space<vmem>>)
    "tpu.region"() ({
      %run_scoped3A = tpu.sem_alloc : memref<!tpu.dma_semaphore, #tpu.memory_space<semaphore_mem>>
      %dma_start3A_47 = arith.constant 0 : i32
      %dma_start3A_48 = tpu.memref_slice %arg9[%mul3A_6, %dma_start3A_47] : memref<8192x128xf32, #tpu.memory_space<hbm>> -> memref<128x128xf32, #tpu.memory_space<hbm>>
      %dma_start3A_49 = arith.constant 0 : i32
      %dma_start3A_50 = tpu.memref_slice %arg9[%mul3A_6, %dma_start3A_49] : memref<8192x128xf32, #tpu.memory_space<hbm>> -> memref<128x128xf32, #tpu.memory_space<hbm>>
      tpu.enqueue_dma source(%arg11 : memref<128x128xf32, #tpu.memory_space<vmem>>) target(%dma_start3A_50 : memref<128x128xf32, #tpu.memory_space<hbm>>) target_semaphore(%run_scoped3A : memref<!tpu.dma_semaphore, #tpu.memory_space<semaphore_mem>>)
      %dma_wait3A_51 = arith.constant 0 : i32
      %dma_wait3A_52 = tpu.memref_slice %arg9[%mul3A_6, %dma_wait3A_51] : memref<8192x128xf32, #tpu.memory_space<hbm>> -> memref<128x128xf32, #tpu.memory_space<hbm>>
      %dma_wait3A_53 = arith.constant 0 : i32
      %dma_wait3A_54 = tpu.memref_slice %arg9[%mul3A_6, %dma_wait3A_53] : memref<8192x128xf32, #tpu.memory_space<hbm>> -> memref<128x128xf32, #tpu.memory_space<hbm>>
      tpu.wait_dma2 semaphore(%run_scoped3A : memref<!tpu.dma_semaphore, #tpu.memory_space<semaphore_mem>>) src(%arg11 : memref<128x128xf32, #tpu.memory_space<vmem>>) dst(%dma_wait3A_54 : memref<128x128xf32, #tpu.memory_space<hbm>>)
      tpu.yield
    }) : () -> ()
    %mul3A_23 = arith.constant 2 : i32
    %mul3A_24 = arith.muli %add3A, %mul3A_23 : i32
    %add3A_25 = arith.constant 1 : i32
    %add3A_26 = arith.addi %mul3A_24, %add3A_25 : i32
    %mul3A_27 = arith.constant 128 : i32
    %mul3A_28 = arith.muli %add3A_26, %mul3A_27 : i32
    "tpu.region"() ({
      %run_scoped3A = tpu.sem_alloc : memref<!tpu.dma_semaphore, #tpu.memory_space<semaphore_mem>>
      %dma_start3A_47 = arith.constant 0 : i32
      %dma_start3A_48 = tpu.memref_slice %arg4[%add3A_26, %dma_start3A_47] : memref<64x128xi32, #tpu.memory_space<hbm>> -> memref<1x128xi32, #tpu.memory_space<hbm>>
      %dma_start3A_49 = tpu.memref_squeeze %dma_start3A_48 : memref<1x128xi32, #tpu.memory_space<hbm>> -> memref<128xi32, #tpu.memory_space<hbm>>
      %dma_start3A_50 = arith.constant 0 : i32
      %dma_start3A_51 = tpu.memref_slice %arg4[%add3A_26, %dma_start3A_50] : memref<64x128xi32, #tpu.memory_space<hbm>> -> memref<1x128xi32, #tpu.memory_space<hbm>>
      %dma_start3A_52 = tpu.memref_squeeze %dma_start3A_51 : memref<1x128xi32, #tpu.memory_space<hbm>> -> memref<128xi32, #tpu.memory_space<hbm>>
      tpu.enqueue_dma source(%dma_start3A_52 : memref<128xi32, #tpu.memory_space<hbm>>) target(%arg10 : memref<128xi32, #tpu.memory_space<vmem>>) target_semaphore(%run_scoped3A : memref<!tpu.dma_semaphore, #tpu.memory_space<semaphore_mem>>)
      %dma_wait3A_53 = arith.constant 0 : i32
      %dma_wait3A_54 = tpu.memref_slice %arg4[%add3A_26, %dma_wait3A_53] : memref<64x128xi32, #tpu.memory_space<hbm>> -> memref<1x128xi32, #tpu.memory_space<hbm>>
      %dma_wait3A_55 = tpu.memref_squeeze %dma_wait3A_54 : memref<1x128xi32, #tpu.memory_space<hbm>> -> memref<128xi32, #tpu.memory_space<hbm>>
      %dma_wait3A_56 = arith.constant 0 : i32
      %dma_wait3A_57 = tpu.memref_slice %arg4[%add3A_26, %dma_wait3A_56] : memref<64x128xi32, #tpu.memory_space<hbm>> -> memref<1x128xi32, #tpu.memory_space<hbm>>
      %dma_wait3A_58 = tpu.memref_squeeze %dma_wait3A_57 : memref<1x128xi32, #tpu.memory_space<hbm>> -> memref<128xi32, #tpu.memory_space<hbm>>
      tpu.wait_dma2 semaphore(%run_scoped3A : memref<!tpu.dma_semaphore, #tpu.memory_space<semaphore_mem>>) src(%dma_wait3A_58 : memref<128xi32, #tpu.memory_space<hbm>>) dst(%arg10 : memref<128xi32, #tpu.memory_space<vmem>>)
      tpu.yield
    }) : () -> ()
    %dma_start3A_29 = arith.constant 0 : i32
    %dma_start3A_30 = arith.constant 0 : i32
    %dma_start3A_31 = tpu.memref_slice %arg2[%dma_start3A_29, %dma_start3A_30] : memref<10000x128xf32, #tpu.memory_space<hbm>> -> memref<10000x128xf32, #tpu.memory_space<hbm>>
    tpu.enqueue_indirect_dma source(%dma_start3A_31 : memref<10000x128xf32, #tpu.memory_space<hbm>>) target(%arg11 : memref<128x128xf32, #tpu.memory_space<vmem>>) offsets(%arg10 : memref<128xi32, #tpu.memory_space<vmem>>) semaphore(%arg12 : memref<!tpu.dma_semaphore, #tpu.memory_space<semaphore_mem>>)
    %dma_wait3A_32 = arith.constant 0 : i32
    %dma_wait3A_33 = arith.constant 0 : i32
    %dma_wait3A_34 = tpu.memref_slice %arg2[%dma_wait3A_32, %dma_wait3A_33] : memref<10000x128xf32, #tpu.memory_space<hbm>> -> memref<10000x128xf32, #tpu.memory_space<hbm>>
    tpu.wait_indirect_dma semaphore(%arg12 : memref<!tpu.dma_semaphore, #tpu.memory_space<semaphore_mem>>) src(%dma_wait3A_34 : memref<10000x128xf32, #tpu.memory_space<hbm>>) dst(%arg11 : memref<128x128xf32, #tpu.memory_space<vmem>>)
    "tpu.region"() ({
      %run_scoped3A = tpu.sem_alloc : memref<!tpu.dma_semaphore, #tpu.memory_space<semaphore_mem>>
      %dma_start3A_47 = arith.constant 0 : i32
      %dma_start3A_48 = tpu.memref_slice %arg7[%mul3A_28, %dma_start3A_47] : memref<8192x128xf32, #tpu.memory_space<hbm>> -> memref<128x128xf32, #tpu.memory_space<hbm>>
      %dma_start3A_49 = arith.constant 0 : i32
      %dma_start3A_50 = tpu.memref_slice %arg7[%mul3A_28, %dma_start3A_49] : memref<8192x128xf32, #tpu.memory_space<hbm>> -> memref<128x128xf32, #tpu.memory_space<hbm>>
      tpu.enqueue_dma source(%arg11 : memref<128x128xf32, #tpu.memory_space<vmem>>) target(%dma_start3A_50 : memref<128x128xf32, #tpu.memory_space<hbm>>) target_semaphore(%run_scoped3A : memref<!tpu.dma_semaphore, #tpu.memory_space<semaphore_mem>>)
      %dma_wait3A_51 = arith.constant 0 : i32
      %dma_wait3A_52 = tpu.memref_slice %arg7[%mul3A_28, %dma_wait3A_51] : memref<8192x128xf32, #tpu.memory_space<hbm>> -> memref<128x128xf32, #tpu.memory_space<hbm>>
      %dma_wait3A_53 = arith.constant 0 : i32
      %dma_wait3A_54 = tpu.memref_slice %arg7[%mul3A_28, %dma_wait3A_53] : memref<8192x128xf32, #tpu.memory_space<hbm>> -> memref<128x128xf32, #tpu.memory_space<hbm>>
      tpu.wait_dma2 semaphore(%run_scoped3A : memref<!tpu.dma_semaphore, #tpu.memory_space<semaphore_mem>>) src(%arg11 : memref<128x128xf32, #tpu.memory_space<vmem>>) dst(%dma_wait3A_54 : memref<128x128xf32, #tpu.memory_space<hbm>>)
      tpu.yield
    }) : () -> ()
    "tpu.region"() ({
      %run_scoped3A = tpu.sem_alloc : memref<!tpu.dma_semaphore, #tpu.memory_space<semaphore_mem>>
      %dma_start3A_47 = arith.constant 0 : i32
      %dma_start3A_48 = tpu.memref_slice %arg5[%add3A_26, %dma_start3A_47] : memref<64x128xi32, #tpu.memory_space<hbm>> -> memref<1x128xi32, #tpu.memory_space<hbm>>
      %dma_start3A_49 = tpu.memref_squeeze %dma_start3A_48 : memref<1x128xi32, #tpu.memory_space<hbm>> -> memref<128xi32, #tpu.memory_space<hbm>>
      %dma_start3A_50 = arith.constant 0 : i32
      %dma_start3A_51 = tpu.memref_slice %arg5[%add3A_26, %dma_start3A_50] : memref<64x128xi32, #tpu.memory_space<hbm>> -> memref<1x128xi32, #tpu.memory_space<hbm>>
      %dma_start3A_52 = tpu.memref_squeeze %dma_start3A_51 : memref<1x128xi32, #tpu.memory_space<hbm>> -> memref<128xi32, #tpu.memory_space<hbm>>
      tpu.enqueue_dma source(%dma_start3A_52 : memref<128xi32, #tpu.memory_space<hbm>>) target(%arg10 : memref<128xi32, #tpu.memory_space<vmem>>) target_semaphore(%run_scoped3A : memref<!tpu.dma_semaphore, #tpu.memory_space<semaphore_mem>>)
      %dma_wait3A_53 = arith.constant 0 : i32
      %dma_wait3A_54 = tpu.memref_slice %arg5[%add3A_26, %dma_wait3A_53] : memref<64x128xi32, #tpu.memory_space<hbm>> -> memref<1x128xi32, #tpu.memory_space<hbm>>
      %dma_wait3A_55 = tpu.memref_squeeze %dma_wait3A_54 : memref<1x128xi32, #tpu.memory_space<hbm>> -> memref<128xi32, #tpu.memory_space<hbm>>
      %dma_wait3A_56 = arith.constant 0 : i32
      %dma_wait3A_57 = tpu.memref_slice %arg5[%add3A_26, %dma_wait3A_56] : memref<64x128xi32, #tpu.memory_space<hbm>> -> memref<1x128xi32, #tpu.memory_space<hbm>>
      %dma_wait3A_58 = tpu.memref_squeeze %dma_wait3A_57 : memref<1x128xi32, #tpu.memory_space<hbm>> -> memref<128xi32, #tpu.memory_space<hbm>>
      tpu.wait_dma2 semaphore(%run_scoped3A : memref<!tpu.dma_semaphore, #tpu.memory_space<semaphore_mem>>) src(%dma_wait3A_58 : memref<128xi32, #tpu.memory_space<hbm>>) dst(%arg10 : memref<128xi32, #tpu.memory_space<vmem>>)
      tpu.yield
    }) : () -> ()
    %dma_start3A_35 = arith.constant 0 : i32
    %dma_start3A_36 = arith.constant 0 : i32
    %dma_start3A_37 = tpu.memref_slice %arg3[%dma_start3A_35, %dma_start3A_36] : memref<100x128xf32, #tpu.memory_space<hbm>> -> memref<100x128xf32, #tpu.memory_space<hbm>>
    tpu.enqueue_indirect_dma source(%dma_start3A_37 : memref<100x128xf32, #tpu.memory_space<hbm>>) target(%arg11 : memref<128x128xf32, #tpu.memory_space<vmem>>) offsets(%arg10 : memref<128xi32, #tpu.memory_space<vmem>>) semaphore(%arg12 : memref<!tpu.dma_semaphore, #tpu.memory_space<semaphore_mem>>)
    %dma_wait3A_38 = arith.constant 0 : i32
    %dma_wait3A_39 = arith.constant 0 : i32
    %dma_wait3A_40 = tpu.memref_slice %arg3[%dma_wait3A_38, %dma_wait3A_39] : memref<100x128xf32, #tpu.memory_space<hbm>> -> memref<100x128xf32, #tpu.memory_space<hbm>>
    tpu.wait_indirect_dma semaphore(%arg12 : memref<!tpu.dma_semaphore, #tpu.memory_space<semaphore_mem>>) src(%dma_wait3A_40 : memref<100x128xf32, #tpu.memory_space<hbm>>) dst(%arg11 : memref<128x128xf32, #tpu.memory_space<vmem>>)
    "tpu.region"() ({
      %run_scoped3A = tpu.sem_alloc : memref<!tpu.dma_semaphore, #tpu.memory_space<semaphore_mem>>
      %dma_start3A_47 = arith.constant 0 : i32
      %dma_start3A_48 = tpu.memref_slice %arg8[%mul3A_28, %dma_start3A_47] : memref<8192x128xf32, #tpu.memory_space<hbm>> -> memref<128x128xf32, #tpu.memory_space<hbm>>
      %dma_start3A_49 = arith.constant 0 : i32
      %dma_start3A_50 = tpu.memref_slice %arg8[%mul3A_28, %dma_start3A_49] : memref<8192x128xf32, #tpu.memory_space<hbm>> -> memref<128x128xf32, #tpu.memory_space<hbm>>
      tpu.enqueue_dma source(%arg11 : memref<128x128xf32, #tpu.memory_space<vmem>>) target(%dma_start3A_50 : memref<128x128xf32, #tpu.memory_space<hbm>>) target_semaphore(%run_scoped3A : memref<!tpu.dma_semaphore, #tpu.memory_space<semaphore_mem>>)
      %dma_wait3A_51 = arith.constant 0 : i32
      %dma_wait3A_52 = tpu.memref_slice %arg8[%mul3A_28, %dma_wait3A_51] : memref<8192x128xf32, #tpu.memory_space<hbm>> -> memref<128x128xf32, #tpu.memory_space<hbm>>
      %dma_wait3A_53 = arith.constant 0 : i32
      %dma_wait3A_54 = tpu.memref_slice %arg8[%mul3A_28, %dma_wait3A_53] : memref<8192x128xf32, #tpu.memory_space<hbm>> -> memref<128x128xf32, #tpu.memory_space<hbm>>
      tpu.wait_dma2 semaphore(%run_scoped3A : memref<!tpu.dma_semaphore, #tpu.memory_space<semaphore_mem>>) src(%arg11 : memref<128x128xf32, #tpu.memory_space<vmem>>) dst(%dma_wait3A_54 : memref<128x128xf32, #tpu.memory_space<hbm>>)
      tpu.yield
    }) : () -> ()
    "tpu.region"() ({
      %run_scoped3A = tpu.sem_alloc : memref<!tpu.dma_semaphore, #tpu.memory_space<semaphore_mem>>
      %dma_start3A_47 = arith.constant 0 : i32
      %dma_start3A_48 = tpu.memref_slice %arg6[%add3A_26, %dma_start3A_47] : memref<64x128xi32, #tpu.memory_space<hbm>> -> memref<1x128xi32, #tpu.memory_space<hbm>>
      %dma_start3A_49 = tpu.memref_squeeze %dma_start3A_48 : memref<1x128xi32, #tpu.memory_space<hbm>> -> memref<128xi32, #tpu.memory_space<hbm>>
      %dma_start3A_50 = arith.constant 0 : i32
      %dma_start3A_51 = tpu.memref_slice %arg6[%add3A_26, %dma_start3A_50] : memref<64x128xi32, #tpu.memory_space<hbm>> -> memref<1x128xi32, #tpu.memory_space<hbm>>
      %dma_start3A_52 = tpu.memref_squeeze %dma_start3A_51 : memref<1x128xi32, #tpu.memory_space<hbm>> -> memref<128xi32, #tpu.memory_space<hbm>>
      tpu.enqueue_dma source(%dma_start3A_52 : memref<128xi32, #tpu.memory_space<hbm>>) target(%arg10 : memref<128xi32, #tpu.memory_space<vmem>>) target_semaphore(%run_scoped3A : memref<!tpu.dma_semaphore, #tpu.memory_space<semaphore_mem>>)
      %dma_wait3A_53 = arith.constant 0 : i32
      %dma_wait3A_54 = tpu.memref_slice %arg6[%add3A_26, %dma_wait3A_53] : memref<64x128xi32, #tpu.memory_space<hbm>> -> memref<1x128xi32, #tpu.memory_space<hbm>>
      %dma_wait3A_55 = tpu.memref_squeeze %dma_wait3A_54 : memref<1x128xi32, #tpu.memory_space<hbm>> -> memref<128xi32, #tpu.memory_space<hbm>>
      %dma_wait3A_56 = arith.constant 0 : i32
      %dma_wait3A_57 = tpu.memref_slice %arg6[%add3A_26, %dma_wait3A_56] : memref<64x128xi32, #tpu.memory_space<hbm>> -> memref<1x128xi32, #tpu.memory_space<hbm>>
      %dma_wait3A_58 = tpu.memref_squeeze %dma_wait3A_57 : memref<1x128xi32, #tpu.memory_space<hbm>> -> memref<128xi32, #tpu.memory_space<hbm>>
      tpu.wait_dma2 semaphore(%run_scoped3A : memref<!tpu.dma_semaphore, #tpu.memory_space<semaphore_mem>>) src(%dma_wait3A_58 : memref<128xi32, #tpu.memory_space<hbm>>) dst(%arg10 : memref<128xi32, #tpu.memory_space<vmem>>)
      tpu.yield
    }) : () -> ()
    %dma_start3A_41 = arith.constant 0 : i32
    %dma_start3A_42 = arith.constant 0 : i32
    %dma_start3A_43 = tpu.memref_slice %arg2[%dma_start3A_41, %dma_start3A_42] : memref<10000x128xf32, #tpu.memory_space<hbm>> -> memref<10000x128xf32, #tpu.memory_space<hbm>>
    tpu.enqueue_indirect_dma source(%dma_start3A_43 : memref<10000x128xf32, #tpu.memory_space<hbm>>) target(%arg11 : memref<128x128xf32, #tpu.memory_space<vmem>>) offsets(%arg10 : memref<128xi32, #tpu.memory_space<vmem>>) semaphore(%arg12 : memref<!tpu.dma_semaphore, #tpu.memory_space<semaphore_mem>>)
    %dma_wait3A_44 = arith.constant 0 : i32
    %dma_wait3A_45 = arith.constant 0 : i32
    %dma_wait3A_46 = tpu.memref_slice %arg2[%dma_wait3A_44, %dma_wait3A_45] : memref<10000x128xf32, #tpu.memory_space<hbm>> -> memref<10000x128xf32, #tpu.memory_space<hbm>>
    tpu.wait_indirect_dma semaphore(%arg12 : memref<!tpu.dma_semaphore, #tpu.memory_space<semaphore_mem>>) src(%dma_wait3A_46 : memref<10000x128xf32, #tpu.memory_space<hbm>>) dst(%arg11 : memref<128x128xf32, #tpu.memory_space<vmem>>)
    "tpu.region"() ({
      %run_scoped3A = tpu.sem_alloc : memref<!tpu.dma_semaphore, #tpu.memory_space<semaphore_mem>>
      %dma_start3A_47 = arith.constant 0 : i32
      %dma_start3A_48 = tpu.memref_slice %arg9[%mul3A_28, %dma_start3A_47] : memref<8192x128xf32, #tpu.memory_space<hbm>> -> memref<128x128xf32, #tpu.memory_space<hbm>>
      %dma_start3A_49 = arith.constant 0 : i32
      %dma_start3A_50 = tpu.memref_slice %arg9[%mul3A_28, %dma_start3A_49] : memref<8192x128xf32, #tpu.memory_space<hbm>> -> memref<128x128xf32, #tpu.memory_space<hbm>>
      tpu.enqueue_dma source(%arg11 : memref<128x128xf32, #tpu.memory_space<vmem>>) target(%dma_start3A_50 : memref<128x128xf32, #tpu.memory_space<hbm>>) target_semaphore(%run_scoped3A : memref<!tpu.dma_semaphore, #tpu.memory_space<semaphore_mem>>)
      %dma_wait3A_51 = arith.constant 0 : i32
      %dma_wait3A_52 = tpu.memref_slice %arg9[%mul3A_28, %dma_wait3A_51] : memref<8192x128xf32, #tpu.memory_space<hbm>> -> memref<128x128xf32, #tpu.memory_space<hbm>>
      %dma_wait3A_53 = arith.constant 0 : i32
      %dma_wait3A_54 = tpu.memref_slice %arg9[%mul3A_28, %dma_wait3A_53] : memref<8192x128xf32, #tpu.memory_space<hbm>> -> memref<128x128xf32, #tpu.memory_space<hbm>>
      tpu.wait_dma2 semaphore(%run_scoped3A : memref<!tpu.dma_semaphore, #tpu.memory_space<semaphore_mem>>) src(%arg11 : memref<128x128xf32, #tpu.memory_space<vmem>>) dst(%dma_wait3A_54 : memref<128x128xf32, #tpu.memory_space<hbm>>)
      tpu.yield
    }) : () -> ()
    return
  }
}

#map = affine_map<(d0, d1) -> (0, 0)>
#map1 = affine_map<(d0, d1) -> (0, 0, 0)>
module attributes {stable_mosaic.version = 14 : i64} {
  func.func @_sc_aggregate_body(%arg0: i32, %arg1: i32, %arg2: memref<90000x128xf32, #tpu.memory_space<hbm>>, %arg3: memref<32x128x80xi32, #tpu.memory_space<hbm>>, %arg4: memref<32x128x80xi32, #tpu.memory_space<hbm>>, %arg5: memref<640x128xf32, #tpu.memory_space<hbm>>, %arg6: memref<2x10000x128xf32, #tpu.memory_space<hbm>>, %arg7: memref<32x80xi32, #tpu.memory_space<vmem>>, %arg8: memref<32x80xi32, #tpu.memory_space<vmem>>, %arg9: memref<80x128xf32, #tpu.memory_space<vmem>>, %arg10: memref<80x128xf32, #tpu.memory_space<vmem>>, %arg11: memref<80x128xf32, #tpu.memory_space<vmem>>, %arg12: memref<80x128xf32, #tpu.memory_space<vmem>>, %arg13: memref<10240x128xf32, #tpu.memory_space<vmem_shared>>, %arg14: memref<!tpu.dma_semaphore, #tpu.memory_space<semaphore_mem>>, %arg15: memref<!tpu.dma_semaphore, #tpu.memory_space<semaphore_mem>>, %arg16: memref<!tpu.dma_semaphore, #tpu.memory_space<semaphore_mem>>, %arg17: memref<!tpu.dma_semaphore, #tpu.memory_space<semaphore_mem>>) attributes {dimension_semantics = [#tpu.dimension_semantics<core_parallel>, #tpu.dimension_semantics<subcore_parallel>], iteration_bounds = array<i64: 2, 16>, scalar_prefetch = 0 : i64, scratch_operands = 11 : i64, tpu.core_type = #tpu.core_type<sc_vector_subcore>, window_params = [{transform_indices = #map}, {transform_indices = #map1}, {transform_indices = #map1}, {transform_indices = #map}, {transform_indices = #map1}]} {
    %mul3A = arith.constant 16 : i32
    %mul3A_0 = arith.muli %arg0, %mul3A : i32
    %add3A = arith.addi %mul3A_0, %arg1 : i32
    %mul3A_1 = arith.constant 640 : i32
    %mul3A_2 = arith.muli %arg1, %mul3A_1 : i32
    "tpu.region"() ({
      %run_scoped3A_270 = tpu.sem_alloc : memref<!tpu.dma_semaphore, #tpu.memory_space<semaphore_mem>>
      %dma_start3A_271 = arith.constant 0 : i32
      %dma_start3A_272 = tpu.memref_slice %arg13[%mul3A_2, %dma_start3A_271] : memref<10240x128xf32, #tpu.memory_space<vmem_shared>> -> memref<640x128xf32, #tpu.memory_space<vmem_shared>>
      tpu.enqueue_dma source(%arg5 : memref<640x128xf32, #tpu.memory_space<hbm>>) target(%dma_start3A_272 : memref<640x128xf32, #tpu.memory_space<vmem_shared>>) target_semaphore(%run_scoped3A_270 : memref<!tpu.dma_semaphore, #tpu.memory_space<semaphore_mem>>)
      %dma_wait3A_273 = arith.constant 0 : i32
      %dma_wait3A_274 = tpu.memref_slice %arg13[%mul3A_2, %dma_wait3A_273] : memref<10240x128xf32, #tpu.memory_space<vmem_shared>> -> memref<640x128xf32, #tpu.memory_space<vmem_shared>>
      tpu.wait_dma2 semaphore(%run_scoped3A_270 : memref<!tpu.dma_semaphore, #tpu.memory_space<semaphore_mem>>) src(%arg5 : memref<640x128xf32, #tpu.memory_space<hbm>>) dst(%dma_wait3A_274 : memref<640x128xf32, #tpu.memory_space<vmem_shared>>)
      tpu.yield
    }) : () -> ()
    %barrier3A = arith.constant 0 : index
    tpu.barrier barrier_id(%barrier3A)
    "tpu.region"() ({
      %run_scoped3A_270 = tpu.sem_alloc : memref<!tpu.dma_semaphore, #tpu.memory_space<semaphore_mem>>
      %dma_start3A_271 = arith.constant 0 : i32
      %dma_start3A_272 = arith.constant 0 : i32
      %dma_start3A_273 = tpu.memref_slice %arg3[%add3A, %dma_start3A_271, %dma_start3A_272] : memref<32x128x80xi32, #tpu.memory_space<hbm>> -> memref<1x32x80xi32, #tpu.memory_space<hbm>>
      %dma_start3A_274 = tpu.memref_squeeze %dma_start3A_273 : memref<1x32x80xi32, #tpu.memory_space<hbm>> -> memref<32x80xi32, #tpu.memory_space<hbm>>
      %dma_start3A_275 = arith.constant 0 : i32
      %dma_start3A_276 = arith.constant 0 : i32
      %dma_start3A_277 = tpu.memref_slice %arg3[%add3A, %dma_start3A_275, %dma_start3A_276] : memref<32x128x80xi32, #tpu.memory_space<hbm>> -> memref<1x32x80xi32, #tpu.memory_space<hbm>>
      %dma_start3A_278 = tpu.memref_squeeze %dma_start3A_277 : memref<1x32x80xi32, #tpu.memory_space<hbm>> -> memref<32x80xi32, #tpu.memory_space<hbm>>
      tpu.enqueue_dma source(%dma_start3A_278 : memref<32x80xi32, #tpu.memory_space<hbm>>) target(%arg7 : memref<32x80xi32, #tpu.memory_space<vmem>>) target_semaphore(%run_scoped3A_270 : memref<!tpu.dma_semaphore, #tpu.memory_space<semaphore_mem>>)
      %dma_wait3A_279 = arith.constant 0 : i32
      %dma_wait3A_280 = arith.constant 0 : i32
      %dma_wait3A_281 = tpu.memref_slice %arg3[%add3A, %dma_wait3A_279, %dma_wait3A_280] : memref<32x128x80xi32, #tpu.memory_space<hbm>> -> memref<1x32x80xi32, #tpu.memory_space<hbm>>
      %dma_wait3A_282 = tpu.memref_squeeze %dma_wait3A_281 : memref<1x32x80xi32, #tpu.memory_space<hbm>> -> memref<32x80xi32, #tpu.memory_space<hbm>>
      %dma_wait3A_283 = arith.constant 0 : i32
      %dma_wait3A_284 = arith.constant 0 : i32
      %dma_wait3A_285 = tpu.memref_slice %arg3[%add3A, %dma_wait3A_283, %dma_wait3A_284] : memref<32x128x80xi32, #tpu.memory_space<hbm>> -> memref<1x32x80xi32, #tpu.memory_space<hbm>>
      %dma_wait3A_286 = tpu.memref_squeeze %dma_wait3A_285 : memref<1x32x80xi32, #tpu.memory_space<hbm>> -> memref<32x80xi32, #tpu.memory_space<hbm>>
      tpu.wait_dma2 semaphore(%run_scoped3A_270 : memref<!tpu.dma_semaphore, #tpu.memory_space<semaphore_mem>>) src(%dma_wait3A_286 : memref<32x80xi32, #tpu.memory_space<hbm>>) dst(%arg7 : memref<32x80xi32, #tpu.memory_space<vmem>>)
      tpu.yield
    }) : () -> ()
    "tpu.region"() ({
      %run_scoped3A_270 = tpu.sem_alloc : memref<!tpu.dma_semaphore, #tpu.memory_space<semaphore_mem>>
      %dma_start3A_271 = arith.constant 0 : i32
      %dma_start3A_272 = arith.constant 0 : i32
      %dma_start3A_273 = tpu.memref_slice %arg4[%add3A, %dma_start3A_271, %dma_start3A_272] : memref<32x128x80xi32, #tpu.memory_space<hbm>> -> memref<1x32x80xi32, #tpu.memory_space<hbm>>
      %dma_start3A_274 = tpu.memref_squeeze %dma_start3A_273 : memref<1x32x80xi32, #tpu.memory_space<hbm>> -> memref<32x80xi32, #tpu.memory_space<hbm>>
      %dma_start3A_275 = arith.constant 0 : i32
      %dma_start3A_276 = arith.constant 0 : i32
      %dma_start3A_277 = tpu.memref_slice %arg4[%add3A, %dma_start3A_275, %dma_start3A_276] : memref<32x128x80xi32, #tpu.memory_space<hbm>> -> memref<1x32x80xi32, #tpu.memory_space<hbm>>
      %dma_start3A_278 = tpu.memref_squeeze %dma_start3A_277 : memref<1x32x80xi32, #tpu.memory_space<hbm>> -> memref<32x80xi32, #tpu.memory_space<hbm>>
      tpu.enqueue_dma source(%dma_start3A_278 : memref<32x80xi32, #tpu.memory_space<hbm>>) target(%arg8 : memref<32x80xi32, #tpu.memory_space<vmem>>) target_semaphore(%run_scoped3A_270 : memref<!tpu.dma_semaphore, #tpu.memory_space<semaphore_mem>>)
      %dma_wait3A_279 = arith.constant 0 : i32
      %dma_wait3A_280 = arith.constant 0 : i32
      %dma_wait3A_281 = tpu.memref_slice %arg4[%add3A, %dma_wait3A_279, %dma_wait3A_280] : memref<32x128x80xi32, #tpu.memory_space<hbm>> -> memref<1x32x80xi32, #tpu.memory_space<hbm>>
      %dma_wait3A_282 = tpu.memref_squeeze %dma_wait3A_281 : memref<1x32x80xi32, #tpu.memory_space<hbm>> -> memref<32x80xi32, #tpu.memory_space<hbm>>
      %dma_wait3A_283 = arith.constant 0 : i32
      %dma_wait3A_284 = arith.constant 0 : i32
      %dma_wait3A_285 = tpu.memref_slice %arg4[%add3A, %dma_wait3A_283, %dma_wait3A_284] : memref<32x128x80xi32, #tpu.memory_space<hbm>> -> memref<1x32x80xi32, #tpu.memory_space<hbm>>
      %dma_wait3A_286 = tpu.memref_squeeze %dma_wait3A_285 : memref<1x32x80xi32, #tpu.memory_space<hbm>> -> memref<32x80xi32, #tpu.memory_space<hbm>>
      tpu.wait_dma2 semaphore(%run_scoped3A_270 : memref<!tpu.dma_semaphore, #tpu.memory_space<semaphore_mem>>) src(%dma_wait3A_286 : memref<32x80xi32, #tpu.memory_space<hbm>>) dst(%arg8 : memref<32x80xi32, #tpu.memory_space<vmem>>)
      tpu.yield
    }) : () -> ()
    %dma_start3A = arith.constant 0 : i32
    %dma_start3A_3 = arith.constant 0 : i32
    %dma_start3A_4 = tpu.memref_slice %arg7[%dma_start3A, %dma_start3A_3] : memref<32x80xi32, #tpu.memory_space<vmem>> -> memref<1x80xi32, #tpu.memory_space<vmem>>
    %dma_start3A_5 = tpu.memref_squeeze %dma_start3A_4 : memref<1x80xi32, #tpu.memory_space<vmem>> -> memref<80xi32, #tpu.memory_space<vmem>>
    %dma_start3A_6 = arith.constant 0 : i32
    %dma_start3A_7 = arith.constant 0 : i32
    %dma_start3A_8 = tpu.memref_slice %arg2[%dma_start3A_6, %dma_start3A_7] : memref<90000x128xf32, #tpu.memory_space<hbm>> -> memref<90000x128xf32, #tpu.memory_space<hbm>>
    tpu.enqueue_indirect_dma source(%dma_start3A_8 : memref<90000x128xf32, #tpu.memory_space<hbm>>) target(%arg9 : memref<80x128xf32, #tpu.memory_space<vmem>>) offsets(%dma_start3A_5 : memref<80xi32, #tpu.memory_space<vmem>>) semaphore(%arg14 : memref<!tpu.dma_semaphore, #tpu.memory_space<semaphore_mem>>)
    %dma_start3A_9 = arith.constant 1 : i32
    %dma_start3A_10 = arith.constant 0 : i32
    %dma_start3A_11 = tpu.memref_slice %arg7[%dma_start3A_9, %dma_start3A_10] : memref<32x80xi32, #tpu.memory_space<vmem>> -> memref<1x80xi32, #tpu.memory_space<vmem>>
    %dma_start3A_12 = tpu.memref_squeeze %dma_start3A_11 : memref<1x80xi32, #tpu.memory_space<vmem>> -> memref<80xi32, #tpu.memory_space<vmem>>
    %dma_start3A_13 = arith.constant 0 : i32
    %dma_start3A_14 = arith.constant 0 : i32
    %dma_start3A_15 = tpu.memref_slice %arg2[%dma_start3A_13, %dma_start3A_14] : memref<90000x128xf32, #tpu.memory_space<hbm>> -> memref<90000x128xf32, #tpu.memory_space<hbm>>
    tpu.enqueue_indirect_dma source(%dma_start3A_15 : memref<90000x128xf32, #tpu.memory_space<hbm>>) target(%arg10 : memref<80x128xf32, #tpu.memory_space<vmem>>) offsets(%dma_start3A_12 : memref<80xi32, #tpu.memory_space<vmem>>) semaphore(%arg15 : memref<!tpu.dma_semaphore, #tpu.memory_space<semaphore_mem>>)
    %dma_start3A_16 = arith.constant 2 : i32
    %dma_start3A_17 = arith.constant 0 : i32
    %dma_start3A_18 = tpu.memref_slice %arg7[%dma_start3A_16, %dma_start3A_17] : memref<32x80xi32, #tpu.memory_space<vmem>> -> memref<1x80xi32, #tpu.memory_space<vmem>>
    %dma_start3A_19 = tpu.memref_squeeze %dma_start3A_18 : memref<1x80xi32, #tpu.memory_space<vmem>> -> memref<80xi32, #tpu.memory_space<vmem>>
    %dma_start3A_20 = arith.constant 0 : i32
    %dma_start3A_21 = arith.constant 0 : i32
    %dma_start3A_22 = tpu.memref_slice %arg2[%dma_start3A_20, %dma_start3A_21] : memref<90000x128xf32, #tpu.memory_space<hbm>> -> memref<90000x128xf32, #tpu.memory_space<hbm>>
    tpu.enqueue_indirect_dma source(%dma_start3A_22 : memref<90000x128xf32, #tpu.memory_space<hbm>>) target(%arg11 : memref<80x128xf32, #tpu.memory_space<vmem>>) offsets(%dma_start3A_19 : memref<80xi32, #tpu.memory_space<vmem>>) semaphore(%arg16 : memref<!tpu.dma_semaphore, #tpu.memory_space<semaphore_mem>>)
    %dma_start3A_23 = arith.constant 3 : i32
    %dma_start3A_24 = arith.constant 0 : i32
    %dma_start3A_25 = tpu.memref_slice %arg7[%dma_start3A_23, %dma_start3A_24] : memref<32x80xi32, #tpu.memory_space<vmem>> -> memref<1x80xi32, #tpu.memory_space<vmem>>
    %dma_start3A_26 = tpu.memref_squeeze %dma_start3A_25 : memref<1x80xi32, #tpu.memory_space<vmem>> -> memref<80xi32, #tpu.memory_space<vmem>>
    %dma_start3A_27 = arith.constant 0 : i32
    %dma_start3A_28 = arith.constant 0 : i32
    %dma_start3A_29 = tpu.memref_slice %arg2[%dma_start3A_27, %dma_start3A_28] : memref<90000x128xf32, #tpu.memory_space<hbm>> -> memref<90000x128xf32, #tpu.memory_space<hbm>>
    tpu.enqueue_indirect_dma source(%dma_start3A_29 : memref<90000x128xf32, #tpu.memory_space<hbm>>) target(%arg12 : memref<80x128xf32, #tpu.memory_space<vmem>>) offsets(%dma_start3A_26 : memref<80xi32, #tpu.memory_space<vmem>>) semaphore(%arg17 : memref<!tpu.dma_semaphore, #tpu.memory_space<semaphore_mem>>)
    %scan3A = arith.constant 0 : i32
    %scan3A_30 = arith.constant 0 : i32
    %scan3A_31 = arith.constant 7 : i32
    %scan3A_32 = arith.addi %scan3A_30, %scan3A_31 : i32
    %scan3A_33 = arith.constant 1 : i32
    scf.for %scan3A_270 = %scan3A_30 to %scan3A_32 step %scan3A_33  : i32 {
      %mul3A_271 = arith.constant 4 : i32
      %mul3A_272 = arith.muli %scan3A_270, %mul3A_271 : i32
      %add3A_273 = arith.constant 0 : i32
      %add3A_274 = arith.addi %mul3A_272, %add3A_273 : i32
      %dma_wait3A_275 = arith.constant 0 : i32
      %dma_wait3A_276 = tpu.memref_slice %arg7[%add3A_274, %dma_wait3A_275] : memref<32x80xi32, #tpu.memory_space<vmem>> -> memref<1x80xi32, #tpu.memory_space<vmem>>
      %dma_wait3A_277 = tpu.memref_squeeze %dma_wait3A_276 : memref<1x80xi32, #tpu.memory_space<vmem>> -> memref<80xi32, #tpu.memory_space<vmem>>
      %dma_wait3A_278 = arith.constant 0 : i32
      %dma_wait3A_279 = arith.constant 0 : i32
      %dma_wait3A_280 = tpu.memref_slice %arg2[%dma_wait3A_278, %dma_wait3A_279] : memref<90000x128xf32, #tpu.memory_space<hbm>> -> memref<90000x128xf32, #tpu.memory_space<hbm>>
      tpu.wait_indirect_dma semaphore(%arg14 : memref<!tpu.dma_semaphore, #tpu.memory_space<semaphore_mem>>) src(%dma_wait3A_280 : memref<90000x128xf32, #tpu.memory_space<hbm>>) dst(%arg9 : memref<80x128xf32, #tpu.memory_space<vmem>>)
      "tpu.region"() ({
        %run_scoped3A_343 = tpu.sem_alloc : memref<!tpu.dma_semaphore, #tpu.memory_space<semaphore_mem>>
        %dma_start3A_344 = arith.constant 0 : i32
        %dma_start3A_345 = tpu.memref_slice %arg8[%add3A_274, %dma_start3A_344] : memref<32x80xi32, #tpu.memory_space<vmem>> -> memref<1x80xi32, #tpu.memory_space<vmem>>
        %dma_start3A_346 = tpu.memref_squeeze %dma_start3A_345 : memref<1x80xi32, #tpu.memory_space<vmem>> -> memref<80xi32, #tpu.memory_space<vmem>>
        %dma_start3A_347 = arith.constant 0 : i32
        %dma_start3A_348 = arith.constant 0 : i32
        %dma_start3A_349 = tpu.memref_slice %arg13[%dma_start3A_347, %dma_start3A_348] : memref<10240x128xf32, #tpu.memory_space<vmem_shared>> -> memref<10240x128xf32, #tpu.memory_space<vmem_shared>>
        tpu.enqueue_indirect_dma source(%arg9 : memref<80x128xf32, #tpu.memory_space<vmem>>) target(%dma_start3A_349 : memref<10240x128xf32, #tpu.memory_space<vmem_shared>>) offsets(%dma_start3A_346 : memref<80xi32, #tpu.memory_space<vmem>>) semaphore(%run_scoped3A_343 : memref<!tpu.dma_semaphore, #tpu.memory_space<semaphore_mem>>) {add = true}
        %dma_wait3A_350 = arith.constant 0 : i32
        %dma_wait3A_351 = tpu.memref_slice %arg8[%add3A_274, %dma_wait3A_350] : memref<32x80xi32, #tpu.memory_space<vmem>> -> memref<1x80xi32, #tpu.memory_space<vmem>>
        %dma_wait3A_352 = tpu.memref_squeeze %dma_wait3A_351 : memref<1x80xi32, #tpu.memory_space<vmem>> -> memref<80xi32, #tpu.memory_space<vmem>>
        %dma_wait3A_353 = arith.constant 0 : i32
        %dma_wait3A_354 = arith.constant 0 : i32
        %dma_wait3A_355 = tpu.memref_slice %arg13[%dma_wait3A_353, %dma_wait3A_354] : memref<10240x128xf32, #tpu.memory_space<vmem_shared>> -> memref<10240x128xf32, #tpu.memory_space<vmem_shared>>
        tpu.wait_indirect_dma semaphore(%run_scoped3A_343 : memref<!tpu.dma_semaphore, #tpu.memory_space<semaphore_mem>>) src(%arg9 : memref<80x128xf32, #tpu.memory_space<vmem>>) dst(%dma_wait3A_355 : memref<10240x128xf32, #tpu.memory_space<vmem_shared>>)
        tpu.yield
      }) : () -> ()
      %add3A_281 = arith.constant 4 : i32
      %add3A_282 = arith.addi %add3A_274, %add3A_281 : i32
      %dma_start3A_283 = arith.constant 0 : i32
      %dma_start3A_284 = tpu.memref_slice %arg7[%add3A_282, %dma_start3A_283] : memref<32x80xi32, #tpu.memory_space<vmem>> -> memref<1x80xi32, #tpu.memory_space<vmem>>
      %dma_start3A_285 = tpu.memref_squeeze %dma_start3A_284 : memref<1x80xi32, #tpu.memory_space<vmem>> -> memref<80xi32, #tpu.memory_space<vmem>>
      %dma_start3A_286 = arith.constant 0 : i32
      %dma_start3A_287 = arith.constant 0 : i32
      %dma_start3A_288 = tpu.memref_slice %arg2[%dma_start3A_286, %dma_start3A_287] : memref<90000x128xf32, #tpu.memory_space<hbm>> -> memref<90000x128xf32, #tpu.memory_space<hbm>>
      tpu.enqueue_indirect_dma source(%dma_start3A_288 : memref<90000x128xf32, #tpu.memory_space<hbm>>) target(%arg9 : memref<80x128xf32, #tpu.memory_space<vmem>>) offsets(%dma_start3A_285 : memref<80xi32, #tpu.memory_space<vmem>>) semaphore(%arg14 : memref<!tpu.dma_semaphore, #tpu.memory_space<semaphore_mem>>)
      %mul3A_289 = arith.constant 4 : i32
      %mul3A_290 = arith.muli %scan3A_270, %mul3A_289 : i32
      %add3A_291 = arith.constant 1 : i32
      %add3A_292 = arith.addi %mul3A_290, %add3A_291 : i32
      %dma_wait3A_293 = arith.constant 0 : i32
      %dma_wait3A_294 = tpu.memref_slice %arg7[%add3A_292, %dma_wait3A_293] : memref<32x80xi32, #tpu.memory_space<vmem>> -> memref<1x80xi32, #tpu.memory_space<vmem>>
      %dma_wait3A_295 = tpu.memref_squeeze %dma_wait3A_294 : memref<1x80xi32, #tpu.memory_space<vmem>> -> memref<80xi32, #tpu.memory_space<vmem>>
      %dma_wait3A_296 = arith.constant 0 : i32
      %dma_wait3A_297 = arith.constant 0 : i32
      %dma_wait3A_298 = tpu.memref_slice %arg2[%dma_wait3A_296, %dma_wait3A_297] : memref<90000x128xf32, #tpu.memory_space<hbm>> -> memref<90000x128xf32, #tpu.memory_space<hbm>>
      tpu.wait_indirect_dma semaphore(%arg15 : memref<!tpu.dma_semaphore, #tpu.memory_space<semaphore_mem>>) src(%dma_wait3A_298 : memref<90000x128xf32, #tpu.memory_space<hbm>>) dst(%arg10 : memref<80x128xf32, #tpu.memory_space<vmem>>)
      "tpu.region"() ({
        %run_scoped3A_343 = tpu.sem_alloc : memref<!tpu.dma_semaphore, #tpu.memory_space<semaphore_mem>>
        %dma_start3A_344 = arith.constant 0 : i32
        %dma_start3A_345 = tpu.memref_slice %arg8[%add3A_292, %dma_start3A_344] : memref<32x80xi32, #tpu.memory_space<vmem>> -> memref<1x80xi32, #tpu.memory_space<vmem>>
        %dma_start3A_346 = tpu.memref_squeeze %dma_start3A_345 : memref<1x80xi32, #tpu.memory_space<vmem>> -> memref<80xi32, #tpu.memory_space<vmem>>
        %dma_start3A_347 = arith.constant 0 : i32
        %dma_start3A_348 = arith.constant 0 : i32
        %dma_start3A_349 = tpu.memref_slice %arg13[%dma_start3A_347, %dma_start3A_348] : memref<10240x128xf32, #tpu.memory_space<vmem_shared>> -> memref<10240x128xf32, #tpu.memory_space<vmem_shared>>
        tpu.enqueue_indirect_dma source(%arg10 : memref<80x128xf32, #tpu.memory_space<vmem>>) target(%dma_start3A_349 : memref<10240x128xf32, #tpu.memory_space<vmem_shared>>) offsets(%dma_start3A_346 : memref<80xi32, #tpu.memory_space<vmem>>) semaphore(%run_scoped3A_343 : memref<!tpu.dma_semaphore, #tpu.memory_space<semaphore_mem>>) {add = true}
        %dma_wait3A_350 = arith.constant 0 : i32
        %dma_wait3A_351 = tpu.memref_slice %arg8[%add3A_292, %dma_wait3A_350] : memref<32x80xi32, #tpu.memory_space<vmem>> -> memref<1x80xi32, #tpu.memory_space<vmem>>
        %dma_wait3A_352 = tpu.memref_squeeze %dma_wait3A_351 : memref<1x80xi32, #tpu.memory_space<vmem>> -> memref<80xi32, #tpu.memory_space<vmem>>
        %dma_wait3A_353 = arith.constant 0 : i32
        %dma_wait3A_354 = arith.constant 0 : i32
        %dma_wait3A_355 = tpu.memref_slice %arg13[%dma_wait3A_353, %dma_wait3A_354] : memref<10240x128xf32, #tpu.memory_space<vmem_shared>> -> memref<10240x128xf32, #tpu.memory_space<vmem_shared>>
        tpu.wait_indirect_dma semaphore(%run_scoped3A_343 : memref<!tpu.dma_semaphore, #tpu.memory_space<semaphore_mem>>) src(%arg10 : memref<80x128xf32, #tpu.memory_space<vmem>>) dst(%dma_wait3A_355 : memref<10240x128xf32, #tpu.memory_space<vmem_shared>>)
        tpu.yield
      }) : () -> ()
      %add3A_299 = arith.constant 4 : i32
      %add3A_300 = arith.addi %add3A_292, %add3A_299 : i32
      %dma_start3A_301 = arith.constant 0 : i32
      %dma_start3A_302 = tpu.memref_slice %arg7[%add3A_300, %dma_start3A_301] : memref<32x80xi32, #tpu.memory_space<vmem>> -> memref<1x80xi32, #tpu.memory_space<vmem>>
      %dma_start3A_303 = tpu.memref_squeeze %dma_start3A_302 : memref<1x80xi32, #tpu.memory_space<vmem>> -> memref<80xi32, #tpu.memory_space<vmem>>
      %dma_start3A_304 = arith.constant 0 : i32
      %dma_start3A_305 = arith.constant 0 : i32
      %dma_start3A_306 = tpu.memref_slice %arg2[%dma_start3A_304, %dma_start3A_305] : memref<90000x128xf32, #tpu.memory_space<hbm>> -> memref<90000x128xf32, #tpu.memory_space<hbm>>
      tpu.enqueue_indirect_dma source(%dma_start3A_306 : memref<90000x128xf32, #tpu.memory_space<hbm>>) target(%arg10 : memref<80x128xf32, #tpu.memory_space<vmem>>) offsets(%dma_start3A_303 : memref<80xi32, #tpu.memory_space<vmem>>) semaphore(%arg15 : memref<!tpu.dma_semaphore, #tpu.memory_space<semaphore_mem>>)
      %mul3A_307 = arith.constant 4 : i32
      %mul3A_308 = arith.muli %scan3A_270, %mul3A_307 : i32
      %add3A_309 = arith.constant 2 : i32
      %add3A_310 = arith.addi %mul3A_308, %add3A_309 : i32
      %dma_wait3A_311 = arith.constant 0 : i32
      %dma_wait3A_312 = tpu.memref_slice %arg7[%add3A_310, %dma_wait3A_311] : memref<32x80xi32, #tpu.memory_space<vmem>> -> memref<1x80xi32, #tpu.memory_space<vmem>>
      %dma_wait3A_313 = tpu.memref_squeeze %dma_wait3A_312 : memref<1x80xi32, #tpu.memory_space<vmem>> -> memref<80xi32, #tpu.memory_space<vmem>>
      %dma_wait3A_314 = arith.constant 0 : i32
      %dma_wait3A_315 = arith.constant 0 : i32
      %dma_wait3A_316 = tpu.memref_slice %arg2[%dma_wait3A_314, %dma_wait3A_315] : memref<90000x128xf32, #tpu.memory_space<hbm>> -> memref<90000x128xf32, #tpu.memory_space<hbm>>
      tpu.wait_indirect_dma semaphore(%arg16 : memref<!tpu.dma_semaphore, #tpu.memory_space<semaphore_mem>>) src(%dma_wait3A_316 : memref<90000x128xf32, #tpu.memory_space<hbm>>) dst(%arg11 : memref<80x128xf32, #tpu.memory_space<vmem>>)
      "tpu.region"() ({
        %run_scoped3A_343 = tpu.sem_alloc : memref<!tpu.dma_semaphore, #tpu.memory_space<semaphore_mem>>
        %dma_start3A_344 = arith.constant 0 : i32
        %dma_start3A_345 = tpu.memref_slice %arg8[%add3A_310, %dma_start3A_344] : memref<32x80xi32, #tpu.memory_space<vmem>> -> memref<1x80xi32, #tpu.memory_space<vmem>>
        %dma_start3A_346 = tpu.memref_squeeze %dma_start3A_345 : memref<1x80xi32, #tpu.memory_space<vmem>> -> memref<80xi32, #tpu.memory_space<vmem>>
        %dma_start3A_347 = arith.constant 0 : i32
        %dma_start3A_348 = arith.constant 0 : i32
        %dma_start3A_349 = tpu.memref_slice %arg13[%dma_start3A_347, %dma_start3A_348] : memref<10240x128xf32, #tpu.memory_space<vmem_shared>> -> memref<10240x128xf32, #tpu.memory_space<vmem_shared>>
        tpu.enqueue_indirect_dma source(%arg11 : memref<80x128xf32, #tpu.memory_space<vmem>>) target(%dma_start3A_349 : memref<10240x128xf32, #tpu.memory_space<vmem_shared>>) offsets(%dma_start3A_346 : memref<80xi32, #tpu.memory_space<vmem>>) semaphore(%run_scoped3A_343 : memref<!tpu.dma_semaphore, #tpu.memory_space<semaphore_mem>>) {add = true}
        %dma_wait3A_350 = arith.constant 0 : i32
        %dma_wait3A_351 = tpu.memref_slice %arg8[%add3A_310, %dma_wait3A_350] : memref<32x80xi32, #tpu.memory_space<vmem>> -> memref<1x80xi32, #tpu.memory_space<vmem>>
        %dma_wait3A_352 = tpu.memref_squeeze %dma_wait3A_351 : memref<1x80xi32, #tpu.memory_space<vmem>> -> memref<80xi32, #tpu.memory_space<vmem>>
        %dma_wait3A_353 = arith.constant 0 : i32
        %dma_wait3A_354 = arith.constant 0 : i32
        %dma_wait3A_355 = tpu.memref_slice %arg13[%dma_wait3A_353, %dma_wait3A_354] : memref<10240x128xf32, #tpu.memory_space<vmem_shared>> -> memref<10240x128xf32, #tpu.memory_space<vmem_shared>>
        tpu.wait_indirect_dma semaphore(%run_scoped3A_343 : memref<!tpu.dma_semaphore, #tpu.memory_space<semaphore_mem>>) src(%arg11 : memref<80x128xf32, #tpu.memory_space<vmem>>) dst(%dma_wait3A_355 : memref<10240x128xf32, #tpu.memory_space<vmem_shared>>)
        tpu.yield
      }) : () -> ()
      %add3A_317 = arith.constant 4 : i32
      %add3A_318 = arith.addi %add3A_310, %add3A_317 : i32
      %dma_start3A_319 = arith.constant 0 : i32
      %dma_start3A_320 = tpu.memref_slice %arg7[%add3A_318, %dma_start3A_319] : memref<32x80xi32, #tpu.memory_space<vmem>> -> memref<1x80xi32, #tpu.memory_space<vmem>>
      %dma_start3A_321 = tpu.memref_squeeze %dma_start3A_320 : memref<1x80xi32, #tpu.memory_space<vmem>> -> memref<80xi32, #tpu.memory_space<vmem>>
      %dma_start3A_322 = arith.constant 0 : i32
      %dma_start3A_323 = arith.constant 0 : i32
      %dma_start3A_324 = tpu.memref_slice %arg2[%dma_start3A_322, %dma_start3A_323] : memref<90000x128xf32, #tpu.memory_space<hbm>> -> memref<90000x128xf32, #tpu.memory_space<hbm>>
      tpu.enqueue_indirect_dma source(%dma_start3A_324 : memref<90000x128xf32, #tpu.memory_space<hbm>>) target(%arg11 : memref<80x128xf32, #tpu.memory_space<vmem>>) offsets(%dma_start3A_321 : memref<80xi32, #tpu.memory_space<vmem>>) semaphore(%arg16 : memref<!tpu.dma_semaphore, #tpu.memory_space<semaphore_mem>>)
      %mul3A_325 = arith.constant 4 : i32
      %mul3A_326 = arith.muli %scan3A_270, %mul3A_325 : i32
      %add3A_327 = arith.constant 3 : i32
      %add3A_328 = arith.addi %mul3A_326, %add3A_327 : i32
      %dma_wait3A_329 = arith.constant 0 : i32
      %dma_wait3A_330 = tpu.memref_slice %arg7[%add3A_328, %dma_wait3A_329] : memref<32x80xi32, #tpu.memory_space<vmem>> -> memref<1x80xi32, #tpu.memory_space<vmem>>
      %dma_wait3A_331 = tpu.memref_squeeze %dma_wait3A_330 : memref<1x80xi32, #tpu.memory_space<vmem>> -> memref<80xi32, #tpu.memory_space<vmem>>
      %dma_wait3A_332 = arith.constant 0 : i32
      %dma_wait3A_333 = arith.constant 0 : i32
      %dma_wait3A_334 = tpu.memref_slice %arg2[%dma_wait3A_332, %dma_wait3A_333] : memref<90000x128xf32, #tpu.memory_space<hbm>> -> memref<90000x128xf32, #tpu.memory_space<hbm>>
      tpu.wait_indirect_dma semaphore(%arg17 : memref<!tpu.dma_semaphore, #tpu.memory_space<semaphore_mem>>) src(%dma_wait3A_334 : memref<90000x128xf32, #tpu.memory_space<hbm>>) dst(%arg12 : memref<80x128xf32, #tpu.memory_space<vmem>>)
      "tpu.region"() ({
        %run_scoped3A_343 = tpu.sem_alloc : memref<!tpu.dma_semaphore, #tpu.memory_space<semaphore_mem>>
        %dma_start3A_344 = arith.constant 0 : i32
        %dma_start3A_345 = tpu.memref_slice %arg8[%add3A_328, %dma_start3A_344] : memref<32x80xi32, #tpu.memory_space<vmem>> -> memref<1x80xi32, #tpu.memory_space<vmem>>
        %dma_start3A_346 = tpu.memref_squeeze %dma_start3A_345 : memref<1x80xi32, #tpu.memory_space<vmem>> -> memref<80xi32, #tpu.memory_space<vmem>>
        %dma_start3A_347 = arith.constant 0 : i32
        %dma_start3A_348 = arith.constant 0 : i32
        %dma_start3A_349 = tpu.memref_slice %arg13[%dma_start3A_347, %dma_start3A_348] : memref<10240x128xf32, #tpu.memory_space<vmem_shared>> -> memref<10240x128xf32, #tpu.memory_space<vmem_shared>>
        tpu.enqueue_indirect_dma source(%arg12 : memref<80x128xf32, #tpu.memory_space<vmem>>) target(%dma_start3A_349 : memref<10240x128xf32, #tpu.memory_space<vmem_shared>>) offsets(%dma_start3A_346 : memref<80xi32, #tpu.memory_space<vmem>>) semaphore(%run_scoped3A_343 : memref<!tpu.dma_semaphore, #tpu.memory_space<semaphore_mem>>) {add = true}
        %dma_wait3A_350 = arith.constant 0 : i32
        %dma_wait3A_351 = tpu.memref_slice %arg8[%add3A_328, %dma_wait3A_350] : memref<32x80xi32, #tpu.memory_space<vmem>> -> memref<1x80xi32, #tpu.memory_space<vmem>>
        %dma_wait3A_352 = tpu.memref_squeeze %dma_wait3A_351 : memref<1x80xi32, #tpu.memory_space<vmem>> -> memref<80xi32, #tpu.memory_space<vmem>>
        %dma_wait3A_353 = arith.constant 0 : i32
        %dma_wait3A_354 = arith.constant 0 : i32
        %dma_wait3A_355 = tpu.memref_slice %arg13[%dma_wait3A_353, %dma_wait3A_354] : memref<10240x128xf32, #tpu.memory_space<vmem_shared>> -> memref<10240x128xf32, #tpu.memory_space<vmem_shared>>
        tpu.wait_indirect_dma semaphore(%run_scoped3A_343 : memref<!tpu.dma_semaphore, #tpu.memory_space<semaphore_mem>>) src(%arg12 : memref<80x128xf32, #tpu.memory_space<vmem>>) dst(%dma_wait3A_355 : memref<10240x128xf32, #tpu.memory_space<vmem_shared>>)
        tpu.yield
      }) : () -> ()
      %add3A_335 = arith.constant 4 : i32
      %add3A_336 = arith.addi %add3A_328, %add3A_335 : i32
      %dma_start3A_337 = arith.constant 0 : i32
      %dma_start3A_338 = tpu.memref_slice %arg7[%add3A_336, %dma_start3A_337] : memref<32x80xi32, #tpu.memory_space<vmem>> -> memref<1x80xi32, #tpu.memory_space<vmem>>
      %dma_start3A_339 = tpu.memref_squeeze %dma_start3A_338 : memref<1x80xi32, #tpu.memory_space<vmem>> -> memref<80xi32, #tpu.memory_space<vmem>>
      %dma_start3A_340 = arith.constant 0 : i32
      %dma_start3A_341 = arith.constant 0 : i32
      %dma_start3A_342 = tpu.memref_slice %arg2[%dma_start3A_340, %dma_start3A_341] : memref<90000x128xf32, #tpu.memory_space<hbm>> -> memref<90000x128xf32, #tpu.memory_space<hbm>>
      tpu.enqueue_indirect_dma source(%dma_start3A_342 : memref<90000x128xf32, #tpu.memory_space<hbm>>) target(%arg12 : memref<80x128xf32, #tpu.memory_space<vmem>>) offsets(%dma_start3A_339 : memref<80xi32, #tpu.memory_space<vmem>>) semaphore(%arg17 : memref<!tpu.dma_semaphore, #tpu.memory_space<semaphore_mem>>)
    }
    %scan3A_34 = arith.constant 7 : i32
    %dma_wait3A = arith.constant 28 : i32
    %dma_wait3A_35 = arith.constant 0 : i32
    %dma_wait3A_36 = tpu.memref_slice %arg7[%dma_wait3A, %dma_wait3A_35] : memref<32x80xi32, #tpu.memory_space<vmem>> -> memref<1x80xi32, #tpu.memory_space<vmem>>
    %dma_wait3A_37 = tpu.memref_squeeze %dma_wait3A_36 : memref<1x80xi32, #tpu.memory_space<vmem>> -> memref<80xi32, #tpu.memory_space<vmem>>
    %dma_wait3A_38 = arith.constant 0 : i32
    %dma_wait3A_39 = arith.constant 0 : i32
    %dma_wait3A_40 = tpu.memref_slice %arg2[%dma_wait3A_38, %dma_wait3A_39] : memref<90000x128xf32, #tpu.memory_space<hbm>> -> memref<90000x128xf32, #tpu.memory_space<hbm>>
    tpu.wait_indirect_dma semaphore(%arg14 : memref<!tpu.dma_semaphore, #tpu.memory_space<semaphore_mem>>) src(%dma_wait3A_40 : memref<90000x128xf32, #tpu.memory_space<hbm>>) dst(%arg9 : memref<80x128xf32, #tpu.memory_space<vmem>>)
    %run_scoped3A = arith.constant 28 : i32
    "tpu.region"() ({
      %run_scoped3A_270 = tpu.sem_alloc : memref<!tpu.dma_semaphore, #tpu.memory_space<semaphore_mem>>
      %dma_start3A_271 = arith.constant 0 : i32
      %dma_start3A_272 = tpu.memref_slice %arg8[%run_scoped3A, %dma_start3A_271] : memref<32x80xi32, #tpu.memory_space<vmem>> -> memref<1x80xi32, #tpu.memory_space<vmem>>
      %dma_start3A_273 = tpu.memref_squeeze %dma_start3A_272 : memref<1x80xi32, #tpu.memory_space<vmem>> -> memref<80xi32, #tpu.memory_space<vmem>>
      %dma_start3A_274 = arith.constant 0 : i32
      %dma_start3A_275 = arith.constant 0 : i32
      %dma_start3A_276 = tpu.memref_slice %arg13[%dma_start3A_274, %dma_start3A_275] : memref<10240x128xf32, #tpu.memory_space<vmem_shared>> -> memref<10240x128xf32, #tpu.memory_space<vmem_shared>>
      tpu.enqueue_indirect_dma source(%arg9 : memref<80x128xf32, #tpu.memory_space<vmem>>) target(%dma_start3A_276 : memref<10240x128xf32, #tpu.memory_space<vmem_shared>>) offsets(%dma_start3A_273 : memref<80xi32, #tpu.memory_space<vmem>>) semaphore(%run_scoped3A_270 : memref<!tpu.dma_semaphore, #tpu.memory_space<semaphore_mem>>) {add = true}
      %dma_wait3A_277 = arith.constant 0 : i32
      %dma_wait3A_278 = tpu.memref_slice %arg8[%run_scoped3A, %dma_wait3A_277] : memref<32x80xi32, #tpu.memory_space<vmem>> -> memref<1x80xi32, #tpu.memory_space<vmem>>
      %dma_wait3A_279 = tpu.memref_squeeze %dma_wait3A_278 : memref<1x80xi32, #tpu.memory_space<vmem>> -> memref<80xi32, #tpu.memory_space<vmem>>
      %dma_wait3A_280 = arith.constant 0 : i32
      %dma_wait3A_281 = arith.constant 0 : i32
      %dma_wait3A_282 = tpu.memref_slice %arg13[%dma_wait3A_280, %dma_wait3A_281] : memref<10240x128xf32, #tpu.memory_space<vmem_shared>> -> memref<10240x128xf32, #tpu.memory_space<vmem_shared>>
      tpu.wait_indirect_dma semaphore(%run_scoped3A_270 : memref<!tpu.dma_semaphore, #tpu.memory_space<semaphore_mem>>) src(%arg9 : memref<80x128xf32, #tpu.memory_space<vmem>>) dst(%dma_wait3A_282 : memref<10240x128xf32, #tpu.memory_space<vmem_shared>>)
      tpu.yield
    }) : () -> ()
    %dma_wait3A_41 = arith.constant 29 : i32
    %dma_wait3A_42 = arith.constant 0 : i32
    %dma_wait3A_43 = tpu.memref_slice %arg7[%dma_wait3A_41, %dma_wait3A_42] : memref<32x80xi32, #tpu.memory_space<vmem>> -> memref<1x80xi32, #tpu.memory_space<vmem>>
    %dma_wait3A_44 = tpu.memref_squeeze %dma_wait3A_43 : memref<1x80xi32, #tpu.memory_space<vmem>> -> memref<80xi32, #tpu.memory_space<vmem>>
    %dma_wait3A_45 = arith.constant 0 : i32
    %dma_wait3A_46 = arith.constant 0 : i32
    %dma_wait3A_47 = tpu.memref_slice %arg2[%dma_wait3A_45, %dma_wait3A_46] : memref<90000x128xf32, #tpu.memory_space<hbm>> -> memref<90000x128xf32, #tpu.memory_space<hbm>>
    tpu.wait_indirect_dma semaphore(%arg15 : memref<!tpu.dma_semaphore, #tpu.memory_space<semaphore_mem>>) src(%dma_wait3A_47 : memref<90000x128xf32, #tpu.memory_space<hbm>>) dst(%arg10 : memref<80x128xf32, #tpu.memory_space<vmem>>)
    %run_scoped3A_48 = arith.constant 29 : i32
    "tpu.region"() ({
      %run_scoped3A_270 = tpu.sem_alloc : memref<!tpu.dma_semaphore, #tpu.memory_space<semaphore_mem>>
      %dma_start3A_271 = arith.constant 0 : i32
      %dma_start3A_272 = tpu.memref_slice %arg8[%run_scoped3A_48, %dma_start3A_271] : memref<32x80xi32, #tpu.memory_space<vmem>> -> memref<1x80xi32, #tpu.memory_space<vmem>>
      %dma_start3A_273 = tpu.memref_squeeze %dma_start3A_272 : memref<1x80xi32, #tpu.memory_space<vmem>> -> memref<80xi32, #tpu.memory_space<vmem>>
      %dma_start3A_274 = arith.constant 0 : i32
      %dma_start3A_275 = arith.constant 0 : i32
      %dma_start3A_276 = tpu.memref_slice %arg13[%dma_start3A_274, %dma_start3A_275] : memref<10240x128xf32, #tpu.memory_space<vmem_shared>> -> memref<10240x128xf32, #tpu.memory_space<vmem_shared>>
      tpu.enqueue_indirect_dma source(%arg10 : memref<80x128xf32, #tpu.memory_space<vmem>>) target(%dma_start3A_276 : memref<10240x128xf32, #tpu.memory_space<vmem_shared>>) offsets(%dma_start3A_273 : memref<80xi32, #tpu.memory_space<vmem>>) semaphore(%run_scoped3A_270 : memref<!tpu.dma_semaphore, #tpu.memory_space<semaphore_mem>>) {add = true}
      %dma_wait3A_277 = arith.constant 0 : i32
      %dma_wait3A_278 = tpu.memref_slice %arg8[%run_scoped3A_48, %dma_wait3A_277] : memref<32x80xi32, #tpu.memory_space<vmem>> -> memref<1x80xi32, #tpu.memory_space<vmem>>
      %dma_wait3A_279 = tpu.memref_squeeze %dma_wait3A_278 : memref<1x80xi32, #tpu.memory_space<vmem>> -> memref<80xi32, #tpu.memory_space<vmem>>
      %dma_wait3A_280 = arith.constant 0 : i32
      %dma_wait3A_281 = arith.constant 0 : i32
      %dma_wait3A_282 = tpu.memref_slice %arg13[%dma_wait3A_280, %dma_wait3A_281] : memref<10240x128xf32, #tpu.memory_space<vmem_shared>> -> memref<10240x128xf32, #tpu.memory_space<vmem_shared>>
      tpu.wait_indirect_dma semaphore(%run_scoped3A_270 : memref<!tpu.dma_semaphore, #tpu.memory_space<semaphore_mem>>) src(%arg10 : memref<80x128xf32, #tpu.memory_space<vmem>>) dst(%dma_wait3A_282 : memref<10240x128xf32, #tpu.memory_space<vmem_shared>>)
      tpu.yield
    }) : () -> ()
    %dma_wait3A_49 = arith.constant 30 : i32
    %dma_wait3A_50 = arith.constant 0 : i32
    %dma_wait3A_51 = tpu.memref_slice %arg7[%dma_wait3A_49, %dma_wait3A_50] : memref<32x80xi32, #tpu.memory_space<vmem>> -> memref<1x80xi32, #tpu.memory_space<vmem>>
    %dma_wait3A_52 = tpu.memref_squeeze %dma_wait3A_51 : memref<1x80xi32, #tpu.memory_space<vmem>> -> memref<80xi32, #tpu.memory_space<vmem>>
    %dma_wait3A_53 = arith.constant 0 : i32
    %dma_wait3A_54 = arith.constant 0 : i32
    %dma_wait3A_55 = tpu.memref_slice %arg2[%dma_wait3A_53, %dma_wait3A_54] : memref<90000x128xf32, #tpu.memory_space<hbm>> -> memref<90000x128xf32, #tpu.memory_space<hbm>>
    tpu.wait_indirect_dma semaphore(%arg16 : memref<!tpu.dma_semaphore, #tpu.memory_space<semaphore_mem>>) src(%dma_wait3A_55 : memref<90000x128xf32, #tpu.memory_space<hbm>>) dst(%arg11 : memref<80x128xf32, #tpu.memory_space<vmem>>)
    %run_scoped3A_56 = arith.constant 30 : i32
    "tpu.region"() ({
      %run_scoped3A_270 = tpu.sem_alloc : memref<!tpu.dma_semaphore, #tpu.memory_space<semaphore_mem>>
      %dma_start3A_271 = arith.constant 0 : i32
      %dma_start3A_272 = tpu.memref_slice %arg8[%run_scoped3A_56, %dma_start3A_271] : memref<32x80xi32, #tpu.memory_space<vmem>> -> memref<1x80xi32, #tpu.memory_space<vmem>>
      %dma_start3A_273 = tpu.memref_squeeze %dma_start3A_272 : memref<1x80xi32, #tpu.memory_space<vmem>> -> memref<80xi32, #tpu.memory_space<vmem>>
      %dma_start3A_274 = arith.constant 0 : i32
      %dma_start3A_275 = arith.constant 0 : i32
      %dma_start3A_276 = tpu.memref_slice %arg13[%dma_start3A_274, %dma_start3A_275] : memref<10240x128xf32, #tpu.memory_space<vmem_shared>> -> memref<10240x128xf32, #tpu.memory_space<vmem_shared>>
      tpu.enqueue_indirect_dma source(%arg11 : memref<80x128xf32, #tpu.memory_space<vmem>>) target(%dma_start3A_276 : memref<10240x128xf32, #tpu.memory_space<vmem_shared>>) offsets(%dma_start3A_273 : memref<80xi32, #tpu.memory_space<vmem>>) semaphore(%run_scoped3A_270 : memref<!tpu.dma_semaphore, #tpu.memory_space<semaphore_mem>>) {add = true}
      %dma_wait3A_277 = arith.constant 0 : i32
      %dma_wait3A_278 = tpu.memref_slice %arg8[%run_scoped3A_56, %dma_wait3A_277] : memref<32x80xi32, #tpu.memory_space<vmem>> -> memref<1x80xi32, #tpu.memory_space<vmem>>
      %dma_wait3A_279 = tpu.memref_squeeze %dma_wait3A_278 : memref<1x80xi32, #tpu.memory_space<vmem>> -> memref<80xi32, #tpu.memory_space<vmem>>
      %dma_wait3A_280 = arith.constant 0 : i32
      %dma_wait3A_281 = arith.constant 0 : i32
      %dma_wait3A_282 = tpu.memref_slice %arg13[%dma_wait3A_280, %dma_wait3A_281] : memref<10240x128xf32, #tpu.memory_space<vmem_shared>> -> memref<10240x128xf32, #tpu.memory_space<vmem_shared>>
      tpu.wait_indirect_dma semaphore(%run_scoped3A_270 : memref<!tpu.dma_semaphore, #tpu.memory_space<semaphore_mem>>) src(%arg11 : memref<80x128xf32, #tpu.memory_space<vmem>>) dst(%dma_wait3A_282 : memref<10240x128xf32, #tpu.memory_space<vmem_shared>>)
      tpu.yield
    }) : () -> ()
    %dma_wait3A_57 = arith.constant 31 : i32
    %dma_wait3A_58 = arith.constant 0 : i32
    %dma_wait3A_59 = tpu.memref_slice %arg7[%dma_wait3A_57, %dma_wait3A_58] : memref<32x80xi32, #tpu.memory_space<vmem>> -> memref<1x80xi32, #tpu.memory_space<vmem>>
    %dma_wait3A_60 = tpu.memref_squeeze %dma_wait3A_59 : memref<1x80xi32, #tpu.memory_space<vmem>> -> memref<80xi32, #tpu.memory_space<vmem>>
    %dma_wait3A_61 = arith.constant 0 : i32
    %dma_wait3A_62 = arith.constant 0 : i32
    %dma_wait3A_63 = tpu.memref_slice %arg2[%dma_wait3A_61, %dma_wait3A_62] : memref<90000x128xf32, #tpu.memory_space<hbm>> -> memref<90000x128xf32, #tpu.memory_space<hbm>>
    tpu.wait_indirect_dma semaphore(%arg17 : memref<!tpu.dma_semaphore, #tpu.memory_space<semaphore_mem>>) src(%dma_wait3A_63 : memref<90000x128xf32, #tpu.memory_space<hbm>>) dst(%arg12 : memref<80x128xf32, #tpu.memory_space<vmem>>)
    %run_scoped3A_64 = arith.constant 31 : i32
    "tpu.region"() ({
      %run_scoped3A_270 = tpu.sem_alloc : memref<!tpu.dma_semaphore, #tpu.memory_space<semaphore_mem>>
      %dma_start3A_271 = arith.constant 0 : i32
      %dma_start3A_272 = tpu.memref_slice %arg8[%run_scoped3A_64, %dma_start3A_271] : memref<32x80xi32, #tpu.memory_space<vmem>> -> memref<1x80xi32, #tpu.memory_space<vmem>>
      %dma_start3A_273 = tpu.memref_squeeze %dma_start3A_272 : memref<1x80xi32, #tpu.memory_space<vmem>> -> memref<80xi32, #tpu.memory_space<vmem>>
      %dma_start3A_274 = arith.constant 0 : i32
      %dma_start3A_275 = arith.constant 0 : i32
      %dma_start3A_276 = tpu.memref_slice %arg13[%dma_start3A_274, %dma_start3A_275] : memref<10240x128xf32, #tpu.memory_space<vmem_shared>> -> memref<10240x128xf32, #tpu.memory_space<vmem_shared>>
      tpu.enqueue_indirect_dma source(%arg12 : memref<80x128xf32, #tpu.memory_space<vmem>>) target(%dma_start3A_276 : memref<10240x128xf32, #tpu.memory_space<vmem_shared>>) offsets(%dma_start3A_273 : memref<80xi32, #tpu.memory_space<vmem>>) semaphore(%run_scoped3A_270 : memref<!tpu.dma_semaphore, #tpu.memory_space<semaphore_mem>>) {add = true}
      %dma_wait3A_277 = arith.constant 0 : i32
      %dma_wait3A_278 = tpu.memref_slice %arg8[%run_scoped3A_64, %dma_wait3A_277] : memref<32x80xi32, #tpu.memory_space<vmem>> -> memref<1x80xi32, #tpu.memory_space<vmem>>
      %dma_wait3A_279 = tpu.memref_squeeze %dma_wait3A_278 : memref<1x80xi32, #tpu.memory_space<vmem>> -> memref<80xi32, #tpu.memory_space<vmem>>
      %dma_wait3A_280 = arith.constant 0 : i32
      %dma_wait3A_281 = arith.constant 0 : i32
      %dma_wait3A_282 = tpu.memref_slice %arg13[%dma_wait3A_280, %dma_wait3A_281] : memref<10240x128xf32, #tpu.memory_space<vmem_shared>> -> memref<10240x128xf32, #tpu.memory_space<vmem_shared>>
      tpu.wait_indirect_dma semaphore(%run_scoped3A_270 : memref<!tpu.dma_semaphore, #tpu.memory_space<semaphore_mem>>) src(%arg12 : memref<80x128xf32, #tpu.memory_space<vmem>>) dst(%dma_wait3A_282 : memref<10240x128xf32, #tpu.memory_space<vmem_shared>>)
      tpu.yield
    }) : () -> ()
    "tpu.region"() ({
      %run_scoped3A_270 = tpu.sem_alloc : memref<!tpu.dma_semaphore, #tpu.memory_space<semaphore_mem>>
      %dma_start3A_271 = arith.constant 32 : i32
      %dma_start3A_272 = arith.constant 0 : i32
      %dma_start3A_273 = tpu.memref_slice %arg3[%add3A, %dma_start3A_271, %dma_start3A_272] : memref<32x128x80xi32, #tpu.memory_space<hbm>> -> memref<1x32x80xi32, #tpu.memory_space<hbm>>
      %dma_start3A_274 = tpu.memref_squeeze %dma_start3A_273 : memref<1x32x80xi32, #tpu.memory_space<hbm>> -> memref<32x80xi32, #tpu.memory_space<hbm>>
      %dma_start3A_275 = arith.constant 32 : i32
      %dma_start3A_276 = arith.constant 0 : i32
      %dma_start3A_277 = tpu.memref_slice %arg3[%add3A, %dma_start3A_275, %dma_start3A_276] : memref<32x128x80xi32, #tpu.memory_space<hbm>> -> memref<1x32x80xi32, #tpu.memory_space<hbm>>
      %dma_start3A_278 = tpu.memref_squeeze %dma_start3A_277 : memref<1x32x80xi32, #tpu.memory_space<hbm>> -> memref<32x80xi32, #tpu.memory_space<hbm>>
      tpu.enqueue_dma source(%dma_start3A_278 : memref<32x80xi32, #tpu.memory_space<hbm>>) target(%arg7 : memref<32x80xi32, #tpu.memory_space<vmem>>) target_semaphore(%run_scoped3A_270 : memref<!tpu.dma_semaphore, #tpu.memory_space<semaphore_mem>>)
      %dma_wait3A_279 = arith.constant 32 : i32
      %dma_wait3A_280 = arith.constant 0 : i32
      %dma_wait3A_281 = tpu.memref_slice %arg3[%add3A, %dma_wait3A_279, %dma_wait3A_280] : memref<32x128x80xi32, #tpu.memory_space<hbm>> -> memref<1x32x80xi32, #tpu.memory_space<hbm>>
      %dma_wait3A_282 = tpu.memref_squeeze %dma_wait3A_281 : memref<1x32x80xi32, #tpu.memory_space<hbm>> -> memref<32x80xi32, #tpu.memory_space<hbm>>
      %dma_wait3A_283 = arith.constant 32 : i32
      %dma_wait3A_284 = arith.constant 0 : i32
      %dma_wait3A_285 = tpu.memref_slice %arg3[%add3A, %dma_wait3A_283, %dma_wait3A_284] : memref<32x128x80xi32, #tpu.memory_space<hbm>> -> memref<1x32x80xi32, #tpu.memory_space<hbm>>
      %dma_wait3A_286 = tpu.memref_squeeze %dma_wait3A_285 : memref<1x32x80xi32, #tpu.memory_space<hbm>> -> memref<32x80xi32, #tpu.memory_space<hbm>>
      tpu.wait_dma2 semaphore(%run_scoped3A_270 : memref<!tpu.dma_semaphore, #tpu.memory_space<semaphore_mem>>) src(%dma_wait3A_286 : memref<32x80xi32, #tpu.memory_space<hbm>>) dst(%arg7 : memref<32x80xi32, #tpu.memory_space<vmem>>)
      tpu.yield
    }) : () -> ()
    "tpu.region"() ({
      %run_scoped3A_270 = tpu.sem_alloc : memref<!tpu.dma_semaphore, #tpu.memory_space<semaphore_mem>>
      %dma_start3A_271 = arith.constant 32 : i32
      %dma_start3A_272 = arith.constant 0 : i32
      %dma_start3A_273 = tpu.memref_slice %arg4[%add3A, %dma_start3A_271, %dma_start3A_272] : memref<32x128x80xi32, #tpu.memory_space<hbm>> -> memref<1x32x80xi32, #tpu.memory_space<hbm>>
      %dma_start3A_274 = tpu.memref_squeeze %dma_start3A_273 : memref<1x32x80xi32, #tpu.memory_space<hbm>> -> memref<32x80xi32, #tpu.memory_space<hbm>>
      %dma_start3A_275 = arith.constant 32 : i32
      %dma_start3A_276 = arith.constant 0 : i32
      %dma_start3A_277 = tpu.memref_slice %arg4[%add3A, %dma_start3A_275, %dma_start3A_276] : memref<32x128x80xi32, #tpu.memory_space<hbm>> -> memref<1x32x80xi32, #tpu.memory_space<hbm>>
      %dma_start3A_278 = tpu.memref_squeeze %dma_start3A_277 : memref<1x32x80xi32, #tpu.memory_space<hbm>> -> memref<32x80xi32, #tpu.memory_space<hbm>>
      tpu.enqueue_dma source(%dma_start3A_278 : memref<32x80xi32, #tpu.memory_space<hbm>>) target(%arg8 : memref<32x80xi32, #tpu.memory_space<vmem>>) target_semaphore(%run_scoped3A_270 : memref<!tpu.dma_semaphore, #tpu.memory_space<semaphore_mem>>)
      %dma_wait3A_279 = arith.constant 32 : i32
      %dma_wait3A_280 = arith.constant 0 : i32
      %dma_wait3A_281 = tpu.memref_slice %arg4[%add3A, %dma_wait3A_279, %dma_wait3A_280] : memref<32x128x80xi32, #tpu.memory_space<hbm>> -> memref<1x32x80xi32, #tpu.memory_space<hbm>>
      %dma_wait3A_282 = tpu.memref_squeeze %dma_wait3A_281 : memref<1x32x80xi32, #tpu.memory_space<hbm>> -> memref<32x80xi32, #tpu.memory_space<hbm>>
      %dma_wait3A_283 = arith.constant 32 : i32
      %dma_wait3A_284 = arith.constant 0 : i32
      %dma_wait3A_285 = tpu.memref_slice %arg4[%add3A, %dma_wait3A_283, %dma_wait3A_284] : memref<32x128x80xi32, #tpu.memory_space<hbm>> -> memref<1x32x80xi32, #tpu.memory_space<hbm>>
      %dma_wait3A_286 = tpu.memref_squeeze %dma_wait3A_285 : memref<1x32x80xi32, #tpu.memory_space<hbm>> -> memref<32x80xi32, #tpu.memory_space<hbm>>
      tpu.wait_dma2 semaphore(%run_scoped3A_270 : memref<!tpu.dma_semaphore, #tpu.memory_space<semaphore_mem>>) src(%dma_wait3A_286 : memref<32x80xi32, #tpu.memory_space<hbm>>) dst(%arg8 : memref<32x80xi32, #tpu.memory_space<vmem>>)
      tpu.yield
    }) : () -> ()
    %dma_start3A_65 = arith.constant 0 : i32
    %dma_start3A_66 = arith.constant 0 : i32
    %dma_start3A_67 = tpu.memref_slice %arg7[%dma_start3A_65, %dma_start3A_66] : memref<32x80xi32, #tpu.memory_space<vmem>> -> memref<1x80xi32, #tpu.memory_space<vmem>>
    %dma_start3A_68 = tpu.memref_squeeze %dma_start3A_67 : memref<1x80xi32, #tpu.memory_space<vmem>> -> memref<80xi32, #tpu.memory_space<vmem>>
    %dma_start3A_69 = arith.constant 0 : i32
    %dma_start3A_70 = arith.constant 0 : i32
    %dma_start3A_71 = tpu.memref_slice %arg2[%dma_start3A_69, %dma_start3A_70] : memref<90000x128xf32, #tpu.memory_space<hbm>> -> memref<90000x128xf32, #tpu.memory_space<hbm>>
    tpu.enqueue_indirect_dma source(%dma_start3A_71 : memref<90000x128xf32, #tpu.memory_space<hbm>>) target(%arg9 : memref<80x128xf32, #tpu.memory_space<vmem>>) offsets(%dma_start3A_68 : memref<80xi32, #tpu.memory_space<vmem>>) semaphore(%arg14 : memref<!tpu.dma_semaphore, #tpu.memory_space<semaphore_mem>>)
    %dma_start3A_72 = arith.constant 1 : i32
    %dma_start3A_73 = arith.constant 0 : i32
    %dma_start3A_74 = tpu.memref_slice %arg7[%dma_start3A_72, %dma_start3A_73] : memref<32x80xi32, #tpu.memory_space<vmem>> -> memref<1x80xi32, #tpu.memory_space<vmem>>
    %dma_start3A_75 = tpu.memref_squeeze %dma_start3A_74 : memref<1x80xi32, #tpu.memory_space<vmem>> -> memref<80xi32, #tpu.memory_space<vmem>>
    %dma_start3A_76 = arith.constant 0 : i32
    %dma_start3A_77 = arith.constant 0 : i32
    %dma_start3A_78 = tpu.memref_slice %arg2[%dma_start3A_76, %dma_start3A_77] : memref<90000x128xf32, #tpu.memory_space<hbm>> -> memref<90000x128xf32, #tpu.memory_space<hbm>>
    tpu.enqueue_indirect_dma source(%dma_start3A_78 : memref<90000x128xf32, #tpu.memory_space<hbm>>) target(%arg10 : memref<80x128xf32, #tpu.memory_space<vmem>>) offsets(%dma_start3A_75 : memref<80xi32, #tpu.memory_space<vmem>>) semaphore(%arg15 : memref<!tpu.dma_semaphore, #tpu.memory_space<semaphore_mem>>)
    %dma_start3A_79 = arith.constant 2 : i32
    %dma_start3A_80 = arith.constant 0 : i32
    %dma_start3A_81 = tpu.memref_slice %arg7[%dma_start3A_79, %dma_start3A_80] : memref<32x80xi32, #tpu.memory_space<vmem>> -> memref<1x80xi32, #tpu.memory_space<vmem>>
    %dma_start3A_82 = tpu.memref_squeeze %dma_start3A_81 : memref<1x80xi32, #tpu.memory_space<vmem>> -> memref<80xi32, #tpu.memory_space<vmem>>
    %dma_start3A_83 = arith.constant 0 : i32
    %dma_start3A_84 = arith.constant 0 : i32
    %dma_start3A_85 = tpu.memref_slice %arg2[%dma_start3A_83, %dma_start3A_84] : memref<90000x128xf32, #tpu.memory_space<hbm>> -> memref<90000x128xf32, #tpu.memory_space<hbm>>
    tpu.enqueue_indirect_dma source(%dma_start3A_85 : memref<90000x128xf32, #tpu.memory_space<hbm>>) target(%arg11 : memref<80x128xf32, #tpu.memory_space<vmem>>) offsets(%dma_start3A_82 : memref<80xi32, #tpu.memory_space<vmem>>) semaphore(%arg16 : memref<!tpu.dma_semaphore, #tpu.memory_space<semaphore_mem>>)
    %dma_start3A_86 = arith.constant 3 : i32
    %dma_start3A_87 = arith.constant 0 : i32
    %dma_start3A_88 = tpu.memref_slice %arg7[%dma_start3A_86, %dma_start3A_87] : memref<32x80xi32, #tpu.memory_space<vmem>> -> memref<1x80xi32, #tpu.memory_space<vmem>>
    %dma_start3A_89 = tpu.memref_squeeze %dma_start3A_88 : memref<1x80xi32, #tpu.memory_space<vmem>> -> memref<80xi32, #tpu.memory_space<vmem>>
    %dma_start3A_90 = arith.constant 0 : i32
    %dma_start3A_91 = arith.constant 0 : i32
    %dma_start3A_92 = tpu.memref_slice %arg2[%dma_start3A_90, %dma_start3A_91] : memref<90000x128xf32, #tpu.memory_space<hbm>> -> memref<90000x128xf32, #tpu.memory_space<hbm>>
    tpu.enqueue_indirect_dma source(%dma_start3A_92 : memref<90000x128xf32, #tpu.memory_space<hbm>>) target(%arg12 : memref<80x128xf32, #tpu.memory_space<vmem>>) offsets(%dma_start3A_89 : memref<80xi32, #tpu.memory_space<vmem>>) semaphore(%arg17 : memref<!tpu.dma_semaphore, #tpu.memory_space<semaphore_mem>>)
    %scan3A_93 = arith.constant 0 : i32
    %scan3A_94 = arith.constant 0 : i32
    %scan3A_95 = arith.constant 7 : i32
    %scan3A_96 = arith.addi %scan3A_94, %scan3A_95 : i32
    %scan3A_97 = arith.constant 1 : i32
    scf.for %scan3A_270 = %scan3A_94 to %scan3A_96 step %scan3A_97  : i32 {
      %mul3A_271 = arith.constant 4 : i32
      %mul3A_272 = arith.muli %scan3A_270, %mul3A_271 : i32
      %add3A_273 = arith.constant 0 : i32
      %add3A_274 = arith.addi %mul3A_272, %add3A_273 : i32
      %dma_wait3A_275 = arith.constant 0 : i32
      %dma_wait3A_276 = tpu.memref_slice %arg7[%add3A_274, %dma_wait3A_275] : memref<32x80xi32, #tpu.memory_space<vmem>> -> memref<1x80xi32, #tpu.memory_space<vmem>>
      %dma_wait3A_277 = tpu.memref_squeeze %dma_wait3A_276 : memref<1x80xi32, #tpu.memory_space<vmem>> -> memref<80xi32, #tpu.memory_space<vmem>>
      %dma_wait3A_278 = arith.constant 0 : i32
      %dma_wait3A_279 = arith.constant 0 : i32
      %dma_wait3A_280 = tpu.memref_slice %arg2[%dma_wait3A_278, %dma_wait3A_279] : memref<90000x128xf32, #tpu.memory_space<hbm>> -> memref<90000x128xf32, #tpu.memory_space<hbm>>
      tpu.wait_indirect_dma semaphore(%arg14 : memref<!tpu.dma_semaphore, #tpu.memory_space<semaphore_mem>>) src(%dma_wait3A_280 : memref<90000x128xf32, #tpu.memory_space<hbm>>) dst(%arg9 : memref<80x128xf32, #tpu.memory_space<vmem>>)
      "tpu.region"() ({
        %run_scoped3A_343 = tpu.sem_alloc : memref<!tpu.dma_semaphore, #tpu.memory_space<semaphore_mem>>
        %dma_start3A_344 = arith.constant 0 : i32
        %dma_start3A_345 = tpu.memref_slice %arg8[%add3A_274, %dma_start3A_344] : memref<32x80xi32, #tpu.memory_space<vmem>> -> memref<1x80xi32, #tpu.memory_space<vmem>>
        %dma_start3A_346 = tpu.memref_squeeze %dma_start3A_345 : memref<1x80xi32, #tpu.memory_space<vmem>> -> memref<80xi32, #tpu.memory_space<vmem>>
        %dma_start3A_347 = arith.constant 0 : i32
        %dma_start3A_348 = arith.constant 0 : i32
        %dma_start3A_349 = tpu.memref_slice %arg13[%dma_start3A_347, %dma_start3A_348] : memref<10240x128xf32, #tpu.memory_space<vmem_shared>> -> memref<10240x128xf32, #tpu.memory_space<vmem_shared>>
        tpu.enqueue_indirect_dma source(%arg9 : memref<80x128xf32, #tpu.memory_space<vmem>>) target(%dma_start3A_349 : memref<10240x128xf32, #tpu.memory_space<vmem_shared>>) offsets(%dma_start3A_346 : memref<80xi32, #tpu.memory_space<vmem>>) semaphore(%run_scoped3A_343 : memref<!tpu.dma_semaphore, #tpu.memory_space<semaphore_mem>>) {add = true}
        %dma_wait3A_350 = arith.constant 0 : i32
        %dma_wait3A_351 = tpu.memref_slice %arg8[%add3A_274, %dma_wait3A_350] : memref<32x80xi32, #tpu.memory_space<vmem>> -> memref<1x80xi32, #tpu.memory_space<vmem>>
        %dma_wait3A_352 = tpu.memref_squeeze %dma_wait3A_351 : memref<1x80xi32, #tpu.memory_space<vmem>> -> memref<80xi32, #tpu.memory_space<vmem>>
        %dma_wait3A_353 = arith.constant 0 : i32
        %dma_wait3A_354 = arith.constant 0 : i32
        %dma_wait3A_355 = tpu.memref_slice %arg13[%dma_wait3A_353, %dma_wait3A_354] : memref<10240x128xf32, #tpu.memory_space<vmem_shared>> -> memref<10240x128xf32, #tpu.memory_space<vmem_shared>>
        tpu.wait_indirect_dma semaphore(%run_scoped3A_343 : memref<!tpu.dma_semaphore, #tpu.memory_space<semaphore_mem>>) src(%arg9 : memref<80x128xf32, #tpu.memory_space<vmem>>) dst(%dma_wait3A_355 : memref<10240x128xf32, #tpu.memory_space<vmem_shared>>)
        tpu.yield
      }) : () -> ()
      %add3A_281 = arith.constant 4 : i32
      %add3A_282 = arith.addi %add3A_274, %add3A_281 : i32
      %dma_start3A_283 = arith.constant 0 : i32
      %dma_start3A_284 = tpu.memref_slice %arg7[%add3A_282, %dma_start3A_283] : memref<32x80xi32, #tpu.memory_space<vmem>> -> memref<1x80xi32, #tpu.memory_space<vmem>>
      %dma_start3A_285 = tpu.memref_squeeze %dma_start3A_284 : memref<1x80xi32, #tpu.memory_space<vmem>> -> memref<80xi32, #tpu.memory_space<vmem>>
      %dma_start3A_286 = arith.constant 0 : i32
      %dma_start3A_287 = arith.constant 0 : i32
      %dma_start3A_288 = tpu.memref_slice %arg2[%dma_start3A_286, %dma_start3A_287] : memref<90000x128xf32, #tpu.memory_space<hbm>> -> memref<90000x128xf32, #tpu.memory_space<hbm>>
      tpu.enqueue_indirect_dma source(%dma_start3A_288 : memref<90000x128xf32, #tpu.memory_space<hbm>>) target(%arg9 : memref<80x128xf32, #tpu.memory_space<vmem>>) offsets(%dma_start3A_285 : memref<80xi32, #tpu.memory_space<vmem>>) semaphore(%arg14 : memref<!tpu.dma_semaphore, #tpu.memory_space<semaphore_mem>>)
      %mul3A_289 = arith.constant 4 : i32
      %mul3A_290 = arith.muli %scan3A_270, %mul3A_289 : i32
      %add3A_291 = arith.constant 1 : i32
      %add3A_292 = arith.addi %mul3A_290, %add3A_291 : i32
      %dma_wait3A_293 = arith.constant 0 : i32
      %dma_wait3A_294 = tpu.memref_slice %arg7[%add3A_292, %dma_wait3A_293] : memref<32x80xi32, #tpu.memory_space<vmem>> -> memref<1x80xi32, #tpu.memory_space<vmem>>
      %dma_wait3A_295 = tpu.memref_squeeze %dma_wait3A_294 : memref<1x80xi32, #tpu.memory_space<vmem>> -> memref<80xi32, #tpu.memory_space<vmem>>
      %dma_wait3A_296 = arith.constant 0 : i32
      %dma_wait3A_297 = arith.constant 0 : i32
      %dma_wait3A_298 = tpu.memref_slice %arg2[%dma_wait3A_296, %dma_wait3A_297] : memref<90000x128xf32, #tpu.memory_space<hbm>> -> memref<90000x128xf32, #tpu.memory_space<hbm>>
      tpu.wait_indirect_dma semaphore(%arg15 : memref<!tpu.dma_semaphore, #tpu.memory_space<semaphore_mem>>) src(%dma_wait3A_298 : memref<90000x128xf32, #tpu.memory_space<hbm>>) dst(%arg10 : memref<80x128xf32, #tpu.memory_space<vmem>>)
      "tpu.region"() ({
        %run_scoped3A_343 = tpu.sem_alloc : memref<!tpu.dma_semaphore, #tpu.memory_space<semaphore_mem>>
        %dma_start3A_344 = arith.constant 0 : i32
        %dma_start3A_345 = tpu.memref_slice %arg8[%add3A_292, %dma_start3A_344] : memref<32x80xi32, #tpu.memory_space<vmem>> -> memref<1x80xi32, #tpu.memory_space<vmem>>
        %dma_start3A_346 = tpu.memref_squeeze %dma_start3A_345 : memref<1x80xi32, #tpu.memory_space<vmem>> -> memref<80xi32, #tpu.memory_space<vmem>>
        %dma_start3A_347 = arith.constant 0 : i32
        %dma_start3A_348 = arith.constant 0 : i32
        %dma_start3A_349 = tpu.memref_slice %arg13[%dma_start3A_347, %dma_start3A_348] : memref<10240x128xf32, #tpu.memory_space<vmem_shared>> -> memref<10240x128xf32, #tpu.memory_space<vmem_shared>>
        tpu.enqueue_indirect_dma source(%arg10 : memref<80x128xf32, #tpu.memory_space<vmem>>) target(%dma_start3A_349 : memref<10240x128xf32, #tpu.memory_space<vmem_shared>>) offsets(%dma_start3A_346 : memref<80xi32, #tpu.memory_space<vmem>>) semaphore(%run_scoped3A_343 : memref<!tpu.dma_semaphore, #tpu.memory_space<semaphore_mem>>) {add = true}
        %dma_wait3A_350 = arith.constant 0 : i32
        %dma_wait3A_351 = tpu.memref_slice %arg8[%add3A_292, %dma_wait3A_350] : memref<32x80xi32, #tpu.memory_space<vmem>> -> memref<1x80xi32, #tpu.memory_space<vmem>>
        %dma_wait3A_352 = tpu.memref_squeeze %dma_wait3A_351 : memref<1x80xi32, #tpu.memory_space<vmem>> -> memref<80xi32, #tpu.memory_space<vmem>>
        %dma_wait3A_353 = arith.constant 0 : i32
        %dma_wait3A_354 = arith.constant 0 : i32
        %dma_wait3A_355 = tpu.memref_slice %arg13[%dma_wait3A_353, %dma_wait3A_354] : memref<10240x128xf32, #tpu.memory_space<vmem_shared>> -> memref<10240x128xf32, #tpu.memory_space<vmem_shared>>
        tpu.wait_indirect_dma semaphore(%run_scoped3A_343 : memref<!tpu.dma_semaphore, #tpu.memory_space<semaphore_mem>>) src(%arg10 : memref<80x128xf32, #tpu.memory_space<vmem>>) dst(%dma_wait3A_355 : memref<10240x128xf32, #tpu.memory_space<vmem_shared>>)
        tpu.yield
      }) : () -> ()
      %add3A_299 = arith.constant 4 : i32
      %add3A_300 = arith.addi %add3A_292, %add3A_299 : i32
      %dma_start3A_301 = arith.constant 0 : i32
      %dma_start3A_302 = tpu.memref_slice %arg7[%add3A_300, %dma_start3A_301] : memref<32x80xi32, #tpu.memory_space<vmem>> -> memref<1x80xi32, #tpu.memory_space<vmem>>
      %dma_start3A_303 = tpu.memref_squeeze %dma_start3A_302 : memref<1x80xi32, #tpu.memory_space<vmem>> -> memref<80xi32, #tpu.memory_space<vmem>>
      %dma_start3A_304 = arith.constant 0 : i32
      %dma_start3A_305 = arith.constant 0 : i32
      %dma_start3A_306 = tpu.memref_slice %arg2[%dma_start3A_304, %dma_start3A_305] : memref<90000x128xf32, #tpu.memory_space<hbm>> -> memref<90000x128xf32, #tpu.memory_space<hbm>>
      tpu.enqueue_indirect_dma source(%dma_start3A_306 : memref<90000x128xf32, #tpu.memory_space<hbm>>) target(%arg10 : memref<80x128xf32, #tpu.memory_space<vmem>>) offsets(%dma_start3A_303 : memref<80xi32, #tpu.memory_space<vmem>>) semaphore(%arg15 : memref<!tpu.dma_semaphore, #tpu.memory_space<semaphore_mem>>)
      %mul3A_307 = arith.constant 4 : i32
      %mul3A_308 = arith.muli %scan3A_270, %mul3A_307 : i32
      %add3A_309 = arith.constant 2 : i32
      %add3A_310 = arith.addi %mul3A_308, %add3A_309 : i32
      %dma_wait3A_311 = arith.constant 0 : i32
      %dma_wait3A_312 = tpu.memref_slice %arg7[%add3A_310, %dma_wait3A_311] : memref<32x80xi32, #tpu.memory_space<vmem>> -> memref<1x80xi32, #tpu.memory_space<vmem>>
      %dma_wait3A_313 = tpu.memref_squeeze %dma_wait3A_312 : memref<1x80xi32, #tpu.memory_space<vmem>> -> memref<80xi32, #tpu.memory_space<vmem>>
      %dma_wait3A_314 = arith.constant 0 : i32
      %dma_wait3A_315 = arith.constant 0 : i32
      %dma_wait3A_316 = tpu.memref_slice %arg2[%dma_wait3A_314, %dma_wait3A_315] : memref<90000x128xf32, #tpu.memory_space<hbm>> -> memref<90000x128xf32, #tpu.memory_space<hbm>>
      tpu.wait_indirect_dma semaphore(%arg16 : memref<!tpu.dma_semaphore, #tpu.memory_space<semaphore_mem>>) src(%dma_wait3A_316 : memref<90000x128xf32, #tpu.memory_space<hbm>>) dst(%arg11 : memref<80x128xf32, #tpu.memory_space<vmem>>)
      "tpu.region"() ({
        %run_scoped3A_343 = tpu.sem_alloc : memref<!tpu.dma_semaphore, #tpu.memory_space<semaphore_mem>>
        %dma_start3A_344 = arith.constant 0 : i32
        %dma_start3A_345 = tpu.memref_slice %arg8[%add3A_310, %dma_start3A_344] : memref<32x80xi32, #tpu.memory_space<vmem>> -> memref<1x80xi32, #tpu.memory_space<vmem>>
        %dma_start3A_346 = tpu.memref_squeeze %dma_start3A_345 : memref<1x80xi32, #tpu.memory_space<vmem>> -> memref<80xi32, #tpu.memory_space<vmem>>
        %dma_start3A_347 = arith.constant 0 : i32
        %dma_start3A_348 = arith.constant 0 : i32
        %dma_start3A_349 = tpu.memref_slice %arg13[%dma_start3A_347, %dma_start3A_348] : memref<10240x128xf32, #tpu.memory_space<vmem_shared>> -> memref<10240x128xf32, #tpu.memory_space<vmem_shared>>
        tpu.enqueue_indirect_dma source(%arg11 : memref<80x128xf32, #tpu.memory_space<vmem>>) target(%dma_start3A_349 : memref<10240x128xf32, #tpu.memory_space<vmem_shared>>) offsets(%dma_start3A_346 : memref<80xi32, #tpu.memory_space<vmem>>) semaphore(%run_scoped3A_343 : memref<!tpu.dma_semaphore, #tpu.memory_space<semaphore_mem>>) {add = true}
        %dma_wait3A_350 = arith.constant 0 : i32
        %dma_wait3A_351 = tpu.memref_slice %arg8[%add3A_310, %dma_wait3A_350] : memref<32x80xi32, #tpu.memory_space<vmem>> -> memref<1x80xi32, #tpu.memory_space<vmem>>
        %dma_wait3A_352 = tpu.memref_squeeze %dma_wait3A_351 : memref<1x80xi32, #tpu.memory_space<vmem>> -> memref<80xi32, #tpu.memory_space<vmem>>
        %dma_wait3A_353 = arith.constant 0 : i32
        %dma_wait3A_354 = arith.constant 0 : i32
        %dma_wait3A_355 = tpu.memref_slice %arg13[%dma_wait3A_353, %dma_wait3A_354] : memref<10240x128xf32, #tpu.memory_space<vmem_shared>> -> memref<10240x128xf32, #tpu.memory_space<vmem_shared>>
        tpu.wait_indirect_dma semaphore(%run_scoped3A_343 : memref<!tpu.dma_semaphore, #tpu.memory_space<semaphore_mem>>) src(%arg11 : memref<80x128xf32, #tpu.memory_space<vmem>>) dst(%dma_wait3A_355 : memref<10240x128xf32, #tpu.memory_space<vmem_shared>>)
        tpu.yield
      }) : () -> ()
      %add3A_317 = arith.constant 4 : i32
      %add3A_318 = arith.addi %add3A_310, %add3A_317 : i32
      %dma_start3A_319 = arith.constant 0 : i32
      %dma_start3A_320 = tpu.memref_slice %arg7[%add3A_318, %dma_start3A_319] : memref<32x80xi32, #tpu.memory_space<vmem>> -> memref<1x80xi32, #tpu.memory_space<vmem>>
      %dma_start3A_321 = tpu.memref_squeeze %dma_start3A_320 : memref<1x80xi32, #tpu.memory_space<vmem>> -> memref<80xi32, #tpu.memory_space<vmem>>
      %dma_start3A_322 = arith.constant 0 : i32
      %dma_start3A_323 = arith.constant 0 : i32
      %dma_start3A_324 = tpu.memref_slice %arg2[%dma_start3A_322, %dma_start3A_323] : memref<90000x128xf32, #tpu.memory_space<hbm>> -> memref<90000x128xf32, #tpu.memory_space<hbm>>
      tpu.enqueue_indirect_dma source(%dma_start3A_324 : memref<90000x128xf32, #tpu.memory_space<hbm>>) target(%arg11 : memref<80x128xf32, #tpu.memory_space<vmem>>) offsets(%dma_start3A_321 : memref<80xi32, #tpu.memory_space<vmem>>) semaphore(%arg16 : memref<!tpu.dma_semaphore, #tpu.memory_space<semaphore_mem>>)
      %mul3A_325 = arith.constant 4 : i32
      %mul3A_326 = arith.muli %scan3A_270, %mul3A_325 : i32
      %add3A_327 = arith.constant 3 : i32
      %add3A_328 = arith.addi %mul3A_326, %add3A_327 : i32
      %dma_wait3A_329 = arith.constant 0 : i32
      %dma_wait3A_330 = tpu.memref_slice %arg7[%add3A_328, %dma_wait3A_329] : memref<32x80xi32, #tpu.memory_space<vmem>> -> memref<1x80xi32, #tpu.memory_space<vmem>>
      %dma_wait3A_331 = tpu.memref_squeeze %dma_wait3A_330 : memref<1x80xi32, #tpu.memory_space<vmem>> -> memref<80xi32, #tpu.memory_space<vmem>>
      %dma_wait3A_332 = arith.constant 0 : i32
      %dma_wait3A_333 = arith.constant 0 : i32
      %dma_wait3A_334 = tpu.memref_slice %arg2[%dma_wait3A_332, %dma_wait3A_333] : memref<90000x128xf32, #tpu.memory_space<hbm>> -> memref<90000x128xf32, #tpu.memory_space<hbm>>
      tpu.wait_indirect_dma semaphore(%arg17 : memref<!tpu.dma_semaphore, #tpu.memory_space<semaphore_mem>>) src(%dma_wait3A_334 : memref<90000x128xf32, #tpu.memory_space<hbm>>) dst(%arg12 : memref<80x128xf32, #tpu.memory_space<vmem>>)
      "tpu.region"() ({
        %run_scoped3A_343 = tpu.sem_alloc : memref<!tpu.dma_semaphore, #tpu.memory_space<semaphore_mem>>
        %dma_start3A_344 = arith.constant 0 : i32
        %dma_start3A_345 = tpu.memref_slice %arg8[%add3A_328, %dma_start3A_344] : memref<32x80xi32, #tpu.memory_space<vmem>> -> memref<1x80xi32, #tpu.memory_space<vmem>>
        %dma_start3A_346 = tpu.memref_squeeze %dma_start3A_345 : memref<1x80xi32, #tpu.memory_space<vmem>> -> memref<80xi32, #tpu.memory_space<vmem>>
        %dma_start3A_347 = arith.constant 0 : i32
        %dma_start3A_348 = arith.constant 0 : i32
        %dma_start3A_349 = tpu.memref_slice %arg13[%dma_start3A_347, %dma_start3A_348] : memref<10240x128xf32, #tpu.memory_space<vmem_shared>> -> memref<10240x128xf32, #tpu.memory_space<vmem_shared>>
        tpu.enqueue_indirect_dma source(%arg12 : memref<80x128xf32, #tpu.memory_space<vmem>>) target(%dma_start3A_349 : memref<10240x128xf32, #tpu.memory_space<vmem_shared>>) offsets(%dma_start3A_346 : memref<80xi32, #tpu.memory_space<vmem>>) semaphore(%run_scoped3A_343 : memref<!tpu.dma_semaphore, #tpu.memory_space<semaphore_mem>>) {add = true}
        %dma_wait3A_350 = arith.constant 0 : i32
        %dma_wait3A_351 = tpu.memref_slice %arg8[%add3A_328, %dma_wait3A_350] : memref<32x80xi32, #tpu.memory_space<vmem>> -> memref<1x80xi32, #tpu.memory_space<vmem>>
        %dma_wait3A_352 = tpu.memref_squeeze %dma_wait3A_351 : memref<1x80xi32, #tpu.memory_space<vmem>> -> memref<80xi32, #tpu.memory_space<vmem>>
        %dma_wait3A_353 = arith.constant 0 : i32
        %dma_wait3A_354 = arith.constant 0 : i32
        %dma_wait3A_355 = tpu.memref_slice %arg13[%dma_wait3A_353, %dma_wait3A_354] : memref<10240x128xf32, #tpu.memory_space<vmem_shared>> -> memref<10240x128xf32, #tpu.memory_space<vmem_shared>>
        tpu.wait_indirect_dma semaphore(%run_scoped3A_343 : memref<!tpu.dma_semaphore, #tpu.memory_space<semaphore_mem>>) src(%arg12 : memref<80x128xf32, #tpu.memory_space<vmem>>) dst(%dma_wait3A_355 : memref<10240x128xf32, #tpu.memory_space<vmem_shared>>)
        tpu.yield
      }) : () -> ()
      %add3A_335 = arith.constant 4 : i32
      %add3A_336 = arith.addi %add3A_328, %add3A_335 : i32
      %dma_start3A_337 = arith.constant 0 : i32
      %dma_start3A_338 = tpu.memref_slice %arg7[%add3A_336, %dma_start3A_337] : memref<32x80xi32, #tpu.memory_space<vmem>> -> memref<1x80xi32, #tpu.memory_space<vmem>>
      %dma_start3A_339 = tpu.memref_squeeze %dma_start3A_338 : memref<1x80xi32, #tpu.memory_space<vmem>> -> memref<80xi32, #tpu.memory_space<vmem>>
      %dma_start3A_340 = arith.constant 0 : i32
      %dma_start3A_341 = arith.constant 0 : i32
      %dma_start3A_342 = tpu.memref_slice %arg2[%dma_start3A_340, %dma_start3A_341] : memref<90000x128xf32, #tpu.memory_space<hbm>> -> memref<90000x128xf32, #tpu.memory_space<hbm>>
      tpu.enqueue_indirect_dma source(%dma_start3A_342 : memref<90000x128xf32, #tpu.memory_space<hbm>>) target(%arg12 : memref<80x128xf32, #tpu.memory_space<vmem>>) offsets(%dma_start3A_339 : memref<80xi32, #tpu.memory_space<vmem>>) semaphore(%arg17 : memref<!tpu.dma_semaphore, #tpu.memory_space<semaphore_mem>>)
    }
    %scan3A_98 = arith.constant 7 : i32
    %dma_wait3A_99 = arith.constant 28 : i32
    %dma_wait3A_100 = arith.constant 0 : i32
    %dma_wait3A_101 = tpu.memref_slice %arg7[%dma_wait3A_99, %dma_wait3A_100] : memref<32x80xi32, #tpu.memory_space<vmem>> -> memref<1x80xi32, #tpu.memory_space<vmem>>
    %dma_wait3A_102 = tpu.memref_squeeze %dma_wait3A_101 : memref<1x80xi32, #tpu.memory_space<vmem>> -> memref<80xi32, #tpu.memory_space<vmem>>
    %dma_wait3A_103 = arith.constant 0 : i32
    %dma_wait3A_104 = arith.constant 0 : i32
    %dma_wait3A_105 = tpu.memref_slice %arg2[%dma_wait3A_103, %dma_wait3A_104] : memref<90000x128xf32, #tpu.memory_space<hbm>> -> memref<90000x128xf32, #tpu.memory_space<hbm>>
    tpu.wait_indirect_dma semaphore(%arg14 : memref<!tpu.dma_semaphore, #tpu.memory_space<semaphore_mem>>) src(%dma_wait3A_105 : memref<90000x128xf32, #tpu.memory_space<hbm>>) dst(%arg9 : memref<80x128xf32, #tpu.memory_space<vmem>>)
    %run_scoped3A_106 = arith.constant 28 : i32
    "tpu.region"() ({
      %run_scoped3A_270 = tpu.sem_alloc : memref<!tpu.dma_semaphore, #tpu.memory_space<semaphore_mem>>
      %dma_start3A_271 = arith.constant 0 : i32
      %dma_start3A_272 = tpu.memref_slice %arg8[%run_scoped3A_106, %dma_start3A_271] : memref<32x80xi32, #tpu.memory_space<vmem>> -> memref<1x80xi32, #tpu.memory_space<vmem>>
      %dma_start3A_273 = tpu.memref_squeeze %dma_start3A_272 : memref<1x80xi32, #tpu.memory_space<vmem>> -> memref<80xi32, #tpu.memory_space<vmem>>
      %dma_start3A_274 = arith.constant 0 : i32
      %dma_start3A_275 = arith.constant 0 : i32
      %dma_start3A_276 = tpu.memref_slice %arg13[%dma_start3A_274, %dma_start3A_275] : memref<10240x128xf32, #tpu.memory_space<vmem_shared>> -> memref<10240x128xf32, #tpu.memory_space<vmem_shared>>
      tpu.enqueue_indirect_dma source(%arg9 : memref<80x128xf32, #tpu.memory_space<vmem>>) target(%dma_start3A_276 : memref<10240x128xf32, #tpu.memory_space<vmem_shared>>) offsets(%dma_start3A_273 : memref<80xi32, #tpu.memory_space<vmem>>) semaphore(%run_scoped3A_270 : memref<!tpu.dma_semaphore, #tpu.memory_space<semaphore_mem>>) {add = true}
      %dma_wait3A_277 = arith.constant 0 : i32
      %dma_wait3A_278 = tpu.memref_slice %arg8[%run_scoped3A_106, %dma_wait3A_277] : memref<32x80xi32, #tpu.memory_space<vmem>> -> memref<1x80xi32, #tpu.memory_space<vmem>>
      %dma_wait3A_279 = tpu.memref_squeeze %dma_wait3A_278 : memref<1x80xi32, #tpu.memory_space<vmem>> -> memref<80xi32, #tpu.memory_space<vmem>>
      %dma_wait3A_280 = arith.constant 0 : i32
      %dma_wait3A_281 = arith.constant 0 : i32
      %dma_wait3A_282 = tpu.memref_slice %arg13[%dma_wait3A_280, %dma_wait3A_281] : memref<10240x128xf32, #tpu.memory_space<vmem_shared>> -> memref<10240x128xf32, #tpu.memory_space<vmem_shared>>
      tpu.wait_indirect_dma semaphore(%run_scoped3A_270 : memref<!tpu.dma_semaphore, #tpu.memory_space<semaphore_mem>>) src(%arg9 : memref<80x128xf32, #tpu.memory_space<vmem>>) dst(%dma_wait3A_282 : memref<10240x128xf32, #tpu.memory_space<vmem_shared>>)
      tpu.yield
    }) : () -> ()
    %dma_wait3A_107 = arith.constant 29 : i32
    %dma_wait3A_108 = arith.constant 0 : i32
    %dma_wait3A_109 = tpu.memref_slice %arg7[%dma_wait3A_107, %dma_wait3A_108] : memref<32x80xi32, #tpu.memory_space<vmem>> -> memref<1x80xi32, #tpu.memory_space<vmem>>
    %dma_wait3A_110 = tpu.memref_squeeze %dma_wait3A_109 : memref<1x80xi32, #tpu.memory_space<vmem>> -> memref<80xi32, #tpu.memory_space<vmem>>
    %dma_wait3A_111 = arith.constant 0 : i32
    %dma_wait3A_112 = arith.constant 0 : i32
    %dma_wait3A_113 = tpu.memref_slice %arg2[%dma_wait3A_111, %dma_wait3A_112] : memref<90000x128xf32, #tpu.memory_space<hbm>> -> memref<90000x128xf32, #tpu.memory_space<hbm>>
    tpu.wait_indirect_dma semaphore(%arg15 : memref<!tpu.dma_semaphore, #tpu.memory_space<semaphore_mem>>) src(%dma_wait3A_113 : memref<90000x128xf32, #tpu.memory_space<hbm>>) dst(%arg10 : memref<80x128xf32, #tpu.memory_space<vmem>>)
    %run_scoped3A_114 = arith.constant 29 : i32
    "tpu.region"() ({
      %run_scoped3A_270 = tpu.sem_alloc : memref<!tpu.dma_semaphore, #tpu.memory_space<semaphore_mem>>
      %dma_start3A_271 = arith.constant 0 : i32
      %dma_start3A_272 = tpu.memref_slice %arg8[%run_scoped3A_114, %dma_start3A_271] : memref<32x80xi32, #tpu.memory_space<vmem>> -> memref<1x80xi32, #tpu.memory_space<vmem>>
      %dma_start3A_273 = tpu.memref_squeeze %dma_start3A_272 : memref<1x80xi32, #tpu.memory_space<vmem>> -> memref<80xi32, #tpu.memory_space<vmem>>
      %dma_start3A_274 = arith.constant 0 : i32
      %dma_start3A_275 = arith.constant 0 : i32
      %dma_start3A_276 = tpu.memref_slice %arg13[%dma_start3A_274, %dma_start3A_275] : memref<10240x128xf32, #tpu.memory_space<vmem_shared>> -> memref<10240x128xf32, #tpu.memory_space<vmem_shared>>
      tpu.enqueue_indirect_dma source(%arg10 : memref<80x128xf32, #tpu.memory_space<vmem>>) target(%dma_start3A_276 : memref<10240x128xf32, #tpu.memory_space<vmem_shared>>) offsets(%dma_start3A_273 : memref<80xi32, #tpu.memory_space<vmem>>) semaphore(%run_scoped3A_270 : memref<!tpu.dma_semaphore, #tpu.memory_space<semaphore_mem>>) {add = true}
      %dma_wait3A_277 = arith.constant 0 : i32
      %dma_wait3A_278 = tpu.memref_slice %arg8[%run_scoped3A_114, %dma_wait3A_277] : memref<32x80xi32, #tpu.memory_space<vmem>> -> memref<1x80xi32, #tpu.memory_space<vmem>>
      %dma_wait3A_279 = tpu.memref_squeeze %dma_wait3A_278 : memref<1x80xi32, #tpu.memory_space<vmem>> -> memref<80xi32, #tpu.memory_space<vmem>>
      %dma_wait3A_280 = arith.constant 0 : i32
      %dma_wait3A_281 = arith.constant 0 : i32
      %dma_wait3A_282 = tpu.memref_slice %arg13[%dma_wait3A_280, %dma_wait3A_281] : memref<10240x128xf32, #tpu.memory_space<vmem_shared>> -> memref<10240x128xf32, #tpu.memory_space<vmem_shared>>
      tpu.wait_indirect_dma semaphore(%run_scoped3A_270 : memref<!tpu.dma_semaphore, #tpu.memory_space<semaphore_mem>>) src(%arg10 : memref<80x128xf32, #tpu.memory_space<vmem>>) dst(%dma_wait3A_282 : memref<10240x128xf32, #tpu.memory_space<vmem_shared>>)
      tpu.yield
    }) : () -> ()
    %dma_wait3A_115 = arith.constant 30 : i32
    %dma_wait3A_116 = arith.constant 0 : i32
    %dma_wait3A_117 = tpu.memref_slice %arg7[%dma_wait3A_115, %dma_wait3A_116] : memref<32x80xi32, #tpu.memory_space<vmem>> -> memref<1x80xi32, #tpu.memory_space<vmem>>
    %dma_wait3A_118 = tpu.memref_squeeze %dma_wait3A_117 : memref<1x80xi32, #tpu.memory_space<vmem>> -> memref<80xi32, #tpu.memory_space<vmem>>
    %dma_wait3A_119 = arith.constant 0 : i32
    %dma_wait3A_120 = arith.constant 0 : i32
    %dma_wait3A_121 = tpu.memref_slice %arg2[%dma_wait3A_119, %dma_wait3A_120] : memref<90000x128xf32, #tpu.memory_space<hbm>> -> memref<90000x128xf32, #tpu.memory_space<hbm>>
    tpu.wait_indirect_dma semaphore(%arg16 : memref<!tpu.dma_semaphore, #tpu.memory_space<semaphore_mem>>) src(%dma_wait3A_121 : memref<90000x128xf32, #tpu.memory_space<hbm>>) dst(%arg11 : memref<80x128xf32, #tpu.memory_space<vmem>>)
    %run_scoped3A_122 = arith.constant 30 : i32
    "tpu.region"() ({
      %run_scoped3A_270 = tpu.sem_alloc : memref<!tpu.dma_semaphore, #tpu.memory_space<semaphore_mem>>
      %dma_start3A_271 = arith.constant 0 : i32
      %dma_start3A_272 = tpu.memref_slice %arg8[%run_scoped3A_122, %dma_start3A_271] : memref<32x80xi32, #tpu.memory_space<vmem>> -> memref<1x80xi32, #tpu.memory_space<vmem>>
      %dma_start3A_273 = tpu.memref_squeeze %dma_start3A_272 : memref<1x80xi32, #tpu.memory_space<vmem>> -> memref<80xi32, #tpu.memory_space<vmem>>
      %dma_start3A_274 = arith.constant 0 : i32
      %dma_start3A_275 = arith.constant 0 : i32
      %dma_start3A_276 = tpu.memref_slice %arg13[%dma_start3A_274, %dma_start3A_275] : memref<10240x128xf32, #tpu.memory_space<vmem_shared>> -> memref<10240x128xf32, #tpu.memory_space<vmem_shared>>
      tpu.enqueue_indirect_dma source(%arg11 : memref<80x128xf32, #tpu.memory_space<vmem>>) target(%dma_start3A_276 : memref<10240x128xf32, #tpu.memory_space<vmem_shared>>) offsets(%dma_start3A_273 : memref<80xi32, #tpu.memory_space<vmem>>) semaphore(%run_scoped3A_270 : memref<!tpu.dma_semaphore, #tpu.memory_space<semaphore_mem>>) {add = true}
      %dma_wait3A_277 = arith.constant 0 : i32
      %dma_wait3A_278 = tpu.memref_slice %arg8[%run_scoped3A_122, %dma_wait3A_277] : memref<32x80xi32, #tpu.memory_space<vmem>> -> memref<1x80xi32, #tpu.memory_space<vmem>>
      %dma_wait3A_279 = tpu.memref_squeeze %dma_wait3A_278 : memref<1x80xi32, #tpu.memory_space<vmem>> -> memref<80xi32, #tpu.memory_space<vmem>>
      %dma_wait3A_280 = arith.constant 0 : i32
      %dma_wait3A_281 = arith.constant 0 : i32
      %dma_wait3A_282 = tpu.memref_slice %arg13[%dma_wait3A_280, %dma_wait3A_281] : memref<10240x128xf32, #tpu.memory_space<vmem_shared>> -> memref<10240x128xf32, #tpu.memory_space<vmem_shared>>
      tpu.wait_indirect_dma semaphore(%run_scoped3A_270 : memref<!tpu.dma_semaphore, #tpu.memory_space<semaphore_mem>>) src(%arg11 : memref<80x128xf32, #tpu.memory_space<vmem>>) dst(%dma_wait3A_282 : memref<10240x128xf32, #tpu.memory_space<vmem_shared>>)
      tpu.yield
    }) : () -> ()
    %dma_wait3A_123 = arith.constant 31 : i32
    %dma_wait3A_124 = arith.constant 0 : i32
    %dma_wait3A_125 = tpu.memref_slice %arg7[%dma_wait3A_123, %dma_wait3A_124] : memref<32x80xi32, #tpu.memory_space<vmem>> -> memref<1x80xi32, #tpu.memory_space<vmem>>
    %dma_wait3A_126 = tpu.memref_squeeze %dma_wait3A_125 : memref<1x80xi32, #tpu.memory_space<vmem>> -> memref<80xi32, #tpu.memory_space<vmem>>
    %dma_wait3A_127 = arith.constant 0 : i32
    %dma_wait3A_128 = arith.constant 0 : i32
    %dma_wait3A_129 = tpu.memref_slice %arg2[%dma_wait3A_127, %dma_wait3A_128] : memref<90000x128xf32, #tpu.memory_space<hbm>> -> memref<90000x128xf32, #tpu.memory_space<hbm>>
    tpu.wait_indirect_dma semaphore(%arg17 : memref<!tpu.dma_semaphore, #tpu.memory_space<semaphore_mem>>) src(%dma_wait3A_129 : memref<90000x128xf32, #tpu.memory_space<hbm>>) dst(%arg12 : memref<80x128xf32, #tpu.memory_space<vmem>>)
    %run_scoped3A_130 = arith.constant 31 : i32
    "tpu.region"() ({
      %run_scoped3A_270 = tpu.sem_alloc : memref<!tpu.dma_semaphore, #tpu.memory_space<semaphore_mem>>
      %dma_start3A_271 = arith.constant 0 : i32
      %dma_start3A_272 = tpu.memref_slice %arg8[%run_scoped3A_130, %dma_start3A_271] : memref<32x80xi32, #tpu.memory_space<vmem>> -> memref<1x80xi32, #tpu.memory_space<vmem>>
      %dma_start3A_273 = tpu.memref_squeeze %dma_start3A_272 : memref<1x80xi32, #tpu.memory_space<vmem>> -> memref<80xi32, #tpu.memory_space<vmem>>
      %dma_start3A_274 = arith.constant 0 : i32
      %dma_start3A_275 = arith.constant 0 : i32
      %dma_start3A_276 = tpu.memref_slice %arg13[%dma_start3A_274, %dma_start3A_275] : memref<10240x128xf32, #tpu.memory_space<vmem_shared>> -> memref<10240x128xf32, #tpu.memory_space<vmem_shared>>
      tpu.enqueue_indirect_dma source(%arg12 : memref<80x128xf32, #tpu.memory_space<vmem>>) target(%dma_start3A_276 : memref<10240x128xf32, #tpu.memory_space<vmem_shared>>) offsets(%dma_start3A_273 : memref<80xi32, #tpu.memory_space<vmem>>) semaphore(%run_scoped3A_270 : memref<!tpu.dma_semaphore, #tpu.memory_space<semaphore_mem>>) {add = true}
      %dma_wait3A_277 = arith.constant 0 : i32
      %dma_wait3A_278 = tpu.memref_slice %arg8[%run_scoped3A_130, %dma_wait3A_277] : memref<32x80xi32, #tpu.memory_space<vmem>> -> memref<1x80xi32, #tpu.memory_space<vmem>>
      %dma_wait3A_279 = tpu.memref_squeeze %dma_wait3A_278 : memref<1x80xi32, #tpu.memory_space<vmem>> -> memref<80xi32, #tpu.memory_space<vmem>>
      %dma_wait3A_280 = arith.constant 0 : i32
      %dma_wait3A_281 = arith.constant 0 : i32
      %dma_wait3A_282 = tpu.memref_slice %arg13[%dma_wait3A_280, %dma_wait3A_281] : memref<10240x128xf32, #tpu.memory_space<vmem_shared>> -> memref<10240x128xf32, #tpu.memory_space<vmem_shared>>
      tpu.wait_indirect_dma semaphore(%run_scoped3A_270 : memref<!tpu.dma_semaphore, #tpu.memory_space<semaphore_mem>>) src(%arg12 : memref<80x128xf32, #tpu.memory_space<vmem>>) dst(%dma_wait3A_282 : memref<10240x128xf32, #tpu.memory_space<vmem_shared>>)
      tpu.yield
    }) : () -> ()
    "tpu.region"() ({
      %run_scoped3A_270 = tpu.sem_alloc : memref<!tpu.dma_semaphore, #tpu.memory_space<semaphore_mem>>
      %dma_start3A_271 = arith.constant 64 : i32
      %dma_start3A_272 = arith.constant 0 : i32
      %dma_start3A_273 = tpu.memref_slice %arg3[%add3A, %dma_start3A_271, %dma_start3A_272] : memref<32x128x80xi32, #tpu.memory_space<hbm>> -> memref<1x32x80xi32, #tpu.memory_space<hbm>>
      %dma_start3A_274 = tpu.memref_squeeze %dma_start3A_273 : memref<1x32x80xi32, #tpu.memory_space<hbm>> -> memref<32x80xi32, #tpu.memory_space<hbm>>
      %dma_start3A_275 = arith.constant 64 : i32
      %dma_start3A_276 = arith.constant 0 : i32
      %dma_start3A_277 = tpu.memref_slice %arg3[%add3A, %dma_start3A_275, %dma_start3A_276] : memref<32x128x80xi32, #tpu.memory_space<hbm>> -> memref<1x32x80xi32, #tpu.memory_space<hbm>>
      %dma_start3A_278 = tpu.memref_squeeze %dma_start3A_277 : memref<1x32x80xi32, #tpu.memory_space<hbm>> -> memref<32x80xi32, #tpu.memory_space<hbm>>
      tpu.enqueue_dma source(%dma_start3A_278 : memref<32x80xi32, #tpu.memory_space<hbm>>) target(%arg7 : memref<32x80xi32, #tpu.memory_space<vmem>>) target_semaphore(%run_scoped3A_270 : memref<!tpu.dma_semaphore, #tpu.memory_space<semaphore_mem>>)
      %dma_wait3A_279 = arith.constant 64 : i32
      %dma_wait3A_280 = arith.constant 0 : i32
      %dma_wait3A_281 = tpu.memref_slice %arg3[%add3A, %dma_wait3A_279, %dma_wait3A_280] : memref<32x128x80xi32, #tpu.memory_space<hbm>> -> memref<1x32x80xi32, #tpu.memory_space<hbm>>
      %dma_wait3A_282 = tpu.memref_squeeze %dma_wait3A_281 : memref<1x32x80xi32, #tpu.memory_space<hbm>> -> memref<32x80xi32, #tpu.memory_space<hbm>>
      %dma_wait3A_283 = arith.constant 64 : i32
      %dma_wait3A_284 = arith.constant 0 : i32
      %dma_wait3A_285 = tpu.memref_slice %arg3[%add3A, %dma_wait3A_283, %dma_wait3A_284] : memref<32x128x80xi32, #tpu.memory_space<hbm>> -> memref<1x32x80xi32, #tpu.memory_space<hbm>>
      %dma_wait3A_286 = tpu.memref_squeeze %dma_wait3A_285 : memref<1x32x80xi32, #tpu.memory_space<hbm>> -> memref<32x80xi32, #tpu.memory_space<hbm>>
      tpu.wait_dma2 semaphore(%run_scoped3A_270 : memref<!tpu.dma_semaphore, #tpu.memory_space<semaphore_mem>>) src(%dma_wait3A_286 : memref<32x80xi32, #tpu.memory_space<hbm>>) dst(%arg7 : memref<32x80xi32, #tpu.memory_space<vmem>>)
      tpu.yield
    }) : () -> ()
    "tpu.region"() ({
      %run_scoped3A_270 = tpu.sem_alloc : memref<!tpu.dma_semaphore, #tpu.memory_space<semaphore_mem>>
      %dma_start3A_271 = arith.constant 64 : i32
      %dma_start3A_272 = arith.constant 0 : i32
      %dma_start3A_273 = tpu.memref_slice %arg4[%add3A, %dma_start3A_271, %dma_start3A_272] : memref<32x128x80xi32, #tpu.memory_space<hbm>> -> memref<1x32x80xi32, #tpu.memory_space<hbm>>
      %dma_start3A_274 = tpu.memref_squeeze %dma_start3A_273 : memref<1x32x80xi32, #tpu.memory_space<hbm>> -> memref<32x80xi32, #tpu.memory_space<hbm>>
      %dma_start3A_275 = arith.constant 64 : i32
      %dma_start3A_276 = arith.constant 0 : i32
      %dma_start3A_277 = tpu.memref_slice %arg4[%add3A, %dma_start3A_275, %dma_start3A_276] : memref<32x128x80xi32, #tpu.memory_space<hbm>> -> memref<1x32x80xi32, #tpu.memory_space<hbm>>
      %dma_start3A_278 = tpu.memref_squeeze %dma_start3A_277 : memref<1x32x80xi32, #tpu.memory_space<hbm>> -> memref<32x80xi32, #tpu.memory_space<hbm>>
      tpu.enqueue_dma source(%dma_start3A_278 : memref<32x80xi32, #tpu.memory_space<hbm>>) target(%arg8 : memref<32x80xi32, #tpu.memory_space<vmem>>) target_semaphore(%run_scoped3A_270 : memref<!tpu.dma_semaphore, #tpu.memory_space<semaphore_mem>>)
      %dma_wait3A_279 = arith.constant 64 : i32
      %dma_wait3A_280 = arith.constant 0 : i32
      %dma_wait3A_281 = tpu.memref_slice %arg4[%add3A, %dma_wait3A_279, %dma_wait3A_280] : memref<32x128x80xi32, #tpu.memory_space<hbm>> -> memref<1x32x80xi32, #tpu.memory_space<hbm>>
      %dma_wait3A_282 = tpu.memref_squeeze %dma_wait3A_281 : memref<1x32x80xi32, #tpu.memory_space<hbm>> -> memref<32x80xi32, #tpu.memory_space<hbm>>
      %dma_wait3A_283 = arith.constant 64 : i32
      %dma_wait3A_284 = arith.constant 0 : i32
      %dma_wait3A_285 = tpu.memref_slice %arg4[%add3A, %dma_wait3A_283, %dma_wait3A_284] : memref<32x128x80xi32, #tpu.memory_space<hbm>> -> memref<1x32x80xi32, #tpu.memory_space<hbm>>
      %dma_wait3A_286 = tpu.memref_squeeze %dma_wait3A_285 : memref<1x32x80xi32, #tpu.memory_space<hbm>> -> memref<32x80xi32, #tpu.memory_space<hbm>>
      tpu.wait_dma2 semaphore(%run_scoped3A_270 : memref<!tpu.dma_semaphore, #tpu.memory_space<semaphore_mem>>) src(%dma_wait3A_286 : memref<32x80xi32, #tpu.memory_space<hbm>>) dst(%arg8 : memref<32x80xi32, #tpu.memory_space<vmem>>)
      tpu.yield
    }) : () -> ()
    %dma_start3A_131 = arith.constant 0 : i32
    %dma_start3A_132 = arith.constant 0 : i32
    %dma_start3A_133 = tpu.memref_slice %arg7[%dma_start3A_131, %dma_start3A_132] : memref<32x80xi32, #tpu.memory_space<vmem>> -> memref<1x80xi32, #tpu.memory_space<vmem>>
    %dma_start3A_134 = tpu.memref_squeeze %dma_start3A_133 : memref<1x80xi32, #tpu.memory_space<vmem>> -> memref<80xi32, #tpu.memory_space<vmem>>
    %dma_start3A_135 = arith.constant 0 : i32
    %dma_start3A_136 = arith.constant 0 : i32
    %dma_start3A_137 = tpu.memref_slice %arg2[%dma_start3A_135, %dma_start3A_136] : memref<90000x128xf32, #tpu.memory_space<hbm>> -> memref<90000x128xf32, #tpu.memory_space<hbm>>
    tpu.enqueue_indirect_dma source(%dma_start3A_137 : memref<90000x128xf32, #tpu.memory_space<hbm>>) target(%arg9 : memref<80x128xf32, #tpu.memory_space<vmem>>) offsets(%dma_start3A_134 : memref<80xi32, #tpu.memory_space<vmem>>) semaphore(%arg14 : memref<!tpu.dma_semaphore, #tpu.memory_space<semaphore_mem>>)
    %dma_start3A_138 = arith.constant 1 : i32
    %dma_start3A_139 = arith.constant 0 : i32
    %dma_start3A_140 = tpu.memref_slice %arg7[%dma_start3A_138, %dma_start3A_139] : memref<32x80xi32, #tpu.memory_space<vmem>> -> memref<1x80xi32, #tpu.memory_space<vmem>>
    %dma_start3A_141 = tpu.memref_squeeze %dma_start3A_140 : memref<1x80xi32, #tpu.memory_space<vmem>> -> memref<80xi32, #tpu.memory_space<vmem>>
    %dma_start3A_142 = arith.constant 0 : i32
    %dma_start3A_143 = arith.constant 0 : i32
    %dma_start3A_144 = tpu.memref_slice %arg2[%dma_start3A_142, %dma_start3A_143] : memref<90000x128xf32, #tpu.memory_space<hbm>> -> memref<90000x128xf32, #tpu.memory_space<hbm>>
    tpu.enqueue_indirect_dma source(%dma_start3A_144 : memref<90000x128xf32, #tpu.memory_space<hbm>>) target(%arg10 : memref<80x128xf32, #tpu.memory_space<vmem>>) offsets(%dma_start3A_141 : memref<80xi32, #tpu.memory_space<vmem>>) semaphore(%arg15 : memref<!tpu.dma_semaphore, #tpu.memory_space<semaphore_mem>>)
    %dma_start3A_145 = arith.constant 2 : i32
    %dma_start3A_146 = arith.constant 0 : i32
    %dma_start3A_147 = tpu.memref_slice %arg7[%dma_start3A_145, %dma_start3A_146] : memref<32x80xi32, #tpu.memory_space<vmem>> -> memref<1x80xi32, #tpu.memory_space<vmem>>
    %dma_start3A_148 = tpu.memref_squeeze %dma_start3A_147 : memref<1x80xi32, #tpu.memory_space<vmem>> -> memref<80xi32, #tpu.memory_space<vmem>>
    %dma_start3A_149 = arith.constant 0 : i32
    %dma_start3A_150 = arith.constant 0 : i32
    %dma_start3A_151 = tpu.memref_slice %arg2[%dma_start3A_149, %dma_start3A_150] : memref<90000x128xf32, #tpu.memory_space<hbm>> -> memref<90000x128xf32, #tpu.memory_space<hbm>>
    tpu.enqueue_indirect_dma source(%dma_start3A_151 : memref<90000x128xf32, #tpu.memory_space<hbm>>) target(%arg11 : memref<80x128xf32, #tpu.memory_space<vmem>>) offsets(%dma_start3A_148 : memref<80xi32, #tpu.memory_space<vmem>>) semaphore(%arg16 : memref<!tpu.dma_semaphore, #tpu.memory_space<semaphore_mem>>)
    %dma_start3A_152 = arith.constant 3 : i32
    %dma_start3A_153 = arith.constant 0 : i32
    %dma_start3A_154 = tpu.memref_slice %arg7[%dma_start3A_152, %dma_start3A_153] : memref<32x80xi32, #tpu.memory_space<vmem>> -> memref<1x80xi32, #tpu.memory_space<vmem>>
    %dma_start3A_155 = tpu.memref_squeeze %dma_start3A_154 : memref<1x80xi32, #tpu.memory_space<vmem>> -> memref<80xi32, #tpu.memory_space<vmem>>
    %dma_start3A_156 = arith.constant 0 : i32
    %dma_start3A_157 = arith.constant 0 : i32
    %dma_start3A_158 = tpu.memref_slice %arg2[%dma_start3A_156, %dma_start3A_157] : memref<90000x128xf32, #tpu.memory_space<hbm>> -> memref<90000x128xf32, #tpu.memory_space<hbm>>
    tpu.enqueue_indirect_dma source(%dma_start3A_158 : memref<90000x128xf32, #tpu.memory_space<hbm>>) target(%arg12 : memref<80x128xf32, #tpu.memory_space<vmem>>) offsets(%dma_start3A_155 : memref<80xi32, #tpu.memory_space<vmem>>) semaphore(%arg17 : memref<!tpu.dma_semaphore, #tpu.memory_space<semaphore_mem>>)
    %scan3A_159 = arith.constant 0 : i32
    %scan3A_160 = arith.constant 0 : i32
    %scan3A_161 = arith.constant 7 : i32
    %scan3A_162 = arith.addi %scan3A_160, %scan3A_161 : i32
    %scan3A_163 = arith.constant 1 : i32
    scf.for %scan3A_270 = %scan3A_160 to %scan3A_162 step %scan3A_163  : i32 {
      %mul3A_271 = arith.constant 4 : i32
      %mul3A_272 = arith.muli %scan3A_270, %mul3A_271 : i32
      %add3A_273 = arith.constant 0 : i32
      %add3A_274 = arith.addi %mul3A_272, %add3A_273 : i32
      %dma_wait3A_275 = arith.constant 0 : i32
      %dma_wait3A_276 = tpu.memref_slice %arg7[%add3A_274, %dma_wait3A_275] : memref<32x80xi32, #tpu.memory_space<vmem>> -> memref<1x80xi32, #tpu.memory_space<vmem>>
      %dma_wait3A_277 = tpu.memref_squeeze %dma_wait3A_276 : memref<1x80xi32, #tpu.memory_space<vmem>> -> memref<80xi32, #tpu.memory_space<vmem>>
      %dma_wait3A_278 = arith.constant 0 : i32
      %dma_wait3A_279 = arith.constant 0 : i32
      %dma_wait3A_280 = tpu.memref_slice %arg2[%dma_wait3A_278, %dma_wait3A_279] : memref<90000x128xf32, #tpu.memory_space<hbm>> -> memref<90000x128xf32, #tpu.memory_space<hbm>>
      tpu.wait_indirect_dma semaphore(%arg14 : memref<!tpu.dma_semaphore, #tpu.memory_space<semaphore_mem>>) src(%dma_wait3A_280 : memref<90000x128xf32, #tpu.memory_space<hbm>>) dst(%arg9 : memref<80x128xf32, #tpu.memory_space<vmem>>)
      "tpu.region"() ({
        %run_scoped3A_343 = tpu.sem_alloc : memref<!tpu.dma_semaphore, #tpu.memory_space<semaphore_mem>>
        %dma_start3A_344 = arith.constant 0 : i32
        %dma_start3A_345 = tpu.memref_slice %arg8[%add3A_274, %dma_start3A_344] : memref<32x80xi32, #tpu.memory_space<vmem>> -> memref<1x80xi32, #tpu.memory_space<vmem>>
        %dma_start3A_346 = tpu.memref_squeeze %dma_start3A_345 : memref<1x80xi32, #tpu.memory_space<vmem>> -> memref<80xi32, #tpu.memory_space<vmem>>
        %dma_start3A_347 = arith.constant 0 : i32
        %dma_start3A_348 = arith.constant 0 : i32
        %dma_start3A_349 = tpu.memref_slice %arg13[%dma_start3A_347, %dma_start3A_348] : memref<10240x128xf32, #tpu.memory_space<vmem_shared>> -> memref<10240x128xf32, #tpu.memory_space<vmem_shared>>
        tpu.enqueue_indirect_dma source(%arg9 : memref<80x128xf32, #tpu.memory_space<vmem>>) target(%dma_start3A_349 : memref<10240x128xf32, #tpu.memory_space<vmem_shared>>) offsets(%dma_start3A_346 : memref<80xi32, #tpu.memory_space<vmem>>) semaphore(%run_scoped3A_343 : memref<!tpu.dma_semaphore, #tpu.memory_space<semaphore_mem>>) {add = true}
        %dma_wait3A_350 = arith.constant 0 : i32
        %dma_wait3A_351 = tpu.memref_slice %arg8[%add3A_274, %dma_wait3A_350] : memref<32x80xi32, #tpu.memory_space<vmem>> -> memref<1x80xi32, #tpu.memory_space<vmem>>
        %dma_wait3A_352 = tpu.memref_squeeze %dma_wait3A_351 : memref<1x80xi32, #tpu.memory_space<vmem>> -> memref<80xi32, #tpu.memory_space<vmem>>
        %dma_wait3A_353 = arith.constant 0 : i32
        %dma_wait3A_354 = arith.constant 0 : i32
        %dma_wait3A_355 = tpu.memref_slice %arg13[%dma_wait3A_353, %dma_wait3A_354] : memref<10240x128xf32, #tpu.memory_space<vmem_shared>> -> memref<10240x128xf32, #tpu.memory_space<vmem_shared>>
        tpu.wait_indirect_dma semaphore(%run_scoped3A_343 : memref<!tpu.dma_semaphore, #tpu.memory_space<semaphore_mem>>) src(%arg9 : memref<80x128xf32, #tpu.memory_space<vmem>>) dst(%dma_wait3A_355 : memref<10240x128xf32, #tpu.memory_space<vmem_shared>>)
        tpu.yield
      }) : () -> ()
      %add3A_281 = arith.constant 4 : i32
      %add3A_282 = arith.addi %add3A_274, %add3A_281 : i32
      %dma_start3A_283 = arith.constant 0 : i32
      %dma_start3A_284 = tpu.memref_slice %arg7[%add3A_282, %dma_start3A_283] : memref<32x80xi32, #tpu.memory_space<vmem>> -> memref<1x80xi32, #tpu.memory_space<vmem>>
      %dma_start3A_285 = tpu.memref_squeeze %dma_start3A_284 : memref<1x80xi32, #tpu.memory_space<vmem>> -> memref<80xi32, #tpu.memory_space<vmem>>
      %dma_start3A_286 = arith.constant 0 : i32
      %dma_start3A_287 = arith.constant 0 : i32
      %dma_start3A_288 = tpu.memref_slice %arg2[%dma_start3A_286, %dma_start3A_287] : memref<90000x128xf32, #tpu.memory_space<hbm>> -> memref<90000x128xf32, #tpu.memory_space<hbm>>
      tpu.enqueue_indirect_dma source(%dma_start3A_288 : memref<90000x128xf32, #tpu.memory_space<hbm>>) target(%arg9 : memref<80x128xf32, #tpu.memory_space<vmem>>) offsets(%dma_start3A_285 : memref<80xi32, #tpu.memory_space<vmem>>) semaphore(%arg14 : memref<!tpu.dma_semaphore, #tpu.memory_space<semaphore_mem>>)
      %mul3A_289 = arith.constant 4 : i32
      %mul3A_290 = arith.muli %scan3A_270, %mul3A_289 : i32
      %add3A_291 = arith.constant 1 : i32
      %add3A_292 = arith.addi %mul3A_290, %add3A_291 : i32
      %dma_wait3A_293 = arith.constant 0 : i32
      %dma_wait3A_294 = tpu.memref_slice %arg7[%add3A_292, %dma_wait3A_293] : memref<32x80xi32, #tpu.memory_space<vmem>> -> memref<1x80xi32, #tpu.memory_space<vmem>>
      %dma_wait3A_295 = tpu.memref_squeeze %dma_wait3A_294 : memref<1x80xi32, #tpu.memory_space<vmem>> -> memref<80xi32, #tpu.memory_space<vmem>>
      %dma_wait3A_296 = arith.constant 0 : i32
      %dma_wait3A_297 = arith.constant 0 : i32
      %dma_wait3A_298 = tpu.memref_slice %arg2[%dma_wait3A_296, %dma_wait3A_297] : memref<90000x128xf32, #tpu.memory_space<hbm>> -> memref<90000x128xf32, #tpu.memory_space<hbm>>
      tpu.wait_indirect_dma semaphore(%arg15 : memref<!tpu.dma_semaphore, #tpu.memory_space<semaphore_mem>>) src(%dma_wait3A_298 : memref<90000x128xf32, #tpu.memory_space<hbm>>) dst(%arg10 : memref<80x128xf32, #tpu.memory_space<vmem>>)
      "tpu.region"() ({
        %run_scoped3A_343 = tpu.sem_alloc : memref<!tpu.dma_semaphore, #tpu.memory_space<semaphore_mem>>
        %dma_start3A_344 = arith.constant 0 : i32
        %dma_start3A_345 = tpu.memref_slice %arg8[%add3A_292, %dma_start3A_344] : memref<32x80xi32, #tpu.memory_space<vmem>> -> memref<1x80xi32, #tpu.memory_space<vmem>>
        %dma_start3A_346 = tpu.memref_squeeze %dma_start3A_345 : memref<1x80xi32, #tpu.memory_space<vmem>> -> memref<80xi32, #tpu.memory_space<vmem>>
        %dma_start3A_347 = arith.constant 0 : i32
        %dma_start3A_348 = arith.constant 0 : i32
        %dma_start3A_349 = tpu.memref_slice %arg13[%dma_start3A_347, %dma_start3A_348] : memref<10240x128xf32, #tpu.memory_space<vmem_shared>> -> memref<10240x128xf32, #tpu.memory_space<vmem_shared>>
        tpu.enqueue_indirect_dma source(%arg10 : memref<80x128xf32, #tpu.memory_space<vmem>>) target(%dma_start3A_349 : memref<10240x128xf32, #tpu.memory_space<vmem_shared>>) offsets(%dma_start3A_346 : memref<80xi32, #tpu.memory_space<vmem>>) semaphore(%run_scoped3A_343 : memref<!tpu.dma_semaphore, #tpu.memory_space<semaphore_mem>>) {add = true}
        %dma_wait3A_350 = arith.constant 0 : i32
        %dma_wait3A_351 = tpu.memref_slice %arg8[%add3A_292, %dma_wait3A_350] : memref<32x80xi32, #tpu.memory_space<vmem>> -> memref<1x80xi32, #tpu.memory_space<vmem>>
        %dma_wait3A_352 = tpu.memref_squeeze %dma_wait3A_351 : memref<1x80xi32, #tpu.memory_space<vmem>> -> memref<80xi32, #tpu.memory_space<vmem>>
        %dma_wait3A_353 = arith.constant 0 : i32
        %dma_wait3A_354 = arith.constant 0 : i32
        %dma_wait3A_355 = tpu.memref_slice %arg13[%dma_wait3A_353, %dma_wait3A_354] : memref<10240x128xf32, #tpu.memory_space<vmem_shared>> -> memref<10240x128xf32, #tpu.memory_space<vmem_shared>>
        tpu.wait_indirect_dma semaphore(%run_scoped3A_343 : memref<!tpu.dma_semaphore, #tpu.memory_space<semaphore_mem>>) src(%arg10 : memref<80x128xf32, #tpu.memory_space<vmem>>) dst(%dma_wait3A_355 : memref<10240x128xf32, #tpu.memory_space<vmem_shared>>)
        tpu.yield
      }) : () -> ()
      %add3A_299 = arith.constant 4 : i32
      %add3A_300 = arith.addi %add3A_292, %add3A_299 : i32
      %dma_start3A_301 = arith.constant 0 : i32
      %dma_start3A_302 = tpu.memref_slice %arg7[%add3A_300, %dma_start3A_301] : memref<32x80xi32, #tpu.memory_space<vmem>> -> memref<1x80xi32, #tpu.memory_space<vmem>>
      %dma_start3A_303 = tpu.memref_squeeze %dma_start3A_302 : memref<1x80xi32, #tpu.memory_space<vmem>> -> memref<80xi32, #tpu.memory_space<vmem>>
      %dma_start3A_304 = arith.constant 0 : i32
      %dma_start3A_305 = arith.constant 0 : i32
      %dma_start3A_306 = tpu.memref_slice %arg2[%dma_start3A_304, %dma_start3A_305] : memref<90000x128xf32, #tpu.memory_space<hbm>> -> memref<90000x128xf32, #tpu.memory_space<hbm>>
      tpu.enqueue_indirect_dma source(%dma_start3A_306 : memref<90000x128xf32, #tpu.memory_space<hbm>>) target(%arg10 : memref<80x128xf32, #tpu.memory_space<vmem>>) offsets(%dma_start3A_303 : memref<80xi32, #tpu.memory_space<vmem>>) semaphore(%arg15 : memref<!tpu.dma_semaphore, #tpu.memory_space<semaphore_mem>>)
      %mul3A_307 = arith.constant 4 : i32
      %mul3A_308 = arith.muli %scan3A_270, %mul3A_307 : i32
      %add3A_309 = arith.constant 2 : i32
      %add3A_310 = arith.addi %mul3A_308, %add3A_309 : i32
      %dma_wait3A_311 = arith.constant 0 : i32
      %dma_wait3A_312 = tpu.memref_slice %arg7[%add3A_310, %dma_wait3A_311] : memref<32x80xi32, #tpu.memory_space<vmem>> -> memref<1x80xi32, #tpu.memory_space<vmem>>
      %dma_wait3A_313 = tpu.memref_squeeze %dma_wait3A_312 : memref<1x80xi32, #tpu.memory_space<vmem>> -> memref<80xi32, #tpu.memory_space<vmem>>
      %dma_wait3A_314 = arith.constant 0 : i32
      %dma_wait3A_315 = arith.constant 0 : i32
      %dma_wait3A_316 = tpu.memref_slice %arg2[%dma_wait3A_314, %dma_wait3A_315] : memref<90000x128xf32, #tpu.memory_space<hbm>> -> memref<90000x128xf32, #tpu.memory_space<hbm>>
      tpu.wait_indirect_dma semaphore(%arg16 : memref<!tpu.dma_semaphore, #tpu.memory_space<semaphore_mem>>) src(%dma_wait3A_316 : memref<90000x128xf32, #tpu.memory_space<hbm>>) dst(%arg11 : memref<80x128xf32, #tpu.memory_space<vmem>>)
      "tpu.region"() ({
        %run_scoped3A_343 = tpu.sem_alloc : memref<!tpu.dma_semaphore, #tpu.memory_space<semaphore_mem>>
        %dma_start3A_344 = arith.constant 0 : i32
        %dma_start3A_345 = tpu.memref_slice %arg8[%add3A_310, %dma_start3A_344] : memref<32x80xi32, #tpu.memory_space<vmem>> -> memref<1x80xi32, #tpu.memory_space<vmem>>
        %dma_start3A_346 = tpu.memref_squeeze %dma_start3A_345 : memref<1x80xi32, #tpu.memory_space<vmem>> -> memref<80xi32, #tpu.memory_space<vmem>>
        %dma_start3A_347 = arith.constant 0 : i32
        %dma_start3A_348 = arith.constant 0 : i32
        %dma_start3A_349 = tpu.memref_slice %arg13[%dma_start3A_347, %dma_start3A_348] : memref<10240x128xf32, #tpu.memory_space<vmem_shared>> -> memref<10240x128xf32, #tpu.memory_space<vmem_shared>>
        tpu.enqueue_indirect_dma source(%arg11 : memref<80x128xf32, #tpu.memory_space<vmem>>) target(%dma_start3A_349 : memref<10240x128xf32, #tpu.memory_space<vmem_shared>>) offsets(%dma_start3A_346 : memref<80xi32, #tpu.memory_space<vmem>>) semaphore(%run_scoped3A_343 : memref<!tpu.dma_semaphore, #tpu.memory_space<semaphore_mem>>) {add = true}
        %dma_wait3A_350 = arith.constant 0 : i32
        %dma_wait3A_351 = tpu.memref_slice %arg8[%add3A_310, %dma_wait3A_350] : memref<32x80xi32, #tpu.memory_space<vmem>> -> memref<1x80xi32, #tpu.memory_space<vmem>>
        %dma_wait3A_352 = tpu.memref_squeeze %dma_wait3A_351 : memref<1x80xi32, #tpu.memory_space<vmem>> -> memref<80xi32, #tpu.memory_space<vmem>>
        %dma_wait3A_353 = arith.constant 0 : i32
        %dma_wait3A_354 = arith.constant 0 : i32
        %dma_wait3A_355 = tpu.memref_slice %arg13[%dma_wait3A_353, %dma_wait3A_354] : memref<10240x128xf32, #tpu.memory_space<vmem_shared>> -> memref<10240x128xf32, #tpu.memory_space<vmem_shared>>
        tpu.wait_indirect_dma semaphore(%run_scoped3A_343 : memref<!tpu.dma_semaphore, #tpu.memory_space<semaphore_mem>>) src(%arg11 : memref<80x128xf32, #tpu.memory_space<vmem>>) dst(%dma_wait3A_355 : memref<10240x128xf32, #tpu.memory_space<vmem_shared>>)
        tpu.yield
      }) : () -> ()
      %add3A_317 = arith.constant 4 : i32
      %add3A_318 = arith.addi %add3A_310, %add3A_317 : i32
      %dma_start3A_319 = arith.constant 0 : i32
      %dma_start3A_320 = tpu.memref_slice %arg7[%add3A_318, %dma_start3A_319] : memref<32x80xi32, #tpu.memory_space<vmem>> -> memref<1x80xi32, #tpu.memory_space<vmem>>
      %dma_start3A_321 = tpu.memref_squeeze %dma_start3A_320 : memref<1x80xi32, #tpu.memory_space<vmem>> -> memref<80xi32, #tpu.memory_space<vmem>>
      %dma_start3A_322 = arith.constant 0 : i32
      %dma_start3A_323 = arith.constant 0 : i32
      %dma_start3A_324 = tpu.memref_slice %arg2[%dma_start3A_322, %dma_start3A_323] : memref<90000x128xf32, #tpu.memory_space<hbm>> -> memref<90000x128xf32, #tpu.memory_space<hbm>>
      tpu.enqueue_indirect_dma source(%dma_start3A_324 : memref<90000x128xf32, #tpu.memory_space<hbm>>) target(%arg11 : memref<80x128xf32, #tpu.memory_space<vmem>>) offsets(%dma_start3A_321 : memref<80xi32, #tpu.memory_space<vmem>>) semaphore(%arg16 : memref<!tpu.dma_semaphore, #tpu.memory_space<semaphore_mem>>)
      %mul3A_325 = arith.constant 4 : i32
      %mul3A_326 = arith.muli %scan3A_270, %mul3A_325 : i32
      %add3A_327 = arith.constant 3 : i32
      %add3A_328 = arith.addi %mul3A_326, %add3A_327 : i32
      %dma_wait3A_329 = arith.constant 0 : i32
      %dma_wait3A_330 = tpu.memref_slice %arg7[%add3A_328, %dma_wait3A_329] : memref<32x80xi32, #tpu.memory_space<vmem>> -> memref<1x80xi32, #tpu.memory_space<vmem>>
      %dma_wait3A_331 = tpu.memref_squeeze %dma_wait3A_330 : memref<1x80xi32, #tpu.memory_space<vmem>> -> memref<80xi32, #tpu.memory_space<vmem>>
      %dma_wait3A_332 = arith.constant 0 : i32
      %dma_wait3A_333 = arith.constant 0 : i32
      %dma_wait3A_334 = tpu.memref_slice %arg2[%dma_wait3A_332, %dma_wait3A_333] : memref<90000x128xf32, #tpu.memory_space<hbm>> -> memref<90000x128xf32, #tpu.memory_space<hbm>>
      tpu.wait_indirect_dma semaphore(%arg17 : memref<!tpu.dma_semaphore, #tpu.memory_space<semaphore_mem>>) src(%dma_wait3A_334 : memref<90000x128xf32, #tpu.memory_space<hbm>>) dst(%arg12 : memref<80x128xf32, #tpu.memory_space<vmem>>)
      "tpu.region"() ({
        %run_scoped3A_343 = tpu.sem_alloc : memref<!tpu.dma_semaphore, #tpu.memory_space<semaphore_mem>>
        %dma_start3A_344 = arith.constant 0 : i32
        %dma_start3A_345 = tpu.memref_slice %arg8[%add3A_328, %dma_start3A_344] : memref<32x80xi32, #tpu.memory_space<vmem>> -> memref<1x80xi32, #tpu.memory_space<vmem>>
        %dma_start3A_346 = tpu.memref_squeeze %dma_start3A_345 : memref<1x80xi32, #tpu.memory_space<vmem>> -> memref<80xi32, #tpu.memory_space<vmem>>
        %dma_start3A_347 = arith.constant 0 : i32
        %dma_start3A_348 = arith.constant 0 : i32
        %dma_start3A_349 = tpu.memref_slice %arg13[%dma_start3A_347, %dma_start3A_348] : memref<10240x128xf32, #tpu.memory_space<vmem_shared>> -> memref<10240x128xf32, #tpu.memory_space<vmem_shared>>
        tpu.enqueue_indirect_dma source(%arg12 : memref<80x128xf32, #tpu.memory_space<vmem>>) target(%dma_start3A_349 : memref<10240x128xf32, #tpu.memory_space<vmem_shared>>) offsets(%dma_start3A_346 : memref<80xi32, #tpu.memory_space<vmem>>) semaphore(%run_scoped3A_343 : memref<!tpu.dma_semaphore, #tpu.memory_space<semaphore_mem>>) {add = true}
        %dma_wait3A_350 = arith.constant 0 : i32
        %dma_wait3A_351 = tpu.memref_slice %arg8[%add3A_328, %dma_wait3A_350] : memref<32x80xi32, #tpu.memory_space<vmem>> -> memref<1x80xi32, #tpu.memory_space<vmem>>
        %dma_wait3A_352 = tpu.memref_squeeze %dma_wait3A_351 : memref<1x80xi32, #tpu.memory_space<vmem>> -> memref<80xi32, #tpu.memory_space<vmem>>
        %dma_wait3A_353 = arith.constant 0 : i32
        %dma_wait3A_354 = arith.constant 0 : i32
        %dma_wait3A_355 = tpu.memref_slice %arg13[%dma_wait3A_353, %dma_wait3A_354] : memref<10240x128xf32, #tpu.memory_space<vmem_shared>> -> memref<10240x128xf32, #tpu.memory_space<vmem_shared>>
        tpu.wait_indirect_dma semaphore(%run_scoped3A_343 : memref<!tpu.dma_semaphore, #tpu.memory_space<semaphore_mem>>) src(%arg12 : memref<80x128xf32, #tpu.memory_space<vmem>>) dst(%dma_wait3A_355 : memref<10240x128xf32, #tpu.memory_space<vmem_shared>>)
        tpu.yield
      }) : () -> ()
      %add3A_335 = arith.constant 4 : i32
      %add3A_336 = arith.addi %add3A_328, %add3A_335 : i32
      %dma_start3A_337 = arith.constant 0 : i32
      %dma_start3A_338 = tpu.memref_slice %arg7[%add3A_336, %dma_start3A_337] : memref<32x80xi32, #tpu.memory_space<vmem>> -> memref<1x80xi32, #tpu.memory_space<vmem>>
      %dma_start3A_339 = tpu.memref_squeeze %dma_start3A_338 : memref<1x80xi32, #tpu.memory_space<vmem>> -> memref<80xi32, #tpu.memory_space<vmem>>
      %dma_start3A_340 = arith.constant 0 : i32
      %dma_start3A_341 = arith.constant 0 : i32
      %dma_start3A_342 = tpu.memref_slice %arg2[%dma_start3A_340, %dma_start3A_341] : memref<90000x128xf32, #tpu.memory_space<hbm>> -> memref<90000x128xf32, #tpu.memory_space<hbm>>
      tpu.enqueue_indirect_dma source(%dma_start3A_342 : memref<90000x128xf32, #tpu.memory_space<hbm>>) target(%arg12 : memref<80x128xf32, #tpu.memory_space<vmem>>) offsets(%dma_start3A_339 : memref<80xi32, #tpu.memory_space<vmem>>) semaphore(%arg17 : memref<!tpu.dma_semaphore, #tpu.memory_space<semaphore_mem>>)
    }
    %scan3A_164 = arith.constant 7 : i32
    %dma_wait3A_165 = arith.constant 28 : i32
    %dma_wait3A_166 = arith.constant 0 : i32
    %dma_wait3A_167 = tpu.memref_slice %arg7[%dma_wait3A_165, %dma_wait3A_166] : memref<32x80xi32, #tpu.memory_space<vmem>> -> memref<1x80xi32, #tpu.memory_space<vmem>>
    %dma_wait3A_168 = tpu.memref_squeeze %dma_wait3A_167 : memref<1x80xi32, #tpu.memory_space<vmem>> -> memref<80xi32, #tpu.memory_space<vmem>>
    %dma_wait3A_169 = arith.constant 0 : i32
    %dma_wait3A_170 = arith.constant 0 : i32
    %dma_wait3A_171 = tpu.memref_slice %arg2[%dma_wait3A_169, %dma_wait3A_170] : memref<90000x128xf32, #tpu.memory_space<hbm>> -> memref<90000x128xf32, #tpu.memory_space<hbm>>
    tpu.wait_indirect_dma semaphore(%arg14 : memref<!tpu.dma_semaphore, #tpu.memory_space<semaphore_mem>>) src(%dma_wait3A_171 : memref<90000x128xf32, #tpu.memory_space<hbm>>) dst(%arg9 : memref<80x128xf32, #tpu.memory_space<vmem>>)
    %run_scoped3A_172 = arith.constant 28 : i32
    "tpu.region"() ({
      %run_scoped3A_270 = tpu.sem_alloc : memref<!tpu.dma_semaphore, #tpu.memory_space<semaphore_mem>>
      %dma_start3A_271 = arith.constant 0 : i32
      %dma_start3A_272 = tpu.memref_slice %arg8[%run_scoped3A_172, %dma_start3A_271] : memref<32x80xi32, #tpu.memory_space<vmem>> -> memref<1x80xi32, #tpu.memory_space<vmem>>
      %dma_start3A_273 = tpu.memref_squeeze %dma_start3A_272 : memref<1x80xi32, #tpu.memory_space<vmem>> -> memref<80xi32, #tpu.memory_space<vmem>>
      %dma_start3A_274 = arith.constant 0 : i32
      %dma_start3A_275 = arith.constant 0 : i32
      %dma_start3A_276 = tpu.memref_slice %arg13[%dma_start3A_274, %dma_start3A_275] : memref<10240x128xf32, #tpu.memory_space<vmem_shared>> -> memref<10240x128xf32, #tpu.memory_space<vmem_shared>>
      tpu.enqueue_indirect_dma source(%arg9 : memref<80x128xf32, #tpu.memory_space<vmem>>) target(%dma_start3A_276 : memref<10240x128xf32, #tpu.memory_space<vmem_shared>>) offsets(%dma_start3A_273 : memref<80xi32, #tpu.memory_space<vmem>>) semaphore(%run_scoped3A_270 : memref<!tpu.dma_semaphore, #tpu.memory_space<semaphore_mem>>) {add = true}
      %dma_wait3A_277 = arith.constant 0 : i32
      %dma_wait3A_278 = tpu.memref_slice %arg8[%run_scoped3A_172, %dma_wait3A_277] : memref<32x80xi32, #tpu.memory_space<vmem>> -> memref<1x80xi32, #tpu.memory_space<vmem>>
      %dma_wait3A_279 = tpu.memref_squeeze %dma_wait3A_278 : memref<1x80xi32, #tpu.memory_space<vmem>> -> memref<80xi32, #tpu.memory_space<vmem>>
      %dma_wait3A_280 = arith.constant 0 : i32
      %dma_wait3A_281 = arith.constant 0 : i32
      %dma_wait3A_282 = tpu.memref_slice %arg13[%dma_wait3A_280, %dma_wait3A_281] : memref<10240x128xf32, #tpu.memory_space<vmem_shared>> -> memref<10240x128xf32, #tpu.memory_space<vmem_shared>>
      tpu.wait_indirect_dma semaphore(%run_scoped3A_270 : memref<!tpu.dma_semaphore, #tpu.memory_space<semaphore_mem>>) src(%arg9 : memref<80x128xf32, #tpu.memory_space<vmem>>) dst(%dma_wait3A_282 : memref<10240x128xf32, #tpu.memory_space<vmem_shared>>)
      tpu.yield
    }) : () -> ()
    %dma_wait3A_173 = arith.constant 29 : i32
    %dma_wait3A_174 = arith.constant 0 : i32
    %dma_wait3A_175 = tpu.memref_slice %arg7[%dma_wait3A_173, %dma_wait3A_174] : memref<32x80xi32, #tpu.memory_space<vmem>> -> memref<1x80xi32, #tpu.memory_space<vmem>>
    %dma_wait3A_176 = tpu.memref_squeeze %dma_wait3A_175 : memref<1x80xi32, #tpu.memory_space<vmem>> -> memref<80xi32, #tpu.memory_space<vmem>>
    %dma_wait3A_177 = arith.constant 0 : i32
    %dma_wait3A_178 = arith.constant 0 : i32
    %dma_wait3A_179 = tpu.memref_slice %arg2[%dma_wait3A_177, %dma_wait3A_178] : memref<90000x128xf32, #tpu.memory_space<hbm>> -> memref<90000x128xf32, #tpu.memory_space<hbm>>
    tpu.wait_indirect_dma semaphore(%arg15 : memref<!tpu.dma_semaphore, #tpu.memory_space<semaphore_mem>>) src(%dma_wait3A_179 : memref<90000x128xf32, #tpu.memory_space<hbm>>) dst(%arg10 : memref<80x128xf32, #tpu.memory_space<vmem>>)
    %run_scoped3A_180 = arith.constant 29 : i32
    "tpu.region"() ({
      %run_scoped3A_270 = tpu.sem_alloc : memref<!tpu.dma_semaphore, #tpu.memory_space<semaphore_mem>>
      %dma_start3A_271 = arith.constant 0 : i32
      %dma_start3A_272 = tpu.memref_slice %arg8[%run_scoped3A_180, %dma_start3A_271] : memref<32x80xi32, #tpu.memory_space<vmem>> -> memref<1x80xi32, #tpu.memory_space<vmem>>
      %dma_start3A_273 = tpu.memref_squeeze %dma_start3A_272 : memref<1x80xi32, #tpu.memory_space<vmem>> -> memref<80xi32, #tpu.memory_space<vmem>>
      %dma_start3A_274 = arith.constant 0 : i32
      %dma_start3A_275 = arith.constant 0 : i32
      %dma_start3A_276 = tpu.memref_slice %arg13[%dma_start3A_274, %dma_start3A_275] : memref<10240x128xf32, #tpu.memory_space<vmem_shared>> -> memref<10240x128xf32, #tpu.memory_space<vmem_shared>>
      tpu.enqueue_indirect_dma source(%arg10 : memref<80x128xf32, #tpu.memory_space<vmem>>) target(%dma_start3A_276 : memref<10240x128xf32, #tpu.memory_space<vmem_shared>>) offsets(%dma_start3A_273 : memref<80xi32, #tpu.memory_space<vmem>>) semaphore(%run_scoped3A_270 : memref<!tpu.dma_semaphore, #tpu.memory_space<semaphore_mem>>) {add = true}
      %dma_wait3A_277 = arith.constant 0 : i32
      %dma_wait3A_278 = tpu.memref_slice %arg8[%run_scoped3A_180, %dma_wait3A_277] : memref<32x80xi32, #tpu.memory_space<vmem>> -> memref<1x80xi32, #tpu.memory_space<vmem>>
      %dma_wait3A_279 = tpu.memref_squeeze %dma_wait3A_278 : memref<1x80xi32, #tpu.memory_space<vmem>> -> memref<80xi32, #tpu.memory_space<vmem>>
      %dma_wait3A_280 = arith.constant 0 : i32
      %dma_wait3A_281 = arith.constant 0 : i32
      %dma_wait3A_282 = tpu.memref_slice %arg13[%dma_wait3A_280, %dma_wait3A_281] : memref<10240x128xf32, #tpu.memory_space<vmem_shared>> -> memref<10240x128xf32, #tpu.memory_space<vmem_shared>>
      tpu.wait_indirect_dma semaphore(%run_scoped3A_270 : memref<!tpu.dma_semaphore, #tpu.memory_space<semaphore_mem>>) src(%arg10 : memref<80x128xf32, #tpu.memory_space<vmem>>) dst(%dma_wait3A_282 : memref<10240x128xf32, #tpu.memory_space<vmem_shared>>)
      tpu.yield
    }) : () -> ()
    %dma_wait3A_181 = arith.constant 30 : i32
    %dma_wait3A_182 = arith.constant 0 : i32
    %dma_wait3A_183 = tpu.memref_slice %arg7[%dma_wait3A_181, %dma_wait3A_182] : memref<32x80xi32, #tpu.memory_space<vmem>> -> memref<1x80xi32, #tpu.memory_space<vmem>>
    %dma_wait3A_184 = tpu.memref_squeeze %dma_wait3A_183 : memref<1x80xi32, #tpu.memory_space<vmem>> -> memref<80xi32, #tpu.memory_space<vmem>>
    %dma_wait3A_185 = arith.constant 0 : i32
    %dma_wait3A_186 = arith.constant 0 : i32
    %dma_wait3A_187 = tpu.memref_slice %arg2[%dma_wait3A_185, %dma_wait3A_186] : memref<90000x128xf32, #tpu.memory_space<hbm>> -> memref<90000x128xf32, #tpu.memory_space<hbm>>
    tpu.wait_indirect_dma semaphore(%arg16 : memref<!tpu.dma_semaphore, #tpu.memory_space<semaphore_mem>>) src(%dma_wait3A_187 : memref<90000x128xf32, #tpu.memory_space<hbm>>) dst(%arg11 : memref<80x128xf32, #tpu.memory_space<vmem>>)
    %run_scoped3A_188 = arith.constant 30 : i32
    "tpu.region"() ({
      %run_scoped3A_270 = tpu.sem_alloc : memref<!tpu.dma_semaphore, #tpu.memory_space<semaphore_mem>>
      %dma_start3A_271 = arith.constant 0 : i32
      %dma_start3A_272 = tpu.memref_slice %arg8[%run_scoped3A_188, %dma_start3A_271] : memref<32x80xi32, #tpu.memory_space<vmem>> -> memref<1x80xi32, #tpu.memory_space<vmem>>
      %dma_start3A_273 = tpu.memref_squeeze %dma_start3A_272 : memref<1x80xi32, #tpu.memory_space<vmem>> -> memref<80xi32, #tpu.memory_space<vmem>>
      %dma_start3A_274 = arith.constant 0 : i32
      %dma_start3A_275 = arith.constant 0 : i32
      %dma_start3A_276 = tpu.memref_slice %arg13[%dma_start3A_274, %dma_start3A_275] : memref<10240x128xf32, #tpu.memory_space<vmem_shared>> -> memref<10240x128xf32, #tpu.memory_space<vmem_shared>>
      tpu.enqueue_indirect_dma source(%arg11 : memref<80x128xf32, #tpu.memory_space<vmem>>) target(%dma_start3A_276 : memref<10240x128xf32, #tpu.memory_space<vmem_shared>>) offsets(%dma_start3A_273 : memref<80xi32, #tpu.memory_space<vmem>>) semaphore(%run_scoped3A_270 : memref<!tpu.dma_semaphore, #tpu.memory_space<semaphore_mem>>) {add = true}
      %dma_wait3A_277 = arith.constant 0 : i32
      %dma_wait3A_278 = tpu.memref_slice %arg8[%run_scoped3A_188, %dma_wait3A_277] : memref<32x80xi32, #tpu.memory_space<vmem>> -> memref<1x80xi32, #tpu.memory_space<vmem>>
      %dma_wait3A_279 = tpu.memref_squeeze %dma_wait3A_278 : memref<1x80xi32, #tpu.memory_space<vmem>> -> memref<80xi32, #tpu.memory_space<vmem>>
      %dma_wait3A_280 = arith.constant 0 : i32
      %dma_wait3A_281 = arith.constant 0 : i32
      %dma_wait3A_282 = tpu.memref_slice %arg13[%dma_wait3A_280, %dma_wait3A_281] : memref<10240x128xf32, #tpu.memory_space<vmem_shared>> -> memref<10240x128xf32, #tpu.memory_space<vmem_shared>>
      tpu.wait_indirect_dma semaphore(%run_scoped3A_270 : memref<!tpu.dma_semaphore, #tpu.memory_space<semaphore_mem>>) src(%arg11 : memref<80x128xf32, #tpu.memory_space<vmem>>) dst(%dma_wait3A_282 : memref<10240x128xf32, #tpu.memory_space<vmem_shared>>)
      tpu.yield
    }) : () -> ()
    %dma_wait3A_189 = arith.constant 31 : i32
    %dma_wait3A_190 = arith.constant 0 : i32
    %dma_wait3A_191 = tpu.memref_slice %arg7[%dma_wait3A_189, %dma_wait3A_190] : memref<32x80xi32, #tpu.memory_space<vmem>> -> memref<1x80xi32, #tpu.memory_space<vmem>>
    %dma_wait3A_192 = tpu.memref_squeeze %dma_wait3A_191 : memref<1x80xi32, #tpu.memory_space<vmem>> -> memref<80xi32, #tpu.memory_space<vmem>>
    %dma_wait3A_193 = arith.constant 0 : i32
    %dma_wait3A_194 = arith.constant 0 : i32
    %dma_wait3A_195 = tpu.memref_slice %arg2[%dma_wait3A_193, %dma_wait3A_194] : memref<90000x128xf32, #tpu.memory_space<hbm>> -> memref<90000x128xf32, #tpu.memory_space<hbm>>
    tpu.wait_indirect_dma semaphore(%arg17 : memref<!tpu.dma_semaphore, #tpu.memory_space<semaphore_mem>>) src(%dma_wait3A_195 : memref<90000x128xf32, #tpu.memory_space<hbm>>) dst(%arg12 : memref<80x128xf32, #tpu.memory_space<vmem>>)
    %run_scoped3A_196 = arith.constant 31 : i32
    "tpu.region"() ({
      %run_scoped3A_270 = tpu.sem_alloc : memref<!tpu.dma_semaphore, #tpu.memory_space<semaphore_mem>>
      %dma_start3A_271 = arith.constant 0 : i32
      %dma_start3A_272 = tpu.memref_slice %arg8[%run_scoped3A_196, %dma_start3A_271] : memref<32x80xi32, #tpu.memory_space<vmem>> -> memref<1x80xi32, #tpu.memory_space<vmem>>
      %dma_start3A_273 = tpu.memref_squeeze %dma_start3A_272 : memref<1x80xi32, #tpu.memory_space<vmem>> -> memref<80xi32, #tpu.memory_space<vmem>>
      %dma_start3A_274 = arith.constant 0 : i32
      %dma_start3A_275 = arith.constant 0 : i32
      %dma_start3A_276 = tpu.memref_slice %arg13[%dma_start3A_274, %dma_start3A_275] : memref<10240x128xf32, #tpu.memory_space<vmem_shared>> -> memref<10240x128xf32, #tpu.memory_space<vmem_shared>>
      tpu.enqueue_indirect_dma source(%arg12 : memref<80x128xf32, #tpu.memory_space<vmem>>) target(%dma_start3A_276 : memref<10240x128xf32, #tpu.memory_space<vmem_shared>>) offsets(%dma_start3A_273 : memref<80xi32, #tpu.memory_space<vmem>>) semaphore(%run_scoped3A_270 : memref<!tpu.dma_semaphore, #tpu.memory_space<semaphore_mem>>) {add = true}
      %dma_wait3A_277 = arith.constant 0 : i32
      %dma_wait3A_278 = tpu.memref_slice %arg8[%run_scoped3A_196, %dma_wait3A_277] : memref<32x80xi32, #tpu.memory_space<vmem>> -> memref<1x80xi32, #tpu.memory_space<vmem>>
      %dma_wait3A_279 = tpu.memref_squeeze %dma_wait3A_278 : memref<1x80xi32, #tpu.memory_space<vmem>> -> memref<80xi32, #tpu.memory_space<vmem>>
      %dma_wait3A_280 = arith.constant 0 : i32
      %dma_wait3A_281 = arith.constant 0 : i32
      %dma_wait3A_282 = tpu.memref_slice %arg13[%dma_wait3A_280, %dma_wait3A_281] : memref<10240x128xf32, #tpu.memory_space<vmem_shared>> -> memref<10240x128xf32, #tpu.memory_space<vmem_shared>>
      tpu.wait_indirect_dma semaphore(%run_scoped3A_270 : memref<!tpu.dma_semaphore, #tpu.memory_space<semaphore_mem>>) src(%arg12 : memref<80x128xf32, #tpu.memory_space<vmem>>) dst(%dma_wait3A_282 : memref<10240x128xf32, #tpu.memory_space<vmem_shared>>)
      tpu.yield
    }) : () -> ()
    "tpu.region"() ({
      %run_scoped3A_270 = tpu.sem_alloc : memref<!tpu.dma_semaphore, #tpu.memory_space<semaphore_mem>>
      %dma_start3A_271 = arith.constant 96 : i32
      %dma_start3A_272 = arith.constant 0 : i32
      %dma_start3A_273 = tpu.memref_slice %arg3[%add3A, %dma_start3A_271, %dma_start3A_272] : memref<32x128x80xi32, #tpu.memory_space<hbm>> -> memref<1x32x80xi32, #tpu.memory_space<hbm>>
      %dma_start3A_274 = tpu.memref_squeeze %dma_start3A_273 : memref<1x32x80xi32, #tpu.memory_space<hbm>> -> memref<32x80xi32, #tpu.memory_space<hbm>>
      %dma_start3A_275 = arith.constant 96 : i32
      %dma_start3A_276 = arith.constant 0 : i32
      %dma_start3A_277 = tpu.memref_slice %arg3[%add3A, %dma_start3A_275, %dma_start3A_276] : memref<32x128x80xi32, #tpu.memory_space<hbm>> -> memref<1x32x80xi32, #tpu.memory_space<hbm>>
      %dma_start3A_278 = tpu.memref_squeeze %dma_start3A_277 : memref<1x32x80xi32, #tpu.memory_space<hbm>> -> memref<32x80xi32, #tpu.memory_space<hbm>>
      tpu.enqueue_dma source(%dma_start3A_278 : memref<32x80xi32, #tpu.memory_space<hbm>>) target(%arg7 : memref<32x80xi32, #tpu.memory_space<vmem>>) target_semaphore(%run_scoped3A_270 : memref<!tpu.dma_semaphore, #tpu.memory_space<semaphore_mem>>)
      %dma_wait3A_279 = arith.constant 96 : i32
      %dma_wait3A_280 = arith.constant 0 : i32
      %dma_wait3A_281 = tpu.memref_slice %arg3[%add3A, %dma_wait3A_279, %dma_wait3A_280] : memref<32x128x80xi32, #tpu.memory_space<hbm>> -> memref<1x32x80xi32, #tpu.memory_space<hbm>>
      %dma_wait3A_282 = tpu.memref_squeeze %dma_wait3A_281 : memref<1x32x80xi32, #tpu.memory_space<hbm>> -> memref<32x80xi32, #tpu.memory_space<hbm>>
      %dma_wait3A_283 = arith.constant 96 : i32
      %dma_wait3A_284 = arith.constant 0 : i32
      %dma_wait3A_285 = tpu.memref_slice %arg3[%add3A, %dma_wait3A_283, %dma_wait3A_284] : memref<32x128x80xi32, #tpu.memory_space<hbm>> -> memref<1x32x80xi32, #tpu.memory_space<hbm>>
      %dma_wait3A_286 = tpu.memref_squeeze %dma_wait3A_285 : memref<1x32x80xi32, #tpu.memory_space<hbm>> -> memref<32x80xi32, #tpu.memory_space<hbm>>
      tpu.wait_dma2 semaphore(%run_scoped3A_270 : memref<!tpu.dma_semaphore, #tpu.memory_space<semaphore_mem>>) src(%dma_wait3A_286 : memref<32x80xi32, #tpu.memory_space<hbm>>) dst(%arg7 : memref<32x80xi32, #tpu.memory_space<vmem>>)
      tpu.yield
    }) : () -> ()
    "tpu.region"() ({
      %run_scoped3A_270 = tpu.sem_alloc : memref<!tpu.dma_semaphore, #tpu.memory_space<semaphore_mem>>
      %dma_start3A_271 = arith.constant 96 : i32
      %dma_start3A_272 = arith.constant 0 : i32
      %dma_start3A_273 = tpu.memref_slice %arg4[%add3A, %dma_start3A_271, %dma_start3A_272] : memref<32x128x80xi32, #tpu.memory_space<hbm>> -> memref<1x32x80xi32, #tpu.memory_space<hbm>>
      %dma_start3A_274 = tpu.memref_squeeze %dma_start3A_273 : memref<1x32x80xi32, #tpu.memory_space<hbm>> -> memref<32x80xi32, #tpu.memory_space<hbm>>
      %dma_start3A_275 = arith.constant 96 : i32
      %dma_start3A_276 = arith.constant 0 : i32
      %dma_start3A_277 = tpu.memref_slice %arg4[%add3A, %dma_start3A_275, %dma_start3A_276] : memref<32x128x80xi32, #tpu.memory_space<hbm>> -> memref<1x32x80xi32, #tpu.memory_space<hbm>>
      %dma_start3A_278 = tpu.memref_squeeze %dma_start3A_277 : memref<1x32x80xi32, #tpu.memory_space<hbm>> -> memref<32x80xi32, #tpu.memory_space<hbm>>
      tpu.enqueue_dma source(%dma_start3A_278 : memref<32x80xi32, #tpu.memory_space<hbm>>) target(%arg8 : memref<32x80xi32, #tpu.memory_space<vmem>>) target_semaphore(%run_scoped3A_270 : memref<!tpu.dma_semaphore, #tpu.memory_space<semaphore_mem>>)
      %dma_wait3A_279 = arith.constant 96 : i32
      %dma_wait3A_280 = arith.constant 0 : i32
      %dma_wait3A_281 = tpu.memref_slice %arg4[%add3A, %dma_wait3A_279, %dma_wait3A_280] : memref<32x128x80xi32, #tpu.memory_space<hbm>> -> memref<1x32x80xi32, #tpu.memory_space<hbm>>
      %dma_wait3A_282 = tpu.memref_squeeze %dma_wait3A_281 : memref<1x32x80xi32, #tpu.memory_space<hbm>> -> memref<32x80xi32, #tpu.memory_space<hbm>>
      %dma_wait3A_283 = arith.constant 96 : i32
      %dma_wait3A_284 = arith.constant 0 : i32
      %dma_wait3A_285 = tpu.memref_slice %arg4[%add3A, %dma_wait3A_283, %dma_wait3A_284] : memref<32x128x80xi32, #tpu.memory_space<hbm>> -> memref<1x32x80xi32, #tpu.memory_space<hbm>>
      %dma_wait3A_286 = tpu.memref_squeeze %dma_wait3A_285 : memref<1x32x80xi32, #tpu.memory_space<hbm>> -> memref<32x80xi32, #tpu.memory_space<hbm>>
      tpu.wait_dma2 semaphore(%run_scoped3A_270 : memref<!tpu.dma_semaphore, #tpu.memory_space<semaphore_mem>>) src(%dma_wait3A_286 : memref<32x80xi32, #tpu.memory_space<hbm>>) dst(%arg8 : memref<32x80xi32, #tpu.memory_space<vmem>>)
      tpu.yield
    }) : () -> ()
    %dma_start3A_197 = arith.constant 0 : i32
    %dma_start3A_198 = arith.constant 0 : i32
    %dma_start3A_199 = tpu.memref_slice %arg7[%dma_start3A_197, %dma_start3A_198] : memref<32x80xi32, #tpu.memory_space<vmem>> -> memref<1x80xi32, #tpu.memory_space<vmem>>
    %dma_start3A_200 = tpu.memref_squeeze %dma_start3A_199 : memref<1x80xi32, #tpu.memory_space<vmem>> -> memref<80xi32, #tpu.memory_space<vmem>>
    %dma_start3A_201 = arith.constant 0 : i32
    %dma_start3A_202 = arith.constant 0 : i32
    %dma_start3A_203 = tpu.memref_slice %arg2[%dma_start3A_201, %dma_start3A_202] : memref<90000x128xf32, #tpu.memory_space<hbm>> -> memref<90000x128xf32, #tpu.memory_space<hbm>>
    tpu.enqueue_indirect_dma source(%dma_start3A_203 : memref<90000x128xf32, #tpu.memory_space<hbm>>) target(%arg9 : memref<80x128xf32, #tpu.memory_space<vmem>>) offsets(%dma_start3A_200 : memref<80xi32, #tpu.memory_space<vmem>>) semaphore(%arg14 : memref<!tpu.dma_semaphore, #tpu.memory_space<semaphore_mem>>)
    %dma_start3A_204 = arith.constant 1 : i32
    %dma_start3A_205 = arith.constant 0 : i32
    %dma_start3A_206 = tpu.memref_slice %arg7[%dma_start3A_204, %dma_start3A_205] : memref<32x80xi32, #tpu.memory_space<vmem>> -> memref<1x80xi32, #tpu.memory_space<vmem>>
    %dma_start3A_207 = tpu.memref_squeeze %dma_start3A_206 : memref<1x80xi32, #tpu.memory_space<vmem>> -> memref<80xi32, #tpu.memory_space<vmem>>
    %dma_start3A_208 = arith.constant 0 : i32
    %dma_start3A_209 = arith.constant 0 : i32
    %dma_start3A_210 = tpu.memref_slice %arg2[%dma_start3A_208, %dma_start3A_209] : memref<90000x128xf32, #tpu.memory_space<hbm>> -> memref<90000x128xf32, #tpu.memory_space<hbm>>
    tpu.enqueue_indirect_dma source(%dma_start3A_210 : memref<90000x128xf32, #tpu.memory_space<hbm>>) target(%arg10 : memref<80x128xf32, #tpu.memory_space<vmem>>) offsets(%dma_start3A_207 : memref<80xi32, #tpu.memory_space<vmem>>) semaphore(%arg15 : memref<!tpu.dma_semaphore, #tpu.memory_space<semaphore_mem>>)
    %dma_start3A_211 = arith.constant 2 : i32
    %dma_start3A_212 = arith.constant 0 : i32
    %dma_start3A_213 = tpu.memref_slice %arg7[%dma_start3A_211, %dma_start3A_212] : memref<32x80xi32, #tpu.memory_space<vmem>> -> memref<1x80xi32, #tpu.memory_space<vmem>>
    %dma_start3A_214 = tpu.memref_squeeze %dma_start3A_213 : memref<1x80xi32, #tpu.memory_space<vmem>> -> memref<80xi32, #tpu.memory_space<vmem>>
    %dma_start3A_215 = arith.constant 0 : i32
    %dma_start3A_216 = arith.constant 0 : i32
    %dma_start3A_217 = tpu.memref_slice %arg2[%dma_start3A_215, %dma_start3A_216] : memref<90000x128xf32, #tpu.memory_space<hbm>> -> memref<90000x128xf32, #tpu.memory_space<hbm>>
    tpu.enqueue_indirect_dma source(%dma_start3A_217 : memref<90000x128xf32, #tpu.memory_space<hbm>>) target(%arg11 : memref<80x128xf32, #tpu.memory_space<vmem>>) offsets(%dma_start3A_214 : memref<80xi32, #tpu.memory_space<vmem>>) semaphore(%arg16 : memref<!tpu.dma_semaphore, #tpu.memory_space<semaphore_mem>>)
    %dma_start3A_218 = arith.constant 3 : i32
    %dma_start3A_219 = arith.constant 0 : i32
    %dma_start3A_220 = tpu.memref_slice %arg7[%dma_start3A_218, %dma_start3A_219] : memref<32x80xi32, #tpu.memory_space<vmem>> -> memref<1x80xi32, #tpu.memory_space<vmem>>
    %dma_start3A_221 = tpu.memref_squeeze %dma_start3A_220 : memref<1x80xi32, #tpu.memory_space<vmem>> -> memref<80xi32, #tpu.memory_space<vmem>>
    %dma_start3A_222 = arith.constant 0 : i32
    %dma_start3A_223 = arith.constant 0 : i32
    %dma_start3A_224 = tpu.memref_slice %arg2[%dma_start3A_222, %dma_start3A_223] : memref<90000x128xf32, #tpu.memory_space<hbm>> -> memref<90000x128xf32, #tpu.memory_space<hbm>>
    tpu.enqueue_indirect_dma source(%dma_start3A_224 : memref<90000x128xf32, #tpu.memory_space<hbm>>) target(%arg12 : memref<80x128xf32, #tpu.memory_space<vmem>>) offsets(%dma_start3A_221 : memref<80xi32, #tpu.memory_space<vmem>>) semaphore(%arg17 : memref<!tpu.dma_semaphore, #tpu.memory_space<semaphore_mem>>)
    %scan3A_225 = arith.constant 0 : i32
    %scan3A_226 = arith.constant 0 : i32
    %scan3A_227 = arith.constant 7 : i32
    %scan3A_228 = arith.addi %scan3A_226, %scan3A_227 : i32
    %scan3A_229 = arith.constant 1 : i32
    scf.for %scan3A_270 = %scan3A_226 to %scan3A_228 step %scan3A_229  : i32 {
      %mul3A_271 = arith.constant 4 : i32
      %mul3A_272 = arith.muli %scan3A_270, %mul3A_271 : i32
      %add3A_273 = arith.constant 0 : i32
      %add3A_274 = arith.addi %mul3A_272, %add3A_273 : i32
      %dma_wait3A_275 = arith.constant 0 : i32
      %dma_wait3A_276 = tpu.memref_slice %arg7[%add3A_274, %dma_wait3A_275] : memref<32x80xi32, #tpu.memory_space<vmem>> -> memref<1x80xi32, #tpu.memory_space<vmem>>
      %dma_wait3A_277 = tpu.memref_squeeze %dma_wait3A_276 : memref<1x80xi32, #tpu.memory_space<vmem>> -> memref<80xi32, #tpu.memory_space<vmem>>
      %dma_wait3A_278 = arith.constant 0 : i32
      %dma_wait3A_279 = arith.constant 0 : i32
      %dma_wait3A_280 = tpu.memref_slice %arg2[%dma_wait3A_278, %dma_wait3A_279] : memref<90000x128xf32, #tpu.memory_space<hbm>> -> memref<90000x128xf32, #tpu.memory_space<hbm>>
      tpu.wait_indirect_dma semaphore(%arg14 : memref<!tpu.dma_semaphore, #tpu.memory_space<semaphore_mem>>) src(%dma_wait3A_280 : memref<90000x128xf32, #tpu.memory_space<hbm>>) dst(%arg9 : memref<80x128xf32, #tpu.memory_space<vmem>>)
      "tpu.region"() ({
        %run_scoped3A_343 = tpu.sem_alloc : memref<!tpu.dma_semaphore, #tpu.memory_space<semaphore_mem>>
        %dma_start3A_344 = arith.constant 0 : i32
        %dma_start3A_345 = tpu.memref_slice %arg8[%add3A_274, %dma_start3A_344] : memref<32x80xi32, #tpu.memory_space<vmem>> -> memref<1x80xi32, #tpu.memory_space<vmem>>
        %dma_start3A_346 = tpu.memref_squeeze %dma_start3A_345 : memref<1x80xi32, #tpu.memory_space<vmem>> -> memref<80xi32, #tpu.memory_space<vmem>>
        %dma_start3A_347 = arith.constant 0 : i32
        %dma_start3A_348 = arith.constant 0 : i32
        %dma_start3A_349 = tpu.memref_slice %arg13[%dma_start3A_347, %dma_start3A_348] : memref<10240x128xf32, #tpu.memory_space<vmem_shared>> -> memref<10240x128xf32, #tpu.memory_space<vmem_shared>>
        tpu.enqueue_indirect_dma source(%arg9 : memref<80x128xf32, #tpu.memory_space<vmem>>) target(%dma_start3A_349 : memref<10240x128xf32, #tpu.memory_space<vmem_shared>>) offsets(%dma_start3A_346 : memref<80xi32, #tpu.memory_space<vmem>>) semaphore(%run_scoped3A_343 : memref<!tpu.dma_semaphore, #tpu.memory_space<semaphore_mem>>) {add = true}
        %dma_wait3A_350 = arith.constant 0 : i32
        %dma_wait3A_351 = tpu.memref_slice %arg8[%add3A_274, %dma_wait3A_350] : memref<32x80xi32, #tpu.memory_space<vmem>> -> memref<1x80xi32, #tpu.memory_space<vmem>>
        %dma_wait3A_352 = tpu.memref_squeeze %dma_wait3A_351 : memref<1x80xi32, #tpu.memory_space<vmem>> -> memref<80xi32, #tpu.memory_space<vmem>>
        %dma_wait3A_353 = arith.constant 0 : i32
        %dma_wait3A_354 = arith.constant 0 : i32
        %dma_wait3A_355 = tpu.memref_slice %arg13[%dma_wait3A_353, %dma_wait3A_354] : memref<10240x128xf32, #tpu.memory_space<vmem_shared>> -> memref<10240x128xf32, #tpu.memory_space<vmem_shared>>
        tpu.wait_indirect_dma semaphore(%run_scoped3A_343 : memref<!tpu.dma_semaphore, #tpu.memory_space<semaphore_mem>>) src(%arg9 : memref<80x128xf32, #tpu.memory_space<vmem>>) dst(%dma_wait3A_355 : memref<10240x128xf32, #tpu.memory_space<vmem_shared>>)
        tpu.yield
      }) : () -> ()
      %add3A_281 = arith.constant 4 : i32
      %add3A_282 = arith.addi %add3A_274, %add3A_281 : i32
      %dma_start3A_283 = arith.constant 0 : i32
      %dma_start3A_284 = tpu.memref_slice %arg7[%add3A_282, %dma_start3A_283] : memref<32x80xi32, #tpu.memory_space<vmem>> -> memref<1x80xi32, #tpu.memory_space<vmem>>
      %dma_start3A_285 = tpu.memref_squeeze %dma_start3A_284 : memref<1x80xi32, #tpu.memory_space<vmem>> -> memref<80xi32, #tpu.memory_space<vmem>>
      %dma_start3A_286 = arith.constant 0 : i32
      %dma_start3A_287 = arith.constant 0 : i32
      %dma_start3A_288 = tpu.memref_slice %arg2[%dma_start3A_286, %dma_start3A_287] : memref<90000x128xf32, #tpu.memory_space<hbm>> -> memref<90000x128xf32, #tpu.memory_space<hbm>>
      tpu.enqueue_indirect_dma source(%dma_start3A_288 : memref<90000x128xf32, #tpu.memory_space<hbm>>) target(%arg9 : memref<80x128xf32, #tpu.memory_space<vmem>>) offsets(%dma_start3A_285 : memref<80xi32, #tpu.memory_space<vmem>>) semaphore(%arg14 : memref<!tpu.dma_semaphore, #tpu.memory_space<semaphore_mem>>)
      %mul3A_289 = arith.constant 4 : i32
      %mul3A_290 = arith.muli %scan3A_270, %mul3A_289 : i32
      %add3A_291 = arith.constant 1 : i32
      %add3A_292 = arith.addi %mul3A_290, %add3A_291 : i32
      %dma_wait3A_293 = arith.constant 0 : i32
      %dma_wait3A_294 = tpu.memref_slice %arg7[%add3A_292, %dma_wait3A_293] : memref<32x80xi32, #tpu.memory_space<vmem>> -> memref<1x80xi32, #tpu.memory_space<vmem>>
      %dma_wait3A_295 = tpu.memref_squeeze %dma_wait3A_294 : memref<1x80xi32, #tpu.memory_space<vmem>> -> memref<80xi32, #tpu.memory_space<vmem>>
      %dma_wait3A_296 = arith.constant 0 : i32
      %dma_wait3A_297 = arith.constant 0 : i32
      %dma_wait3A_298 = tpu.memref_slice %arg2[%dma_wait3A_296, %dma_wait3A_297] : memref<90000x128xf32, #tpu.memory_space<hbm>> -> memref<90000x128xf32, #tpu.memory_space<hbm>>
      tpu.wait_indirect_dma semaphore(%arg15 : memref<!tpu.dma_semaphore, #tpu.memory_space<semaphore_mem>>) src(%dma_wait3A_298 : memref<90000x128xf32, #tpu.memory_space<hbm>>) dst(%arg10 : memref<80x128xf32, #tpu.memory_space<vmem>>)
      "tpu.region"() ({
        %run_scoped3A_343 = tpu.sem_alloc : memref<!tpu.dma_semaphore, #tpu.memory_space<semaphore_mem>>
        %dma_start3A_344 = arith.constant 0 : i32
        %dma_start3A_345 = tpu.memref_slice %arg8[%add3A_292, %dma_start3A_344] : memref<32x80xi32, #tpu.memory_space<vmem>> -> memref<1x80xi32, #tpu.memory_space<vmem>>
        %dma_start3A_346 = tpu.memref_squeeze %dma_start3A_345 : memref<1x80xi32, #tpu.memory_space<vmem>> -> memref<80xi32, #tpu.memory_space<vmem>>
        %dma_start3A_347 = arith.constant 0 : i32
        %dma_start3A_348 = arith.constant 0 : i32
        %dma_start3A_349 = tpu.memref_slice %arg13[%dma_start3A_347, %dma_start3A_348] : memref<10240x128xf32, #tpu.memory_space<vmem_shared>> -> memref<10240x128xf32, #tpu.memory_space<vmem_shared>>
        tpu.enqueue_indirect_dma source(%arg10 : memref<80x128xf32, #tpu.memory_space<vmem>>) target(%dma_start3A_349 : memref<10240x128xf32, #tpu.memory_space<vmem_shared>>) offsets(%dma_start3A_346 : memref<80xi32, #tpu.memory_space<vmem>>) semaphore(%run_scoped3A_343 : memref<!tpu.dma_semaphore, #tpu.memory_space<semaphore_mem>>) {add = true}
        %dma_wait3A_350 = arith.constant 0 : i32
        %dma_wait3A_351 = tpu.memref_slice %arg8[%add3A_292, %dma_wait3A_350] : memref<32x80xi32, #tpu.memory_space<vmem>> -> memref<1x80xi32, #tpu.memory_space<vmem>>
        %dma_wait3A_352 = tpu.memref_squeeze %dma_wait3A_351 : memref<1x80xi32, #tpu.memory_space<vmem>> -> memref<80xi32, #tpu.memory_space<vmem>>
        %dma_wait3A_353 = arith.constant 0 : i32
        %dma_wait3A_354 = arith.constant 0 : i32
        %dma_wait3A_355 = tpu.memref_slice %arg13[%dma_wait3A_353, %dma_wait3A_354] : memref<10240x128xf32, #tpu.memory_space<vmem_shared>> -> memref<10240x128xf32, #tpu.memory_space<vmem_shared>>
        tpu.wait_indirect_dma semaphore(%run_scoped3A_343 : memref<!tpu.dma_semaphore, #tpu.memory_space<semaphore_mem>>) src(%arg10 : memref<80x128xf32, #tpu.memory_space<vmem>>) dst(%dma_wait3A_355 : memref<10240x128xf32, #tpu.memory_space<vmem_shared>>)
        tpu.yield
      }) : () -> ()
      %add3A_299 = arith.constant 4 : i32
      %add3A_300 = arith.addi %add3A_292, %add3A_299 : i32
      %dma_start3A_301 = arith.constant 0 : i32
      %dma_start3A_302 = tpu.memref_slice %arg7[%add3A_300, %dma_start3A_301] : memref<32x80xi32, #tpu.memory_space<vmem>> -> memref<1x80xi32, #tpu.memory_space<vmem>>
      %dma_start3A_303 = tpu.memref_squeeze %dma_start3A_302 : memref<1x80xi32, #tpu.memory_space<vmem>> -> memref<80xi32, #tpu.memory_space<vmem>>
      %dma_start3A_304 = arith.constant 0 : i32
      %dma_start3A_305 = arith.constant 0 : i32
      %dma_start3A_306 = tpu.memref_slice %arg2[%dma_start3A_304, %dma_start3A_305] : memref<90000x128xf32, #tpu.memory_space<hbm>> -> memref<90000x128xf32, #tpu.memory_space<hbm>>
      tpu.enqueue_indirect_dma source(%dma_start3A_306 : memref<90000x128xf32, #tpu.memory_space<hbm>>) target(%arg10 : memref<80x128xf32, #tpu.memory_space<vmem>>) offsets(%dma_start3A_303 : memref<80xi32, #tpu.memory_space<vmem>>) semaphore(%arg15 : memref<!tpu.dma_semaphore, #tpu.memory_space<semaphore_mem>>)
      %mul3A_307 = arith.constant 4 : i32
      %mul3A_308 = arith.muli %scan3A_270, %mul3A_307 : i32
      %add3A_309 = arith.constant 2 : i32
      %add3A_310 = arith.addi %mul3A_308, %add3A_309 : i32
      %dma_wait3A_311 = arith.constant 0 : i32
      %dma_wait3A_312 = tpu.memref_slice %arg7[%add3A_310, %dma_wait3A_311] : memref<32x80xi32, #tpu.memory_space<vmem>> -> memref<1x80xi32, #tpu.memory_space<vmem>>
      %dma_wait3A_313 = tpu.memref_squeeze %dma_wait3A_312 : memref<1x80xi32, #tpu.memory_space<vmem>> -> memref<80xi32, #tpu.memory_space<vmem>>
      %dma_wait3A_314 = arith.constant 0 : i32
      %dma_wait3A_315 = arith.constant 0 : i32
      %dma_wait3A_316 = tpu.memref_slice %arg2[%dma_wait3A_314, %dma_wait3A_315] : memref<90000x128xf32, #tpu.memory_space<hbm>> -> memref<90000x128xf32, #tpu.memory_space<hbm>>
      tpu.wait_indirect_dma semaphore(%arg16 : memref<!tpu.dma_semaphore, #tpu.memory_space<semaphore_mem>>) src(%dma_wait3A_316 : memref<90000x128xf32, #tpu.memory_space<hbm>>) dst(%arg11 : memref<80x128xf32, #tpu.memory_space<vmem>>)
      "tpu.region"() ({
        %run_scoped3A_343 = tpu.sem_alloc : memref<!tpu.dma_semaphore, #tpu.memory_space<semaphore_mem>>
        %dma_start3A_344 = arith.constant 0 : i32
        %dma_start3A_345 = tpu.memref_slice %arg8[%add3A_310, %dma_start3A_344] : memref<32x80xi32, #tpu.memory_space<vmem>> -> memref<1x80xi32, #tpu.memory_space<vmem>>
        %dma_start3A_346 = tpu.memref_squeeze %dma_start3A_345 : memref<1x80xi32, #tpu.memory_space<vmem>> -> memref<80xi32, #tpu.memory_space<vmem>>
        %dma_start3A_347 = arith.constant 0 : i32
        %dma_start3A_348 = arith.constant 0 : i32
        %dma_start3A_349 = tpu.memref_slice %arg13[%dma_start3A_347, %dma_start3A_348] : memref<10240x128xf32, #tpu.memory_space<vmem_shared>> -> memref<10240x128xf32, #tpu.memory_space<vmem_shared>>
        tpu.enqueue_indirect_dma source(%arg11 : memref<80x128xf32, #tpu.memory_space<vmem>>) target(%dma_start3A_349 : memref<10240x128xf32, #tpu.memory_space<vmem_shared>>) offsets(%dma_start3A_346 : memref<80xi32, #tpu.memory_space<vmem>>) semaphore(%run_scoped3A_343 : memref<!tpu.dma_semaphore, #tpu.memory_space<semaphore_mem>>) {add = true}
        %dma_wait3A_350 = arith.constant 0 : i32
        %dma_wait3A_351 = tpu.memref_slice %arg8[%add3A_310, %dma_wait3A_350] : memref<32x80xi32, #tpu.memory_space<vmem>> -> memref<1x80xi32, #tpu.memory_space<vmem>>
        %dma_wait3A_352 = tpu.memref_squeeze %dma_wait3A_351 : memref<1x80xi32, #tpu.memory_space<vmem>> -> memref<80xi32, #tpu.memory_space<vmem>>
        %dma_wait3A_353 = arith.constant 0 : i32
        %dma_wait3A_354 = arith.constant 0 : i32
        %dma_wait3A_355 = tpu.memref_slice %arg13[%dma_wait3A_353, %dma_wait3A_354] : memref<10240x128xf32, #tpu.memory_space<vmem_shared>> -> memref<10240x128xf32, #tpu.memory_space<vmem_shared>>
        tpu.wait_indirect_dma semaphore(%run_scoped3A_343 : memref<!tpu.dma_semaphore, #tpu.memory_space<semaphore_mem>>) src(%arg11 : memref<80x128xf32, #tpu.memory_space<vmem>>) dst(%dma_wait3A_355 : memref<10240x128xf32, #tpu.memory_space<vmem_shared>>)
        tpu.yield
      }) : () -> ()
      %add3A_317 = arith.constant 4 : i32
      %add3A_318 = arith.addi %add3A_310, %add3A_317 : i32
      %dma_start3A_319 = arith.constant 0 : i32
      %dma_start3A_320 = tpu.memref_slice %arg7[%add3A_318, %dma_start3A_319] : memref<32x80xi32, #tpu.memory_space<vmem>> -> memref<1x80xi32, #tpu.memory_space<vmem>>
      %dma_start3A_321 = tpu.memref_squeeze %dma_start3A_320 : memref<1x80xi32, #tpu.memory_space<vmem>> -> memref<80xi32, #tpu.memory_space<vmem>>
      %dma_start3A_322 = arith.constant 0 : i32
      %dma_start3A_323 = arith.constant 0 : i32
      %dma_start3A_324 = tpu.memref_slice %arg2[%dma_start3A_322, %dma_start3A_323] : memref<90000x128xf32, #tpu.memory_space<hbm>> -> memref<90000x128xf32, #tpu.memory_space<hbm>>
      tpu.enqueue_indirect_dma source(%dma_start3A_324 : memref<90000x128xf32, #tpu.memory_space<hbm>>) target(%arg11 : memref<80x128xf32, #tpu.memory_space<vmem>>) offsets(%dma_start3A_321 : memref<80xi32, #tpu.memory_space<vmem>>) semaphore(%arg16 : memref<!tpu.dma_semaphore, #tpu.memory_space<semaphore_mem>>)
      %mul3A_325 = arith.constant 4 : i32
      %mul3A_326 = arith.muli %scan3A_270, %mul3A_325 : i32
      %add3A_327 = arith.constant 3 : i32
      %add3A_328 = arith.addi %mul3A_326, %add3A_327 : i32
      %dma_wait3A_329 = arith.constant 0 : i32
      %dma_wait3A_330 = tpu.memref_slice %arg7[%add3A_328, %dma_wait3A_329] : memref<32x80xi32, #tpu.memory_space<vmem>> -> memref<1x80xi32, #tpu.memory_space<vmem>>
      %dma_wait3A_331 = tpu.memref_squeeze %dma_wait3A_330 : memref<1x80xi32, #tpu.memory_space<vmem>> -> memref<80xi32, #tpu.memory_space<vmem>>
      %dma_wait3A_332 = arith.constant 0 : i32
      %dma_wait3A_333 = arith.constant 0 : i32
      %dma_wait3A_334 = tpu.memref_slice %arg2[%dma_wait3A_332, %dma_wait3A_333] : memref<90000x128xf32, #tpu.memory_space<hbm>> -> memref<90000x128xf32, #tpu.memory_space<hbm>>
      tpu.wait_indirect_dma semaphore(%arg17 : memref<!tpu.dma_semaphore, #tpu.memory_space<semaphore_mem>>) src(%dma_wait3A_334 : memref<90000x128xf32, #tpu.memory_space<hbm>>) dst(%arg12 : memref<80x128xf32, #tpu.memory_space<vmem>>)
      "tpu.region"() ({
        %run_scoped3A_343 = tpu.sem_alloc : memref<!tpu.dma_semaphore, #tpu.memory_space<semaphore_mem>>
        %dma_start3A_344 = arith.constant 0 : i32
        %dma_start3A_345 = tpu.memref_slice %arg8[%add3A_328, %dma_start3A_344] : memref<32x80xi32, #tpu.memory_space<vmem>> -> memref<1x80xi32, #tpu.memory_space<vmem>>
        %dma_start3A_346 = tpu.memref_squeeze %dma_start3A_345 : memref<1x80xi32, #tpu.memory_space<vmem>> -> memref<80xi32, #tpu.memory_space<vmem>>
        %dma_start3A_347 = arith.constant 0 : i32
        %dma_start3A_348 = arith.constant 0 : i32
        %dma_start3A_349 = tpu.memref_slice %arg13[%dma_start3A_347, %dma_start3A_348] : memref<10240x128xf32, #tpu.memory_space<vmem_shared>> -> memref<10240x128xf32, #tpu.memory_space<vmem_shared>>
        tpu.enqueue_indirect_dma source(%arg12 : memref<80x128xf32, #tpu.memory_space<vmem>>) target(%dma_start3A_349 : memref<10240x128xf32, #tpu.memory_space<vmem_shared>>) offsets(%dma_start3A_346 : memref<80xi32, #tpu.memory_space<vmem>>) semaphore(%run_scoped3A_343 : memref<!tpu.dma_semaphore, #tpu.memory_space<semaphore_mem>>) {add = true}
        %dma_wait3A_350 = arith.constant 0 : i32
        %dma_wait3A_351 = tpu.memref_slice %arg8[%add3A_328, %dma_wait3A_350] : memref<32x80xi32, #tpu.memory_space<vmem>> -> memref<1x80xi32, #tpu.memory_space<vmem>>
        %dma_wait3A_352 = tpu.memref_squeeze %dma_wait3A_351 : memref<1x80xi32, #tpu.memory_space<vmem>> -> memref<80xi32, #tpu.memory_space<vmem>>
        %dma_wait3A_353 = arith.constant 0 : i32
        %dma_wait3A_354 = arith.constant 0 : i32
        %dma_wait3A_355 = tpu.memref_slice %arg13[%dma_wait3A_353, %dma_wait3A_354] : memref<10240x128xf32, #tpu.memory_space<vmem_shared>> -> memref<10240x128xf32, #tpu.memory_space<vmem_shared>>
        tpu.wait_indirect_dma semaphore(%run_scoped3A_343 : memref<!tpu.dma_semaphore, #tpu.memory_space<semaphore_mem>>) src(%arg12 : memref<80x128xf32, #tpu.memory_space<vmem>>) dst(%dma_wait3A_355 : memref<10240x128xf32, #tpu.memory_space<vmem_shared>>)
        tpu.yield
      }) : () -> ()
      %add3A_335 = arith.constant 4 : i32
      %add3A_336 = arith.addi %add3A_328, %add3A_335 : i32
      %dma_start3A_337 = arith.constant 0 : i32
      %dma_start3A_338 = tpu.memref_slice %arg7[%add3A_336, %dma_start3A_337] : memref<32x80xi32, #tpu.memory_space<vmem>> -> memref<1x80xi32, #tpu.memory_space<vmem>>
      %dma_start3A_339 = tpu.memref_squeeze %dma_start3A_338 : memref<1x80xi32, #tpu.memory_space<vmem>> -> memref<80xi32, #tpu.memory_space<vmem>>
      %dma_start3A_340 = arith.constant 0 : i32
      %dma_start3A_341 = arith.constant 0 : i32
      %dma_start3A_342 = tpu.memref_slice %arg2[%dma_start3A_340, %dma_start3A_341] : memref<90000x128xf32, #tpu.memory_space<hbm>> -> memref<90000x128xf32, #tpu.memory_space<hbm>>
      tpu.enqueue_indirect_dma source(%dma_start3A_342 : memref<90000x128xf32, #tpu.memory_space<hbm>>) target(%arg12 : memref<80x128xf32, #tpu.memory_space<vmem>>) offsets(%dma_start3A_339 : memref<80xi32, #tpu.memory_space<vmem>>) semaphore(%arg17 : memref<!tpu.dma_semaphore, #tpu.memory_space<semaphore_mem>>)
    }
    %scan3A_230 = arith.constant 7 : i32
    %dma_wait3A_231 = arith.constant 28 : i32
    %dma_wait3A_232 = arith.constant 0 : i32
    %dma_wait3A_233 = tpu.memref_slice %arg7[%dma_wait3A_231, %dma_wait3A_232] : memref<32x80xi32, #tpu.memory_space<vmem>> -> memref<1x80xi32, #tpu.memory_space<vmem>>
    %dma_wait3A_234 = tpu.memref_squeeze %dma_wait3A_233 : memref<1x80xi32, #tpu.memory_space<vmem>> -> memref<80xi32, #tpu.memory_space<vmem>>
    %dma_wait3A_235 = arith.constant 0 : i32
    %dma_wait3A_236 = arith.constant 0 : i32
    %dma_wait3A_237 = tpu.memref_slice %arg2[%dma_wait3A_235, %dma_wait3A_236] : memref<90000x128xf32, #tpu.memory_space<hbm>> -> memref<90000x128xf32, #tpu.memory_space<hbm>>
    tpu.wait_indirect_dma semaphore(%arg14 : memref<!tpu.dma_semaphore, #tpu.memory_space<semaphore_mem>>) src(%dma_wait3A_237 : memref<90000x128xf32, #tpu.memory_space<hbm>>) dst(%arg9 : memref<80x128xf32, #tpu.memory_space<vmem>>)
    %run_scoped3A_238 = arith.constant 28 : i32
    "tpu.region"() ({
      %run_scoped3A_270 = tpu.sem_alloc : memref<!tpu.dma_semaphore, #tpu.memory_space<semaphore_mem>>
      %dma_start3A_271 = arith.constant 0 : i32
      %dma_start3A_272 = tpu.memref_slice %arg8[%run_scoped3A_238, %dma_start3A_271] : memref<32x80xi32, #tpu.memory_space<vmem>> -> memref<1x80xi32, #tpu.memory_space<vmem>>
      %dma_start3A_273 = tpu.memref_squeeze %dma_start3A_272 : memref<1x80xi32, #tpu.memory_space<vmem>> -> memref<80xi32, #tpu.memory_space<vmem>>
      %dma_start3A_274 = arith.constant 0 : i32
      %dma_start3A_275 = arith.constant 0 : i32
      %dma_start3A_276 = tpu.memref_slice %arg13[%dma_start3A_274, %dma_start3A_275] : memref<10240x128xf32, #tpu.memory_space<vmem_shared>> -> memref<10240x128xf32, #tpu.memory_space<vmem_shared>>
      tpu.enqueue_indirect_dma source(%arg9 : memref<80x128xf32, #tpu.memory_space<vmem>>) target(%dma_start3A_276 : memref<10240x128xf32, #tpu.memory_space<vmem_shared>>) offsets(%dma_start3A_273 : memref<80xi32, #tpu.memory_space<vmem>>) semaphore(%run_scoped3A_270 : memref<!tpu.dma_semaphore, #tpu.memory_space<semaphore_mem>>) {add = true}
      %dma_wait3A_277 = arith.constant 0 : i32
      %dma_wait3A_278 = tpu.memref_slice %arg8[%run_scoped3A_238, %dma_wait3A_277] : memref<32x80xi32, #tpu.memory_space<vmem>> -> memref<1x80xi32, #tpu.memory_space<vmem>>
      %dma_wait3A_279 = tpu.memref_squeeze %dma_wait3A_278 : memref<1x80xi32, #tpu.memory_space<vmem>> -> memref<80xi32, #tpu.memory_space<vmem>>
      %dma_wait3A_280 = arith.constant 0 : i32
      %dma_wait3A_281 = arith.constant 0 : i32
      %dma_wait3A_282 = tpu.memref_slice %arg13[%dma_wait3A_280, %dma_wait3A_281] : memref<10240x128xf32, #tpu.memory_space<vmem_shared>> -> memref<10240x128xf32, #tpu.memory_space<vmem_shared>>
      tpu.wait_indirect_dma semaphore(%run_scoped3A_270 : memref<!tpu.dma_semaphore, #tpu.memory_space<semaphore_mem>>) src(%arg9 : memref<80x128xf32, #tpu.memory_space<vmem>>) dst(%dma_wait3A_282 : memref<10240x128xf32, #tpu.memory_space<vmem_shared>>)
      tpu.yield
    }) : () -> ()
    %dma_wait3A_239 = arith.constant 29 : i32
    %dma_wait3A_240 = arith.constant 0 : i32
    %dma_wait3A_241 = tpu.memref_slice %arg7[%dma_wait3A_239, %dma_wait3A_240] : memref<32x80xi32, #tpu.memory_space<vmem>> -> memref<1x80xi32, #tpu.memory_space<vmem>>
    %dma_wait3A_242 = tpu.memref_squeeze %dma_wait3A_241 : memref<1x80xi32, #tpu.memory_space<vmem>> -> memref<80xi32, #tpu.memory_space<vmem>>
    %dma_wait3A_243 = arith.constant 0 : i32
    %dma_wait3A_244 = arith.constant 0 : i32
    %dma_wait3A_245 = tpu.memref_slice %arg2[%dma_wait3A_243, %dma_wait3A_244] : memref<90000x128xf32, #tpu.memory_space<hbm>> -> memref<90000x128xf32, #tpu.memory_space<hbm>>
    tpu.wait_indirect_dma semaphore(%arg15 : memref<!tpu.dma_semaphore, #tpu.memory_space<semaphore_mem>>) src(%dma_wait3A_245 : memref<90000x128xf32, #tpu.memory_space<hbm>>) dst(%arg10 : memref<80x128xf32, #tpu.memory_space<vmem>>)
    %run_scoped3A_246 = arith.constant 29 : i32
    "tpu.region"() ({
      %run_scoped3A_270 = tpu.sem_alloc : memref<!tpu.dma_semaphore, #tpu.memory_space<semaphore_mem>>
      %dma_start3A_271 = arith.constant 0 : i32
      %dma_start3A_272 = tpu.memref_slice %arg8[%run_scoped3A_246, %dma_start3A_271] : memref<32x80xi32, #tpu.memory_space<vmem>> -> memref<1x80xi32, #tpu.memory_space<vmem>>
      %dma_start3A_273 = tpu.memref_squeeze %dma_start3A_272 : memref<1x80xi32, #tpu.memory_space<vmem>> -> memref<80xi32, #tpu.memory_space<vmem>>
      %dma_start3A_274 = arith.constant 0 : i32
      %dma_start3A_275 = arith.constant 0 : i32
      %dma_start3A_276 = tpu.memref_slice %arg13[%dma_start3A_274, %dma_start3A_275] : memref<10240x128xf32, #tpu.memory_space<vmem_shared>> -> memref<10240x128xf32, #tpu.memory_space<vmem_shared>>
      tpu.enqueue_indirect_dma source(%arg10 : memref<80x128xf32, #tpu.memory_space<vmem>>) target(%dma_start3A_276 : memref<10240x128xf32, #tpu.memory_space<vmem_shared>>) offsets(%dma_start3A_273 : memref<80xi32, #tpu.memory_space<vmem>>) semaphore(%run_scoped3A_270 : memref<!tpu.dma_semaphore, #tpu.memory_space<semaphore_mem>>) {add = true}
      %dma_wait3A_277 = arith.constant 0 : i32
      %dma_wait3A_278 = tpu.memref_slice %arg8[%run_scoped3A_246, %dma_wait3A_277] : memref<32x80xi32, #tpu.memory_space<vmem>> -> memref<1x80xi32, #tpu.memory_space<vmem>>
      %dma_wait3A_279 = tpu.memref_squeeze %dma_wait3A_278 : memref<1x80xi32, #tpu.memory_space<vmem>> -> memref<80xi32, #tpu.memory_space<vmem>>
      %dma_wait3A_280 = arith.constant 0 : i32
      %dma_wait3A_281 = arith.constant 0 : i32
      %dma_wait3A_282 = tpu.memref_slice %arg13[%dma_wait3A_280, %dma_wait3A_281] : memref<10240x128xf32, #tpu.memory_space<vmem_shared>> -> memref<10240x128xf32, #tpu.memory_space<vmem_shared>>
      tpu.wait_indirect_dma semaphore(%run_scoped3A_270 : memref<!tpu.dma_semaphore, #tpu.memory_space<semaphore_mem>>) src(%arg10 : memref<80x128xf32, #tpu.memory_space<vmem>>) dst(%dma_wait3A_282 : memref<10240x128xf32, #tpu.memory_space<vmem_shared>>)
      tpu.yield
    }) : () -> ()
    %dma_wait3A_247 = arith.constant 30 : i32
    %dma_wait3A_248 = arith.constant 0 : i32
    %dma_wait3A_249 = tpu.memref_slice %arg7[%dma_wait3A_247, %dma_wait3A_248] : memref<32x80xi32, #tpu.memory_space<vmem>> -> memref<1x80xi32, #tpu.memory_space<vmem>>
    %dma_wait3A_250 = tpu.memref_squeeze %dma_wait3A_249 : memref<1x80xi32, #tpu.memory_space<vmem>> -> memref<80xi32, #tpu.memory_space<vmem>>
    %dma_wait3A_251 = arith.constant 0 : i32
    %dma_wait3A_252 = arith.constant 0 : i32
    %dma_wait3A_253 = tpu.memref_slice %arg2[%dma_wait3A_251, %dma_wait3A_252] : memref<90000x128xf32, #tpu.memory_space<hbm>> -> memref<90000x128xf32, #tpu.memory_space<hbm>>
    tpu.wait_indirect_dma semaphore(%arg16 : memref<!tpu.dma_semaphore, #tpu.memory_space<semaphore_mem>>) src(%dma_wait3A_253 : memref<90000x128xf32, #tpu.memory_space<hbm>>) dst(%arg11 : memref<80x128xf32, #tpu.memory_space<vmem>>)
    %run_scoped3A_254 = arith.constant 30 : i32
    "tpu.region"() ({
      %run_scoped3A_270 = tpu.sem_alloc : memref<!tpu.dma_semaphore, #tpu.memory_space<semaphore_mem>>
      %dma_start3A_271 = arith.constant 0 : i32
      %dma_start3A_272 = tpu.memref_slice %arg8[%run_scoped3A_254, %dma_start3A_271] : memref<32x80xi32, #tpu.memory_space<vmem>> -> memref<1x80xi32, #tpu.memory_space<vmem>>
      %dma_start3A_273 = tpu.memref_squeeze %dma_start3A_272 : memref<1x80xi32, #tpu.memory_space<vmem>> -> memref<80xi32, #tpu.memory_space<vmem>>
      %dma_start3A_274 = arith.constant 0 : i32
      %dma_start3A_275 = arith.constant 0 : i32
      %dma_start3A_276 = tpu.memref_slice %arg13[%dma_start3A_274, %dma_start3A_275] : memref<10240x128xf32, #tpu.memory_space<vmem_shared>> -> memref<10240x128xf32, #tpu.memory_space<vmem_shared>>
      tpu.enqueue_indirect_dma source(%arg11 : memref<80x128xf32, #tpu.memory_space<vmem>>) target(%dma_start3A_276 : memref<10240x128xf32, #tpu.memory_space<vmem_shared>>) offsets(%dma_start3A_273 : memref<80xi32, #tpu.memory_space<vmem>>) semaphore(%run_scoped3A_270 : memref<!tpu.dma_semaphore, #tpu.memory_space<semaphore_mem>>) {add = true}
      %dma_wait3A_277 = arith.constant 0 : i32
      %dma_wait3A_278 = tpu.memref_slice %arg8[%run_scoped3A_254, %dma_wait3A_277] : memref<32x80xi32, #tpu.memory_space<vmem>> -> memref<1x80xi32, #tpu.memory_space<vmem>>
      %dma_wait3A_279 = tpu.memref_squeeze %dma_wait3A_278 : memref<1x80xi32, #tpu.memory_space<vmem>> -> memref<80xi32, #tpu.memory_space<vmem>>
      %dma_wait3A_280 = arith.constant 0 : i32
      %dma_wait3A_281 = arith.constant 0 : i32
      %dma_wait3A_282 = tpu.memref_slice %arg13[%dma_wait3A_280, %dma_wait3A_281] : memref<10240x128xf32, #tpu.memory_space<vmem_shared>> -> memref<10240x128xf32, #tpu.memory_space<vmem_shared>>
      tpu.wait_indirect_dma semaphore(%run_scoped3A_270 : memref<!tpu.dma_semaphore, #tpu.memory_space<semaphore_mem>>) src(%arg11 : memref<80x128xf32, #tpu.memory_space<vmem>>) dst(%dma_wait3A_282 : memref<10240x128xf32, #tpu.memory_space<vmem_shared>>)
      tpu.yield
    }) : () -> ()
    %dma_wait3A_255 = arith.constant 31 : i32
    %dma_wait3A_256 = arith.constant 0 : i32
    %dma_wait3A_257 = tpu.memref_slice %arg7[%dma_wait3A_255, %dma_wait3A_256] : memref<32x80xi32, #tpu.memory_space<vmem>> -> memref<1x80xi32, #tpu.memory_space<vmem>>
    %dma_wait3A_258 = tpu.memref_squeeze %dma_wait3A_257 : memref<1x80xi32, #tpu.memory_space<vmem>> -> memref<80xi32, #tpu.memory_space<vmem>>
    %dma_wait3A_259 = arith.constant 0 : i32
    %dma_wait3A_260 = arith.constant 0 : i32
    %dma_wait3A_261 = tpu.memref_slice %arg2[%dma_wait3A_259, %dma_wait3A_260] : memref<90000x128xf32, #tpu.memory_space<hbm>> -> memref<90000x128xf32, #tpu.memory_space<hbm>>
    tpu.wait_indirect_dma semaphore(%arg17 : memref<!tpu.dma_semaphore, #tpu.memory_space<semaphore_mem>>) src(%dma_wait3A_261 : memref<90000x128xf32, #tpu.memory_space<hbm>>) dst(%arg12 : memref<80x128xf32, #tpu.memory_space<vmem>>)
    %run_scoped3A_262 = arith.constant 31 : i32
    "tpu.region"() ({
      %run_scoped3A_270 = tpu.sem_alloc : memref<!tpu.dma_semaphore, #tpu.memory_space<semaphore_mem>>
      %dma_start3A_271 = arith.constant 0 : i32
      %dma_start3A_272 = tpu.memref_slice %arg8[%run_scoped3A_262, %dma_start3A_271] : memref<32x80xi32, #tpu.memory_space<vmem>> -> memref<1x80xi32, #tpu.memory_space<vmem>>
      %dma_start3A_273 = tpu.memref_squeeze %dma_start3A_272 : memref<1x80xi32, #tpu.memory_space<vmem>> -> memref<80xi32, #tpu.memory_space<vmem>>
      %dma_start3A_274 = arith.constant 0 : i32
      %dma_start3A_275 = arith.constant 0 : i32
      %dma_start3A_276 = tpu.memref_slice %arg13[%dma_start3A_274, %dma_start3A_275] : memref<10240x128xf32, #tpu.memory_space<vmem_shared>> -> memref<10240x128xf32, #tpu.memory_space<vmem_shared>>
      tpu.enqueue_indirect_dma source(%arg12 : memref<80x128xf32, #tpu.memory_space<vmem>>) target(%dma_start3A_276 : memref<10240x128xf32, #tpu.memory_space<vmem_shared>>) offsets(%dma_start3A_273 : memref<80xi32, #tpu.memory_space<vmem>>) semaphore(%run_scoped3A_270 : memref<!tpu.dma_semaphore, #tpu.memory_space<semaphore_mem>>) {add = true}
      %dma_wait3A_277 = arith.constant 0 : i32
      %dma_wait3A_278 = tpu.memref_slice %arg8[%run_scoped3A_262, %dma_wait3A_277] : memref<32x80xi32, #tpu.memory_space<vmem>> -> memref<1x80xi32, #tpu.memory_space<vmem>>
      %dma_wait3A_279 = tpu.memref_squeeze %dma_wait3A_278 : memref<1x80xi32, #tpu.memory_space<vmem>> -> memref<80xi32, #tpu.memory_space<vmem>>
      %dma_wait3A_280 = arith.constant 0 : i32
      %dma_wait3A_281 = arith.constant 0 : i32
      %dma_wait3A_282 = tpu.memref_slice %arg13[%dma_wait3A_280, %dma_wait3A_281] : memref<10240x128xf32, #tpu.memory_space<vmem_shared>> -> memref<10240x128xf32, #tpu.memory_space<vmem_shared>>
      tpu.wait_indirect_dma semaphore(%run_scoped3A_270 : memref<!tpu.dma_semaphore, #tpu.memory_space<semaphore_mem>>) src(%arg12 : memref<80x128xf32, #tpu.memory_space<vmem>>) dst(%dma_wait3A_282 : memref<10240x128xf32, #tpu.memory_space<vmem_shared>>)
      tpu.yield
    }) : () -> ()
    %barrier3A_263 = arith.constant 0 : index
    tpu.barrier barrier_id(%barrier3A_263)
    %lt3A = arith.constant 15 : i32
    %lt3A_264 = arith.cmpi slt, %arg1, %lt3A : i32
    %convert_element_type3A = arith.extui %lt3A_264 : i1 to i32
    %cond3A = arith.constant 0 : i32
    %cond3A_265 = arith.cmpi ne, %convert_element_type3A, %cond3A : i32
    scf.if %cond3A_265 {
      %mul3A_270 = arith.constant 640 : i32
      %mul3A_271 = arith.muli %arg1, %mul3A_270 : i32
      %mul3A_272 = arith.constant 640 : i32
      %mul3A_273 = arith.muli %arg1, %mul3A_272 : i32
      "tpu.region"() ({
        %run_scoped3A_274 = tpu.sem_alloc : memref<!tpu.dma_semaphore, #tpu.memory_space<semaphore_mem>>
        %dma_start3A_275 = arith.constant 0 : i32
        %dma_start3A_276 = tpu.memref_slice %arg6[%arg0, %mul3A_273, %dma_start3A_275] : memref<2x10000x128xf32, #tpu.memory_space<hbm>> -> memref<1x640x128xf32, #tpu.memory_space<hbm>>
        %dma_start3A_277 = tpu.memref_squeeze %dma_start3A_276 : memref<1x640x128xf32, #tpu.memory_space<hbm>> -> memref<640x128xf32, #tpu.memory_space<hbm>>
        %dma_start3A_278 = arith.constant 0 : i32
        %dma_start3A_279 = tpu.memref_slice %arg13[%mul3A_271, %dma_start3A_278] : memref<10240x128xf32, #tpu.memory_space<vmem_shared>> -> memref<640x128xf32, #tpu.memory_space<vmem_shared>>
        tpu.enqueue_dma source(%dma_start3A_279 : memref<640x128xf32, #tpu.memory_space<vmem_shared>>) target(%dma_start3A_277 : memref<640x128xf32, #tpu.memory_space<hbm>>) target_semaphore(%run_scoped3A_274 : memref<!tpu.dma_semaphore, #tpu.memory_space<semaphore_mem>>)
        %dma_wait3A_280 = arith.constant 0 : i32
        %dma_wait3A_281 = tpu.memref_slice %arg6[%arg0, %mul3A_273, %dma_wait3A_280] : memref<2x10000x128xf32, #tpu.memory_space<hbm>> -> memref<1x640x128xf32, #tpu.memory_space<hbm>>
        %dma_wait3A_282 = tpu.memref_squeeze %dma_wait3A_281 : memref<1x640x128xf32, #tpu.memory_space<hbm>> -> memref<640x128xf32, #tpu.memory_space<hbm>>
        %dma_wait3A_283 = arith.constant 0 : i32
        %dma_wait3A_284 = tpu.memref_slice %arg13[%mul3A_271, %dma_wait3A_283] : memref<10240x128xf32, #tpu.memory_space<vmem_shared>> -> memref<640x128xf32, #tpu.memory_space<vmem_shared>>
        tpu.wait_dma2 semaphore(%run_scoped3A_274 : memref<!tpu.dma_semaphore, #tpu.memory_space<semaphore_mem>>) src(%dma_wait3A_284 : memref<640x128xf32, #tpu.memory_space<vmem_shared>>) dst(%dma_wait3A_282 : memref<640x128xf32, #tpu.memory_space<hbm>>)
        tpu.yield
      }) : () -> ()
    } else {
    }
    %eq3A = arith.constant 15 : i32
    %eq3A_266 = arith.cmpi eq, %arg1, %eq3A : i32
    %convert_element_type3A_267 = arith.extui %eq3A_266 : i1 to i32
    %cond3A_268 = arith.constant 0 : i32
    %cond3A_269 = arith.cmpi ne, %convert_element_type3A_267, %cond3A_268 : i32
    scf.if %cond3A_269 {
      "tpu.region"() ({
        %run_scoped3A_270 = tpu.sem_alloc : memref<!tpu.dma_semaphore, #tpu.memory_space<semaphore_mem>>
        %dma_start3A_271 = arith.constant 9600 : i32
        %dma_start3A_272 = arith.constant 0 : i32
        %dma_start3A_273 = tpu.memref_slice %arg6[%arg0, %dma_start3A_271, %dma_start3A_272] : memref<2x10000x128xf32, #tpu.memory_space<hbm>> -> memref<1x400x128xf32, #tpu.memory_space<hbm>>
        %dma_start3A_274 = tpu.memref_squeeze %dma_start3A_273 : memref<1x400x128xf32, #tpu.memory_space<hbm>> -> memref<400x128xf32, #tpu.memory_space<hbm>>
        %dma_start3A_275 = arith.constant 9600 : i32
        %dma_start3A_276 = arith.constant 0 : i32
        %dma_start3A_277 = tpu.memref_slice %arg13[%dma_start3A_275, %dma_start3A_276] : memref<10240x128xf32, #tpu.memory_space<vmem_shared>> -> memref<400x128xf32, #tpu.memory_space<vmem_shared>>
        tpu.enqueue_dma source(%dma_start3A_277 : memref<400x128xf32, #tpu.memory_space<vmem_shared>>) target(%dma_start3A_274 : memref<400x128xf32, #tpu.memory_space<hbm>>) target_semaphore(%run_scoped3A_270 : memref<!tpu.dma_semaphore, #tpu.memory_space<semaphore_mem>>)
        %dma_wait3A_278 = arith.constant 9600 : i32
        %dma_wait3A_279 = arith.constant 0 : i32
        %dma_wait3A_280 = tpu.memref_slice %arg6[%arg0, %dma_wait3A_278, %dma_wait3A_279] : memref<2x10000x128xf32, #tpu.memory_space<hbm>> -> memref<1x400x128xf32, #tpu.memory_space<hbm>>
        %dma_wait3A_281 = tpu.memref_squeeze %dma_wait3A_280 : memref<1x400x128xf32, #tpu.memory_space<hbm>> -> memref<400x128xf32, #tpu.memory_space<hbm>>
        %dma_wait3A_282 = arith.constant 9600 : i32
        %dma_wait3A_283 = arith.constant 0 : i32
        %dma_wait3A_284 = tpu.memref_slice %arg13[%dma_wait3A_282, %dma_wait3A_283] : memref<10240x128xf32, #tpu.memory_space<vmem_shared>> -> memref<400x128xf32, #tpu.memory_space<vmem_shared>>
        tpu.wait_dma2 semaphore(%run_scoped3A_270 : memref<!tpu.dma_semaphore, #tpu.memory_space<semaphore_mem>>) src(%dma_wait3A_284 : memref<400x128xf32, #tpu.memory_space<vmem_shared>>) dst(%dma_wait3A_281 : memref<400x128xf32, #tpu.memory_space<hbm>>)
        tpu.yield
      }) : () -> ()
    } else {
    }
    return
  }
}

module attributes {stable_mosaic.version = 14 : i64} {
  func.func @_mm_body(%arg0: i32, %arg1: memref<1000x128xf32, #tpu.memory_space<vmem>>, %arg2: memref<128x1152xf32, #tpu.memory_space<vmem>>, %arg3: memref<1000x1152xf32, #tpu.memory_space<vmem>>) attributes {dimension_semantics = [#tpu.dimension_semantics<arbitrary>], iteration_bounds = array<i64: 10>, scalar_prefetch = 0 : i64, scratch_operands = 0 : i64, tpu.core_type = #tpu.core_type<tc>, window_params = [{transform_indices = @transform_0, window_bounds = array<i64: 1000, 128>}, {pipeline_mode = #tpu.pipeline_mode<synchronous>, transform_indices = @transform_1, window_bounds = array<i64: 128, 1152>}, {transform_indices = @transform_2, window_bounds = array<i64: 1000, 1152>}]} {
    %get3A = arith.constant 0 : index
    %get3A_0 = arith.constant 0 : index
    %get3A_1 = vector.load %arg1[%get3A, %get3A_0] : memref<1000x128xf32, #tpu.memory_space<vmem>>, vector<1000x128xf32>
    %get3A_2 = arith.constant 0 : index
    %get3A_3 = arith.constant 0 : index
    %get3A_4 = vector.load %arg2[%get3A_2, %get3A_3] : memref<128x1152xf32, #tpu.memory_space<vmem>>, vector<128x1152xf32>
    %dot_general3A = arith.constant dense<0.000000e+00> : vector<1000x1152xf32>
    %dot_general3A_5 = tpu.matmul %get3A_1, %get3A_4, %dot_general3A {dimension_numbers = #tpu.dot_dimension_numbers<[1], [0], [0], [1], [0, 0, 1, 1], [], []>, transpose_lhs_hint = false} : vector<1000x128xf32>, vector<128x1152xf32>, vector<1000x1152xf32> -> vector<1000x1152xf32>
    %swap3A = arith.constant 0 : index
    %swap3A_6 = arith.constant 0 : index
    %swap3A_7 = vector.load %arg3[%swap3A, %swap3A_6] : memref<1000x1152xf32, #tpu.memory_space<vmem>>, vector<1000x1152xf32>
    tpu.vector_store %arg3[%swap3A, %swap3A_6], %dot_general3A_5 {strides = array<i32>} : memref<1000x1152xf32, #tpu.memory_space<vmem>>, vector<1000x1152xf32>,
    return
  }
  func.func @transform_0(%arg0: i32) -> (i32, i32) {
    %c0_i32 = arith.constant 0 : i32
    %c0_i32_0 = arith.constant 0 : i32
    return %arg0, %c0_i32 : i32, i32
  }
  func.func @transform_1(%arg0: i32) -> (i32, i32) {
    %c0_i32 = arith.constant 0 : i32
    %c0_i32_0 = arith.constant 0 : i32
    %c0_i32_1 = arith.constant 0 : i32
    return %c0_i32, %c0_i32_0 : i32, i32
  }
  func.func @transform_2(%arg0: i32) -> (i32, i32) {
    %c0_i32 = arith.constant 0 : i32
    %c0_i32_0 = arith.constant 0 : i32
    return %arg0, %c0_i32 : i32, i32
  }
}

module attributes {stable_mosaic.version = 14 : i64} {
  func.func @_ln_body(%arg0: i32, %arg1: memref<1000x128xf32, #tpu.memory_space<vmem>>, %arg2: memref<2x1000x128xf32, #tpu.memory_space<vmem>>, %arg3: memref<1000x128xf32, #tpu.memory_space<vmem>>, %arg4: memref<1x128xf32, #tpu.memory_space<vmem>>, %arg5: memref<1x128xf32, #tpu.memory_space<vmem>>, %arg6: memref<1000x128xf32, #tpu.memory_space<vmem>>) attributes {dimension_semantics = [#tpu.dimension_semantics<arbitrary>], iteration_bounds = array<i64: 10>, scalar_prefetch = 0 : i64, scratch_operands = 0 : i64, tpu.core_type = #tpu.core_type<tc>, window_params = [{transform_indices = @transform_0, window_bounds = array<i64: 1000, 128>}, {transform_indices = @transform_1, window_bounds = array<i64: 2, 1000, 128>}, {transform_indices = @transform_2, window_bounds = array<i64: 1000, 128>}, {pipeline_mode = #tpu.pipeline_mode<synchronous>, transform_indices = @transform_3, window_bounds = array<i64: 1, 128>}, {pipeline_mode = #tpu.pipeline_mode<synchronous>, transform_indices = @transform_4, window_bounds = array<i64: 1, 128>}, {transform_indices = @transform_5, window_bounds = array<i64: 1000, 128>}]} {
    %get3A = arith.constant 0 : index
    %get3A_0 = arith.constant 0 : index
    %get3A_1 = vector.load %arg1[%get3A, %get3A_0] : memref<1000x128xf32, #tpu.memory_space<vmem>>, vector<1000x128xf32>
    %get3A_2 = arith.constant 0 : index
    %get3A_3 = arith.constant 0 : index
    %get3A_4 = arith.constant 0 : index
    %get3A_5 = vector.load %arg2[%get3A_2, %get3A_3, %get3A_4] : memref<2x1000x128xf32, #tpu.memory_space<vmem>>, vector<1x1000x128xf32>
    %get3A_6 = vector.shape_cast %get3A_5 : vector<1x1000x128xf32> to vector<1000x128xf32>
    %add3A = arith.addf %get3A_1, %get3A_6 : vector<1000x128xf32>
    %get3A_7 = arith.constant 1 : index
    %get3A_8 = arith.constant 0 : index
    %get3A_9 = arith.constant 0 : index
    %get3A_10 = vector.load %arg2[%get3A_7, %get3A_8, %get3A_9] : memref<2x1000x128xf32, #tpu.memory_space<vmem>>, vector<1x1000x128xf32>
    %get3A_11 = vector.shape_cast %get3A_10 : vector<1x1000x128xf32> to vector<1000x128xf32>
    %add3A_12 = arith.addf %add3A, %get3A_11 : vector<1000x128xf32>
    %reduce_sum3A = arith.constant dense<0.000000e+00> : vector<1000xf32>
    %reduce_sum3A_13 = vector.multi_reduction <add>, %add3A_12, %reduce_sum3A [1] : vector<1000x128xf32> to vector<1000xf32>
    %broadcast_in_dim3A = vector.shape_cast %reduce_sum3A_13 : vector<1000xf32> to vector<1000x1xf32>
    %div3A = arith.constant 1.280000e+02 : f32
    %div3A_14 = vector.broadcast %div3A : f32 to vector<1000x1xf32>
    %div3A_15 = arith.divf %broadcast_in_dim3A, %div3A_14 : vector<1000x1xf32>
    %sub3A = vector.broadcast %div3A_15 : vector<1000x1xf32> to vector<1000x128xf32>
    %sub3A_16 = arith.subf %add3A_12, %sub3A : vector<1000x128xf32>
    %sub3A_17 = vector.broadcast %div3A_15 : vector<1000x1xf32> to vector<1000x128xf32>
    %sub3A_18 = arith.subf %add3A_12, %sub3A_17 : vector<1000x128xf32>
    %mul3A = arith.mulf %sub3A_16, %sub3A_18 : vector<1000x128xf32>
    %reduce_sum3A_19 = arith.constant dense<0.000000e+00> : vector<1000xf32>
    %reduce_sum3A_20 = vector.multi_reduction <add>, %mul3A, %reduce_sum3A_19 [1] : vector<1000x128xf32> to vector<1000xf32>
    %broadcast_in_dim3A_21 = vector.shape_cast %reduce_sum3A_20 : vector<1000xf32> to vector<1000x1xf32>
    %div3A_22 = arith.constant 1.280000e+02 : f32
    %div3A_23 = vector.broadcast %div3A_22 : f32 to vector<1000x1xf32>
    %div3A_24 = arith.divf %broadcast_in_dim3A_21, %div3A_23 : vector<1000x1xf32>
    %sub3A_25 = vector.broadcast %div3A_15 : vector<1000x1xf32> to vector<1000x128xf32>
    %sub3A_26 = arith.subf %add3A_12, %sub3A_25 : vector<1000x128xf32>
    %add3A_27 = arith.constant 9.99999974E-6 : f32
    %add3A_28 = vector.broadcast %add3A_27 : f32 to vector<1000x1xf32>
    %add3A_29 = arith.addf %div3A_24, %add3A_28 : vector<1000x1xf32>
    %rsqrt3A = math.rsqrt %add3A_29 : vector<1000x1xf32>
    %mul3A_30 = vector.broadcast %rsqrt3A : vector<1000x1xf32> to vector<1000x128xf32>
    %mul3A_31 = arith.mulf %sub3A_26, %mul3A_30 : vector<1000x128xf32>
    %get3A_32 = arith.constant 0 : index
    %get3A_33 = arith.constant 0 : index
    %get3A_34 = vector.load %arg4[%get3A_32, %get3A_33] : memref<1x128xf32, #tpu.memory_space<vmem>>, vector<1x128xf32>
    %mul3A_35 = vector.broadcast %get3A_34 : vector<1x128xf32> to vector<1000x128xf32>
    %mul3A_36 = arith.mulf %mul3A_31, %mul3A_35 : vector<1000x128xf32>
    %get3A_37 = arith.constant 0 : index
    %get3A_38 = arith.constant 0 : index
    %get3A_39 = vector.load %arg5[%get3A_37, %get3A_38] : memref<1x128xf32, #tpu.memory_space<vmem>>, vector<1x128xf32>
    %add3A_40 = vector.broadcast %get3A_39 : vector<1x128xf32> to vector<1000x128xf32>
    %add3A_41 = arith.addf %mul3A_36, %add3A_40 : vector<1000x128xf32>
    %max3A = arith.constant 0.000000e+00 : f32
    %max3A_42 = vector.broadcast %max3A : f32 to vector<1000x128xf32>
    %max3A_43 = arith.maximumf %add3A_41, %max3A_42 : vector<1000x128xf32>
    %get3A_44 = arith.constant 0 : index
    %get3A_45 = arith.constant 0 : index
    %get3A_46 = vector.load %arg3[%get3A_44, %get3A_45] : memref<1000x128xf32, #tpu.memory_space<vmem>>, vector<1000x128xf32>
    %add3A_47 = arith.addf %get3A_46, %max3A_43 : vector<1000x128xf32>
    %swap3A = arith.constant 0 : index
    %swap3A_48 = arith.constant 0 : index
    %swap3A_49 = vector.load %arg6[%swap3A, %swap3A_48] : memref<1000x128xf32, #tpu.memory_space<vmem>>, vector<1000x128xf32>
    tpu.vector_store %arg6[%swap3A, %swap3A_48], %add3A_47 {strides = array<i32>} : memref<1000x128xf32, #tpu.memory_space<vmem>>, vector<1000x128xf32>,
    return
  }
  func.func @transform_0(%arg0: i32) -> (i32, i32) {
    %c0_i32 = arith.constant 0 : i32
    %c0_i32_0 = arith.constant 0 : i32
    return %arg0, %c0_i32 : i32, i32
  }
  func.func @transform_1(%arg0: i32) -> (i32, i32, i32) {
    %c0_i32 = arith.constant 0 : i32
    %c0_i32_0 = arith.constant 0 : i32
    %c0_i32_1 = arith.constant 0 : i32
    return %c0_i32, %arg0, %c0_i32_0 : i32, i32, i32
  }
  func.func @transform_2(%arg0: i32) -> (i32, i32) {
    %c0_i32 = arith.constant 0 : i32
    %c0_i32_0 = arith.constant 0 : i32
    return %arg0, %c0_i32 : i32, i32
  }
  func.func @transform_3(%arg0: i32) -> (i32, i32) {
    %c0_i32 = arith.constant 0 : i32
    %c0_i32_0 = arith.constant 0 : i32
    %c0_i32_1 = arith.constant 0 : i32
    return %c0_i32, %c0_i32_0 : i32, i32
  }
  func.func @transform_4(%arg0: i32) -> (i32, i32) {
    %c0_i32 = arith.constant 0 : i32
    %c0_i32_0 = arith.constant 0 : i32
    %c0_i32_1 = arith.constant 0 : i32
    return %c0_i32, %c0_i32_0 : i32, i32
  }
  func.func @transform_5(%arg0: i32) -> (i32, i32) {
    %c0_i32 = arith.constant 0 : i32
    %c0_i32_0 = arith.constant 0 : i32
    return %arg0, %c0_i32 : i32, i32
  }
}

module attributes {stable_mosaic.version = 14 : i64} {
  func.func @_ln_body(%arg0: i32, %arg1: memref<1000x128xf32, #tpu.memory_space<vmem>>, %arg2: memref<2x1000x128xf32, #tpu.memory_space<vmem>>, %arg3: memref<1000x128xf32, #tpu.memory_space<vmem>>, %arg4: memref<1x128xf32, #tpu.memory_space<vmem>>, %arg5: memref<1x128xf32, #tpu.memory_space<vmem>>, %arg6: memref<1000x128xf32, #tpu.memory_space<vmem>>) attributes {dimension_semantics = [#tpu.dimension_semantics<arbitrary>], iteration_bounds = array<i64: 10>, scalar_prefetch = 0 : i64, scratch_operands = 0 : i64, tpu.core_type = #tpu.core_type<tc>, window_params = [{transform_indices = @transform_0, window_bounds = array<i64: 1000, 128>}, {transform_indices = @transform_1, window_bounds = array<i64: 2, 1000, 128>}, {transform_indices = @transform_2, window_bounds = array<i64: 1000, 128>}, {pipeline_mode = #tpu.pipeline_mode<synchronous>, transform_indices = @transform_3, window_bounds = array<i64: 1, 128>}, {pipeline_mode = #tpu.pipeline_mode<synchronous>, transform_indices = @transform_4, window_bounds = array<i64: 1, 128>}, {transform_indices = @transform_5, window_bounds = array<i64: 1000, 128>}]} {
    %get3A = arith.constant 0 : index
    %get3A_0 = arith.constant 0 : index
    %get3A_1 = vector.load %arg1[%get3A, %get3A_0] : memref<1000x128xf32, #tpu.memory_space<vmem>>, vector<1000x128xf32>
    %get3A_2 = arith.constant 0 : index
    %get3A_3 = arith.constant 0 : index
    %get3A_4 = arith.constant 0 : index
    %get3A_5 = vector.load %arg2[%get3A_2, %get3A_3, %get3A_4] : memref<2x1000x128xf32, #tpu.memory_space<vmem>>, vector<1x1000x128xf32>
    %get3A_6 = vector.shape_cast %get3A_5 : vector<1x1000x128xf32> to vector<1000x128xf32>
    %add3A = arith.addf %get3A_1, %get3A_6 : vector<1000x128xf32>
    %get3A_7 = arith.constant 1 : index
    %get3A_8 = arith.constant 0 : index
    %get3A_9 = arith.constant 0 : index
    %get3A_10 = vector.load %arg2[%get3A_7, %get3A_8, %get3A_9] : memref<2x1000x128xf32, #tpu.memory_space<vmem>>, vector<1x1000x128xf32>
    %get3A_11 = vector.shape_cast %get3A_10 : vector<1x1000x128xf32> to vector<1000x128xf32>
    %add3A_12 = arith.addf %add3A, %get3A_11 : vector<1000x128xf32>
    %reduce_sum3A = arith.constant dense<0.000000e+00> : vector<1000xf32>
    %reduce_sum3A_13 = vector.multi_reduction <add>, %add3A_12, %reduce_sum3A [1] : vector<1000x128xf32> to vector<1000xf32>
    %broadcast_in_dim3A = vector.shape_cast %reduce_sum3A_13 : vector<1000xf32> to vector<1000x1xf32>
    %div3A = arith.constant 1.280000e+02 : f32
    %div3A_14 = vector.broadcast %div3A : f32 to vector<1000x1xf32>
    %div3A_15 = arith.divf %broadcast_in_dim3A, %div3A_14 : vector<1000x1xf32>
    %sub3A = vector.broadcast %div3A_15 : vector<1000x1xf32> to vector<1000x128xf32>
    %sub3A_16 = arith.subf %add3A_12, %sub3A : vector<1000x128xf32>
    %sub3A_17 = vector.broadcast %div3A_15 : vector<1000x1xf32> to vector<1000x128xf32>
    %sub3A_18 = arith.subf %add3A_12, %sub3A_17 : vector<1000x128xf32>
    %mul3A = arith.mulf %sub3A_16, %sub3A_18 : vector<1000x128xf32>
    %reduce_sum3A_19 = arith.constant dense<0.000000e+00> : vector<1000xf32>
    %reduce_sum3A_20 = vector.multi_reduction <add>, %mul3A, %reduce_sum3A_19 [1] : vector<1000x128xf32> to vector<1000xf32>
    %broadcast_in_dim3A_21 = vector.shape_cast %reduce_sum3A_20 : vector<1000xf32> to vector<1000x1xf32>
    %div3A_22 = arith.constant 1.280000e+02 : f32
    %div3A_23 = vector.broadcast %div3A_22 : f32 to vector<1000x1xf32>
    %div3A_24 = arith.divf %broadcast_in_dim3A_21, %div3A_23 : vector<1000x1xf32>
    %sub3A_25 = vector.broadcast %div3A_15 : vector<1000x1xf32> to vector<1000x128xf32>
    %sub3A_26 = arith.subf %add3A_12, %sub3A_25 : vector<1000x128xf32>
    %add3A_27 = arith.constant 9.99999974E-6 : f32
    %add3A_28 = vector.broadcast %add3A_27 : f32 to vector<1000x1xf32>
    %add3A_29 = arith.addf %div3A_24, %add3A_28 : vector<1000x1xf32>
    %rsqrt3A = math.rsqrt %add3A_29 : vector<1000x1xf32>
    %mul3A_30 = vector.broadcast %rsqrt3A : vector<1000x1xf32> to vector<1000x128xf32>
    %mul3A_31 = arith.mulf %sub3A_26, %mul3A_30 : vector<1000x128xf32>
    %get3A_32 = arith.constant 0 : index
    %get3A_33 = arith.constant 0 : index
    %get3A_34 = vector.load %arg4[%get3A_32, %get3A_33] : memref<1x128xf32, #tpu.memory_space<vmem>>, vector<1x128xf32>
    %mul3A_35 = vector.broadcast %get3A_34 : vector<1x128xf32> to vector<1000x128xf32>
    %mul3A_36 = arith.mulf %mul3A_31, %mul3A_35 : vector<1000x128xf32>
    %get3A_37 = arith.constant 0 : index
    %get3A_38 = arith.constant 0 : index
    %get3A_39 = vector.load %arg5[%get3A_37, %get3A_38] : memref<1x128xf32, #tpu.memory_space<vmem>>, vector<1x128xf32>
    %add3A_40 = vector.broadcast %get3A_39 : vector<1x128xf32> to vector<1000x128xf32>
    %add3A_41 = arith.addf %mul3A_36, %add3A_40 : vector<1000x128xf32>
    %get3A_42 = arith.constant 0 : index
    %get3A_43 = arith.constant 0 : index
    %get3A_44 = vector.load %arg3[%get3A_42, %get3A_43] : memref<1000x128xf32, #tpu.memory_space<vmem>>, vector<1000x128xf32>
    %add3A_45 = arith.addf %get3A_44, %add3A_41 : vector<1000x128xf32>
    %swap3A = arith.constant 0 : index
    %swap3A_46 = arith.constant 0 : index
    %swap3A_47 = vector.load %arg6[%swap3A, %swap3A_46] : memref<1000x128xf32, #tpu.memory_space<vmem>>, vector<1000x128xf32>
    tpu.vector_store %arg6[%swap3A, %swap3A_46], %add3A_45 {strides = array<i32>} : memref<1000x128xf32, #tpu.memory_space<vmem>>, vector<1000x128xf32>,
    return
  }
  func.func @transform_0(%arg0: i32) -> (i32, i32) {
    %c0_i32 = arith.constant 0 : i32
    %c0_i32_0 = arith.constant 0 : i32
    return %arg0, %c0_i32 : i32, i32
  }
  func.func @transform_1(%arg0: i32) -> (i32, i32, i32) {
    %c0_i32 = arith.constant 0 : i32
    %c0_i32_0 = arith.constant 0 : i32
    %c0_i32_1 = arith.constant 0 : i32
    return %c0_i32, %arg0, %c0_i32_0 : i32, i32, i32
  }
  func.func @transform_2(%arg0: i32) -> (i32, i32) {
    %c0_i32 = arith.constant 0 : i32
    %c0_i32_0 = arith.constant 0 : i32
    return %arg0, %c0_i32 : i32, i32
  }
  func.func @transform_3(%arg0: i32) -> (i32, i32) {
    %c0_i32 = arith.constant 0 : i32
    %c0_i32_0 = arith.constant 0 : i32
    %c0_i32_1 = arith.constant 0 : i32
    return %c0_i32, %c0_i32_0 : i32, i32
  }
  func.func @transform_4(%arg0: i32) -> (i32, i32) {
    %c0_i32 = arith.constant 0 : i32
    %c0_i32_0 = arith.constant 0 : i32
    %c0_i32_1 = arith.constant 0 : i32
    return %c0_i32, %c0_i32_0 : i32, i32
  }
  func.func @transform_5(%arg0: i32) -> (i32, i32) {
    %c0_i32 = arith.constant 0 : i32
    %c0_i32_0 = arith.constant 0 : i32
    return %arg0, %c0_i32 : i32, i32
  }
}

module attributes {stable_mosaic.version = 14 : i64} {
  func.func @_score_body(%arg0: i32, %arg1: memref<1024x128xf32, #tpu.memory_space<vmem>>, %arg2: memref<1024x128xf32, #tpu.memory_space<vmem>>, %arg3: memref<1024x128xf32, #tpu.memory_space<vmem>>, %arg4: memref<1024x1xf32, #tpu.memory_space<vmem>>) attributes {dimension_semantics = [#tpu.dimension_semantics<arbitrary>], iteration_bounds = array<i64: 8>, scalar_prefetch = 0 : i64, scratch_operands = 0 : i64, tpu.core_type = #tpu.core_type<tc>, window_params = [{transform_indices = @transform_0, window_bounds = array<i64: 1024, 128>}, {transform_indices = @transform_1, window_bounds = array<i64: 1024, 128>}, {transform_indices = @transform_2, window_bounds = array<i64: 1024, 128>}, {transform_indices = @transform_3, window_bounds = array<i64: 1024, 1>}]} {
    %get3A = arith.constant 0 : index
    %get3A_0 = arith.constant 0 : index
    %get3A_1 = vector.load %arg1[%get3A, %get3A_0] : memref<1024x128xf32, #tpu.memory_space<vmem>>, vector<1024x128xf32>
    %get3A_2 = arith.constant 0 : index
    %get3A_3 = arith.constant 0 : index
    %get3A_4 = vector.load %arg2[%get3A_2, %get3A_3] : memref<1024x128xf32, #tpu.memory_space<vmem>>, vector<1024x128xf32>
    %mul3A = arith.mulf %get3A_1, %get3A_4 : vector<1024x128xf32>
    %get3A_5 = arith.constant 0 : index
    %get3A_6 = arith.constant 0 : index
    %get3A_7 = vector.load %arg3[%get3A_5, %get3A_6] : memref<1024x128xf32, #tpu.memory_space<vmem>>, vector<1024x128xf32>
    %mul3A_8 = arith.mulf %mul3A, %get3A_7 : vector<1024x128xf32>
    %reduce_sum3A = arith.constant dense<0.000000e+00> : vector<1024xf32>
    %reduce_sum3A_9 = vector.multi_reduction <add>, %mul3A_8, %reduce_sum3A [1] : vector<1024x128xf32> to vector<1024xf32>
    %broadcast_in_dim3A = vector.shape_cast %reduce_sum3A_9 : vector<1024xf32> to vector<1024x1xf32>
    %swap3A = arith.constant 0 : index
    %swap3A_10 = arith.constant 0 : index
    %swap3A_11 = vector.load %arg4[%swap3A, %swap3A_10] : memref<1024x1xf32, #tpu.memory_space<vmem>>, vector<1024x1xf32>
    tpu.vector_store %arg4[%swap3A, %swap3A_10], %broadcast_in_dim3A {strides = array<i32>} : memref<1024x1xf32, #tpu.memory_space<vmem>>, vector<1024x1xf32>,
    return
  }
  func.func @transform_0(%arg0: i32) -> (i32, i32) {
    %c0_i32 = arith.constant 0 : i32
    %c0_i32_0 = arith.constant 0 : i32
    return %arg0, %c0_i32 : i32, i32
  }
  func.func @transform_1(%arg0: i32) -> (i32, i32) {
    %c0_i32 = arith.constant 0 : i32
    %c0_i32_0 = arith.constant 0 : i32
    return %arg0, %c0_i32 : i32, i32
  }
  func.func @transform_2(%arg0: i32) -> (i32, i32) {
    %c0_i32 = arith.constant 0 : i32
    %c0_i32_0 = arith.constant 0 : i32
    return %arg0, %c0_i32 : i32, i32
  }
  func.func @transform_3(%arg0: i32) -> (i32, i32) {
    %c0_i32 = arith.constant 0 : i32
    %c0_i32_0 = arith.constant 0 : i32
    return %arg0, %c0_i32 : i32, i32
  }
}

</mosaic_0001>

<sc_bundles>
// kernel: kernel.10.cloned.1.call-start
scs
__scs_entry_jumppad:
0x0: {  	(pc) =	sbr.rel $0x88, $3  }
0x1: {  	(tag) =	ssettag $0x0;
	lr =	simm.s32 $0x1  }
0x2: {  	[smem:$0x3F97] =	sst lr;
	_ =	strace $0xD0000000  }
0x3: {  	_ = 	snop  }
0x4: {  	_ = 	snop  }
0x5: {  	_ = 	snop  }
0x6: {  	_ = 	snop  }
0x7: {  	_ = 	snop  }
__scs_overlays_trampoline_lowered:
0x8: {  	[smem:$0x3FA6] =	sst s0  }
0x9: {  	[smem:$0x3FA7] =	sst s1  }
0xa: {  	[smem:$0x3FA8] =	sst s2  }
0xb: {  	[smem:$0x3FA9] =	sst s3  }
0xc: {  	[smem:$0x3FAA] =	sst s4  }
0xd: {  	[smem:$0x3FAB] =	sst s5  }
0xe: {  	[smem:$0x3FAC] =	sst s6  }
0xf: {  	[smem:$0x3FAD] =	sst s7  }
0x10: {  	[smem:$0x3FAE] =	sst s8  }
0x11: {  	[smem:$0x3FAF] =	sst s9;
	s0 =	simm.s32 @!p0 $0x0  }
0x12: {  	s1 =	sld [smem:$0x3F95];
	s0 =	simm.s32 @p0 $0x1  }
0x13: {  	[smem:$0x3FB0] =	sst s0;
	s0 =	simm.s32 @!p1 $0x0  }
0x14: {  	s2 =	sld [smem:$0x3F94];
	s0 =	simm.s32 @p1 $0x1  }
0x15: {  	[smem:$0x3FB1] =	sst s0;
	s0 =	simm.s32 @!p2 $0x0  }
0x16: {  	s3 =	sld [smem:$0x3FDB];
	s0 =	simm.s32 @p2 $0x1  }
0x17: {  	s4 =	simm.s32 $0x1BF5;
	[smem:$0x3FB3] =	sst s0  }
0x18: {  	s0 =	sld [smem:$0x3F96];
	_ =	swait.ge [sflag:s4], $0x0  }
0x19: {  	s7 =	sld [smem:$0x3F97]  }
0x1a: {  	s8 =	sadd.s32 $0xFFFFE003, lr  }
0x1b: {  	s9 =	sadd.s32 $0xFFFFFEF7, lr;
	s5 =	simm.s32 $0xFFFFFFFF;
	p2 =	slt.u32 s8, $0xFFFFF086  }
0x1c: {  	p1 =	slt.u32 s9, $0xF7A;
	s5 =	simm.s32 @!p2 $0x0  }
0x1d: {  	s5 =	simm.s32 @p1 $0x1;
	p0 =	seq.s32 s7, s2  }
0x1e: {  	s7 =	smul.u32 @!p0 $0xF7A, s2;
	p2 =	seq.s32 @!p0 s5, $0x0  }
0x1f: {  	s9 =	smul.u32 $0xF7A, s1;
	s8 =	simm.s32 @!p0 $0x1BF5;
	p2 =	por !p2, p0  }
0x20: {  	[sflag:s8] =	ssyncset.s32 @!p0 $0xFFFFF086;
	s6 =	sadd.s32 @!p0 s3, s7;
	s7 =	simm.s32 @!p0 $0x108  }
0x21: {  	s3 =	sadd.s32 s3, s9;
	s6 =	sadd.s32 @!p0 $0x88, s6;
	s7 =	simm.s32 @p2 $0x1082  }
0x22: {  	[simem:s7], [sflag:s8] =	dma.local @!p0 [hbm:s6], $0xF7A  }
0x23: {  	s9 =	sor.u32 $0xD0000000, s2;
	s6 =	simm.s32 $0x108;
	_ =	swait.ge @!p0 [sflag:s8], $0x0  }
0x24: {  	s3 =	sadd.s32 $0x88, s3;
	s6 =	simm.s32 @!p1 $0x1082;
	[sflag:s4] =	ssyncset.s32 $0xFFFFF086  }
0x25: {  	[simem:s6], [sflag:s4] =	dma.local [hbm:s3], $0xF7A  }
0x26: {  	[smem:$0x3F97] =	sst s1;
	(tag) =	ssettag s2;
	_ =	strace s9  }
0x27: {  	s1 =	sld [smem:$0x3FA7]  }
0x28: {  	s2 =	sld [smem:$0x3FA8]  }
0x29: {  	s4 =	sld [smem:$0x3FAA]  }
0x2a: {  	p0 =	seq.s32 s5, $0x0;
	s5 =	sld [smem:$0x3FAB]  }
0x2b: {  	s6 =	sld [smem:$0x3FAC]  }
0x2c: {  	s7 =	sld [smem:$0x3FAD]  }
0x2d: {  	s3 =	simm.s32 $0x108;
	s8 =	sld [smem:$0x3FAE]  }
0x2e: {  	s3 =	simm.s32 @!p0 $0x1082;
	s9 =	sld [smem:$0x3FAF]  }
0x2f: {  	lr =	sadd.s32 s0, s3;
	s0 =	sld [smem:$0x3FA6]  }
0x30: {  	s3 =	sld [smem:$0x3FA9]  }
0x31: {  	[smem:$0x3FB2] =	sst s10  }
0x32: {  	s10 =	sld [smem:$0x3FB0];
	_ =	sdelay $0x3  }
0x33: {  	p0 =	seq.s32 s10, $0x1;
	s10 =	sld [smem:$0x3FB2];
	_ =	sdelay $0x3  }
0x34: {  	[smem:$0x3FB2] =	sst s10  }
0x35: {  	s10 =	sld [smem:$0x3FB1];
	_ =	sdelay $0x3  }
0x36: {  	p1 =	seq.s32 s10, $0x1;
	s10 =	sld [smem:$0x3FB2];
	_ =	sdelay $0x3  }
0x37: {  	[smem:$0x3FB2] =	sst s10  }
0x38: {  	s10 =	sld [smem:$0x3FB3]  }
0x39: {  	_ = 	snop;
	(pc) =	sbr.ind lr, $3  }
0x3a: {  	_ = 	snop  }
0x3b: {  	_ = 	snop  }
0x3c: {  	p2 =	seq.s32 s10, $0x1;
	s10 =	sld [smem:$0x3FB2]  }
0x3d: {  	_ =	shalt  }
0x3e: {  	_ =	shalt  }
0x3f: {  	_ =	shalt  }
0x40: {  	_ =	shalt  }
0x41: {  	_ =	shalt  }
0x42: {  	_ =	shalt  }
0x43: {  	_ =	shalt  }
0x44: {  	_ =	shalt  }
0x45: {  	_ =	shalt  }
0x46: {  	_ =	shalt  }
0x47: {  	_ =	shalt  }
0x48: {  	_ =	shalt  }
0x49: {  	_ =	shalt  }
0x4a: {  	_ =	shalt  }
0x4b: {  	_ =	shalt  }
0x4c: {  	_ =	shalt  }
0x4d: {  	_ =	shalt  }
0x4e: {  	_ =	shalt  }
0x4f: {  	_ =	shalt  }
0x50: {  	_ =	shalt  }
0x51: {  	_ =	shalt  }
0x52: {  	_ =	shalt  }
0x53: {  	_ =	shalt  }
0x54: {  	_ =	shalt  }
0x55: {  	_ =	shalt  }
0x56: {  	_ =	shalt  }
0x57: {  	_ =	shalt  }
0x58: {  	_ =	shalt  }
0x59: {  	_ =	shalt  }
0x5a: {  	_ =	shalt  }
0x5b: {  	_ =	shalt  }
0x5c: {  	_ =	shalt  }
0x5d: {  	_ =	shalt  }
0x5e: {  	_ =	shalt  }
0x5f: {  	_ =	shalt  }
0x60: {  	_ =	shalt  }
0x61: {  	_ =	shalt  }
0x62: {  	_ =	shalt  }
0x63: {  	_ =	shalt  }
0x64: {  	_ =	shalt  }
0x65: {  	_ =	shalt  }
0x66: {  	_ =	shalt  }
0x67: {  	_ =	shalt  }
0x68: {  	_ =	shalt  }
0x69: {  	_ =	shalt  }
0x6a: {  	_ =	shalt  }
0x6b: {  	_ =	shalt  }
0x6c: {  	_ =	shalt  }
0x6d: {  	_ =	shalt  }
0x6e: {  	_ =	shalt  }
0x6f: {  	_ =	shalt  }
0x70: {  	_ =	shalt  }
0x71: {  	_ =	shalt  }
0x72: {  	_ =	shalt  }
0x73: {  	_ =	shalt  }
0x74: {  	_ =	shalt  }
0x75: {  	_ =	shalt  }
0x76: {  	_ =	shalt  }
0x77: {  	_ =	shalt  }
0x78: {  	_ =	shalt  }
0x79: {  	_ =	shalt  }
0x7a: {  	_ =	shalt  }
0x7b: {  	_ =	shalt  }
0x7c: {  	_ =	shalt  }
0x7d: {  	_ =	shalt  }
0x7e: {  	_ =	shalt  }
0x7f: {  	_ =	shalt  }
0x80: {  	_ =	shalt  }
0x81: {  	_ =	shalt  }
0x82: {  	_ =	shalt  }
0x83: {  	_ =	shalt  }
0x84: {  	_ =	shalt  }
0x85: {  	_ =	shalt  }
0x86: {  	_ =	shalt  }
0x87: {  	_ =	shalt  }
.Lfunc_end0:
.L_simem_size_0:
called_computation_lowered:
.L_overlay_start_0:
0x88: {  	s2 =	sld [smem:$0x3FD9]  }
0x89: {  	s3 =	sld [smem:$0x3FFE];
	_ =	sdelay $0x1  }
0x8a: {  	s1 =	srdreg.scid  }
0x8b: {  	s0 =	sand.u32 $0x1, s1  }
0x8c: {  	s16 =	sshll.u32 s0, $0xA;
	s2 =	sadd.s32 s3, s2  }
0x8d: {  	s2 =	sadd.s32 s2, s16  }
0x8e: {  	[smem:$0x3FBE] =	sst s2  }
0x8f: {  	_ = 	snop  }
0x90: {  	(tm) =	ssettm $0x1  }
0x91: {  	s17 =	sld [smem:$0x3FFB];
	_ =	sdelay $0x3  }
0x92: {  	_ =	strace s17  }
0x93: {  	s2 =	sld [smem:$0x3FFC];
	_ =	sdelay $0x3  }
0x94: {  	_ =	strace s2  }
0x95: {  	s2 =	sld [smem:$0x3FFD];
	_ =	sdelay $0x3  }
0x96: {  	_ =	strace s2  }
0x97: {  	_ =	strace $0x8FFFFFFF  }
0x98: {  	s18 =	sld [smem:$0x3FDB];
	_ =	sdelay $0x1  }
0x99: {  	s19 =	simm.s32 $_scs_section_size  }
0x9a: {  	s4 =	simm.s32 $_size__tile_overlayer_lowered;
	s5 =	simm.s32 $_tile_overlayer_lowered  }
0x9b: {  	s22 =	simm.s32 $0x1BFF;
	s21 =	sshll.u32 s5, $0x1;
	s2 =	sadd.s32 s19, s18  }
0x9c: {  	s6 =	simm.s32 $0x0;
	s20 =	sshll.u32 s4, $0x1;
	s4 =	sadd.s32 s21, s2  }
0x9d: {  	[timem:s6], [sflag:s22] =	dma.local [hbm:s4], s20  }
0x9e: {  	_ =	swait.ge [sflag:s22], s20  }
0x9f: {  	s3 =	ssub.s32 $0x0, s20;
	[sflag:s22] =	ssyncset.done $0x0  }
0xa0: {  	[sflag:s22] =	ssyncadd.s32 s3;
	_ =	sdelay $0x1  }
0xa1: {  	s23 =	simm.s32 $0x1B8B  }
0xa2: {  	_ =	swait.ge [sflag:s23], $0x1  }
0xa3: {  	[sflag:s23] =	ssyncset.done $0x0  }
0xa4: {  	s25 =	simm.s32 $0x1B8E;
	s24 =	sld [smem:$0x3FFE];
	[sflag:s23] =	ssyncadd.s32 $0xFFFFFFFF  }
0xa5: {  	s26 =	simm.s32 $execute0_lowered;
	[smem:$0x3FD2] =	sst s25  }
0xa6: {  	s4 =	sshll.u32 s26, $0x1;
	_ =	strace $0x80000046;
	[dreg:$0x1] =	wrdreg $0xFFFFFFFF  }
0xa7: {  	s28 =	simm.s32 $_size_execute0_lowered;
	s2 =	sadd.s32 s2, s4;
	[dreg:$0x0] =	wrdreg $0x0  }
0xa8: {  	s4 =	sshll.u32 s28, $0x1;
	[dreg:$0x2] =	wrdreg s2  }
0xa9: {  	[dreg:$0x3] =	wrdreg s4  }
0xaa: {  	[dreg:$0x4] =	wrdreg $0xC0  }
0xab: {  	_ =	task [dreg:s6], $0x5FFFF  }
0xac: {  	[dreg:$0x1] =	wrdreg $0xFFFFFFFF  }
0xad: {  	[dreg:$0x0] =	wrdreg $0x60  }
0xae: {  	[dreg:$0x2] =	wrdreg s24  }
0xaf: {  	[dreg:$0x3] =	wrdreg $0xC0000  }
0xb0: {  	[dreg:$0x4] =	wrdreg $0x9  }
0xb1: {  	_ =	task.clear_ibuf [dreg:s6], $0x5FFFF;
	_ =	strace $0x90000046  }
0xb2: {  	s29 =	simm.s32 $0x9;
	_ =	strace $0x80000048  }
0xb3: {  	_ =	swait.ge [sflag:s29], $0x1  }
0xb4: {  	[sflag:s29] =	ssyncadd.s32 $0xFFFFFFFF  }
0xb5: {  	_ =	strace $0x90000048  }
0xb6: {  	_ =	sfence  }
0xb7: {  	s30 =	sld [smem:$0x0];
	_ =	sdelay $0x2  }
0xb8: {  	s31 =	sshll.u32 s1, $0xD;
	s1 =	sshrl.u32 s1, $0x2  }
0xb9: {  	s3 =	sand.u32 $0x4000, s31;
	s1 =	sadd.s32 s1, s30  }
0xba: {  	s0 =	sor.u32 s3, s0;
	s1 =	sshll.u32 s1, $0x11  }
0xbb: {  	s0 =	sor.u32 s1, s0  }
0xbc: {  	s0 =	sadd.s32 $0x8F2B, s0  }
0xbd: {  	[sflag:s0] =	ssyncadd.remote.s32 $0x1  }
0xbe: {  	_ =	sfence.sel $0xFFFF  }
0xbf: {  	[dreg:$0x0] =	wrdreg $0xFFFFFFFF;
	(pc) =	sbr.abs _section_cstart, $3  }
0xc0: {  	[dreg:$0x1] =	wrdreg $0xFFFFFFFF  }
0xc1: {  	_ =	task.clear_ibuf [dreg:s6], $0x2FFFF;
	_ =	strace $0x9FFFFFFF  }
0xc2: {  	(tm) =	ssettm $0x7FFFFFFF  }
0xc3: {  	_ =	shalt  }
tec
execute0_lowered:
.L_overlay_start_1:
0x0: {  	(tag) =	ssettag $0x1  }
0x1: {  	s0 =	rddreg [dreg:$0x0]  }
0x2: {  	s1 =	rddreg [dreg:$0x1];
	s2 =	simm.s32 $0x0  }
0x3: {  	s3 =	srdreg.scid;
	s14 =	stileid.u32;
	s28 =	simm.s32 $0x7000  }
0x4: {  	s29 =	simm.s32 $0x180;
	s30 =	simm.s32 $0x9800;
	[smem:$0x7FF] =	sst s2  }
0x5: {  	s31 =	simm.s32 $0x1;
	s4 =	sadd.s32 $0x162200, s0;
	s5 =	sadd.s32 $0x2C1C00, s0  }
0x6: {  	s3 =	sand.u32 $0x1, s3;
	s7 =	smul.u32 $0x50000, s14;
	s8 =	sadd.s32 $0x2D1C00, s0  }
0x7: {  	s9 =	sadd.s32 $0x2E1C00, s0;
	s0 =	sadd.s32 $0x2E4400, s0;
	s20 =	sshll.u32 s14, $0x6  }
0x8: {  	s11 =	sshll.u32 s14, $0xB;
	s13 =	smul.u32 $0x14000, s14;
	p0 =	seq.s32 s14, $0xF  }
0x9: {  	_ =	strace $0x80000047;
	s6 =	ssub.s32 $0x2, s3;
	[dreg:$0x3] =	wrdreg s9  }
0xa: {  	s10 =	sshll.u32 s3, $0xF;
	s3 =	smul.u32 $0x138800, s3;
	s18 =	sshrl.u32 s6, $0x1  }
0xb: {  	s19 =	sshrl.u32 s7, $0x2;
	s7 =	sor.u32 $0x1C05, s20;
	s10 =	sor.u32 s11, s10  }
0xc: {  	s20 =	simm.s32 $0x1000;
	s9 =	ssub.s32 s6, s18;
	s6 =	sadd.s32 s19, s1  }
0xd: {  	s11 =	sadd.s32 s5, s10;
	s21 =	sadd.s32 s8, s10;
	s22 =	sor.u32 $0x200, s10  }
0xe: {  	s12 =	sor.u32 $0x400, s10;
	s10 =	sor.u32 $0x600, s10;
	s25 =	sadd.s32 s13, s3  }
0xf: {  	s3 =	sshrl.u32 s3, $0x3;
	s19 =	simm.s32 $0x5;
	[dreg:$0x4] =	wrdreg s11  }
0x10: {  	[dreg:$0x5] =	wrdreg s21;
	s15 =	sadd.s32 s5, s22;
	s11 =	sadd.s32 s8, s22  }
0x11: {  	s23 =	sadd.s32 s5, s12;
	s24 =	sadd.s32 s8, s12;
	[dreg:$0x6] =	wrdreg s15  }
0x12: {  	s5 =	sadd.s32 s5, s10;
	s26 =	sshrl.u32 s25, $0x3;
	[dreg:$0x7] =	wrdreg s11  }
0x13: {  	s8 =	sadd.s32 s8, s10;
	s18 =	smax.u32 s9, $0x1;
	[dreg:$0x8] =	wrdreg s23  }
0x14: {  	s21 =	simm.s32 $0x50;
	s22 =	simm.s32 $0x2000;
	[dreg:$0x9] =	wrdreg s24  }
0x15: {  	s9 =	simm.s32 $0x1E80;
	s10 =	simm.s32 $0x1F00;
	[dreg:$0xa] =	wrdreg s5  }
0x16: {  	s12 =	simm.s32 $0x0;
	[dreg:$0xb] =	wrdreg s8;
	s16 =	sadd.s32 s0, s26  }
0x17: {  	s0 =	sadd.s32 s0, s3;
	s23 =	simm.s32 $0x80;
	s24 =	simm.s32 $0x4800  }
0x18: {  	s26 =	simm.s32 $0x100;
	s3 =	simm.s32 $0x3;
	s5 =	simm.s32 $0x4  }
0x19: {  	s8 =	simm.s32 $0x1E00;
	s17 =	sadd.s32 $0x25800, s0;
	s0 =	sadd.s32 $0x12C000, s1  }
0x1a: {  	s11 =	simm.s32 $0x1F80;
	s25 =	sshrl.u32 @p0 s0, $0x3;
	s0 =	simm.s32 $0x2  }
.LBB2_1:
0x1b: {  	s13 =	sshrl.u32 s6, $0x3;
	s14 =	rddreg [dreg:$0x3]  }
0x1c: {  	[spmem:s13], [sflag:s7] =	dma.local [hbm:s14], $0x2800  }
0x1d: {  	_ =	swait.ge [sflag:s19], $0x2800  }
0x1e: {  	[sflag:s19] =	ssyncset.done $0x0  }
0x1f: {  	[sflag:s19] =	ssyncadd.s32 $0xFFFFD800  }
0x20: {  	[bflag:$0x0] =	sbarrier.arrive $0xFFFF  }
0x21: {  	s15 =	rddreg [dreg:$0x4]  }
0x22: {  	[tilespmem:s2], [sflag:$0x5] =	stream.linear.gather [hbm4b:s15+s2], $0x1000, $0x38;
	v63 =	vld [tilespmem:$0x0]  }
0x23: {  	_ =	swait.ge [sflag:s19], $0x1000  }
0x24: {  	[sflag:s19] =	ssyncset.done $0x0  }
0x25: {  	s14 =	rddreg [dreg:$0x5];
	[sflag:s19] =	ssyncadd.s32 $0xFFFFF000  }
0x26: {  	[tilespmem:s20], [sflag:$0x5] =	stream.linear.gather [hbm4b:s14+s2], $0x1000, $0x38;
	v63 =	vld [tilespmem:$0x0]  }
0x27: {  	_ =	swait.ge [sflag:s19], $0x1000  }
0x28: {  	[sflag:s19] =	ssyncset.done $0x0  }
0x29: {  	[sflag:s19] =	ssyncadd.s32 $0xFFFFF000  }
0x2a: {  	[tilespmem:s22], [sflag:$0x1] =	stream.indirect.gather [hbm4b:s4+s21], $0x80, s2, s21, $0xb8;
	v63 =	vld [tilespmem:$0x0]  }
0x2b: {  	_ = 	snop  }
0x2c: {  	[tilespmem:s24], [sflag:$0x2] =	stream.indirect.gather [hbm4b:s4+s21], $0x80, s23, s21, $0xb8;
	v63 =	vld [tilespmem:$0x0]  }
0x2d: {  	_ = 	snop  }
0x2e: {  	[tilespmem:s28], [sflag:$0x3] =	stream.indirect.gather [hbm4b:s4+s21], $0x80, s26, s21, $0xb8;
	v63 =	vld [tilespmem:$0x0]  }
0x2f: {  	_ = 	snop  }
0x30: {  	[tilespmem:s30], [sflag:$0x4] =	stream.indirect.gather [hbm4b:s4+s21], $0x80, s29, s21, $0xb8;
	v63 =	vld [tilespmem:$0x0]  }
0x31: {  	_ =	swait.ge [sflag:s31], $0x2800  }
0x32: {  	[sflag:s31] =	ssyncset.done $0x0  }
0x33: {  	s15 =	simm.s32 $0x1000;
	[sflag:s31] =	ssyncadd.s32 $0xFFFFD800  }
0x34: {  	[spmem:s1] =	stream.indirect.scatter.add.f32 [tilespmem:s22], [sflag:$0x5], $0x80, s15, s21, $0xb8;
	v63 =	vld [tilespmem:$0x0]  }
0x35: {  	_ =	swait.ge [sflag:s19], $0x2800  }
0x36: {  	[sflag:s19] =	ssyncset.done $0x0  }
0x37: {  	s14 =	simm.s32 $0x200;
	[sflag:s19] =	ssyncadd.s32 $0xFFFFD800  }
0x38: {  	[tilespmem:s22], [sflag:$0x1] =	stream.indirect.gather [hbm4b:s4+s21], $0x80, s14, s21, $0xb8;
	v63 =	vld [tilespmem:$0x0]  }
0x39: {  	_ =	swait.ge [sflag:s0], $0x2800  }
0x3a: {  	[sflag:s0] =	ssyncset.done $0x0  }
0x3b: {  	s15 =	simm.s32 $0x1080;
	[sflag:s0] =	ssyncadd.s32 $0xFFFFD800  }
0x3c: {  	[spmem:s1] =	stream.indirect.scatter.add.f32 [tilespmem:s24], [sflag:$0x5], $0x80, s15, s21, $0xb8;
	v63 =	vld [tilespmem:$0x0]  }
0x3d: {  	_ =	swait.ge [sflag:s19], $0x2800  }
0x3e: {  	[sflag:s19] =	ssyncset.done $0x0  }
0x3f: {  	s14 =	simm.s32 $0x280;
	[sflag:s19] =	ssyncadd.s32 $0xFFFFD800  }
0x40: {  	[tilespmem:s24], [sflag:$0x2] =	stream.indirect.gather [hbm4b:s4+s21], $0x80, s14, s21, $0xb8;
	v63 =	vld [tilespmem:$0x0]  }
0x41: {  	_ =	swait.ge [sflag:s3], $0x2800  }
0x42: {  	[sflag:s3] =	ssyncset.done $0x0  }
0x43: {  	s15 =	simm.s32 $0x1100;
	[sflag:s3] =	ssyncadd.s32 $0xFFFFD800  }
0x44: {  	[spmem:s1] =	stream.indirect.scatter.add.f32 [tilespmem:s28], [sflag:$0x5], $0x80, s15, s21, $0xb8;
	v63 =	vld [tilespmem:$0x0]  }
0x45: {  	_ =	swait.ge [sflag:s19], $0x2800  }
0x46: {  	[sflag:s19] =	ssyncset.done $0x0  }
0x47: {  	s14 =	simm.s32 $0x300;
	[sflag:s19] =	ssyncadd.s32 $0xFFFFD800  }
0x48: {  	[tilespmem:s28], [sflag:$0x3] =	stream.indirect.gather [hbm4b:s4+s21], $0x80, s14, s21, $0xb8;
	v63 =	vld [tilespmem:$0x0]  }
0x49: {  	_ =	swait.ge [sflag:s5], $0x2800  }
0x4a: {  	[sflag:s5] =	ssyncset.done $0x0  }
0x4b: {  	s15 =	simm.s32 $0x1180;
	[sflag:s5] =	ssyncadd.s32 $0xFFFFD800  }
0x4c: {  	[spmem:s1] =	stream.indirect.scatter.add.f32 [tilespmem:s30], [sflag:$0x5], $0x80, s15, s21, $0xb8;
	v63 =	vld [tilespmem:$0x0]  }
0x4d: {  	_ =	swait.ge [sflag:s19], $0x2800  }
0x4e: {  	[sflag:s19] =	ssyncset.done $0x0  }
0x4f: {  	s13 =	simm.s32 $0x800;
	s14 =	simm.s32 $0x380;
	[sflag:s19] =	ssyncadd.s32 $0xFFFFD800  }
.LBB2_2:
0x50: {  	[tilespmem:s30], [sflag:$0x4] =	stream.indirect.gather [hbm4b:s4+s21], $0x80, s14, s21, $0xb8;
	v63 =	vld [tilespmem:$0x0]  }
0x51: {  	s14 =	smov.u32 s13  }
0x52: {  	p1 =	sne.s32 s13, $0x3000;
	s13 =	sadd.s32 $0x800, s13;
	_ =	swait.ge [sflag:s31], $0x2800  }
0x53: {  	s14 =	sshra.s32 s14, $0x2;
	[sflag:s31] =	ssyncset.done $0x0  }
0x54: {  	s15 =	sadd.s32 $0x1000, s14;
	[sflag:s31] =	ssyncadd.s32 $0xFFFFD800  }
0x55: {  	[spmem:s1] =	stream.indirect.scatter.add.f32 [tilespmem:s22], [sflag:$0x5], $0x80, s15, s21, $0xb8;
	v63 =	vld [tilespmem:$0x0]  }
0x56: {  	_ =	swait.ge [sflag:s19], $0x2800  }
0x57: {  	[sflag:s19] =	ssyncset.done $0x0  }
0x58: {  	s15 =	sadd.s32 $0x200, s14;
	[sflag:s19] =	ssyncadd.s32 $0xFFFFD800  }
0x59: {  	[tilespmem:s22], [sflag:$0x1] =	stream.indirect.gather [hbm4b:s4+s21], $0x80, s15, s21, $0xb8;
	v63 =	vld [tilespmem:$0x0]  }
0x5a: {  	_ =	swait.ge [sflag:s0], $0x2800  }
0x5b: {  	[sflag:s0] =	ssyncset.done $0x0  }
0x5c: {  	s15 =	sadd.s32 $0x1080, s14;
	[sflag:s0] =	ssyncadd.s32 $0xFFFFD800  }
0x5d: {  	[spmem:s1] =	stream.indirect.scatter.add.f32 [tilespmem:s24], [sflag:$0x5], $0x80, s15, s21, $0xb8;
	v63 =	vld [tilespmem:$0x0]  }
0x5e: {  	_ =	swait.ge [sflag:s19], $0x2800  }
0x5f: {  	[sflag:s19] =	ssyncset.done $0x0  }
0x60: {  	s15 =	sadd.s32 $0x280, s14;
	[sflag:s19] =	ssyncadd.s32 $0xFFFFD800  }
0x61: {  	[tilespmem:s24], [sflag:$0x2] =	stream.indirect.gather [hbm4b:s4+s21], $0x80, s15, s21, $0xb8;
	v63 =	vld [tilespmem:$0x0]  }
0x62: {  	_ =	swait.ge [sflag:s3], $0x2800  }
0x63: {  	[sflag:s3] =	ssyncset.done $0x0  }
0x64: {  	s15 =	sadd.s32 $0x1100, s14;
	[sflag:s3] =	ssyncadd.s32 $0xFFFFD800  }
0x65: {  	[spmem:s1] =	stream.indirect.scatter.add.f32 [tilespmem:s28], [sflag:$0x5], $0x80, s15, s21, $0xb8;
	v63 =	vld [tilespmem:$0x0]  }
0x66: {  	_ =	swait.ge [sflag:s19], $0x2800  }
0x67: {  	[sflag:s19] =	ssyncset.done $0x0  }
0x68: {  	s15 =	sadd.s32 $0x300, s14;
	[sflag:s19] =	ssyncadd.s32 $0xFFFFD800  }
0x69: {  	[tilespmem:s28], [sflag:$0x3] =	stream.indirect.gather [hbm4b:s4+s21], $0x80, s15, s21, $0xb8;
	v63 =	vld [tilespmem:$0x0]  }
0x6a: {  	_ =	swait.ge [sflag:s5], $0x2800  }
0x6b: {  	[sflag:s5] =	ssyncset.done $0x0  }
.Ltmp0:
0x6c: {  	s15 =	sadd.s32 $0x1180, s14;
	[sflag:s5] =	ssyncadd.s32 $0xFFFFD800;
	(pc) =	sbr.rel @p1 .LBB2_2-.Ltmp0, $4  }
0x6d: {  	[spmem:s1] =	stream.indirect.scatter.add.f32 [tilespmem:s30], [sflag:$0x5], $0x80, s15, s21, $0xb8;
	v63 =	vld [tilespmem:$0x0]  }
0x6e: {  	_ =	swait.ge [sflag:s19], $0x2800  }
0x6f: {  	[sflag:s19] =	ssyncset.done $0x0  }
0x70: {  	s14 =	sadd.s32 $0x380, s14;
	[sflag:s19] =	ssyncadd.s32 $0xFFFFD800  }
0x71: {  	[tilespmem:s30], [sflag:$0x4] =	stream.indirect.gather [hbm4b:s4+s21], $0x80, s14, s21, $0xb8;
	v63 =	vld [tilespmem:$0x0]  }
0x72: {  	_ =	swait.ge [sflag:s31], $0x2800  }
0x73: {  	[sflag:s31] =	ssyncset.done $0x0  }
0x74: {  	[sflag:s31] =	ssyncadd.s32 $0xFFFFD800  }
0x75: {  	[spmem:s1] =	stream.indirect.scatter.add.f32 [tilespmem:s22], [sflag:$0x5], $0x80, s8, s21, $0xb8;
	v63 =	vld [tilespmem:$0x0]  }
0x76: {  	_ =	swait.ge [sflag:s19], $0x2800  }
0x77: {  	[sflag:s19] =	ssyncset.done $0x0  }
0x78: {  	[sflag:s19] =	ssyncadd.s32 $0xFFFFD800  }
0x79: {  	_ =	swait.ge [sflag:s0], $0x2800  }
0x7a: {  	[sflag:s0] =	ssyncset.done $0x0  }
0x7b: {  	[sflag:s0] =	ssyncadd.s32 $0xFFFFD800  }
0x7c: {  	[spmem:s1] =	stream.indirect.scatter.add.f32 [tilespmem:s24], [sflag:$0x5], $0x80, s9, s21, $0xb8;
	v63 =	vld [tilespmem:$0x0]  }
0x7d: {  	_ =	swait.ge [sflag:s19], $0x2800  }
0x7e: {  	[sflag:s19] =	ssyncset.done $0x0  }
0x7f: {  	[sflag:s19] =	ssyncadd.s32 $0xFFFFD800  }
0x80: {  	_ =	swait.ge [sflag:s3], $0x2800  }
0x81: {  	[sflag:s3] =	ssyncset.done $0x0  }
0x82: {  	[sflag:s3] =	ssyncadd.s32 $0xFFFFD800  }
0x83: {  	[spmem:s1] =	stream.indirect.scatter.add.f32 [tilespmem:s28], [sflag:$0x5], $0x80, s10, s21, $0xb8;
	v63 =	vld [tilespmem:$0x0]  }
0x84: {  	_ =	swait.ge [sflag:s19], $0x2800  }
0x85: {  	[sflag:s19] =	ssyncset.done $0x0  }
0x86: {  	[sflag:s19] =	ssyncadd.s32 $0xFFFFD800  }
0x87: {  	_ =	swait.ge [sflag:s5], $0x2800  }
0x88: {  	[sflag:s5] =	ssyncset.done $0x0  }
0x89: {  	[sflag:s5] =	ssyncadd.s32 $0xFFFFD800  }
0x8a: {  	[spmem:s1] =	stream.indirect.scatter.add.f32 [tilespmem:s30], [sflag:$0x5], $0x80, s11, s21, $0xb8;
	v63 =	vld [tilespmem:$0x0]  }
0x8b: {  	_ =	swait.ge [sflag:s19], $0x2800  }
0x8c: {  	[sflag:s19] =	ssyncset.done $0x0  }
0x8d: {  	s13 =	simm.s32 $0x0;
	s15 =	rddreg [dreg:$0x6];
	[sflag:s19] =	ssyncadd.s32 $0xFFFFD800  }
0x8e: {  	[tilespmem:s13], [sflag:$0x5] =	stream.linear.gather [hbm4b:s15+s13], $0x1000, $0x38;
	v63 =	vld [tilespmem:$0x0]  }
0x8f: {  	_ =	swait.ge [sflag:s19], $0x1000  }
0x90: {  	[sflag:s19] =	ssyncset.done $0x0  }
0x91: {  	s15 =	rddreg [dreg:$0x7];
	[sflag:s19] =	ssyncadd.s32 $0xFFFFF000  }
0x92: {  	[tilespmem:s20], [sflag:$0x5] =	stream.linear.gather [hbm4b:s15+s13], $0x1000, $0x38;
	v63 =	vld [tilespmem:$0x0]  }
0x93: {  	_ =	swait.ge [sflag:s19], $0x1000  }
0x94: {  	[sflag:s19] =	ssyncset.done $0x0  }
0x95: {  	[sflag:s19] =	ssyncadd.s32 $0xFFFFF000  }
0x96: {  	[tilespmem:s22], [sflag:$0x1] =	stream.indirect.gather [hbm4b:s4+s21], $0x80, s13, s21, $0xb8;
	v63 =	vld [tilespmem:$0x0]  }
0x97: {  	_ = 	snop  }
0x98: {  	[tilespmem:s24], [sflag:$0x2] =	stream.indirect.gather [hbm4b:s4+s21], $0x80, s23, s21, $0xb8;
	v63 =	vld [tilespmem:$0x0]  }
0x99: {  	_ = 	snop  }
0x9a: {  	[tilespmem:s28], [sflag:$0x3] =	stream.indirect.gather [hbm4b:s4+s21], $0x80, s26, s21, $0xb8;
	v63 =	vld [tilespmem:$0x0]  }
0x9b: {  	_ = 	snop  }
0x9c: {  	[tilespmem:s30], [sflag:$0x4] =	stream.indirect.gather [hbm4b:s4+s21], $0x80, s29, s21, $0xb8;
	v63 =	vld [tilespmem:$0x0]  }
0x9d: {  	_ =	swait.ge [sflag:s31], $0x2800  }
0x9e: {  	[sflag:s31] =	ssyncset.done $0x0  }
0x9f: {  	s15 =	simm.s32 $0x1000;
	[sflag:s31] =	ssyncadd.s32 $0xFFFFD800  }
0xa0: {  	[spmem:s1] =	stream.indirect.scatter.add.f32 [tilespmem:s22], [sflag:$0x5], $0x80, s15, s21, $0xb8;
	v63 =	vld [tilespmem:$0x0]  }
0xa1: {  	_ =	swait.ge [sflag:s19], $0x2800  }
0xa2: {  	[sflag:s19] =	ssyncset.done $0x0  }
0xa3: {  	s14 =	simm.s32 $0x200;
	[sflag:s19] =	ssyncadd.s32 $0xFFFFD800  }
0xa4: {  	[tilespmem:s22], [sflag:$0x1] =	stream.indirect.gather [hbm4b:s4+s21], $0x80, s14, s21, $0xb8;
	v63 =	vld [tilespmem:$0x0]  }
0xa5: {  	_ =	swait.ge [sflag:s0], $0x2800  }
0xa6: {  	[sflag:s0] =	ssyncset.done $0x0  }
0xa7: {  	s15 =	simm.s32 $0x1080;
	[sflag:s0] =	ssyncadd.s32 $0xFFFFD800  }
0xa8: {  	[spmem:s1] =	stream.indirect.scatter.add.f32 [tilespmem:s24], [sflag:$0x5], $0x80, s15, s21, $0xb8;
	v63 =	vld [tilespmem:$0x0]  }
0xa9: {  	_ =	swait.ge [sflag:s19], $0x2800  }
0xaa: {  	[sflag:s19] =	ssyncset.done $0x0  }
0xab: {  	s14 =	simm.s32 $0x280;
	[sflag:s19] =	ssyncadd.s32 $0xFFFFD800  }
0xac: {  	[tilespmem:s24], [sflag:$0x2] =	stream.indirect.gather [hbm4b:s4+s21], $0x80, s14, s21, $0xb8;
	v63 =	vld [tilespmem:$0x0]  }
0xad: {  	_ =	swait.ge [sflag:s3], $0x2800  }
0xae: {  	[sflag:s3] =	ssyncset.done $0x0  }
0xaf: {  	s15 =	simm.s32 $0x1100;
	[sflag:s3] =	ssyncadd.s32 $0xFFFFD800  }
0xb0: {  	[spmem:s1] =	stream.indirect.scatter.add.f32 [tilespmem:s28], [sflag:$0x5], $0x80, s15, s21, $0xb8;
	v63 =	vld [tilespmem:$0x0]  }
0xb1: {  	_ =	swait.ge [sflag:s19], $0x2800  }
0xb2: {  	[sflag:s19] =	ssyncset.done $0x0  }
0xb3: {  	s14 =	simm.s32 $0x300;
	[sflag:s19] =	ssyncadd.s32 $0xFFFFD800  }
0xb4: {  	[tilespmem:s28], [sflag:$0x3] =	stream.indirect.gather [hbm4b:s4+s21], $0x80, s14, s21, $0xb8;
	v63 =	vld [tilespmem:$0x0]  }
0xb5: {  	_ =	swait.ge [sflag:s5], $0x2800  }
0xb6: {  	[sflag:s5] =	ssyncset.done $0x0  }
0xb7: {  	s15 =	simm.s32 $0x1180;
	[sflag:s5] =	ssyncadd.s32 $0xFFFFD800  }
0xb8: {  	[spmem:s1] =	stream.indirect.scatter.add.f32 [tilespmem:s30], [sflag:$0x5], $0x80, s15, s21, $0xb8;
	v63 =	vld [tilespmem:$0x0]  }
0xb9: {  	_ =	swait.ge [sflag:s19], $0x2800  }
0xba: {  	[sflag:s19] =	ssyncset.done $0x0  }
0xbb: {  	s13 =	simm.s32 $0x800;
	s14 =	simm.s32 $0x380;
	[sflag:s19] =	ssyncadd.s32 $0xFFFFD800  }
.LBB2_4:
0xbc: {  	[tilespmem:s30], [sflag:$0x4] =	stream.indirect.gather [hbm4b:s4+s21], $0x80, s14, s21, $0xb8;
	v63 =	vld [tilespmem:$0x0]  }
0xbd: {  	s14 =	smov.u32 s13  }
0xbe: {  	p1 =	sne.s32 s13, $0x3000;
	s13 =	sadd.s32 $0x800, s13;
	_ =	swait.ge [sflag:s31], $0x2800  }
0xbf: {  	s14 =	sshra.s32 s14, $0x2;
	[sflag:s31] =	ssyncset.done $0x0  }
0xc0: {  	s15 =	sadd.s32 $0x1000, s14;
	[sflag:s31] =	ssyncadd.s32 $0xFFFFD800  }
0xc1: {  	[spmem:s1] =	stream.indirect.scatter.add.f32 [tilespmem:s22], [sflag:$0x5], $0x80, s15, s21, $0xb8;
	v63 =	vld [tilespmem:$0x0]  }
0xc2: {  	_ =	swait.ge [sflag:s19], $0x2800  }
0xc3: {  	[sflag:s19] =	ssyncset.done $0x0  }
0xc4: {  	s15 =	sadd.s32 $0x200, s14;
	[sflag:s19] =	ssyncadd.s32 $0xFFFFD800  }
0xc5: {  	[tilespmem:s22], [sflag:$0x1] =	stream.indirect.gather [hbm4b:s4+s21], $0x80, s15, s21, $0xb8;
	v63 =	vld [tilespmem:$0x0]  }
0xc6: {  	_ =	swait.ge [sflag:s0], $0x2800  }
0xc7: {  	[sflag:s0] =	ssyncset.done $0x0  }
0xc8: {  	s15 =	sadd.s32 $0x1080, s14;
	[sflag:s0] =	ssyncadd.s32 $0xFFFFD800  }
0xc9: {  	[spmem:s1] =	stream.indirect.scatter.add.f32 [tilespmem:s24], [sflag:$0x5], $0x80, s15, s21, $0xb8;
	v63 =	vld [tilespmem:$0x0]  }
0xca: {  	_ =	swait.ge [sflag:s19], $0x2800  }
0xcb: {  	[sflag:s19] =	ssyncset.done $0x0  }
0xcc: {  	s15 =	sadd.s32 $0x280, s14;
	[sflag:s19] =	ssyncadd.s32 $0xFFFFD800  }
0xcd: {  	[tilespmem:s24], [sflag:$0x2] =	stream.indirect.gather [hbm4b:s4+s21], $0x80, s15, s21, $0xb8;
	v63 =	vld [tilespmem:$0x0]  }
0xce: {  	_ =	swait.ge [sflag:s3], $0x2800  }
0xcf: {  	[sflag:s3] =	ssyncset.done $0x0  }
0xd0: {  	s15 =	sadd.s32 $0x1100, s14;
	[sflag:s3] =	ssyncadd.s32 $0xFFFFD800  }
0xd1: {  	[spmem:s1] =	stream.indirect.scatter.add.f32 [tilespmem:s28], [sflag:$0x5], $0x80, s15, s21, $0xb8;
	v63 =	vld [tilespmem:$0x0]  }
0xd2: {  	_ =	swait.ge [sflag:s19], $0x2800  }
0xd3: {  	[sflag:s19] =	ssyncset.done $0x0  }
0xd4: {  	s15 =	sadd.s32 $0x300, s14;
	[sflag:s19] =	ssyncadd.s32 $0xFFFFD800  }
0xd5: {  	[tilespmem:s28], [sflag:$0x3] =	stream.indirect.gather [hbm4b:s4+s21], $0x80, s15, s21, $0xb8;
	v63 =	vld [tilespmem:$0x0]  }
0xd6: {  	_ =	swait.ge [sflag:s5], $0x2800  }
0xd7: {  	[sflag:s5] =	ssyncset.done $0x0  }
.Ltmp1:
0xd8: {  	s15 =	sadd.s32 $0x1180, s14;
	[sflag:s5] =	ssyncadd.s32 $0xFFFFD800;
	(pc) =	sbr.rel @p1 .LBB2_4-.Ltmp1, $4  }
0xd9: {  	[spmem:s1] =	stream.indirect.scatter.add.f32 [tilespmem:s30], [sflag:$0x5], $0x80, s15, s21, $0xb8;
	v63 =	vld [tilespmem:$0x0]  }
0xda: {  	_ =	swait.ge [sflag:s19], $0x2800  }
0xdb: {  	[sflag:s19] =	ssyncset.done $0x0  }
0xdc: {  	s14 =	sadd.s32 $0x380, s14;
	[sflag:s19] =	ssyncadd.s32 $0xFFFFD800  }
0xdd: {  	[tilespmem:s30], [sflag:$0x4] =	stream.indirect.gather [hbm4b:s4+s21], $0x80, s14, s21, $0xb8;
	v63 =	vld [tilespmem:$0x0]  }
0xde: {  	_ =	swait.ge [sflag:s31], $0x2800  }
0xdf: {  	[sflag:s31] =	ssyncset.done $0x0  }
0xe0: {  	[sflag:s31] =	ssyncadd.s32 $0xFFFFD800  }
0xe1: {  	[spmem:s1] =	stream.indirect.scatter.add.f32 [tilespmem:s22], [sflag:$0x5], $0x80, s8, s21, $0xb8;
	v63 =	vld [tilespmem:$0x0]  }
0xe2: {  	_ =	swait.ge [sflag:s19], $0x2800  }
0xe3: {  	[sflag:s19] =	ssyncset.done $0x0  }
0xe4: {  	[sflag:s19] =	ssyncadd.s32 $0xFFFFD800  }
0xe5: {  	_ =	swait.ge [sflag:s0], $0x2800  }
0xe6: {  	[sflag:s0] =	ssyncset.done $0x0  }
0xe7: {  	[sflag:s0] =	ssyncadd.s32 $0xFFFFD800  }
0xe8: {  	[spmem:s1] =	stream.indirect.scatter.add.f32 [tilespmem:s24], [sflag:$0x5], $0x80, s9, s21, $0xb8;
	v63 =	vld [tilespmem:$0x0]  }
0xe9: {  	_ =	swait.ge [sflag:s19], $0x2800  }
0xea: {  	[sflag:s19] =	ssyncset.done $0x0  }
0xeb: {  	[sflag:s19] =	ssyncadd.s32 $0xFFFFD800  }
0xec: {  	_ =	swait.ge [sflag:s3], $0x2800  }
0xed: {  	[sflag:s3] =	ssyncset.done $0x0  }
0xee: {  	[sflag:s3] =	ssyncadd.s32 $0xFFFFD800  }
0xef: {  	[spmem:s1] =	stream.indirect.scatter.add.f32 [tilespmem:s28], [sflag:$0x5], $0x80, s10, s21, $0xb8;
	v63 =	vld [tilespmem:$0x0]  }
0xf0: {  	_ =	swait.ge [sflag:s19], $0x2800  }
0xf1: {  	[sflag:s19] =	ssyncset.done $0x0  }
0xf2: {  	[sflag:s19] =	ssyncadd.s32 $0xFFFFD800  }
0xf3: {  	_ =	swait.ge [sflag:s5], $0x2800  }
0xf4: {  	[sflag:s5] =	ssyncset.done $0x0  }
0xf5: {  	[sflag:s5] =	ssyncadd.s32 $0xFFFFD800  }
0xf6: {  	[spmem:s1] =	stream.indirect.scatter.add.f32 [tilespmem:s30], [sflag:$0x5], $0x80, s11, s21, $0xb8;
	v63 =	vld [tilespmem:$0x0]  }
0xf7: {  	_ =	swait.ge [sflag:s19], $0x2800  }
0xf8: {  	[sflag:s19] =	ssyncset.done $0x0  }
0xf9: {  	s13 =	simm.s32 $0x0;
	s15 =	rddreg [dreg:$0x8];
	[sflag:s19] =	ssyncadd.s32 $0xFFFFD800  }
0xfa: {  	[tilespmem:s13], [sflag:$0x5] =	stream.linear.gather [hbm4b:s15+s13], $0x1000, $0x38;
	v63 =	vld [tilespmem:$0x0]  }
0xfb: {  	_ =	swait.ge [sflag:s19], $0x1000  }
0xfc: {  	[sflag:s19] =	ssyncset.done $0x0  }
0xfd: {  	s15 =	rddreg [dreg:$0x9];
	[sflag:s19] =	ssyncadd.s32 $0xFFFFF000  }
0xfe: {  	[tilespmem:s20], [sflag:$0x5] =	stream.linear.gather [hbm4b:s15+s13], $0x1000, $0x38;
	v63 =	vld [tilespmem:$0x0]  }
0xff: {  	_ =	swait.ge [sflag:s19], $0x1000  }
0x100: {  	[sflag:s19] =	ssyncset.done $0x0  }
0x101: {  	[sflag:s19] =	ssyncadd.s32 $0xFFFFF000  }
0x102: {  	[tilespmem:s22], [sflag:$0x1] =	stream.indirect.gather [hbm4b:s4+s21], $0x80, s13, s21, $0xb8;
	v63 =	vld [tilespmem:$0x0]  }
0x103: {  	_ = 	snop  }
0x104: {  	[tilespmem:s24], [sflag:$0x2] =	stream.indirect.gather [hbm4b:s4+s21], $0x80, s23, s21, $0xb8;
	v63 =	vld [tilespmem:$0x0]  }
0x105: {  	_ = 	snop  }
0x106: {  	[tilespmem:s28], [sflag:$0x3] =	stream.indirect.gather [hbm4b:s4+s21], $0x80, s26, s21, $0xb8;
	v63 =	vld [tilespmem:$0x0]  }
0x107: {  	_ = 	snop  }
0x108: {  	[tilespmem:s30], [sflag:$0x4] =	stream.indirect.gather [hbm4b:s4+s21], $0x80, s29, s21, $0xb8;
	v63 =	vld [tilespmem:$0x0]  }
0x109: {  	_ =	swait.ge [sflag:s31], $0x2800  }
0x10a: {  	[sflag:s31] =	ssyncset.done $0x0  }
0x10b: {  	s15 =	simm.s32 $0x1000;
	[sflag:s31] =	ssyncadd.s32 $0xFFFFD800  }
0x10c: {  	[spmem:s1] =	stream.indirect.scatter.add.f32 [tilespmem:s22], [sflag:$0x5], $0x80, s15, s21, $0xb8;
	v63 =	vld [tilespmem:$0x0]  }
0x10d: {  	_ =	swait.ge [sflag:s19], $0x2800  }
0x10e: {  	[sflag:s19] =	ssyncset.done $0x0  }
0x10f: {  	s14 =	simm.s32 $0x200;
	[sflag:s19] =	ssyncadd.s32 $0xFFFFD800  }
0x110: {  	[tilespmem:s22], [sflag:$0x1] =	stream.indirect.gather [hbm4b:s4+s21], $0x80, s14, s21, $0xb8;
	v63 =	vld [tilespmem:$0x0]  }
0x111: {  	_ =	swait.ge [sflag:s0], $0x2800  }
0x112: {  	[sflag:s0] =	ssyncset.done $0x0  }
0x113: {  	s15 =	simm.s32 $0x1080;
	[sflag:s0] =	ssyncadd.s32 $0xFFFFD800  }
0x114: {  	[spmem:s1] =	stream.indirect.scatter.add.f32 [tilespmem:s24], [sflag:$0x5], $0x80, s15, s21, $0xb8;
	v63 =	vld [tilespmem:$0x0]  }
0x115: {  	_ =	swait.ge [sflag:s19], $0x2800  }
0x116: {  	[sflag:s19] =	ssyncset.done $0x0  }
0x117: {  	s14 =	simm.s32 $0x280;
	[sflag:s19] =	ssyncadd.s32 $0xFFFFD800  }
0x118: {  	[tilespmem:s24], [sflag:$0x2] =	stream.indirect.gather [hbm4b:s4+s21], $0x80, s14, s21, $0xb8;
	v63 =	vld [tilespmem:$0x0]  }
0x119: {  	_ =	swait.ge [sflag:s3], $0x2800  }
0x11a: {  	[sflag:s3] =	ssyncset.done $0x0  }
0x11b: {  	s15 =	simm.s32 $0x1100;
	[sflag:s3] =	ssyncadd.s32 $0xFFFFD800  }
0x11c: {  	[spmem:s1] =	stream.indirect.scatter.add.f32 [tilespmem:s28], [sflag:$0x5], $0x80, s15, s21, $0xb8;
	v63 =	vld [tilespmem:$0x0]  }
0x11d: {  	_ =	swait.ge [sflag:s19], $0x2800  }
0x11e: {  	[sflag:s19] =	ssyncset.done $0x0  }
0x11f: {  	s14 =	simm.s32 $0x300;
	[sflag:s19] =	ssyncadd.s32 $0xFFFFD800  }
0x120: {  	[tilespmem:s28], [sflag:$0x3] =	stream.indirect.gather [hbm4b:s4+s21], $0x80, s14, s21, $0xb8;
	v63 =	vld [tilespmem:$0x0]  }
0x121: {  	_ =	swait.ge [sflag:s5], $0x2800  }
0x122: {  	[sflag:s5] =	ssyncset.done $0x0  }
0x123: {  	s15 =	simm.s32 $0x1180;
	[sflag:s5] =	ssyncadd.s32 $0xFFFFD800  }
0x124: {  	[spmem:s1] =	stream.indirect.scatter.add.f32 [tilespmem:s30], [sflag:$0x5], $0x80, s15, s21, $0xb8;
	v63 =	vld [tilespmem:$0x0]  }
0x125: {  	_ =	swait.ge [sflag:s19], $0x2800  }
0x126: {  	[sflag:s19] =	ssyncset.done $0x0  }
0x127: {  	s13 =	simm.s32 $0x800;
	s14 =	simm.s32 $0x380;
	[sflag:s19] =	ssyncadd.s32 $0xFFFFD800  }
.LBB2_6:
0x128: {  	[tilespmem:s30], [sflag:$0x4] =	stream.indirect.gather [hbm4b:s4+s21], $0x80, s14, s21, $0xb8;
	v63 =	vld [tilespmem:$0x0]  }
0x129: {  	s14 =	smov.u32 s13  }
0x12a: {  	p1 =	sne.s32 s13, $0x3000;
	s13 =	sadd.s32 $0x800, s13;
	_ =	swait.ge [sflag:s31], $0x2800  }
0x12b: {  	s14 =	sshra.s32 s14, $0x2;
	[sflag:s31] =	ssyncset.done $0x0  }
0x12c: {  	s15 =	sadd.s32 $0x1000, s14;
	[sflag:s31] =	ssyncadd.s32 $0xFFFFD800  }
0x12d: {  	[spmem:s1] =	stream.indirect.scatter.add.f32 [tilespmem:s22], [sflag:$0x5], $0x80, s15, s21, $0xb8;
	v63 =	vld [tilespmem:$0x0]  }
0x12e: {  	_ =	swait.ge [sflag:s19], $0x2800  }
0x12f: {  	[sflag:s19] =	ssyncset.done $0x0  }
0x130: {  	s15 =	sadd.s32 $0x200, s14;
	[sflag:s19] =	ssyncadd.s32 $0xFFFFD800  }
0x131: {  	[tilespmem:s22], [sflag:$0x1] =	stream.indirect.gather [hbm4b:s4+s21], $0x80, s15, s21, $0xb8;
	v63 =	vld [tilespmem:$0x0]  }
0x132: {  	_ =	swait.ge [sflag:s0], $0x2800  }
0x133: {  	[sflag:s0] =	ssyncset.done $0x0  }
0x134: {  	s15 =	sadd.s32 $0x1080, s14;
	[sflag:s0] =	ssyncadd.s32 $0xFFFFD800  }
0x135: {  	[spmem:s1] =	stream.indirect.scatter.add.f32 [tilespmem:s24], [sflag:$0x5], $0x80, s15, s21, $0xb8;
	v63 =	vld [tilespmem:$0x0]  }
0x136: {  	_ =	swait.ge [sflag:s19], $0x2800  }
0x137: {  	[sflag:s19] =	ssyncset.done $0x0  }
0x138: {  	s15 =	sadd.s32 $0x280, s14;
	[sflag:s19] =	ssyncadd.s32 $0xFFFFD800  }
0x139: {  	[tilespmem:s24], [sflag:$0x2] =	stream.indirect.gather [hbm4b:s4+s21], $0x80, s15, s21, $0xb8;
	v63 =	vld [tilespmem:$0x0]  }
0x13a: {  	_ =	swait.ge [sflag:s3], $0x2800  }
0x13b: {  	[sflag:s3] =	ssyncset.done $0x0  }
0x13c: {  	s15 =	sadd.s32 $0x1100, s14;
	[sflag:s3] =	ssyncadd.s32 $0xFFFFD800  }
0x13d: {  	[spmem:s1] =	stream.indirect.scatter.add.f32 [tilespmem:s28], [sflag:$0x5], $0x80, s15, s21, $0xb8;
	v63 =	vld [tilespmem:$0x0]  }
0x13e: {  	_ =	swait.ge [sflag:s19], $0x2800  }
0x13f: {  	[sflag:s19] =	ssyncset.done $0x0  }
0x140: {  	s15 =	sadd.s32 $0x300, s14;
	[sflag:s19] =	ssyncadd.s32 $0xFFFFD800  }
0x141: {  	[tilespmem:s28], [sflag:$0x3] =	stream.indirect.gather [hbm4b:s4+s21], $0x80, s15, s21, $0xb8;
	v63 =	vld [tilespmem:$0x0]  }
0x142: {  	_ =	swait.ge [sflag:s5], $0x2800  }
0x143: {  	[sflag:s5] =	ssyncset.done $0x0  }
.Ltmp2:
0x144: {  	s15 =	sadd.s32 $0x1180, s14;
	[sflag:s5] =	ssyncadd.s32 $0xFFFFD800;
	(pc) =	sbr.rel @p1 .LBB2_6-.Ltmp2, $4  }
0x145: {  	[spmem:s1] =	stream.indirect.scatter.add.f32 [tilespmem:s30], [sflag:$0x5], $0x80, s15, s21, $0xb8;
	v63 =	vld [tilespmem:$0x0]  }
0x146: {  	_ =	swait.ge [sflag:s19], $0x2800  }
0x147: {  	[sflag:s19] =	ssyncset.done $0x0  }
0x148: {  	s14 =	sadd.s32 $0x380, s14;
	[sflag:s19] =	ssyncadd.s32 $0xFFFFD800  }
0x149: {  	[tilespmem:s30], [sflag:$0x4] =	stream.indirect.gather [hbm4b:s4+s21], $0x80, s14, s21, $0xb8;
	v63 =	vld [tilespmem:$0x0]  }
0x14a: {  	_ =	swait.ge [sflag:s31], $0x2800  }
0x14b: {  	[sflag:s31] =	ssyncset.done $0x0  }
0x14c: {  	[sflag:s31] =	ssyncadd.s32 $0xFFFFD800  }
0x14d: {  	[spmem:s1] =	stream.indirect.scatter.add.f32 [tilespmem:s22], [sflag:$0x5], $0x80, s8, s21, $0xb8;
	v63 =	vld [tilespmem:$0x0]  }
0x14e: {  	_ =	swait.ge [sflag:s19], $0x2800  }
0x14f: {  	[sflag:s19] =	ssyncset.done $0x0  }
0x150: {  	[sflag:s19] =	ssyncadd.s32 $0xFFFFD800  }
0x151: {  	_ =	swait.ge [sflag:s0], $0x2800  }
0x152: {  	[sflag:s0] =	ssyncset.done $0x0  }
0x153: {  	[sflag:s0] =	ssyncadd.s32 $0xFFFFD800  }
0x154: {  	[spmem:s1] =	stream.indirect.scatter.add.f32 [tilespmem:s24], [sflag:$0x5], $0x80, s9, s21, $0xb8;
	v63 =	vld [tilespmem:$0x0]  }
0x155: {  	_ =	swait.ge [sflag:s19], $0x2800  }
0x156: {  	[sflag:s19] =	ssyncset.done $0x0  }
0x157: {  	[sflag:s19] =	ssyncadd.s32 $0xFFFFD800  }
0x158: {  	_ =	swait.ge [sflag:s3], $0x2800  }
0x159: {  	[sflag:s3] =	ssyncset.done $0x0  }
0x15a: {  	[sflag:s3] =	ssyncadd.s32 $0xFFFFD800  }
0x15b: {  	[spmem:s1] =	stream.indirect.scatter.add.f32 [tilespmem:s28], [sflag:$0x5], $0x80, s10, s21, $0xb8;
	v63 =	vld [tilespmem:$0x0]  }
0x15c: {  	_ =	swait.ge [sflag:s19], $0x2800  }
0x15d: {  	[sflag:s19] =	ssyncset.done $0x0  }
0x15e: {  	[sflag:s19] =	ssyncadd.s32 $0xFFFFD800  }
0x15f: {  	_ =	swait.ge [sflag:s5], $0x2800  }
0x160: {  	[sflag:s5] =	ssyncset.done $0x0  }
0x161: {  	[sflag:s5] =	ssyncadd.s32 $0xFFFFD800  }
0x162: {  	[spmem:s1] =	stream.indirect.scatter.add.f32 [tilespmem:s30], [sflag:$0x5], $0x80, s11, s21, $0xb8;
	v63 =	vld [tilespmem:$0x0]  }
0x163: {  	_ =	swait.ge [sflag:s19], $0x2800  }
0x164: {  	[sflag:s19] =	ssyncset.done $0x0  }
0x165: {  	s13 =	simm.s32 $0x0;
	s15 =	rddreg [dreg:$0xa];
	[sflag:s19] =	ssyncadd.s32 $0xFFFFD800  }
0x166: {  	[tilespmem:s13], [sflag:$0x5] =	stream.linear.gather [hbm4b:s15+s13], $0x1000, $0x38;
	v63 =	vld [tilespmem:$0x0]  }
0x167: {  	_ =	swait.ge [sflag:s19], $0x1000  }
0x168: {  	[sflag:s19] =	ssyncset.done $0x0  }
0x169: {  	s15 =	rddreg [dreg:$0xb];
	[sflag:s19] =	ssyncadd.s32 $0xFFFFF000  }
0x16a: {  	[tilespmem:s20], [sflag:$0x5] =	stream.linear.gather [hbm4b:s15+s13], $0x1000, $0x38;
	v63 =	vld [tilespmem:$0x0]  }
0x16b: {  	_ =	swait.ge [sflag:s19], $0x1000  }
0x16c: {  	[sflag:s19] =	ssyncset.done $0x0  }
0x16d: {  	[sflag:s19] =	ssyncadd.s32 $0xFFFFF000  }
0x16e: {  	[tilespmem:s22], [sflag:$0x1] =	stream.indirect.gather [hbm4b:s4+s21], $0x80, s13, s21, $0xb8;
	v63 =	vld [tilespmem:$0x0]  }
0x16f: {  	_ = 	snop  }
0x170: {  	[tilespmem:s24], [sflag:$0x2] =	stream.indirect.gather [hbm4b:s4+s21], $0x80, s23, s21, $0xb8;
	v63 =	vld [tilespmem:$0x0]  }
0x171: {  	_ = 	snop  }
0x172: {  	[tilespmem:s28], [sflag:$0x3] =	stream.indirect.gather [hbm4b:s4+s21], $0x80, s26, s21, $0xb8;
	v63 =	vld [tilespmem:$0x0]  }
0x173: {  	_ = 	snop  }
0x174: {  	[tilespmem:s30], [sflag:$0x4] =	stream.indirect.gather [hbm4b:s4+s21], $0x80, s29, s21, $0xb8;
	v63 =	vld [tilespmem:$0x0]  }
0x175: {  	_ =	swait.ge [sflag:s31], $0x2800  }
0x176: {  	[sflag:s31] =	ssyncset.done $0x0  }
0x177: {  	s15 =	simm.s32 $0x1000;
	[sflag:s31] =	ssyncadd.s32 $0xFFFFD800  }
0x178: {  	[spmem:s1] =	stream.indirect.scatter.add.f32 [tilespmem:s22], [sflag:$0x5], $0x80, s15, s21, $0xb8;
	v63 =	vld [tilespmem:$0x0]  }
0x179: {  	_ =	swait.ge [sflag:s19], $0x2800  }
0x17a: {  	[sflag:s19] =	ssyncset.done $0x0  }
0x17b: {  	s14 =	simm.s32 $0x200;
	[sflag:s19] =	ssyncadd.s32 $0xFFFFD800  }
0x17c: {  	[tilespmem:s22], [sflag:$0x1] =	stream.indirect.gather [hbm4b:s4+s21], $0x80, s14, s21, $0xb8;
	v63 =	vld [tilespmem:$0x0]  }
0x17d: {  	_ =	swait.ge [sflag:s0], $0x2800  }
0x17e: {  	[sflag:s0] =	ssyncset.done $0x0  }
0x17f: {  	s15 =	simm.s32 $0x1080;
	[sflag:s0] =	ssyncadd.s32 $0xFFFFD800  }
0x180: {  	[spmem:s1] =	stream.indirect.scatter.add.f32 [tilespmem:s24], [sflag:$0x5], $0x80, s15, s21, $0xb8;
	v63 =	vld [tilespmem:$0x0]  }
0x181: {  	_ =	swait.ge [sflag:s19], $0x2800  }
0x182: {  	[sflag:s19] =	ssyncset.done $0x0  }
0x183: {  	s14 =	simm.s32 $0x280;
	[sflag:s19] =	ssyncadd.s32 $0xFFFFD800  }
0x184: {  	[tilespmem:s24], [sflag:$0x2] =	stream.indirect.gather [hbm4b:s4+s21], $0x80, s14, s21, $0xb8;
	v63 =	vld [tilespmem:$0x0]  }
0x185: {  	_ =	swait.ge [sflag:s3], $0x2800  }
0x186: {  	[sflag:s3] =	ssyncset.done $0x0  }
0x187: {  	s15 =	simm.s32 $0x1100;
	[sflag:s3] =	ssyncadd.s32 $0xFFFFD800  }
0x188: {  	[spmem:s1] =	stream.indirect.scatter.add.f32 [tilespmem:s28], [sflag:$0x5], $0x80, s15, s21, $0xb8;
	v63 =	vld [tilespmem:$0x0]  }
0x189: {  	_ =	swait.ge [sflag:s19], $0x2800  }
0x18a: {  	[sflag:s19] =	ssyncset.done $0x0  }
0x18b: {  	s14 =	simm.s32 $0x300;
	[sflag:s19] =	ssyncadd.s32 $0xFFFFD800  }
0x18c: {  	[tilespmem:s28], [sflag:$0x3] =	stream.indirect.gather [hbm4b:s4+s21], $0x80, s14, s21, $0xb8;
	v63 =	vld [tilespmem:$0x0]  }
0x18d: {  	_ =	swait.ge [sflag:s5], $0x2800  }
0x18e: {  	[sflag:s5] =	ssyncset.done $0x0  }
0x18f: {  	s15 =	simm.s32 $0x1180;
	[sflag:s5] =	ssyncadd.s32 $0xFFFFD800  }
0x190: {  	[spmem:s1] =	stream.indirect.scatter.add.f32 [tilespmem:s30], [sflag:$0x5], $0x80, s15, s21, $0xb8;
	v63 =	vld [tilespmem:$0x0]  }
0x191: {  	_ =	swait.ge [sflag:s19], $0x2800  }
0x192: {  	[sflag:s19] =	ssyncset.done $0x0  }
0x193: {  	s13 =	simm.s32 $0x800;
	s14 =	simm.s32 $0x380;
	[sflag:s19] =	ssyncadd.s32 $0xFFFFD800  }
.LBB2_8:
0x194: {  	[tilespmem:s30], [sflag:$0x4] =	stream.indirect.gather [hbm4b:s4+s21], $0x80, s14, s21, $0xb8;
	v63 =	vld [tilespmem:$0x0]  }
0x195: {  	s14 =	smov.u32 s13  }
0x196: {  	p1 =	sne.s32 s13, $0x3000;
	s13 =	sadd.s32 $0x800, s13;
	_ =	swait.ge [sflag:s31], $0x2800  }
0x197: {  	s14 =	sshra.s32 s14, $0x2;
	[sflag:s31] =	ssyncset.done $0x0  }
0x198: {  	s15 =	sadd.s32 $0x1000, s14;
	[sflag:s31] =	ssyncadd.s32 $0xFFFFD800  }
0x199: {  	[spmem:s1] =	stream.indirect.scatter.add.f32 [tilespmem:s22], [sflag:$0x5], $0x80, s15, s21, $0xb8;
	v63 =	vld [tilespmem:$0x0]  }
0x19a: {  	_ =	swait.ge [sflag:s19], $0x2800  }
0x19b: {  	[sflag:s19] =	ssyncset.done $0x0  }
0x19c: {  	s15 =	sadd.s32 $0x200, s14;
	[sflag:s19] =	ssyncadd.s32 $0xFFFFD800  }
0x19d: {  	[tilespmem:s22], [sflag:$0x1] =	stream.indirect.gather [hbm4b:s4+s21], $0x80, s15, s21, $0xb8;
	v63 =	vld [tilespmem:$0x0]  }
0x19e: {  	_ =	swait.ge [sflag:s0], $0x2800  }
0x19f: {  	[sflag:s0] =	ssyncset.done $0x0  }
0x1a0: {  	s15 =	sadd.s32 $0x1080, s14;
	[sflag:s0] =	ssyncadd.s32 $0xFFFFD800  }
0x1a1: {  	[spmem:s1] =	stream.indirect.scatter.add.f32 [tilespmem:s24], [sflag:$0x5], $0x80, s15, s21, $0xb8;
	v63 =	vld [tilespmem:$0x0]  }
0x1a2: {  	_ =	swait.ge [sflag:s19], $0x2800  }
0x1a3: {  	[sflag:s19] =	ssyncset.done $0x0  }
0x1a4: {  	s15 =	sadd.s32 $0x280, s14;
	[sflag:s19] =	ssyncadd.s32 $0xFFFFD800  }
0x1a5: {  	[tilespmem:s24], [sflag:$0x2] =	stream.indirect.gather [hbm4b:s4+s21], $0x80, s15, s21, $0xb8;
	v63 =	vld [tilespmem:$0x0]  }
0x1a6: {  	_ =	swait.ge [sflag:s3], $0x2800  }
0x1a7: {  	[sflag:s3] =	ssyncset.done $0x0  }
0x1a8: {  	s15 =	sadd.s32 $0x1100, s14;
	[sflag:s3] =	ssyncadd.s32 $0xFFFFD800  }
0x1a9: {  	[spmem:s1] =	stream.indirect.scatter.add.f32 [tilespmem:s28], [sflag:$0x5], $0x80, s15, s21, $0xb8;
	v63 =	vld [tilespmem:$0x0]  }
0x1aa: {  	_ =	swait.ge [sflag:s19], $0x2800  }
0x1ab: {  	[sflag:s19] =	ssyncset.done $0x0  }
0x1ac: {  	s15 =	sadd.s32 $0x300, s14;
	[sflag:s19] =	ssyncadd.s32 $0xFFFFD800  }
0x1ad: {  	[tilespmem:s28], [sflag:$0x3] =	stream.indirect.gather [hbm4b:s4+s21], $0x80, s15, s21, $0xb8;
	v63 =	vld [tilespmem:$0x0]  }
0x1ae: {  	_ =	swait.ge [sflag:s5], $0x2800  }
0x1af: {  	[sflag:s5] =	ssyncset.done $0x0  }
.Ltmp3:
0x1b0: {  	s15 =	sadd.s32 $0x1180, s14;
	[sflag:s5] =	ssyncadd.s32 $0xFFFFD800;
	(pc) =	sbr.rel @p1 .LBB2_8-.Ltmp3, $4  }
0x1b1: {  	[spmem:s1] =	stream.indirect.scatter.add.f32 [tilespmem:s30], [sflag:$0x5], $0x80, s15, s21, $0xb8;
	v63 =	vld [tilespmem:$0x0]  }
0x1b2: {  	_ =	swait.ge [sflag:s19], $0x2800  }
0x1b3: {  	[sflag:s19] =	ssyncset.done $0x0  }
0x1b4: {  	s14 =	sadd.s32 $0x380, s14;
	[sflag:s19] =	ssyncadd.s32 $0xFFFFD800  }
0x1b5: {  	[tilespmem:s30], [sflag:$0x4] =	stream.indirect.gather [hbm4b:s4+s21], $0x80, s14, s21, $0xb8;
	v63 =	vld [tilespmem:$0x0]  }
0x1b6: {  	_ =	swait.ge [sflag:s31], $0x2800  }
0x1b7: {  	[sflag:s31] =	ssyncset.done $0x0  }
0x1b8: {  	[sflag:s31] =	ssyncadd.s32 $0xFFFFD800  }
0x1b9: {  	[spmem:s1] =	stream.indirect.scatter.add.f32 [tilespmem:s22], [sflag:$0x5], $0x80, s8, s21, $0xb8;
	v63 =	vld [tilespmem:$0x0]  }
0x1ba: {  	_ =	swait.ge [sflag:s19], $0x2800  }
0x1bb: {  	[sflag:s19] =	ssyncset.done $0x0  }
0x1bc: {  	[sflag:s19] =	ssyncadd.s32 $0xFFFFD800  }
0x1bd: {  	_ =	swait.ge [sflag:s0], $0x2800  }
0x1be: {  	[sflag:s0] =	ssyncset.done $0x0  }
0x1bf: {  	[sflag:s0] =	ssyncadd.s32 $0xFFFFD800  }
0x1c0: {  	[spmem:s1] =	stream.indirect.scatter.add.f32 [tilespmem:s24], [sflag:$0x5], $0x80, s9, s21, $0xb8;
	v63 =	vld [tilespmem:$0x0]  }
0x1c1: {  	_ =	swait.ge [sflag:s19], $0x2800  }
0x1c2: {  	[sflag:s19] =	ssyncset.done $0x0  }
0x1c3: {  	[sflag:s19] =	ssyncadd.s32 $0xFFFFD800  }
0x1c4: {  	_ =	swait.ge [sflag:s3], $0x2800  }
0x1c5: {  	[sflag:s3] =	ssyncset.done $0x0  }
0x1c6: {  	[sflag:s3] =	ssyncadd.s32 $0xFFFFD800  }
0x1c7: {  	[spmem:s1] =	stream.indirect.scatter.add.f32 [tilespmem:s28], [sflag:$0x5], $0x80, s10, s21, $0xb8;
	v63 =	vld [tilespmem:$0x0]  }
0x1c8: {  	_ =	swait.ge [sflag:s19], $0x2800  }
0x1c9: {  	[sflag:s19] =	ssyncset.done $0x0  }
0x1ca: {  	[sflag:s19] =	ssyncadd.s32 $0xFFFFD800  }
0x1cb: {  	_ =	swait.ge [sflag:s5], $0x2800  }
0x1cc: {  	[sflag:s5] =	ssyncset.done $0x0  }
0x1cd: {  	[sflag:s5] =	ssyncadd.s32 $0xFFFFD800  }
0x1ce: {  	[spmem:s1] =	stream.indirect.scatter.add.f32 [tilespmem:s30], [sflag:$0x5], $0x80, s11, s21, $0xb8;
	v63 =	vld [tilespmem:$0x0]  }
0x1cf: {  	_ =	swait.ge [sflag:s19], $0x2800  }
0x1d0: {  	[sflag:s19] =	ssyncset.done $0x0  }
0x1d1: {  	[sflag:s19] =	ssyncadd.s32 $0xFFFFD800  }
0x1d2: {  	s13 =	simm.s32 @p0 $0x5;
	[bflag:$0x0] =	sbarrier.arrive $0xFFFF  }
0x1d3: {  	[hbm:s17], [sflag:s7] =	dma.local @p0 [spmem:s25], $0x1900  }
0x1d4: {  	_ =	swait.ge @p0 [sflag:s13], $0x1900  }
0x1d5: {  	s12 =	sadd.s32 $0x1, s12;
	[sflag:s13] =	ssyncset.done @p0 $0x0  }
0x1d6: {  	p1 =	sne.s32 s12, s18;
	[sflag:s13] =	ssyncadd.s32 @p0 $0xFFFFE700;
	s13 =	sshrl.u32 @!p0 s6, $0x3  }
0x1d7: {  	[hbm:s16], [sflag:s7] =	dma.local @!p0 [spmem:s13], $0x2800  }
.Ltmp4:
0x1d8: {  	_ = 	snop;
	(pc) =	sbr.rel @p1 .LBB2_1-.Ltmp4, $4  }
0x1d9: {  	s13 =	simm.s32 @!p0 $0x5  }
0x1da: {  	_ =	swait.ge @!p0 [sflag:s13], $0x2800  }
0x1db: {  	[sflag:s13] =	ssyncset.done @!p0 $0x0  }
0x1dc: {  	[sflag:s13] =	ssyncadd.s32 @!p0 $0xFFFFD800  }
0x1dd: {  	_ =	sfence.sel $0x180000  }
0x1de: {  	[bflag:$0x0] =	sbarrier.arrive $0xFFFF  }
0x1df: {  	_ =	strace $0x90000047  }
0x1e0: {  	s0 =	stileid.u32;
	[bflag:$0x2] =	sbarrier.arrive $0xFFFF  }
0x1e1: {  	p0 =	sne.s32 s0, $0x0;
	s0 =	rddreg [dreg:$0x2]  }
0x1e2: {  	s0 =	sadd.s32 @!p0 $0x100000, s0  }
0x1e3: {  	[sflag:s0] =	ssyncadd.tile.s32 @!p0 $0x1;
	_ =	shalt  }
.Lfunc_end2:
_tile_overlayer_lowered:
.L_overlay_start_2:
0x1e4: {  	(tag) =	ssettag $0x2  }
0x1e5: {  	s0 =	rddreg [dreg:$0x0];
	s2 =	stileid.u32  }
0x1e6: {  	s1 =	rddreg [dreg:$0x1];
	p0 =	sne.s32 s2, $0x0  }
0x1e7: {  	s3 =	rddreg [dreg:$0x2];
	[bflag:$0x3] =	sbarrier.arrive $0xFFFF;
	s2 =	simm.s32 @!p0 $0x1C05  }
0x1e8: {  	[timem:s3], [sflag:s2] =	dma.local @!p0 [hbm:s0], s1  }
0x1e9: {  	s0 =	simm.s32 @!p0 $0x5  }
0x1ea: {  	_ =	swait.ge @!p0 [sflag:s0], s1  }
0x1eb: {  	s1 =	ssub.s32 @!p0 $0x0, s1;
	[sflag:s0] =	ssyncset.done @!p0 $0x0  }
0x1ec: {  	[sflag:s0] =	ssyncadd.s32 @!p0 s1  }
0x1ed: {  	[bflag:$0x3] =	sbarrier.arrive $0xFFFF  }
0x1ee: {  	_ =	shalt  }

// kernel: kernel.13.cloned.1.call-start
scs
__scs_entry_jumppad:
0x0: {  	(pc) =	sbr.rel $0x88, $3  }
0x1: {  	(tag) =	ssettag $0x0;
	lr =	simm.s32 $0x1  }
0x2: {  	[smem:$0x3F97] =	sst lr;
	_ =	strace $0xD0000000  }
0x3: {  	_ = 	snop  }
0x4: {  	_ = 	snop  }
0x5: {  	_ = 	snop  }
0x6: {  	_ = 	snop  }
0x7: {  	_ = 	snop  }
__scs_overlays_trampoline_lowered:
0x8: {  	[smem:$0x3FA6] =	sst s0  }
0x9: {  	[smem:$0x3FA7] =	sst s1  }
0xa: {  	[smem:$0x3FA8] =	sst s2  }
0xb: {  	[smem:$0x3FA9] =	sst s3  }
0xc: {  	[smem:$0x3FAA] =	sst s4  }
0xd: {  	[smem:$0x3FAB] =	sst s5  }
0xe: {  	[smem:$0x3FAC] =	sst s6  }
0xf: {  	[smem:$0x3FAD] =	sst s7  }
0x10: {  	[smem:$0x3FAE] =	sst s8  }
0x11: {  	[smem:$0x3FAF] =	sst s9;
	s0 =	simm.s32 @!p0 $0x0  }
0x12: {  	s1 =	sld [smem:$0x3F95];
	s0 =	simm.s32 @p0 $0x1  }
0x13: {  	[smem:$0x3FB0] =	sst s0;
	s0 =	simm.s32 @!p1 $0x0  }
0x14: {  	s2 =	sld [smem:$0x3F94];
	s0 =	simm.s32 @p1 $0x1  }
0x15: {  	[smem:$0x3FB1] =	sst s0;
	s0 =	simm.s32 @!p2 $0x0  }
0x16: {  	s3 =	sld [smem:$0x3FDB];
	s0 =	simm.s32 @p2 $0x1  }
0x17: {  	s4 =	simm.s32 $0x1BF5;
	[smem:$0x3FB3] =	sst s0  }
0x18: {  	s0 =	sld [smem:$0x3F96];
	_ =	swait.ge [sflag:s4], $0x0  }
0x19: {  	s7 =	sld [smem:$0x3F97]  }
0x1a: {  	s8 =	sadd.s32 $0xFFFFE003, lr  }
0x1b: {  	s9 =	sadd.s32 $0xFFFFFEF7, lr;
	s5 =	simm.s32 $0xFFFFFFFF;
	p2 =	slt.u32 s8, $0xFFFFF086  }
0x1c: {  	p1 =	slt.u32 s9, $0xF7A;
	s5 =	simm.s32 @!p2 $0x0  }
0x1d: {  	s5 =	simm.s32 @p1 $0x1;
	p0 =	seq.s32 s7, s2  }
0x1e: {  	s7 =	smul.u32 @!p0 $0xF7A, s2;
	p2 =	seq.s32 @!p0 s5, $0x0  }
0x1f: {  	s9 =	smul.u32 $0xF7A, s1;
	s8 =	simm.s32 @!p0 $0x1BF5;
	p2 =	por !p2, p0  }
0x20: {  	[sflag:s8] =	ssyncset.s32 @!p0 $0xFFFFF086;
	s6 =	sadd.s32 @!p0 s3, s7;
	s7 =	simm.s32 @!p0 $0x108  }
0x21: {  	s3 =	sadd.s32 s3, s9;
	s6 =	sadd.s32 @!p0 $0x88, s6;
	s7 =	simm.s32 @p2 $0x1082  }
0x22: {  	[simem:s7], [sflag:s8] =	dma.local @!p0 [hbm:s6], $0xF7A  }
0x23: {  	s9 =	sor.u32 $0xD0000000, s2;
	s6 =	simm.s32 $0x108;
	_ =	swait.ge @!p0 [sflag:s8], $0x0  }
0x24: {  	s3 =	sadd.s32 $0x88, s3;
	s6 =	simm.s32 @!p1 $0x1082;
	[sflag:s4] =	ssyncset.s32 $0xFFFFF086  }
0x25: {  	[simem:s6], [sflag:s4] =	dma.local [hbm:s3], $0xF7A  }
0x26: {  	[smem:$0x3F97] =	sst s1;
	(tag) =	ssettag s2;
	_ =	strace s9  }
0x27: {  	s1 =	sld [smem:$0x3FA7]  }
0x28: {  	s2 =	sld [smem:$0x3FA8]  }
0x29: {  	s4 =	sld [smem:$0x3FAA]  }
0x2a: {  	p0 =	seq.s32 s5, $0x0;
	s5 =	sld [smem:$0x3FAB]  }
0x2b: {  	s6 =	sld [smem:$0x3FAC]  }
0x2c: {  	s7 =	sld [smem:$0x3FAD]  }
0x2d: {  	s3 =	simm.s32 $0x108;
	s8 =	sld [smem:$0x3FAE]  }
0x2e: {  	s3 =	simm.s32 @!p0 $0x1082;
	s9 =	sld [smem:$0x3FAF]  }
0x2f: {  	lr =	sadd.s32 s0, s3;
	s0 =	sld [smem:$0x3FA6]  }
0x30: {  	s3 =	sld [smem:$0x3FA9]  }
0x31: {  	[smem:$0x3FB2] =	sst s10  }
0x32: {  	s10 =	sld [smem:$0x3FB0];
	_ =	sdelay $0x3  }
0x33: {  	p0 =	seq.s32 s10, $0x1;
	s10 =	sld [smem:$0x3FB2];
	_ =	sdelay $0x3  }
0x34: {  	[smem:$0x3FB2] =	sst s10  }
0x35: {  	s10 =	sld [smem:$0x3FB1];
	_ =	sdelay $0x3  }
0x36: {  	p1 =	seq.s32 s10, $0x1;
	s10 =	sld [smem:$0x3FB2];
	_ =	sdelay $0x3  }
0x37: {  	[smem:$0x3FB2] =	sst s10  }
0x38: {  	s10 =	sld [smem:$0x3FB3]  }
0x39: {  	_ = 	snop;
	(pc) =	sbr.ind lr, $3  }
0x3a: {  	_ = 	snop  }
0x3b: {  	_ = 	snop  }
0x3c: {  	p2 =	seq.s32 s10, $0x1;
	s10 =	sld [smem:$0x3FB2]  }
0x3d: {  	_ =	shalt  }
0x3e: {  	_ =	shalt  }
0x3f: {  	_ =	shalt  }
0x40: {  	_ =	shalt  }
0x41: {  	_ =	shalt  }
0x42: {  	_ =	shalt  }
0x43: {  	_ =	shalt  }
0x44: {  	_ =	shalt  }
0x45: {  	_ =	shalt  }
0x46: {  	_ =	shalt  }
0x47: {  	_ =	shalt  }
0x48: {  	_ =	shalt  }
0x49: {  	_ =	shalt  }
0x4a: {  	_ =	shalt  }
0x4b: {  	_ =	shalt  }
0x4c: {  	_ =	shalt  }
0x4d: {  	_ =	shalt  }
0x4e: {  	_ =	shalt  }
0x4f: {  	_ =	shalt  }
0x50: {  	_ =	shalt  }
0x51: {  	_ =	shalt  }
0x52: {  	_ =	shalt  }
0x53: {  	_ =	shalt  }
0x54: {  	_ =	shalt  }
0x55: {  	_ =	shalt  }
0x56: {  	_ =	shalt  }
0x57: {  	_ =	shalt  }
0x58: {  	_ =	shalt  }
0x59: {  	_ =	shalt  }
0x5a: {  	_ =	shalt  }
0x5b: {  	_ =	shalt  }
0x5c: {  	_ =	shalt  }
0x5d: {  	_ =	shalt  }
0x5e: {  	_ =	shalt  }
0x5f: {  	_ =	shalt  }
0x60: {  	_ =	shalt  }
0x61: {  	_ =	shalt  }
0x62: {  	_ =	shalt  }
0x63: {  	_ =	shalt  }
0x64: {  	_ =	shalt  }
0x65: {  	_ =	shalt  }
0x66: {  	_ =	shalt  }
0x67: {  	_ =	shalt  }
0x68: {  	_ =	shalt  }
0x69: {  	_ =	shalt  }
0x6a: {  	_ =	shalt  }
0x6b: {  	_ =	shalt  }
0x6c: {  	_ =	shalt  }
0x6d: {  	_ =	shalt  }
0x6e: {  	_ =	shalt  }
0x6f: {  	_ =	shalt  }
0x70: {  	_ =	shalt  }
0x71: {  	_ =	shalt  }
0x72: {  	_ =	shalt  }
0x73: {  	_ =	shalt  }
0x74: {  	_ =	shalt  }
0x75: {  	_ =	shalt  }
0x76: {  	_ =	shalt  }
0x77: {  	_ =	shalt  }
0x78: {  	_ =	shalt  }
0x79: {  	_ =	shalt  }
0x7a: {  	_ =	shalt  }
0x7b: {  	_ =	shalt  }
0x7c: {  	_ =	shalt  }
0x7d: {  	_ =	shalt  }
0x7e: {  	_ =	shalt  }
0x7f: {  	_ =	shalt  }
0x80: {  	_ =	shalt  }
0x81: {  	_ =	shalt  }
0x82: {  	_ =	shalt  }
0x83: {  	_ =	shalt  }
0x84: {  	_ =	shalt  }
0x85: {  	_ =	shalt  }
0x86: {  	_ =	shalt  }
0x87: {  	_ =	shalt  }
.Lfunc_end0:
.L_simem_size_0:
called_computation.1_lowered:
.L_overlay_start_0:
0x88: {  	s2 =	sld [smem:$0x3FD9]  }
0x89: {  	s3 =	sld [smem:$0x3FFE];
	_ =	sdelay $0x1  }
0x8a: {  	s1 =	srdreg.scid  }
0x8b: {  	s0 =	sand.u32 $0x1, s1  }
0x8c: {  	s16 =	sshll.u32 s0, $0xA;
	s2 =	sadd.s32 s3, s2  }
0x8d: {  	s2 =	sadd.s32 s2, s16  }
0x8e: {  	[smem:$0x3FBE] =	sst s2  }
0x8f: {  	_ = 	snop  }
0x90: {  	(tm) =	ssettm $0x1  }
0x91: {  	s17 =	sld [smem:$0x3FFB];
	_ =	sdelay $0x3  }
0x92: {  	_ =	strace s17  }
0x93: {  	s2 =	sld [smem:$0x3FFC];
	_ =	sdelay $0x3  }
0x94: {  	_ =	strace s2  }
0x95: {  	s2 =	sld [smem:$0x3FFD];
	_ =	sdelay $0x3  }
0x96: {  	_ =	strace s2  }
0x97: {  	_ =	strace $0x8FFFFFFF  }
0x98: {  	s18 =	sld [smem:$0x3FDB];
	_ =	sdelay $0x1  }
0x99: {  	s19 =	simm.s32 $_scs_section_size  }
0x9a: {  	s4 =	simm.s32 $_size__tile_overlayer_lowered;
	s5 =	simm.s32 $_tile_overlayer_lowered  }
0x9b: {  	s22 =	simm.s32 $0x1BFF;
	s21 =	sshll.u32 s5, $0x1;
	s2 =	sadd.s32 s19, s18  }
0x9c: {  	s6 =	simm.s32 $0x0;
	s20 =	sshll.u32 s4, $0x1;
	s4 =	sadd.s32 s21, s2  }
0x9d: {  	[timem:s6], [sflag:s22] =	dma.local [hbm:s4], s20  }
0x9e: {  	_ =	swait.ge [sflag:s22], s20  }
0x9f: {  	s3 =	ssub.s32 $0x0, s20;
	[sflag:s22] =	ssyncset.done $0x0  }
0xa0: {  	[sflag:s22] =	ssyncadd.s32 s3;
	_ =	sdelay $0x1  }
0xa1: {  	s23 =	simm.s32 $0x1B8B  }
0xa2: {  	_ =	swait.ge [sflag:s23], $0x1  }
0xa3: {  	[sflag:s23] =	ssyncset.done $0x0  }
0xa4: {  	s25 =	simm.s32 $0x1B8E;
	s24 =	sld [smem:$0x3FFE];
	[sflag:s23] =	ssyncadd.s32 $0xFFFFFFFF  }
0xa5: {  	s26 =	simm.s32 $execute0_lowered;
	[smem:$0x3FD2] =	sst s25  }
0xa6: {  	s4 =	sshll.u32 s26, $0x1;
	_ =	strace $0x80000049;
	[dreg:$0x1] =	wrdreg $0xFFFFFFFF  }
0xa7: {  	s28 =	simm.s32 $_size_execute0_lowered;
	s2 =	sadd.s32 s2, s4;
	[dreg:$0x0] =	wrdreg $0x0  }
0xa8: {  	s4 =	sshll.u32 s28, $0x1;
	[dreg:$0x2] =	wrdreg s2  }
0xa9: {  	[dreg:$0x3] =	wrdreg s4  }
0xaa: {  	[dreg:$0x4] =	wrdreg $0xC0  }
0xab: {  	_ =	task [dreg:s6], $0x5FFFF  }
0xac: {  	[dreg:$0x1] =	wrdreg $0xFFFFFFFF  }
0xad: {  	[dreg:$0x0] =	wrdreg $0x60  }
0xae: {  	[dreg:$0x2] =	wrdreg s24  }
0xaf: {  	[dreg:$0x3] =	wrdreg $0xC0000  }
0xb0: {  	[dreg:$0x4] =	wrdreg $0x9  }
0xb1: {  	_ =	task.clear_ibuf [dreg:s6], $0x5FFFF;
	_ =	strace $0x90000049  }
0xb2: {  	s29 =	simm.s32 $0x9;
	_ =	strace $0x8000004B  }
0xb3: {  	_ =	swait.ge [sflag:s29], $0x1  }
0xb4: {  	[sflag:s29] =	ssyncadd.s32 $0xFFFFFFFF  }
0xb5: {  	_ =	strace $0x9000004B  }
0xb6: {  	_ =	sfence  }
0xb7: {  	s30 =	sld [smem:$0x0];
	_ =	sdelay $0x2  }
0xb8: {  	s31 =	sshll.u32 s1, $0xD;
	s1 =	sshrl.u32 s1, $0x2  }
0xb9: {  	s3 =	sand.u32 $0x4000, s31;
	s1 =	sadd.s32 s1, s30  }
0xba: {  	s0 =	sor.u32 s3, s0;
	s1 =	sshll.u32 s1, $0x11  }
0xbb: {  	s0 =	sor.u32 s1, s0  }
0xbc: {  	s0 =	sadd.s32 $0x8F2B, s0  }
0xbd: {  	[sflag:s0] =	ssyncadd.remote.s32 $0x1  }
0xbe: {  	_ =	sfence.sel $0xFFFF  }
0xbf: {  	[dreg:$0x0] =	wrdreg $0xFFFFFFFF;
	(pc) =	sbr.abs _section_cstart, $3  }
0xc0: {  	[dreg:$0x1] =	wrdreg $0xFFFFFFFF  }
0xc1: {  	_ =	task.clear_ibuf [dreg:s6], $0x2FFFF;
	_ =	strace $0x9FFFFFFF  }
0xc2: {  	(tm) =	ssettm $0x7FFFFFFF  }
0xc3: {  	_ =	shalt  }
tec
execute0_lowered:
.L_overlay_start_1:
0x0: {  	(tag) =	ssettag $0x1  }
0x1: {  	s0 =	rddreg [dreg:$0x0]  }
0x2: {  	s1 =	rddreg [dreg:$0x1];
	s2 =	simm.s32 $0x0  }
0x3: {  	s3 =	srdreg.scid;
	s14 =	stileid.u32;
	s28 =	simm.s32 $0x7000  }
0x4: {  	s29 =	simm.s32 $0x180;
	s30 =	simm.s32 $0x9800;
	[smem:$0x7FF] =	sst s2  }
0x5: {  	s31 =	simm.s32 $0x1;
	s4 =	sadd.s32 $0x162200, s0;
	s5 =	sadd.s32 $0x2C1C00, s0  }
0x6: {  	s3 =	sand.u32 $0x1, s3;
	s7 =	smul.u32 $0x50000, s14;
	s8 =	sadd.s32 $0x2D1C00, s0  }
0x7: {  	s9 =	sadd.s32 $0x2E1C00, s0;
	s0 =	sadd.s32 $0x2E4400, s0;
	s20 =	sshll.u32 s14, $0x6  }
0x8: {  	s11 =	sshll.u32 s14, $0xB;
	s13 =	smul.u32 $0x14000, s14;
	p0 =	seq.s32 s14, $0xF  }
0x9: {  	_ =	strace $0x8000004A;
	s6 =	ssub.s32 $0x2, s3;
	[dreg:$0x3] =	wrdreg s9  }
0xa: {  	s10 =	sshll.u32 s3, $0xF;
	s3 =	smul.u32 $0x138800, s3;
	s18 =	sshrl.u32 s6, $0x1  }
0xb: {  	s19 =	sshrl.u32 s7, $0x2;
	s7 =	sor.u32 $0x1C05, s20;
	s10 =	sor.u32 s11, s10  }
0xc: {  	s20 =	simm.s32 $0x1000;
	s9 =	ssub.s32 s6, s18;
	s6 =	sadd.s32 s19, s1  }
0xd: {  	s11 =	sadd.s32 s5, s10;
	s21 =	sadd.s32 s8, s10;
	s22 =	sor.u32 $0x200, s10  }
0xe: {  	s12 =	sor.u32 $0x400, s10;
	s10 =	sor.u32 $0x600, s10;
	s25 =	sadd.s32 s13, s3  }
0xf: {  	s3 =	sshrl.u32 s3, $0x3;
	s19 =	simm.s32 $0x5;
	[dreg:$0x4] =	wrdreg s11  }
0x10: {  	[dreg:$0x5] =	wrdreg s21;
	s15 =	sadd.s32 s5, s22;
	s11 =	sadd.s32 s8, s22  }
0x11: {  	s23 =	sadd.s32 s5, s12;
	s24 =	sadd.s32 s8, s12;
	[dreg:$0x6] =	wrdreg s15  }
0x12: {  	s5 =	sadd.s32 s5, s10;
	s26 =	sshrl.u32 s25, $0x3;
	[dreg:$0x7] =	wrdreg s11  }
0x13: {  	s8 =	sadd.s32 s8, s10;
	s18 =	smax.u32 s9, $0x1;
	[dreg:$0x8] =	wrdreg s23  }
0x14: {  	s21 =	simm.s32 $0x50;
	s22 =	simm.s32 $0x2000;
	[dreg:$0x9] =	wrdreg s24  }
0x15: {  	s9 =	simm.s32 $0x1E80;
	s10 =	simm.s32 $0x1F00;
	[dreg:$0xa] =	wrdreg s5  }
0x16: {  	s12 =	simm.s32 $0x0;
	[dreg:$0xb] =	wrdreg s8;
	s16 =	sadd.s32 s0, s26  }
0x17: {  	s0 =	sadd.s32 s0, s3;
	s23 =	simm.s32 $0x80;
	s24 =	simm.s32 $0x4800  }
0x18: {  	s26 =	simm.s32 $0x100;
	s3 =	simm.s32 $0x3;
	s5 =	simm.s32 $0x4  }
0x19: {  	s8 =	simm.s32 $0x1E00;
	s17 =	sadd.s32 $0x25800, s0;
	s0 =	sadd.s32 $0x12C000, s1  }
0x1a: {  	s11 =	simm.s32 $0x1F80;
	s25 =	sshrl.u32 @p0 s0, $0x3;
	s0 =	simm.s32 $0x2  }
.LBB2_1:
0x1b: {  	s13 =	sshrl.u32 s6, $0x3;
	s14 =	rddreg [dreg:$0x3]  }
0x1c: {  	[spmem:s13], [sflag:s7] =	dma.local [hbm:s14], $0x2800  }
0x1d: {  	_ =	swait.ge [sflag:s19], $0x2800  }
0x1e: {  	[sflag:s19] =	ssyncset.done $0x0  }
0x1f: {  	[sflag:s19] =	ssyncadd.s32 $0xFFFFD800  }
0x20: {  	[bflag:$0x0] =	sbarrier.arrive $0xFFFF  }
0x21: {  	s15 =	rddreg [dreg:$0x4]  }
0x22: {  	[tilespmem:s2], [sflag:$0x5] =	stream.linear.gather [hbm4b:s15+s2], $0x1000, $0x38;
	v63 =	vld [tilespmem:$0x0]  }
0x23: {  	_ =	swait.ge [sflag:s19], $0x1000  }
0x24: {  	[sflag:s19] =	ssyncset.done $0x0  }
0x25: {  	s14 =	rddreg [dreg:$0x5];
	[sflag:s19] =	ssyncadd.s32 $0xFFFFF000  }
0x26: {  	[tilespmem:s20], [sflag:$0x5] =	stream.linear.gather [hbm4b:s14+s2], $0x1000, $0x38;
	v63 =	vld [tilespmem:$0x0]  }
0x27: {  	_ =	swait.ge [sflag:s19], $0x1000  }
0x28: {  	[sflag:s19] =	ssyncset.done $0x0  }
0x29: {  	[sflag:s19] =	ssyncadd.s32 $0xFFFFF000  }
0x2a: {  	[tilespmem:s22], [sflag:$0x1] =	stream.indirect.gather [hbm4b:s4+s21], $0x80, s2, s21, $0xb8;
	v63 =	vld [tilespmem:$0x0]  }
0x2b: {  	_ = 	snop  }
0x2c: {  	[tilespmem:s24], [sflag:$0x2] =	stream.indirect.gather [hbm4b:s4+s21], $0x80, s23, s21, $0xb8;
	v63 =	vld [tilespmem:$0x0]  }
0x2d: {  	_ = 	snop  }
0x2e: {  	[tilespmem:s28], [sflag:$0x3] =	stream.indirect.gather [hbm4b:s4+s21], $0x80, s26, s21, $0xb8;
	v63 =	vld [tilespmem:$0x0]  }
0x2f: {  	_ = 	snop  }
0x30: {  	[tilespmem:s30], [sflag:$0x4] =	stream.indirect.gather [hbm4b:s4+s21], $0x80, s29, s21, $0xb8;
	v63 =	vld [tilespmem:$0x0]  }
0x31: {  	_ =	swait.ge [sflag:s31], $0x2800  }
0x32: {  	[sflag:s31] =	ssyncset.done $0x0  }
0x33: {  	s15 =	simm.s32 $0x1000;
	[sflag:s31] =	ssyncadd.s32 $0xFFFFD800  }
0x34: {  	[spmem:s1] =	stream.indirect.scatter.add.f32 [tilespmem:s22], [sflag:$0x5], $0x80, s15, s21, $0xb8;
	v63 =	vld [tilespmem:$0x0]  }
0x35: {  	_ =	swait.ge [sflag:s19], $0x2800  }
0x36: {  	[sflag:s19] =	ssyncset.done $0x0  }
0x37: {  	s14 =	simm.s32 $0x200;
	[sflag:s19] =	ssyncadd.s32 $0xFFFFD800  }
0x38: {  	[tilespmem:s22], [sflag:$0x1] =	stream.indirect.gather [hbm4b:s4+s21], $0x80, s14, s21, $0xb8;
	v63 =	vld [tilespmem:$0x0]  }
0x39: {  	_ =	swait.ge [sflag:s0], $0x2800  }
0x3a: {  	[sflag:s0] =	ssyncset.done $0x0  }
0x3b: {  	s15 =	simm.s32 $0x1080;
	[sflag:s0] =	ssyncadd.s32 $0xFFFFD800  }
0x3c: {  	[spmem:s1] =	stream.indirect.scatter.add.f32 [tilespmem:s24], [sflag:$0x5], $0x80, s15, s21, $0xb8;
	v63 =	vld [tilespmem:$0x0]  }
0x3d: {  	_ =	swait.ge [sflag:s19], $0x2800  }
0x3e: {  	[sflag:s19] =	ssyncset.done $0x0  }
0x3f: {  	s14 =	simm.s32 $0x280;
	[sflag:s19] =	ssyncadd.s32 $0xFFFFD800  }
0x40: {  	[tilespmem:s24], [sflag:$0x2] =	stream.indirect.gather [hbm4b:s4+s21], $0x80, s14, s21, $0xb8;
	v63 =	vld [tilespmem:$0x0]  }
0x41: {  	_ =	swait.ge [sflag:s3], $0x2800  }
0x42: {  	[sflag:s3] =	ssyncset.done $0x0  }
0x43: {  	s15 =	simm.s32 $0x1100;
	[sflag:s3] =	ssyncadd.s32 $0xFFFFD800  }
0x44: {  	[spmem:s1] =	stream.indirect.scatter.add.f32 [tilespmem:s28], [sflag:$0x5], $0x80, s15, s21, $0xb8;
	v63 =	vld [tilespmem:$0x0]  }
0x45: {  	_ =	swait.ge [sflag:s19], $0x2800  }
0x46: {  	[sflag:s19] =	ssyncset.done $0x0  }
0x47: {  	s14 =	simm.s32 $0x300;
	[sflag:s19] =	ssyncadd.s32 $0xFFFFD800  }
0x48: {  	[tilespmem:s28], [sflag:$0x3] =	stream.indirect.gather [hbm4b:s4+s21], $0x80, s14, s21, $0xb8;
	v63 =	vld [tilespmem:$0x0]  }
0x49: {  	_ =	swait.ge [sflag:s5], $0x2800  }
0x4a: {  	[sflag:s5] =	ssyncset.done $0x0  }
0x4b: {  	s15 =	simm.s32 $0x1180;
	[sflag:s5] =	ssyncadd.s32 $0xFFFFD800  }
0x4c: {  	[spmem:s1] =	stream.indirect.scatter.add.f32 [tilespmem:s30], [sflag:$0x5], $0x80, s15, s21, $0xb8;
	v63 =	vld [tilespmem:$0x0]  }
0x4d: {  	_ =	swait.ge [sflag:s19], $0x2800  }
0x4e: {  	[sflag:s19] =	ssyncset.done $0x0  }
0x4f: {  	s13 =	simm.s32 $0x800;
	s14 =	simm.s32 $0x380;
	[sflag:s19] =	ssyncadd.s32 $0xFFFFD800  }
.LBB2_2:
0x50: {  	[tilespmem:s30], [sflag:$0x4] =	stream.indirect.gather [hbm4b:s4+s21], $0x80, s14, s21, $0xb8;
	v63 =	vld [tilespmem:$0x0]  }
0x51: {  	s14 =	smov.u32 s13  }
0x52: {  	p1 =	sne.s32 s13, $0x3000;
	s13 =	sadd.s32 $0x800, s13;
	_ =	swait.ge [sflag:s31], $0x2800  }
0x53: {  	s14 =	sshra.s32 s14, $0x2;
	[sflag:s31] =	ssyncset.done $0x0  }
0x54: {  	s15 =	sadd.s32 $0x1000, s14;
	[sflag:s31] =	ssyncadd.s32 $0xFFFFD800  }
0x55: {  	[spmem:s1] =	stream.indirect.scatter.add.f32 [tilespmem:s22], [sflag:$0x5], $0x80, s15, s21, $0xb8;
	v63 =	vld [tilespmem:$0x0]  }
0x56: {  	_ =	swait.ge [sflag:s19], $0x2800  }
0x57: {  	[sflag:s19] =	ssyncset.done $0x0  }
0x58: {  	s15 =	sadd.s32 $0x200, s14;
	[sflag:s19] =	ssyncadd.s32 $0xFFFFD800  }
0x59: {  	[tilespmem:s22], [sflag:$0x1] =	stream.indirect.gather [hbm4b:s4+s21], $0x80, s15, s21, $0xb8;
	v63 =	vld [tilespmem:$0x0]  }
0x5a: {  	_ =	swait.ge [sflag:s0], $0x2800  }
0x5b: {  	[sflag:s0] =	ssyncset.done $0x0  }
0x5c: {  	s15 =	sadd.s32 $0x1080, s14;
	[sflag:s0] =	ssyncadd.s32 $0xFFFFD800  }
0x5d: {  	[spmem:s1] =	stream.indirect.scatter.add.f32 [tilespmem:s24], [sflag:$0x5], $0x80, s15, s21, $0xb8;
	v63 =	vld [tilespmem:$0x0]  }
0x5e: {  	_ =	swait.ge [sflag:s19], $0x2800  }
0x5f: {  	[sflag:s19] =	ssyncset.done $0x0  }
0x60: {  	s15 =	sadd.s32 $0x280, s14;
	[sflag:s19] =	ssyncadd.s32 $0xFFFFD800  }
0x61: {  	[tilespmem:s24], [sflag:$0x2] =	stream.indirect.gather [hbm4b:s4+s21], $0x80, s15, s21, $0xb8;
	v63 =	vld [tilespmem:$0x0]  }
0x62: {  	_ =	swait.ge [sflag:s3], $0x2800  }
0x63: {  	[sflag:s3] =	ssyncset.done $0x0  }
0x64: {  	s15 =	sadd.s32 $0x1100, s14;
	[sflag:s3] =	ssyncadd.s32 $0xFFFFD800  }
0x65: {  	[spmem:s1] =	stream.indirect.scatter.add.f32 [tilespmem:s28], [sflag:$0x5], $0x80, s15, s21, $0xb8;
	v63 =	vld [tilespmem:$0x0]  }
0x66: {  	_ =	swait.ge [sflag:s19], $0x2800  }
0x67: {  	[sflag:s19] =	ssyncset.done $0x0  }
0x68: {  	s15 =	sadd.s32 $0x300, s14;
	[sflag:s19] =	ssyncadd.s32 $0xFFFFD800  }
0x69: {  	[tilespmem:s28], [sflag:$0x3] =	stream.indirect.gather [hbm4b:s4+s21], $0x80, s15, s21, $0xb8;
	v63 =	vld [tilespmem:$0x0]  }
0x6a: {  	_ =	swait.ge [sflag:s5], $0x2800  }
0x6b: {  	[sflag:s5] =	ssyncset.done $0x0  }
.Ltmp0:
0x6c: {  	s15 =	sadd.s32 $0x1180, s14;
	[sflag:s5] =	ssyncadd.s32 $0xFFFFD800;
	(pc) =	sbr.rel @p1 .LBB2_2-.Ltmp0, $4  }
0x6d: {  	[spmem:s1] =	stream.indirect.scatter.add.f32 [tilespmem:s30], [sflag:$0x5], $0x80, s15, s21, $0xb8;
	v63 =	vld [tilespmem:$0x0]  }
0x6e: {  	_ =	swait.ge [sflag:s19], $0x2800  }
0x6f: {  	[sflag:s19] =	ssyncset.done $0x0  }
0x70: {  	s14 =	sadd.s32 $0x380, s14;
	[sflag:s19] =	ssyncadd.s32 $0xFFFFD800  }
0x71: {  	[tilespmem:s30], [sflag:$0x4] =	stream.indirect.gather [hbm4b:s4+s21], $0x80, s14, s21, $0xb8;
	v63 =	vld [tilespmem:$0x0]  }
0x72: {  	_ =	swait.ge [sflag:s31], $0x2800  }
0x73: {  	[sflag:s31] =	ssyncset.done $0x0  }
0x74: {  	[sflag:s31] =	ssyncadd.s32 $0xFFFFD800  }
0x75: {  	[spmem:s1] =	stream.indirect.scatter.add.f32 [tilespmem:s22], [sflag:$0x5], $0x80, s8, s21, $0xb8;
	v63 =	vld [tilespmem:$0x0]  }
0x76: {  	_ =	swait.ge [sflag:s19], $0x2800  }
0x77: {  	[sflag:s19] =	ssyncset.done $0x0  }
0x78: {  	[sflag:s19] =	ssyncadd.s32 $0xFFFFD800  }
0x79: {  	_ =	swait.ge [sflag:s0], $0x2800  }
0x7a: {  	[sflag:s0] =	ssyncset.done $0x0  }
0x7b: {  	[sflag:s0] =	ssyncadd.s32 $0xFFFFD800  }
0x7c: {  	[spmem:s1] =	stream.indirect.scatter.add.f32 [tilespmem:s24], [sflag:$0x5], $0x80, s9, s21, $0xb8;
	v63 =	vld [tilespmem:$0x0]  }
0x7d: {  	_ =	swait.ge [sflag:s19], $0x2800  }
0x7e: {  	[sflag:s19] =	ssyncset.done $0x0  }
0x7f: {  	[sflag:s19] =	ssyncadd.s32 $0xFFFFD800  }
0x80: {  	_ =	swait.ge [sflag:s3], $0x2800  }
0x81: {  	[sflag:s3] =	ssyncset.done $0x0  }
0x82: {  	[sflag:s3] =	ssyncadd.s32 $0xFFFFD800  }
0x83: {  	[spmem:s1] =	stream.indirect.scatter.add.f32 [tilespmem:s28], [sflag:$0x5], $0x80, s10, s21, $0xb8;
	v63 =	vld [tilespmem:$0x0]  }
0x84: {  	_ =	swait.ge [sflag:s19], $0x2800  }
0x85: {  	[sflag:s19] =	ssyncset.done $0x0  }
0x86: {  	[sflag:s19] =	ssyncadd.s32 $0xFFFFD800  }
0x87: {  	_ =	swait.ge [sflag:s5], $0x2800  }
0x88: {  	[sflag:s5] =	ssyncset.done $0x0  }
0x89: {  	[sflag:s5] =	ssyncadd.s32 $0xFFFFD800  }
0x8a: {  	[spmem:s1] =	stream.indirect.scatter.add.f32 [tilespmem:s30], [sflag:$0x5], $0x80, s11, s21, $0xb8;
	v63 =	vld [tilespmem:$0x0]  }
0x8b: {  	_ =	swait.ge [sflag:s19], $0x2800  }
0x8c: {  	[sflag:s19] =	ssyncset.done $0x0  }
0x8d: {  	s13 =	simm.s32 $0x0;
	s15 =	rddreg [dreg:$0x6];
	[sflag:s19] =	ssyncadd.s32 $0xFFFFD800  }
0x8e: {  	[tilespmem:s13], [sflag:$0x5] =	stream.linear.gather [hbm4b:s15+s13], $0x1000, $0x38;
	v63 =	vld [tilespmem:$0x0]  }
0x8f: {  	_ =	swait.ge [sflag:s19], $0x1000  }
0x90: {  	[sflag:s19] =	ssyncset.done $0x0  }
0x91: {  	s15 =	rddreg [dreg:$0x7];
	[sflag:s19] =	ssyncadd.s32 $0xFFFFF000  }
0x92: {  	[tilespmem:s20], [sflag:$0x5] =	stream.linear.gather [hbm4b:s15+s13], $0x1000, $0x38;
	v63 =	vld [tilespmem:$0x0]  }
0x93: {  	_ =	swait.ge [sflag:s19], $0x1000  }
0x94: {  	[sflag:s19] =	ssyncset.done $0x0  }
0x95: {  	[sflag:s19] =	ssyncadd.s32 $0xFFFFF000  }
0x96: {  	[tilespmem:s22], [sflag:$0x1] =	stream.indirect.gather [hbm4b:s4+s21], $0x80, s13, s21, $0xb8;
	v63 =	vld [tilespmem:$0x0]  }
0x97: {  	_ = 	snop  }
0x98: {  	[tilespmem:s24], [sflag:$0x2] =	stream.indirect.gather [hbm4b:s4+s21], $0x80, s23, s21, $0xb8;
	v63 =	vld [tilespmem:$0x0]  }
0x99: {  	_ = 	snop  }
0x9a: {  	[tilespmem:s28], [sflag:$0x3] =	stream.indirect.gather [hbm4b:s4+s21], $0x80, s26, s21, $0xb8;
	v63 =	vld [tilespmem:$0x0]  }
0x9b: {  	_ = 	snop  }
0x9c: {  	[tilespmem:s30], [sflag:$0x4] =	stream.indirect.gather [hbm4b:s4+s21], $0x80, s29, s21, $0xb8;
	v63 =	vld [tilespmem:$0x0]  }
0x9d: {  	_ =	swait.ge [sflag:s31], $0x2800  }
0x9e: {  	[sflag:s31] =	ssyncset.done $0x0  }
0x9f: {  	s15 =	simm.s32 $0x1000;
	[sflag:s31] =	ssyncadd.s32 $0xFFFFD800  }
0xa0: {  	[spmem:s1] =	stream.indirect.scatter.add.f32 [tilespmem:s22], [sflag:$0x5], $0x80, s15, s21, $0xb8;
	v63 =	vld [tilespmem:$0x0]  }
0xa1: {  	_ =	swait.ge [sflag:s19], $0x2800  }
0xa2: {  	[sflag:s19] =	ssyncset.done $0x0  }
0xa3: {  	s14 =	simm.s32 $0x200;
	[sflag:s19] =	ssyncadd.s32 $0xFFFFD800  }
0xa4: {  	[tilespmem:s22], [sflag:$0x1] =	stream.indirect.gather [hbm4b:s4+s21], $0x80, s14, s21, $0xb8;
	v63 =	vld [tilespmem:$0x0]  }
0xa5: {  	_ =	swait.ge [sflag:s0], $0x2800  }
0xa6: {  	[sflag:s0] =	ssyncset.done $0x0  }
0xa7: {  	s15 =	simm.s32 $0x1080;
	[sflag:s0] =	ssyncadd.s32 $0xFFFFD800  }
0xa8: {  	[spmem:s1] =	stream.indirect.scatter.add.f32 [tilespmem:s24], [sflag:$0x5], $0x80, s15, s21, $0xb8;
	v63 =	vld [tilespmem:$0x0]  }
0xa9: {  	_ =	swait.ge [sflag:s19], $0x2800  }
0xaa: {  	[sflag:s19] =	ssyncset.done $0x0  }
0xab: {  	s14 =	simm.s32 $0x280;
	[sflag:s19] =	ssyncadd.s32 $0xFFFFD800  }
0xac: {  	[tilespmem:s24], [sflag:$0x2] =	stream.indirect.gather [hbm4b:s4+s21], $0x80, s14, s21, $0xb8;
	v63 =	vld [tilespmem:$0x0]  }
0xad: {  	_ =	swait.ge [sflag:s3], $0x2800  }
0xae: {  	[sflag:s3] =	ssyncset.done $0x0  }
0xaf: {  	s15 =	simm.s32 $0x1100;
	[sflag:s3] =	ssyncadd.s32 $0xFFFFD800  }
0xb0: {  	[spmem:s1] =	stream.indirect.scatter.add.f32 [tilespmem:s28], [sflag:$0x5], $0x80, s15, s21, $0xb8;
	v63 =	vld [tilespmem:$0x0]  }
0xb1: {  	_ =	swait.ge [sflag:s19], $0x2800  }
0xb2: {  	[sflag:s19] =	ssyncset.done $0x0  }
0xb3: {  	s14 =	simm.s32 $0x300;
	[sflag:s19] =	ssyncadd.s32 $0xFFFFD800  }
0xb4: {  	[tilespmem:s28], [sflag:$0x3] =	stream.indirect.gather [hbm4b:s4+s21], $0x80, s14, s21, $0xb8;
	v63 =	vld [tilespmem:$0x0]  }
0xb5: {  	_ =	swait.ge [sflag:s5], $0x2800  }
0xb6: {  	[sflag:s5] =	ssyncset.done $0x0  }
0xb7: {  	s15 =	simm.s32 $0x1180;
	[sflag:s5] =	ssyncadd.s32 $0xFFFFD800  }
0xb8: {  	[spmem:s1] =	stream.indirect.scatter.add.f32 [tilespmem:s30], [sflag:$0x5], $0x80, s15, s21, $0xb8;
	v63 =	vld [tilespmem:$0x0]  }
0xb9: {  	_ =	swait.ge [sflag:s19], $0x2800  }
0xba: {  	[sflag:s19] =	ssyncset.done $0x0  }
0xbb: {  	s13 =	simm.s32 $0x800;
	s14 =	simm.s32 $0x380;
	[sflag:s19] =	ssyncadd.s32 $0xFFFFD800  }
.LBB2_4:
0xbc: {  	[tilespmem:s30], [sflag:$0x4] =	stream.indirect.gather [hbm4b:s4+s21], $0x80, s14, s21, $0xb8;
	v63 =	vld [tilespmem:$0x0]  }
0xbd: {  	s14 =	smov.u32 s13  }
0xbe: {  	p1 =	sne.s32 s13, $0x3000;
	s13 =	sadd.s32 $0x800, s13;
	_ =	swait.ge [sflag:s31], $0x2800  }
0xbf: {  	s14 =	sshra.s32 s14, $0x2;
	[sflag:s31] =	ssyncset.done $0x0  }
0xc0: {  	s15 =	sadd.s32 $0x1000, s14;
	[sflag:s31] =	ssyncadd.s32 $0xFFFFD800  }
0xc1: {  	[spmem:s1] =	stream.indirect.scatter.add.f32 [tilespmem:s22], [sflag:$0x5], $0x80, s15, s21, $0xb8;
	v63 =	vld [tilespmem:$0x0]  }
0xc2: {  	_ =	swait.ge [sflag:s19], $0x2800  }
0xc3: {  	[sflag:s19] =	ssyncset.done $0x0  }
0xc4: {  	s15 =	sadd.s32 $0x200, s14;
	[sflag:s19] =	ssyncadd.s32 $0xFFFFD800  }
0xc5: {  	[tilespmem:s22], [sflag:$0x1] =	stream.indirect.gather [hbm4b:s4+s21], $0x80, s15, s21, $0xb8;
	v63 =	vld [tilespmem:$0x0]  }
0xc6: {  	_ =	swait.ge [sflag:s0], $0x2800  }
0xc7: {  	[sflag:s0] =	ssyncset.done $0x0  }
0xc8: {  	s15 =	sadd.s32 $0x1080, s14;
	[sflag:s0] =	ssyncadd.s32 $0xFFFFD800  }
0xc9: {  	[spmem:s1] =	stream.indirect.scatter.add.f32 [tilespmem:s24], [sflag:$0x5], $0x80, s15, s21, $0xb8;
	v63 =	vld [tilespmem:$0x0]  }
0xca: {  	_ =	swait.ge [sflag:s19], $0x2800  }
0xcb: {  	[sflag:s19] =	ssyncset.done $0x0  }
0xcc: {  	s15 =	sadd.s32 $0x280, s14;
	[sflag:s19] =	ssyncadd.s32 $0xFFFFD800  }
0xcd: {  	[tilespmem:s24], [sflag:$0x2] =	stream.indirect.gather [hbm4b:s4+s21], $0x80, s15, s21, $0xb8;
	v63 =	vld [tilespmem:$0x0]  }
0xce: {  	_ =	swait.ge [sflag:s3], $0x2800  }
0xcf: {  	[sflag:s3] =	ssyncset.done $0x0  }
0xd0: {  	s15 =	sadd.s32 $0x1100, s14;
	[sflag:s3] =	ssyncadd.s32 $0xFFFFD800  }
0xd1: {  	[spmem:s1] =	stream.indirect.scatter.add.f32 [tilespmem:s28], [sflag:$0x5], $0x80, s15, s21, $0xb8;
	v63 =	vld [tilespmem:$0x0]  }
0xd2: {  	_ =	swait.ge [sflag:s19], $0x2800  }
0xd3: {  	[sflag:s19] =	ssyncset.done $0x0  }
0xd4: {  	s15 =	sadd.s32 $0x300, s14;
	[sflag:s19] =	ssyncadd.s32 $0xFFFFD800  }
0xd5: {  	[tilespmem:s28], [sflag:$0x3] =	stream.indirect.gather [hbm4b:s4+s21], $0x80, s15, s21, $0xb8;
	v63 =	vld [tilespmem:$0x0]  }
0xd6: {  	_ =	swait.ge [sflag:s5], $0x2800  }
0xd7: {  	[sflag:s5] =	ssyncset.done $0x0  }
.Ltmp1:
0xd8: {  	s15 =	sadd.s32 $0x1180, s14;
	[sflag:s5] =	ssyncadd.s32 $0xFFFFD800;
	(pc) =	sbr.rel @p1 .LBB2_4-.Ltmp1, $4  }
0xd9: {  	[spmem:s1] =	stream.indirect.scatter.add.f32 [tilespmem:s30], [sflag:$0x5], $0x80, s15, s21, $0xb8;
	v63 =	vld [tilespmem:$0x0]  }
0xda: {  	_ =	swait.ge [sflag:s19], $0x2800  }
0xdb: {  	[sflag:s19] =	ssyncset.done $0x0  }
0xdc: {  	s14 =	sadd.s32 $0x380, s14;
	[sflag:s19] =	ssyncadd.s32 $0xFFFFD800  }
0xdd: {  	[tilespmem:s30], [sflag:$0x4] =	stream.indirect.gather [hbm4b:s4+s21], $0x80, s14, s21, $0xb8;
	v63 =	vld [tilespmem:$0x0]  }
0xde: {  	_ =	swait.ge [sflag:s31], $0x2800  }
0xdf: {  	[sflag:s31] =	ssyncset.done $0x0  }
0xe0: {  	[sflag:s31] =	ssyncadd.s32 $0xFFFFD800  }
0xe1: {  	[spmem:s1] =	stream.indirect.scatter.add.f32 [tilespmem:s22], [sflag:$0x5], $0x80, s8, s21, $0xb8;
	v63 =	vld [tilespmem:$0x0]  }
0xe2: {  	_ =	swait.ge [sflag:s19], $0x2800  }
0xe3: {  	[sflag:s19] =	ssyncset.done $0x0  }
0xe4: {  	[sflag:s19] =	ssyncadd.s32 $0xFFFFD800  }
0xe5: {  	_ =	swait.ge [sflag:s0], $0x2800  }
0xe6: {  	[sflag:s0] =	ssyncset.done $0x0  }
0xe7: {  	[sflag:s0] =	ssyncadd.s32 $0xFFFFD800  }
0xe8: {  	[spmem:s1] =	stream.indirect.scatter.add.f32 [tilespmem:s24], [sflag:$0x5], $0x80, s9, s21, $0xb8;
	v63 =	vld [tilespmem:$0x0]  }
0xe9: {  	_ =	swait.ge [sflag:s19], $0x2800  }
0xea: {  	[sflag:s19] =	ssyncset.done $0x0  }
0xeb: {  	[sflag:s19] =	ssyncadd.s32 $0xFFFFD800  }
0xec: {  	_ =	swait.ge [sflag:s3], $0x2800  }
0xed: {  	[sflag:s3] =	ssyncset.done $0x0  }
0xee: {  	[sflag:s3] =	ssyncadd.s32 $0xFFFFD800  }
0xef: {  	[spmem:s1] =	stream.indirect.scatter.add.f32 [tilespmem:s28], [sflag:$0x5], $0x80, s10, s21, $0xb8;
	v63 =	vld [tilespmem:$0x0]  }
0xf0: {  	_ =	swait.ge [sflag:s19], $0x2800  }
0xf1: {  	[sflag:s19] =	ssyncset.done $0x0  }
0xf2: {  	[sflag:s19] =	ssyncadd.s32 $0xFFFFD800  }
0xf3: {  	_ =	swait.ge [sflag:s5], $0x2800  }
0xf4: {  	[sflag:s5] =	ssyncset.done $0x0  }
0xf5: {  	[sflag:s5] =	ssyncadd.s32 $0xFFFFD800  }
0xf6: {  	[spmem:s1] =	stream.indirect.scatter.add.f32 [tilespmem:s30], [sflag:$0x5], $0x80, s11, s21, $0xb8;
	v63 =	vld [tilespmem:$0x0]  }
0xf7: {  	_ =	swait.ge [sflag:s19], $0x2800  }
0xf8: {  	[sflag:s19] =	ssyncset.done $0x0  }
0xf9: {  	s13 =	simm.s32 $0x0;
	s15 =	rddreg [dreg:$0x8];
	[sflag:s19] =	ssyncadd.s32 $0xFFFFD800  }
0xfa: {  	[tilespmem:s13], [sflag:$0x5] =	stream.linear.gather [hbm4b:s15+s13], $0x1000, $0x38;
	v63 =	vld [tilespmem:$0x0]  }
0xfb: {  	_ =	swait.ge [sflag:s19], $0x1000  }
0xfc: {  	[sflag:s19] =	ssyncset.done $0x0  }
0xfd: {  	s15 =	rddreg [dreg:$0x9];
	[sflag:s19] =	ssyncadd.s32 $0xFFFFF000  }
0xfe: {  	[tilespmem:s20], [sflag:$0x5] =	stream.linear.gather [hbm4b:s15+s13], $0x1000, $0x38;
	v63 =	vld [tilespmem:$0x0]  }
0xff: {  	_ =	swait.ge [sflag:s19], $0x1000  }
0x100: {  	[sflag:s19] =	ssyncset.done $0x0  }
0x101: {  	[sflag:s19] =	ssyncadd.s32 $0xFFFFF000  }
0x102: {  	[tilespmem:s22], [sflag:$0x1] =	stream.indirect.gather [hbm4b:s4+s21], $0x80, s13, s21, $0xb8;
	v63 =	vld [tilespmem:$0x0]  }
0x103: {  	_ = 	snop  }
0x104: {  	[tilespmem:s24], [sflag:$0x2] =	stream.indirect.gather [hbm4b:s4+s21], $0x80, s23, s21, $0xb8;
	v63 =	vld [tilespmem:$0x0]  }
0x105: {  	_ = 	snop  }
0x106: {  	[tilespmem:s28], [sflag:$0x3] =	stream.indirect.gather [hbm4b:s4+s21], $0x80, s26, s21, $0xb8;
	v63 =	vld [tilespmem:$0x0]  }
0x107: {  	_ = 	snop  }
0x108: {  	[tilespmem:s30], [sflag:$0x4] =	stream.indirect.gather [hbm4b:s4+s21], $0x80, s29, s21, $0xb8;
	v63 =	vld [tilespmem:$0x0]  }
0x109: {  	_ =	swait.ge [sflag:s31], $0x2800  }
0x10a: {  	[sflag:s31] =	ssyncset.done $0x0  }
0x10b: {  	s15 =	simm.s32 $0x1000;
	[sflag:s31] =	ssyncadd.s32 $0xFFFFD800  }
0x10c: {  	[spmem:s1] =	stream.indirect.scatter.add.f32 [tilespmem:s22], [sflag:$0x5], $0x80, s15, s21, $0xb8;
	v63 =	vld [tilespmem:$0x0]  }
0x10d: {  	_ =	swait.ge [sflag:s19], $0x2800  }
0x10e: {  	[sflag:s19] =	ssyncset.done $0x0  }
0x10f: {  	s14 =	simm.s32 $0x200;
	[sflag:s19] =	ssyncadd.s32 $0xFFFFD800  }
0x110: {  	[tilespmem:s22], [sflag:$0x1] =	stream.indirect.gather [hbm4b:s4+s21], $0x80, s14, s21, $0xb8;
	v63 =	vld [tilespmem:$0x0]  }
0x111: {  	_ =	swait.ge [sflag:s0], $0x2800  }
0x112: {  	[sflag:s0] =	ssyncset.done $0x0  }
0x113: {  	s15 =	simm.s32 $0x1080;
	[sflag:s0] =	ssyncadd.s32 $0xFFFFD800  }
0x114: {  	[spmem:s1] =	stream.indirect.scatter.add.f32 [tilespmem:s24], [sflag:$0x5], $0x80, s15, s21, $0xb8;
	v63 =	vld [tilespmem:$0x0]  }
0x115: {  	_ =	swait.ge [sflag:s19], $0x2800  }
0x116: {  	[sflag:s19] =	ssyncset.done $0x0  }
0x117: {  	s14 =	simm.s32 $0x280;
	[sflag:s19] =	ssyncadd.s32 $0xFFFFD800  }
0x118: {  	[tilespmem:s24], [sflag:$0x2] =	stream.indirect.gather [hbm4b:s4+s21], $0x80, s14, s21, $0xb8;
	v63 =	vld [tilespmem:$0x0]  }
0x119: {  	_ =	swait.ge [sflag:s3], $0x2800  }
0x11a: {  	[sflag:s3] =	ssyncset.done $0x0  }
0x11b: {  	s15 =	simm.s32 $0x1100;
	[sflag:s3] =	ssyncadd.s32 $0xFFFFD800  }
0x11c: {  	[spmem:s1] =	stream.indirect.scatter.add.f32 [tilespmem:s28], [sflag:$0x5], $0x80, s15, s21, $0xb8;
	v63 =	vld [tilespmem:$0x0]  }
0x11d: {  	_ =	swait.ge [sflag:s19], $0x2800  }
0x11e: {  	[sflag:s19] =	ssyncset.done $0x0  }
0x11f: {  	s14 =	simm.s32 $0x300;
	[sflag:s19] =	ssyncadd.s32 $0xFFFFD800  }
0x120: {  	[tilespmem:s28], [sflag:$0x3] =	stream.indirect.gather [hbm4b:s4+s21], $0x80, s14, s21, $0xb8;
	v63 =	vld [tilespmem:$0x0]  }
0x121: {  	_ =	swait.ge [sflag:s5], $0x2800  }
0x122: {  	[sflag:s5] =	ssyncset.done $0x0  }
0x123: {  	s15 =	simm.s32 $0x1180;
	[sflag:s5] =	ssyncadd.s32 $0xFFFFD800  }
0x124: {  	[spmem:s1] =	stream.indirect.scatter.add.f32 [tilespmem:s30], [sflag:$0x5], $0x80, s15, s21, $0xb8;
	v63 =	vld [tilespmem:$0x0]  }
0x125: {  	_ =	swait.ge [sflag:s19], $0x2800  }
0x126: {  	[sflag:s19] =	ssyncset.done $0x0  }
0x127: {  	s13 =	simm.s32 $0x800;
	s14 =	simm.s32 $0x380;
	[sflag:s19] =	ssyncadd.s32 $0xFFFFD800  }
.LBB2_6:
0x128: {  	[tilespmem:s30], [sflag:$0x4] =	stream.indirect.gather [hbm4b:s4+s21], $0x80, s14, s21, $0xb8;
	v63 =	vld [tilespmem:$0x0]  }
0x129: {  	s14 =	smov.u32 s13  }
0x12a: {  	p1 =	sne.s32 s13, $0x3000;
	s13 =	sadd.s32 $0x800, s13;
	_ =	swait.ge [sflag:s31], $0x2800  }
0x12b: {  	s14 =	sshra.s32 s14, $0x2;
	[sflag:s31] =	ssyncset.done $0x0  }
0x12c: {  	s15 =	sadd.s32 $0x1000, s14;
	[sflag:s31] =	ssyncadd.s32 $0xFFFFD800  }
0x12d: {  	[spmem:s1] =	stream.indirect.scatter.add.f32 [tilespmem:s22], [sflag:$0x5], $0x80, s15, s21, $0xb8;
	v63 =	vld [tilespmem:$0x0]  }
0x12e: {  	_ =	swait.ge [sflag:s19], $0x2800  }
0x12f: {  	[sflag:s19] =	ssyncset.done $0x0  }
0x130: {  	s15 =	sadd.s32 $0x200, s14;
	[sflag:s19] =	ssyncadd.s32 $0xFFFFD800  }
0x131: {  	[tilespmem:s22], [sflag:$0x1] =	stream.indirect.gather [hbm4b:s4+s21], $0x80, s15, s21, $0xb8;
	v63 =	vld [tilespmem:$0x0]  }
0x132: {  	_ =	swait.ge [sflag:s0], $0x2800  }
0x133: {  	[sflag:s0] =	ssyncset.done $0x0  }
0x134: {  	s15 =	sadd.s32 $0x1080, s14;
	[sflag:s0] =	ssyncadd.s32 $0xFFFFD800  }
0x135: {  	[spmem:s1] =	stream.indirect.scatter.add.f32 [tilespmem:s24], [sflag:$0x5], $0x80, s15, s21, $0xb8;
	v63 =	vld [tilespmem:$0x0]  }
0x136: {  	_ =	swait.ge [sflag:s19], $0x2800  }
0x137: {  	[sflag:s19] =	ssyncset.done $0x0  }
0x138: {  	s15 =	sadd.s32 $0x280, s14;
	[sflag:s19] =	ssyncadd.s32 $0xFFFFD800  }
0x139: {  	[tilespmem:s24], [sflag:$0x2] =	stream.indirect.gather [hbm4b:s4+s21], $0x80, s15, s21, $0xb8;
	v63 =	vld [tilespmem:$0x0]  }
0x13a: {  	_ =	swait.ge [sflag:s3], $0x2800  }
0x13b: {  	[sflag:s3] =	ssyncset.done $0x0  }
0x13c: {  	s15 =	sadd.s32 $0x1100, s14;
	[sflag:s3] =	ssyncadd.s32 $0xFFFFD800  }
0x13d: {  	[spmem:s1] =	stream.indirect.scatter.add.f32 [tilespmem:s28], [sflag:$0x5], $0x80, s15, s21, $0xb8;
	v63 =	vld [tilespmem:$0x0]  }
0x13e: {  	_ =	swait.ge [sflag:s19], $0x2800  }
0x13f: {  	[sflag:s19] =	ssyncset.done $0x0  }
0x140: {  	s15 =	sadd.s32 $0x300, s14;
	[sflag:s19] =	ssyncadd.s32 $0xFFFFD800  }
0x141: {  	[tilespmem:s28], [sflag:$0x3] =	stream.indirect.gather [hbm4b:s4+s21], $0x80, s15, s21, $0xb8;
	v63 =	vld [tilespmem:$0x0]  }
0x142: {  	_ =	swait.ge [sflag:s5], $0x2800  }
0x143: {  	[sflag:s5] =	ssyncset.done $0x0  }
.Ltmp2:
0x144: {  	s15 =	sadd.s32 $0x1180, s14;
	[sflag:s5] =	ssyncadd.s32 $0xFFFFD800;
	(pc) =	sbr.rel @p1 .LBB2_6-.Ltmp2, $4  }
0x145: {  	[spmem:s1] =	stream.indirect.scatter.add.f32 [tilespmem:s30], [sflag:$0x5], $0x80, s15, s21, $0xb8;
	v63 =	vld [tilespmem:$0x0]  }
0x146: {  	_ =	swait.ge [sflag:s19], $0x2800  }
0x147: {  	[sflag:s19] =	ssyncset.done $0x0  }
0x148: {  	s14 =	sadd.s32 $0x380, s14;
	[sflag:s19] =	ssyncadd.s32 $0xFFFFD800  }
0x149: {  	[tilespmem:s30], [sflag:$0x4] =	stream.indirect.gather [hbm4b:s4+s21], $0x80, s14, s21, $0xb8;
	v63 =	vld [tilespmem:$0x0]  }
0x14a: {  	_ =	swait.ge [sflag:s31], $0x2800  }
0x14b: {  	[sflag:s31] =	ssyncset.done $0x0  }
0x14c: {  	[sflag:s31] =	ssyncadd.s32 $0xFFFFD800  }
0x14d: {  	[spmem:s1] =	stream.indirect.scatter.add.f32 [tilespmem:s22], [sflag:$0x5], $0x80, s8, s21, $0xb8;
	v63 =	vld [tilespmem:$0x0]  }
0x14e: {  	_ =	swait.ge [sflag:s19], $0x2800  }
0x14f: {  	[sflag:s19] =	ssyncset.done $0x0  }
0x150: {  	[sflag:s19] =	ssyncadd.s32 $0xFFFFD800  }
0x151: {  	_ =	swait.ge [sflag:s0], $0x2800  }
0x152: {  	[sflag:s0] =	ssyncset.done $0x0  }
0x153: {  	[sflag:s0] =	ssyncadd.s32 $0xFFFFD800  }
0x154: {  	[spmem:s1] =	stream.indirect.scatter.add.f32 [tilespmem:s24], [sflag:$0x5], $0x80, s9, s21, $0xb8;
	v63 =	vld [tilespmem:$0x0]  }
0x155: {  	_ =	swait.ge [sflag:s19], $0x2800  }
0x156: {  	[sflag:s19] =	ssyncset.done $0x0  }
0x157: {  	[sflag:s19] =	ssyncadd.s32 $0xFFFFD800  }
0x158: {  	_ =	swait.ge [sflag:s3], $0x2800  }
0x159: {  	[sflag:s3] =	ssyncset.done $0x0  }
0x15a: {  	[sflag:s3] =	ssyncadd.s32 $0xFFFFD800  }
0x15b: {  	[spmem:s1] =	stream.indirect.scatter.add.f32 [tilespmem:s28], [sflag:$0x5], $0x80, s10, s21, $0xb8;
	v63 =	vld [tilespmem:$0x0]  }
0x15c: {  	_ =	swait.ge [sflag:s19], $0x2800  }
0x15d: {  	[sflag:s19] =	ssyncset.done $0x0  }
0x15e: {  	[sflag:s19] =	ssyncadd.s32 $0xFFFFD800  }
0x15f: {  	_ =	swait.ge [sflag:s5], $0x2800  }
0x160: {  	[sflag:s5] =	ssyncset.done $0x0  }
0x161: {  	[sflag:s5] =	ssyncadd.s32 $0xFFFFD800  }
0x162: {  	[spmem:s1] =	stream.indirect.scatter.add.f32 [tilespmem:s30], [sflag:$0x5], $0x80, s11, s21, $0xb8;
	v63 =	vld [tilespmem:$0x0]  }
0x163: {  	_ =	swait.ge [sflag:s19], $0x2800  }
0x164: {  	[sflag:s19] =	ssyncset.done $0x0  }
0x165: {  	s13 =	simm.s32 $0x0;
	s15 =	rddreg [dreg:$0xa];
	[sflag:s19] =	ssyncadd.s32 $0xFFFFD800  }
0x166: {  	[tilespmem:s13], [sflag:$0x5] =	stream.linear.gather [hbm4b:s15+s13], $0x1000, $0x38;
	v63 =	vld [tilespmem:$0x0]  }
0x167: {  	_ =	swait.ge [sflag:s19], $0x1000  }
0x168: {  	[sflag:s19] =	ssyncset.done $0x0  }
0x169: {  	s15 =	rddreg [dreg:$0xb];
	[sflag:s19] =	ssyncadd.s32 $0xFFFFF000  }
0x16a: {  	[tilespmem:s20], [sflag:$0x5] =	stream.linear.gather [hbm4b:s15+s13], $0x1000, $0x38;
	v63 =	vld [tilespmem:$0x0]  }
0x16b: {  	_ =	swait.ge [sflag:s19], $0x1000  }
0x16c: {  	[sflag:s19] =	ssyncset.done $0x0  }
0x16d: {  	[sflag:s19] =	ssyncadd.s32 $0xFFFFF000  }
0x16e: {  	[tilespmem:s22], [sflag:$0x1] =	stream.indirect.gather [hbm4b:s4+s21], $0x80, s13, s21, $0xb8;
	v63 =	vld [tilespmem:$0x0]  }
0x16f: {  	_ = 	snop  }
0x170: {  	[tilespmem:s24], [sflag:$0x2] =	stream.indirect.gather [hbm4b:s4+s21], $0x80, s23, s21, $0xb8;
	v63 =	vld [tilespmem:$0x0]  }
0x171: {  	_ = 	snop  }
0x172: {  	[tilespmem:s28], [sflag:$0x3] =	stream.indirect.gather [hbm4b:s4+s21], $0x80, s26, s21, $0xb8;
	v63 =	vld [tilespmem:$0x0]  }
0x173: {  	_ = 	snop  }
0x174: {  	[tilespmem:s30], [sflag:$0x4] =	stream.indirect.gather [hbm4b:s4+s21], $0x80, s29, s21, $0xb8;
	v63 =	vld [tilespmem:$0x0]  }
0x175: {  	_ =	swait.ge [sflag:s31], $0x2800  }
0x176: {  	[sflag:s31] =	ssyncset.done $0x0  }
0x177: {  	s15 =	simm.s32 $0x1000;
	[sflag:s31] =	ssyncadd.s32 $0xFFFFD800  }
0x178: {  	[spmem:s1] =	stream.indirect.scatter.add.f32 [tilespmem:s22], [sflag:$0x5], $0x80, s15, s21, $0xb8;
	v63 =	vld [tilespmem:$0x0]  }
0x179: {  	_ =	swait.ge [sflag:s19], $0x2800  }
0x17a: {  	[sflag:s19] =	ssyncset.done $0x0  }
0x17b: {  	s14 =	simm.s32 $0x200;
	[sflag:s19] =	ssyncadd.s32 $0xFFFFD800  }
0x17c: {  	[tilespmem:s22], [sflag:$0x1] =	stream.indirect.gather [hbm4b:s4+s21], $0x80, s14, s21, $0xb8;
	v63 =	vld [tilespmem:$0x0]  }
0x17d: {  	_ =	swait.ge [sflag:s0], $0x2800  }
0x17e: {  	[sflag:s0] =	ssyncset.done $0x0  }
0x17f: {  	s15 =	simm.s32 $0x1080;
	[sflag:s0] =	ssyncadd.s32 $0xFFFFD800  }
0x180: {  	[spmem:s1] =	stream.indirect.scatter.add.f32 [tilespmem:s24], [sflag:$0x5], $0x80, s15, s21, $0xb8;
	v63 =	vld [tilespmem:$0x0]  }
0x181: {  	_ =	swait.ge [sflag:s19], $0x2800  }
0x182: {  	[sflag:s19] =	ssyncset.done $0x0  }
0x183: {  	s14 =	simm.s32 $0x280;
	[sflag:s19] =	ssyncadd.s32 $0xFFFFD800  }
0x184: {  	[tilespmem:s24], [sflag:$0x2] =	stream.indirect.gather [hbm4b:s4+s21], $0x80, s14, s21, $0xb8;
	v63 =	vld [tilespmem:$0x0]  }
0x185: {  	_ =	swait.ge [sflag:s3], $0x2800  }
0x186: {  	[sflag:s3] =	ssyncset.done $0x0  }
0x187: {  	s15 =	simm.s32 $0x1100;
	[sflag:s3] =	ssyncadd.s32 $0xFFFFD800  }
0x188: {  	[spmem:s1] =	stream.indirect.scatter.add.f32 [tilespmem:s28], [sflag:$0x5], $0x80, s15, s21, $0xb8;
	v63 =	vld [tilespmem:$0x0]  }
0x189: {  	_ =	swait.ge [sflag:s19], $0x2800  }
0x18a: {  	[sflag:s19] =	ssyncset.done $0x0  }
0x18b: {  	s14 =	simm.s32 $0x300;
	[sflag:s19] =	ssyncadd.s32 $0xFFFFD800  }
0x18c: {  	[tilespmem:s28], [sflag:$0x3] =	stream.indirect.gather [hbm4b:s4+s21], $0x80, s14, s21, $0xb8;
	v63 =	vld [tilespmem:$0x0]  }
0x18d: {  	_ =	swait.ge [sflag:s5], $0x2800  }
0x18e: {  	[sflag:s5] =	ssyncset.done $0x0  }
0x18f: {  	s15 =	simm.s32 $0x1180;
	[sflag:s5] =	ssyncadd.s32 $0xFFFFD800  }
0x190: {  	[spmem:s1] =	stream.indirect.scatter.add.f32 [tilespmem:s30], [sflag:$0x5], $0x80, s15, s21, $0xb8;
	v63 =	vld [tilespmem:$0x0]  }
0x191: {  	_ =	swait.ge [sflag:s19], $0x2800  }
0x192: {  	[sflag:s19] =	ssyncset.done $0x0  }
0x193: {  	s13 =	simm.s32 $0x800;
	s14 =	simm.s32 $0x380;
	[sflag:s19] =	ssyncadd.s32 $0xFFFFD800  }
.LBB2_8:
0x194: {  	[tilespmem:s30], [sflag:$0x4] =	stream.indirect.gather [hbm4b:s4+s21], $0x80, s14, s21, $0xb8;
	v63 =	vld [tilespmem:$0x0]  }
0x195: {  	s14 =	smov.u32 s13  }
0x196: {  	p1 =	sne.s32 s13, $0x3000;
	s13 =	sadd.s32 $0x800, s13;
	_ =	swait.ge [sflag:s31], $0x2800  }
0x197: {  	s14 =	sshra.s32 s14, $0x2;
	[sflag:s31] =	ssyncset.done $0x0  }
0x198: {  	s15 =	sadd.s32 $0x1000, s14;
	[sflag:s31] =	ssyncadd.s32 $0xFFFFD800  }
0x199: {  	[spmem:s1] =	stream.indirect.scatter.add.f32 [tilespmem:s22], [sflag:$0x5], $0x80, s15, s21, $0xb8;
	v63 =	vld [tilespmem:$0x0]  }
0x19a: {  	_ =	swait.ge [sflag:s19], $0x2800  }
0x19b: {  	[sflag:s19] =	ssyncset.done $0x0  }
0x19c: {  	s15 =	sadd.s32 $0x200, s14;
	[sflag:s19] =	ssyncadd.s32 $0xFFFFD800  }
0x19d: {  	[tilespmem:s22], [sflag:$0x1] =	stream.indirect.gather [hbm4b:s4+s21], $0x80, s15, s21, $0xb8;
	v63 =	vld [tilespmem:$0x0]  }
0x19e: {  	_ =	swait.ge [sflag:s0], $0x2800  }
0x19f: {  	[sflag:s0] =	ssyncset.done $0x0  }
0x1a0: {  	s15 =	sadd.s32 $0x1080, s14;
	[sflag:s0] =	ssyncadd.s32 $0xFFFFD800  }
0x1a1: {  	[spmem:s1] =	stream.indirect.scatter.add.f32 [tilespmem:s24], [sflag:$0x5], $0x80, s15, s21, $0xb8;
	v63 =	vld [tilespmem:$0x0]  }
0x1a2: {  	_ =	swait.ge [sflag:s19], $0x2800  }
0x1a3: {  	[sflag:s19] =	ssyncset.done $0x0  }
0x1a4: {  	s15 =	sadd.s32 $0x280, s14;
	[sflag:s19] =	ssyncadd.s32 $0xFFFFD800  }
0x1a5: {  	[tilespmem:s24], [sflag:$0x2] =	stream.indirect.gather [hbm4b:s4+s21], $0x80, s15, s21, $0xb8;
	v63 =	vld [tilespmem:$0x0]  }
0x1a6: {  	_ =	swait.ge [sflag:s3], $0x2800  }
0x1a7: {  	[sflag:s3] =	ssyncset.done $0x0  }
0x1a8: {  	s15 =	sadd.s32 $0x1100, s14;
	[sflag:s3] =	ssyncadd.s32 $0xFFFFD800  }
0x1a9: {  	[spmem:s1] =	stream.indirect.scatter.add.f32 [tilespmem:s28], [sflag:$0x5], $0x80, s15, s21, $0xb8;
	v63 =	vld [tilespmem:$0x0]  }
0x1aa: {  	_ =	swait.ge [sflag:s19], $0x2800  }
0x1ab: {  	[sflag:s19] =	ssyncset.done $0x0  }
0x1ac: {  	s15 =	sadd.s32 $0x300, s14;
	[sflag:s19] =	ssyncadd.s32 $0xFFFFD800  }
0x1ad: {  	[tilespmem:s28], [sflag:$0x3] =	stream.indirect.gather [hbm4b:s4+s21], $0x80, s15, s21, $0xb8;
	v63 =	vld [tilespmem:$0x0]  }
0x1ae: {  	_ =	swait.ge [sflag:s5], $0x2800  }
0x1af: {  	[sflag:s5] =	ssyncset.done $0x0  }
.Ltmp3:
0x1b0: {  	s15 =	sadd.s32 $0x1180, s14;
	[sflag:s5] =	ssyncadd.s32 $0xFFFFD800;
	(pc) =	sbr.rel @p1 .LBB2_8-.Ltmp3, $4  }
0x1b1: {  	[spmem:s1] =	stream.indirect.scatter.add.f32 [tilespmem:s30], [sflag:$0x5], $0x80, s15, s21, $0xb8;
	v63 =	vld [tilespmem:$0x0]  }
0x1b2: {  	_ =	swait.ge [sflag:s19], $0x2800  }
0x1b3: {  	[sflag:s19] =	ssyncset.done $0x0  }
0x1b4: {  	s14 =	sadd.s32 $0x380, s14;
	[sflag:s19] =	ssyncadd.s32 $0xFFFFD800  }
0x1b5: {  	[tilespmem:s30], [sflag:$0x4] =	stream.indirect.gather [hbm4b:s4+s21], $0x80, s14, s21, $0xb8;
	v63 =	vld [tilespmem:$0x0]  }
0x1b6: {  	_ =	swait.ge [sflag:s31], $0x2800  }
0x1b7: {  	[sflag:s31] =	ssyncset.done $0x0  }
0x1b8: {  	[sflag:s31] =	ssyncadd.s32 $0xFFFFD800  }
0x1b9: {  	[spmem:s1] =	stream.indirect.scatter.add.f32 [tilespmem:s22], [sflag:$0x5], $0x80, s8, s21, $0xb8;
	v63 =	vld [tilespmem:$0x0]  }
0x1ba: {  	_ =	swait.ge [sflag:s19], $0x2800  }
0x1bb: {  	[sflag:s19] =	ssyncset.done $0x0  }
0x1bc: {  	[sflag:s19] =	ssyncadd.s32 $0xFFFFD800  }
0x1bd: {  	_ =	swait.ge [sflag:s0], $0x2800  }
0x1be: {  	[sflag:s0] =	ssyncset.done $0x0  }
0x1bf: {  	[sflag:s0] =	ssyncadd.s32 $0xFFFFD800  }
0x1c0: {  	[spmem:s1] =	stream.indirect.scatter.add.f32 [tilespmem:s24], [sflag:$0x5], $0x80, s9, s21, $0xb8;
	v63 =	vld [tilespmem:$0x0]  }
0x1c1: {  	_ =	swait.ge [sflag:s19], $0x2800  }
0x1c2: {  	[sflag:s19] =	ssyncset.done $0x0  }
0x1c3: {  	[sflag:s19] =	ssyncadd.s32 $0xFFFFD800  }
0x1c4: {  	_ =	swait.ge [sflag:s3], $0x2800  }
0x1c5: {  	[sflag:s3] =	ssyncset.done $0x0  }
0x1c6: {  	[sflag:s3] =	ssyncadd.s32 $0xFFFFD800  }
0x1c7: {  	[spmem:s1] =	stream.indirect.scatter.add.f32 [tilespmem:s28], [sflag:$0x5], $0x80, s10, s21, $0xb8;
	v63 =	vld [tilespmem:$0x0]  }
0x1c8: {  	_ =	swait.ge [sflag:s19], $0x2800  }
0x1c9: {  	[sflag:s19] =	ssyncset.done $0x0  }
0x1ca: {  	[sflag:s19] =	ssyncadd.s32 $0xFFFFD800  }
0x1cb: {  	_ =	swait.ge [sflag:s5], $0x2800  }
0x1cc: {  	[sflag:s5] =	ssyncset.done $0x0  }
0x1cd: {  	[sflag:s5] =	ssyncadd.s32 $0xFFFFD800  }
0x1ce: {  	[spmem:s1] =	stream.indirect.scatter.add.f32 [tilespmem:s30], [sflag:$0x5], $0x80, s11, s21, $0xb8;
	v63 =	vld [tilespmem:$0x0]  }
0x1cf: {  	_ =	swait.ge [sflag:s19], $0x2800  }
0x1d0: {  	[sflag:s19] =	ssyncset.done $0x0  }
0x1d1: {  	[sflag:s19] =	ssyncadd.s32 $0xFFFFD800  }
0x1d2: {  	s13 =	simm.s32 @p0 $0x5;
	[bflag:$0x0] =	sbarrier.arrive $0xFFFF  }
0x1d3: {  	[hbm:s17], [sflag:s7] =	dma.local @p0 [spmem:s25], $0x1900  }
0x1d4: {  	_ =	swait.ge @p0 [sflag:s13], $0x1900  }
0x1d5: {  	s12 =	sadd.s32 $0x1, s12;
	[sflag:s13] =	ssyncset.done @p0 $0x0  }
0x1d6: {  	p1 =	sne.s32 s12, s18;
	[sflag:s13] =	ssyncadd.s32 @p0 $0xFFFFE700;
	s13 =	sshrl.u32 @!p0 s6, $0x3  }
0x1d7: {  	[hbm:s16], [sflag:s7] =	dma.local @!p0 [spmem:s13], $0x2800  }
.Ltmp4:
0x1d8: {  	_ = 	snop;
	(pc) =	sbr.rel @p1 .LBB2_1-.Ltmp4, $4  }
0x1d9: {  	s13 =	simm.s32 @!p0 $0x5  }
0x1da: {  	_ =	swait.ge @!p0 [sflag:s13], $0x2800  }
0x1db: {  	[sflag:s13] =	ssyncset.done @!p0 $0x0  }
0x1dc: {  	[sflag:s13] =	ssyncadd.s32 @!p0 $0xFFFFD800  }
0x1dd: {  	_ =	sfence.sel $0x180000  }
0x1de: {  	[bflag:$0x0] =	sbarrier.arrive $0xFFFF  }
0x1df: {  	_ =	strace $0x9000004A  }
0x1e0: {  	s0 =	stileid.u32;
	[bflag:$0x2] =	sbarrier.arrive $0xFFFF  }
0x1e1: {  	p0 =	sne.s32 s0, $0x0;
	s0 =	rddreg [dreg:$0x2]  }
0x1e2: {  	s0 =	sadd.s32 @!p0 $0x100000, s0  }
0x1e3: {  	[sflag:s0] =	ssyncadd.tile.s32 @!p0 $0x1;
	_ =	shalt  }
.Lfunc_end2:
_tile_overlayer_lowered:
.L_overlay_start_2:
0x1e4: {  	(tag) =	ssettag $0x2  }
0x1e5: {  	s0 =	rddreg [dreg:$0x0];
	s2 =	stileid.u32  }
0x1e6: {  	s1 =	rddreg [dreg:$0x1];
	p0 =	sne.s32 s2, $0x0  }
0x1e7: {  	s3 =	rddreg [dreg:$0x2];
	[bflag:$0x3] =	sbarrier.arrive $0xFFFF;
	s2 =	simm.s32 @!p0 $0x1C05  }
0x1e8: {  	[timem:s3], [sflag:s2] =	dma.local @!p0 [hbm:s0], s1  }
0x1e9: {  	s0 =	simm.s32 @!p0 $0x5  }
0x1ea: {  	_ =	swait.ge @!p0 [sflag:s0], s1  }
0x1eb: {  	s1 =	ssub.s32 @!p0 $0x0, s1;
	[sflag:s0] =	ssyncset.done @!p0 $0x0  }
0x1ec: {  	[sflag:s0] =	ssyncadd.s32 @!p0 s1  }
0x1ed: {  	[bflag:$0x3] =	sbarrier.arrive $0xFFFF  }
0x1ee: {  	_ =	shalt  }

// kernel: kernel.16.cloned.1.call-start
scs
__scs_entry_jumppad:
0x0: {  	(pc) =	sbr.rel $0x88, $3  }
0x1: {  	(tag) =	ssettag $0x0;
	lr =	simm.s32 $0x1  }
0x2: {  	[smem:$0x3F97] =	sst lr;
	_ =	strace $0xD0000000  }
0x3: {  	_ = 	snop  }
0x4: {  	_ = 	snop  }
0x5: {  	_ = 	snop  }
0x6: {  	_ = 	snop  }
0x7: {  	_ = 	snop  }
__scs_overlays_trampoline_lowered:
0x8: {  	[smem:$0x3FA6] =	sst s0  }
0x9: {  	[smem:$0x3FA7] =	sst s1  }
0xa: {  	[smem:$0x3FA8] =	sst s2  }
0xb: {  	[smem:$0x3FA9] =	sst s3  }
0xc: {  	[smem:$0x3FAA] =	sst s4  }
0xd: {  	[smem:$0x3FAB] =	sst s5  }
0xe: {  	[smem:$0x3FAC] =	sst s6  }
0xf: {  	[smem:$0x3FAD] =	sst s7  }
0x10: {  	[smem:$0x3FAE] =	sst s8  }
0x11: {  	[smem:$0x3FAF] =	sst s9;
	s0 =	simm.s32 @!p0 $0x0  }
0x12: {  	s1 =	sld [smem:$0x3F95];
	s0 =	simm.s32 @p0 $0x1  }
0x13: {  	[smem:$0x3FB0] =	sst s0;
	s0 =	simm.s32 @!p1 $0x0  }
0x14: {  	s2 =	sld [smem:$0x3F94];
	s0 =	simm.s32 @p1 $0x1  }
0x15: {  	[smem:$0x3FB1] =	sst s0;
	s0 =	simm.s32 @!p2 $0x0  }
0x16: {  	s3 =	sld [smem:$0x3FDB];
	s0 =	simm.s32 @p2 $0x1  }
0x17: {  	s4 =	simm.s32 $0x1BF5;
	[smem:$0x3FB3] =	sst s0  }
0x18: {  	s0 =	sld [smem:$0x3F96];
	_ =	swait.ge [sflag:s4], $0x0  }
0x19: {  	s7 =	sld [smem:$0x3F97]  }
0x1a: {  	s8 =	sadd.s32 $0xFFFFE003, lr  }
0x1b: {  	s9 =	sadd.s32 $0xFFFFFEF7, lr;
	s5 =	simm.s32 $0xFFFFFFFF;
	p2 =	slt.u32 s8, $0xFFFFF086  }
0x1c: {  	p1 =	slt.u32 s9, $0xF7A;
	s5 =	simm.s32 @!p2 $0x0  }
0x1d: {  	s5 =	simm.s32 @p1 $0x1;
	p0 =	seq.s32 s7, s2  }
0x1e: {  	s7 =	smul.u32 @!p0 $0xF7A, s2;
	p2 =	seq.s32 @!p0 s5, $0x0  }
0x1f: {  	s9 =	smul.u32 $0xF7A, s1;
	s8 =	simm.s32 @!p0 $0x1BF5;
	p2 =	por !p2, p0  }
0x20: {  	[sflag:s8] =	ssyncset.s32 @!p0 $0xFFFFF086;
	s6 =	sadd.s32 @!p0 s3, s7;
	s7 =	simm.s32 @!p0 $0x108  }
0x21: {  	s3 =	sadd.s32 s3, s9;
	s6 =	sadd.s32 @!p0 $0x88, s6;
	s7 =	simm.s32 @p2 $0x1082  }
0x22: {  	[simem:s7], [sflag:s8] =	dma.local @!p0 [hbm:s6], $0xF7A  }
0x23: {  	s9 =	sor.u32 $0xD0000000, s2;
	s6 =	simm.s32 $0x108;
	_ =	swait.ge @!p0 [sflag:s8], $0x0  }
0x24: {  	s3 =	sadd.s32 $0x88, s3;
	s6 =	simm.s32 @!p1 $0x1082;
	[sflag:s4] =	ssyncset.s32 $0xFFFFF086  }
0x25: {  	[simem:s6], [sflag:s4] =	dma.local [hbm:s3], $0xF7A  }
0x26: {  	[smem:$0x3F97] =	sst s1;
	(tag) =	ssettag s2;
	_ =	strace s9  }
0x27: {  	s1 =	sld [smem:$0x3FA7]  }
0x28: {  	s2 =	sld [smem:$0x3FA8]  }
0x29: {  	s4 =	sld [smem:$0x3FAA]  }
0x2a: {  	p0 =	seq.s32 s5, $0x0;
	s5 =	sld [smem:$0x3FAB]  }
0x2b: {  	s6 =	sld [smem:$0x3FAC]  }
0x2c: {  	s7 =	sld [smem:$0x3FAD]  }
0x2d: {  	s3 =	simm.s32 $0x108;
	s8 =	sld [smem:$0x3FAE]  }
0x2e: {  	s3 =	simm.s32 @!p0 $0x1082;
	s9 =	sld [smem:$0x3FAF]  }
0x2f: {  	lr =	sadd.s32 s0, s3;
	s0 =	sld [smem:$0x3FA6]  }
0x30: {  	s3 =	sld [smem:$0x3FA9]  }
0x31: {  	[smem:$0x3FB2] =	sst s10  }
0x32: {  	s10 =	sld [smem:$0x3FB0];
	_ =	sdelay $0x3  }
0x33: {  	p0 =	seq.s32 s10, $0x1;
	s10 =	sld [smem:$0x3FB2];
	_ =	sdelay $0x3  }
0x34: {  	[smem:$0x3FB2] =	sst s10  }
0x35: {  	s10 =	sld [smem:$0x3FB1];
	_ =	sdelay $0x3  }
0x36: {  	p1 =	seq.s32 s10, $0x1;
	s10 =	sld [smem:$0x3FB2];
	_ =	sdelay $0x3  }
0x37: {  	[smem:$0x3FB2] =	sst s10  }
0x38: {  	s10 =	sld [smem:$0x3FB3]  }
0x39: {  	_ = 	snop;
	(pc) =	sbr.ind lr, $3  }
0x3a: {  	_ = 	snop  }
0x3b: {  	_ = 	snop  }
0x3c: {  	p2 =	seq.s32 s10, $0x1;
	s10 =	sld [smem:$0x3FB2]  }
0x3d: {  	_ =	shalt  }
0x3e: {  	_ =	shalt  }
0x3f: {  	_ =	shalt  }
0x40: {  	_ =	shalt  }
0x41: {  	_ =	shalt  }
0x42: {  	_ =	shalt  }
0x43: {  	_ =	shalt  }
0x44: {  	_ =	shalt  }
0x45: {  	_ =	shalt  }
0x46: {  	_ =	shalt  }
0x47: {  	_ =	shalt  }
0x48: {  	_ =	shalt  }
0x49: {  	_ =	shalt  }
0x4a: {  	_ =	shalt  }
0x4b: {  	_ =	shalt  }
0x4c: {  	_ =	shalt  }
0x4d: {  	_ =	shalt  }
0x4e: {  	_ =	shalt  }
0x4f: {  	_ =	shalt  }
0x50: {  	_ =	shalt  }
0x51: {  	_ =	shalt  }
0x52: {  	_ =	shalt  }
0x53: {  	_ =	shalt  }
0x54: {  	_ =	shalt  }
0x55: {  	_ =	shalt  }
0x56: {  	_ =	shalt  }
0x57: {  	_ =	shalt  }
0x58: {  	_ =	shalt  }
0x59: {  	_ =	shalt  }
0x5a: {  	_ =	shalt  }
0x5b: {  	_ =	shalt  }
0x5c: {  	_ =	shalt  }
0x5d: {  	_ =	shalt  }
0x5e: {  	_ =	shalt  }
0x5f: {  	_ =	shalt  }
0x60: {  	_ =	shalt  }
0x61: {  	_ =	shalt  }
0x62: {  	_ =	shalt  }
0x63: {  	_ =	shalt  }
0x64: {  	_ =	shalt  }
0x65: {  	_ =	shalt  }
0x66: {  	_ =	shalt  }
0x67: {  	_ =	shalt  }
0x68: {  	_ =	shalt  }
0x69: {  	_ =	shalt  }
0x6a: {  	_ =	shalt  }
0x6b: {  	_ =	shalt  }
0x6c: {  	_ =	shalt  }
0x6d: {  	_ =	shalt  }
0x6e: {  	_ =	shalt  }
0x6f: {  	_ =	shalt  }
0x70: {  	_ =	shalt  }
0x71: {  	_ =	shalt  }
0x72: {  	_ =	shalt  }
0x73: {  	_ =	shalt  }
0x74: {  	_ =	shalt  }
0x75: {  	_ =	shalt  }
0x76: {  	_ =	shalt  }
0x77: {  	_ =	shalt  }
0x78: {  	_ =	shalt  }
0x79: {  	_ =	shalt  }
0x7a: {  	_ =	shalt  }
0x7b: {  	_ =	shalt  }
0x7c: {  	_ =	shalt  }
0x7d: {  	_ =	shalt  }
0x7e: {  	_ =	shalt  }
0x7f: {  	_ =	shalt  }
0x80: {  	_ =	shalt  }
0x81: {  	_ =	shalt  }
0x82: {  	_ =	shalt  }
0x83: {  	_ =	shalt  }
0x84: {  	_ =	shalt  }
0x85: {  	_ =	shalt  }
0x86: {  	_ =	shalt  }
0x87: {  	_ =	shalt  }
.Lfunc_end0:
.L_simem_size_0:
called_computation.2_lowered:
.L_overlay_start_0:
0x88: {  	s2 =	sld [smem:$0x3FD9]  }
0x89: {  	s3 =	sld [smem:$0x3FFE];
	_ =	sdelay $0x1  }
0x8a: {  	s1 =	srdreg.scid  }
0x8b: {  	s0 =	sand.u32 $0x1, s1  }
0x8c: {  	s17 =	sshll.u32 s0, $0xA;
	s2 =	sadd.s32 s3, s2  }
0x8d: {  	s2 =	sadd.s32 s2, s17  }
0x8e: {  	[smem:$0x3FBE] =	sst s2  }
0x8f: {  	_ = 	snop  }
0x90: {  	s2 =	sld [smem:$0x3FC4]  }
0x91: {  	s18 =	sld [smem:$0x3FC2]  }
0x92: {  	s4 =	sld [smem:$0x3FC1]  }
0x93: {  	s5 =	sld [smem:$0x3FC0];
	(tm) =	ssettm $0x1  }
0x94: {  	s6 =	sld [smem:$0x3FFB];
	_ =	sdelay $0x3  }
0x95: {  	_ =	strace s6  }
0x96: {  	s6 =	sld [smem:$0x3FFC];
	_ =	sdelay $0x3  }
0x97: {  	_ =	strace s6  }
0x98: {  	s6 =	sld [smem:$0x3FFD];
	_ =	sdelay $0x3  }
0x99: {  	_ =	strace s6  }
0x9a: {  	_ =	strace $0x8FFFFFFF  }
0x9b: {  	s19 =	sld [smem:$0x3FDB];
	_ =	sdelay $0x1  }
0x9c: {  	s7 =	simm.s32 $_scs_section_size  }
0x9d: {  	s8 =	simm.s32 $_size__tile_overlayer_lowered;
	s9 =	simm.s32 $_tile_overlayer_lowered  }
0x9e: {  	s22 =	simm.s32 $0x1BFF;
	s21 =	sshll.u32 s9, $0x1;
	s6 =	sadd.s32 s7, s19  }
0x9f: {  	s10 =	simm.s32 $0x0;
	s20 =	sshll.u32 s8, $0x1;
	s8 =	sadd.s32 s21, s6  }
0xa0: {  	[timem:s10], [sflag:s22] =	dma.local [hbm:s8], s20  }
0xa1: {  	_ =	swait.ge [sflag:s22], s20  }
0xa2: {  	s7 =	ssub.s32 $0x0, s20;
	[sflag:s22] =	ssyncset.done $0x0  }
0xa3: {  	[sflag:s22] =	ssyncadd.s32 s7;
	_ =	sdelay $0x1  }
0xa4: {  	s23 =	simm.s32 $0x1B8B  }
0xa5: {  	_ =	swait.ge [sflag:s23], $0x1  }
0xa6: {  	[sflag:s23] =	ssyncset.done $0x0  }
0xa7: {  	s25 =	simm.s32 $0x1B8E;
	s24 =	sld [smem:$0x3FFE];
	[sflag:s23] =	ssyncadd.s32 $0xFFFFFFFF  }
0xa8: {  	s26 =	simm.s32 $execute0_lowered;
	[smem:$0x3FD2] =	sst s25  }
0xa9: {  	s8 =	sshll.u32 s26, $0x1;
	_ =	strace $0x8000004C;
	[dreg:$0x1] =	wrdreg $0xFFFFFFFF  }
0xaa: {  	s28 =	simm.s32 $_size_execute0_lowered;
	s6 =	sadd.s32 s6, s8;
	[dreg:$0x0] =	wrdreg $0x0  }
0xab: {  	s8 =	sshll.u32 s28, $0x1;
	[dreg:$0x2] =	wrdreg s6  }
0xac: {  	[dreg:$0x3] =	wrdreg s8  }
0xad: {  	[dreg:$0x4] =	wrdreg $0xC0  }
0xae: {  	_ =	task [dreg:s10], $0x5FFFF  }
0xaf: {  	[dreg:$0x1] =	wrdreg $0xFFFFFFFF  }
0xb0: {  	[dreg:$0x0] =	wrdreg $0x60  }
0xb1: {  	[dreg:$0x2] =	wrdreg s24  }
0xb2: {  	[dreg:$0x3] =	wrdreg s2  }
0xb3: {  	[dreg:$0x4] =	wrdreg s18  }
0xb4: {  	[dreg:$0x5] =	wrdreg s4  }
0xb5: {  	[dreg:$0x6] =	wrdreg s5  }
0xb6: {  	[dreg:$0x7] =	wrdreg $0x9  }
0xb7: {  	_ =	task.clear_ibuf [dreg:s10], $0x8FFFF;
	_ =	strace $0x9000004C  }
0xb8: {  	s29 =	simm.s32 $0x9;
	_ =	strace $0x8000004E  }
0xb9: {  	_ =	swait.ge [sflag:s29], $0x1  }
0xba: {  	[sflag:s29] =	ssyncadd.s32 $0xFFFFFFFF  }
0xbb: {  	_ =	strace $0x9000004E  }
0xbc: {  	_ =	sfence  }
0xbd: {  	s30 =	sld [smem:$0x0];
	_ =	sdelay $0x2  }
0xbe: {  	s31 =	sshll.u32 s1, $0xD;
	s1 =	sshrl.u32 s1, $0x2  }
0xbf: {  	s3 =	sand.u32 $0x4000, s31;
	s1 =	sadd.s32 s1, s30  }
0xc0: {  	s0 =	sor.u32 s3, s0;
	s1 =	sshll.u32 s1, $0x11  }
0xc1: {  	s0 =	sor.u32 s1, s0  }
0xc2: {  	s0 =	sadd.s32 $0x8F2B, s0  }
0xc3: {  	[sflag:s0] =	ssyncadd.remote.s32 $0x1  }
0xc4: {  	_ =	sfence.sel $0xFFFF  }
0xc5: {  	[dreg:$0x0] =	wrdreg $0xFFFFFFFF;
	(pc) =	sbr.abs _section_cstart, $3  }
0xc6: {  	[dreg:$0x1] =	wrdreg $0xFFFFFFFF  }
0xc7: {  	_ =	task.clear_ibuf [dreg:s10], $0x2FFFF;
	_ =	strace $0x9FFFFFFF  }
0xc8: {  	(tm) =	ssettm $0x7FFFFFFF  }
0xc9: {  	_ =	shalt  }
tec
execute0_lowered:
.L_overlay_start_1:
0x0: {  	(tag) =	ssettag $0x1  }
0x1: {  	s0 =	srdreg.scid;
	s13 =	rddreg [dreg:$0x0]  }
0x2: {  	s1 =	rddreg [dreg:$0x1];
	s19 =	sand.u32 $0x1, s0  }
0x3: {  	s14 =	rddreg [dreg:$0x2];
	s0 =	stileid.u32;
	s2 =	sshll.u32 s19, $0x4  }
0x4: {  	s16 =	rddreg [dreg:$0x3];
	s15 =	sor.u32 s0, s2  }
0x5: {  	s18 =	rddreg [dreg:$0x4];
	s3 =	sshll.u32 s0, $0x8;
	s2 =	sshll.u32 s15, $0x8  }
0x6: {  	s4 =	sand.u32 $0x300, s3;
	s3 =	simm.s32 $0x0;
	s17 =	sand.u32 $0x1C00, s2  }
0x7: {  	[smem:$0x7FF] =	sst s3;
	s4 =	sor.u32 s4, s17  }
0x8: {  	s2 =	rddreg [dreg:$0x5];
	s12 =	sshrl.u32 s4, $0x3  }
0x9: {  	_ =	strace $0x8000004D;
	s4 =	simm.s32 $0x2;
	s5 =	sadd.s32 s14, s12  }
0xa: {  	[tilespmem:s3], [sflag:$0x2] =	stream.linear.gather [hbm4b:s5+s3], $0x80, $0x38;
	[tilespmem:$0x4080] =	vst v63  }
0xb: {  	_ =	swait.ge [sflag:s4], $0x80  }
0xc: {  	s7 =	simm.s32 $0x80;
	[sflag:s4] =	ssyncset.done $0x0  }
0xd: {  	s8 =	simm.s32 $0x1;
	s6 =	sadd.s32 $0x2800, s13;
	[sflag:s4] =	ssyncadd.s32 $0xFFFFFF80  }
0xe: {  	[tilespmem:s7], [sflag:$0x1] =	stream.indirect.gather [hbm4b:s6+s7], $0x80, s3, s7, $0xb8;
	[tilespmem:$0x4080] =	vst v63  }
0xf: {  	_ =	swait.ge [sflag:s8], $0x4000  }
0x10: {  	s20 =	sadd.s32 $0x29A00, s13;
	s21 =	sshll.u32 s15, $0xC;
	[sflag:s8] =	ssyncset.done $0x0  }
0x11: {  	s9 =	sadd.s32 s20, s21;
	[sflag:s8] =	ssyncadd.s32 $0xFFFFC000  }
0x12: {  	[hbm4b:s9+s3] =	stream.linear.scatter [tilespmem:s7], [sflag:$0x2], $0x4000, $0x38;
	[tilespmem:$0x4080] =	vst v63  }
0x13: {  	_ =	swait.ge [sflag:s4], $0x4000  }
0x14: {  	[sflag:s4] =	ssyncset.done $0x0  }
0x15: {  	s10 =	sadd.s32 s16, s12;
	[sflag:s4] =	ssyncadd.s32 $0xFFFFC000  }
0x16: {  	[tilespmem:s3], [sflag:$0x2] =	stream.linear.gather [hbm4b:s10+s3], $0x80, $0x38;
	[tilespmem:$0x4080] =	vst v63  }
0x17: {  	_ =	swait.ge [sflag:s4], $0x80  }
0x18: {  	[sflag:s4] =	ssyncset.done $0x0  }
0x19: {  	[sflag:s4] =	ssyncadd.s32 $0xFFFFFF80  }
0x1a: {  	[tilespmem:s7], [sflag:$0x1] =	stream.indirect.gather [hbm4b:s1+s7], $0x80, s3, s7, $0xb8;
	[tilespmem:$0x4080] =	vst v63  }
0x1b: {  	_ =	swait.ge [sflag:s8], $0x4000  }
0x1c: {  	s22 =	sadd.s32 $0x49A00, s13;
	[sflag:s8] =	ssyncset.done $0x0  }
0x1d: {  	s11 =	sadd.s32 s22, s21;
	[sflag:s8] =	ssyncadd.s32 $0xFFFFC000  }
0x1e: {  	[hbm4b:s11+s3] =	stream.linear.scatter [tilespmem:s7], [sflag:$0x2], $0x4000, $0x38;
	[tilespmem:$0x4080] =	vst v63  }
0x1f: {  	_ =	swait.ge [sflag:s4], $0x4000  }
0x20: {  	[sflag:s4] =	ssyncset.done $0x0  }
0x21: {  	s12 =	sadd.s32 s18, s12;
	[sflag:s4] =	ssyncadd.s32 $0xFFFFC000  }
0x22: {  	[tilespmem:s3], [sflag:$0x2] =	stream.linear.gather [hbm4b:s12+s3], $0x80, $0x38;
	[tilespmem:$0x4080] =	vst v63  }
0x23: {  	_ =	swait.ge [sflag:s4], $0x80  }
0x24: {  	[sflag:s4] =	ssyncset.done $0x0  }
0x25: {  	[sflag:s4] =	ssyncadd.s32 $0xFFFFFF80  }
0x26: {  	[tilespmem:s7], [sflag:$0x1] =	stream.indirect.gather [hbm4b:s6+s7], $0x80, s3, s7, $0xb8;
	[tilespmem:$0x4080] =	vst v63  }
0x27: {  	s15 =	sshllo.u32 s15, $0x1;
	_ =	swait.ge [sflag:s8], $0x4000  }
0x28: {  	s23 =	sadd.s32 $0x69A00, s13;
	s24 =	sshll.u32 s15, $0x7;
	[sflag:s8] =	ssyncset.done $0x0  }
0x29: {  	s13 =	sadd.s32 s23, s21;
	s29 =	sand.u32 $0x380, s24;
	[sflag:s8] =	ssyncadd.s32 $0xFFFFC000  }
0x2a: {  	[hbm4b:s13+s3] =	stream.linear.scatter [tilespmem:s7], [sflag:$0x2], $0x4000, $0x38;
	[tilespmem:$0x4080] =	vst v63  }
0x2b: {  	s17 =	sor.u32 s17, s29;
	_ =	swait.ge [sflag:s4], $0x4000  }
0x2c: {  	s21 =	sshrl.u32 s17, $0x3;
	[sflag:s4] =	ssyncset.done $0x0  }
0x2d: {  	s14 =	sadd.s32 s14, s21;
	[sflag:s4] =	ssyncadd.s32 $0xFFFFC000  }
0x2e: {  	[tilespmem:s3], [sflag:$0x2] =	stream.linear.gather [hbm4b:s14+s3], $0x80, $0x38;
	[tilespmem:$0x4080] =	vst v63  }
0x2f: {  	_ =	swait.ge [sflag:s4], $0x80  }
0x30: {  	[sflag:s4] =	ssyncset.done $0x0  }
0x31: {  	[sflag:s4] =	ssyncadd.s32 $0xFFFFFF80  }
0x32: {  	[tilespmem:s7], [sflag:$0x1] =	stream.indirect.gather [hbm4b:s6+s7], $0x80, s3, s7, $0xb8;
	[tilespmem:$0x4080] =	vst v63  }
0x33: {  	_ =	swait.ge [sflag:s8], $0x4000  }
0x34: {  	s30 =	sshll.u32 s15, $0xB;
	[sflag:s8] =	ssyncset.done $0x0  }
0x35: {  	s15 =	sadd.s32 s20, s30;
	[sflag:s8] =	ssyncadd.s32 $0xFFFFC000  }
0x36: {  	[hbm4b:s15+s3] =	stream.linear.scatter [tilespmem:s7], [sflag:$0x2], $0x4000, $0x38;
	[tilespmem:$0x4080] =	vst v63  }
0x37: {  	_ =	swait.ge [sflag:s4], $0x4000  }
0x38: {  	[sflag:s4] =	ssyncset.done $0x0  }
0x39: {  	s16 =	sadd.s32 s16, s21;
	[sflag:s4] =	ssyncadd.s32 $0xFFFFC000  }
0x3a: {  	[tilespmem:s3], [sflag:$0x2] =	stream.linear.gather [hbm4b:s16+s3], $0x80, $0x38;
	[tilespmem:$0x4080] =	vst v63  }
0x3b: {  	_ =	swait.ge [sflag:s4], $0x80  }
0x3c: {  	[sflag:s4] =	ssyncset.done $0x0  }
0x3d: {  	[sflag:s4] =	ssyncadd.s32 $0xFFFFFF80  }
0x3e: {  	[tilespmem:s7], [sflag:$0x1] =	stream.indirect.gather [hbm4b:s1+s7], $0x80, s3, s7, $0xb8;
	[tilespmem:$0x4080] =	vst v63  }
0x3f: {  	_ =	swait.ge [sflag:s8], $0x4000  }
0x40: {  	[sflag:s8] =	ssyncset.done $0x0  }
0x41: {  	s17 =	sadd.s32 s22, s30;
	[sflag:s8] =	ssyncadd.s32 $0xFFFFC000  }
0x42: {  	[hbm4b:s17+s3] =	stream.linear.scatter [tilespmem:s7], [sflag:$0x2], $0x4000, $0x38;
	[tilespmem:$0x4080] =	vst v63  }
0x43: {  	_ =	swait.ge [sflag:s4], $0x4000  }
0x44: {  	[sflag:s4] =	ssyncset.done $0x0  }
0x45: {  	s19 =	ssub.s32 $0x2, s19;
	s18 =	sadd.s32 s18, s21;
	[sflag:s4] =	ssyncadd.s32 $0xFFFFC000  }
0x46: {  	[tilespmem:s3], [sflag:$0x2] =	stream.linear.gather [hbm4b:s18+s3], $0x80, $0x38;
	[tilespmem:$0x4080] =	vst v63  }
0x47: {  	s31 =	sshrl.u32 s19, $0x1;
	_ =	swait.ge [sflag:s4], $0x80  }
0x48: {  	s20 =	ssub.s32 s19, s31;
	[sflag:s4] =	ssyncset.done $0x0  }
0x49: {  	s20 =	smax.u32 s20, $0x1;
	[sflag:s4] =	ssyncadd.s32 $0xFFFFFF80  }
0x4a: {  	[tilespmem:s7], [sflag:$0x1] =	stream.indirect.gather [hbm4b:s6+s7], $0x80, s3, s7, $0xb8;
	[tilespmem:$0x4080] =	vst v63  }
0x4b: {  	p0 =	sne.s32 s20, $0x1;
	_ =	swait.ge [sflag:s8], $0x4000  }
.Ltmp0:
0x4c: {  	[sflag:s8] =	ssyncset.done $0x0;
	(pc) =	sbr.rel @!p0 .LBB2_2-.Ltmp0, $4  }
0x4d: {  	s19 =	sadd.s32 s23, s30;
	[sflag:s8] =	ssyncadd.s32 $0xFFFFC000  }
0x4e: {  	[hbm4b:s19+s3] =	stream.linear.scatter [tilespmem:s7], [sflag:$0x2], $0x4000, $0x38;
	[tilespmem:$0x4080] =	vst v63  }
0x4f: {  	_ =	swait.ge [sflag:s4], $0x4000  }
0x50: {  	s20 =	sadd.s32 $0xFFFFFFFF, s20;
	[sflag:s4] =	ssyncset.done $0x0  }
.LBB2_1:
0x51: {  	p0 =	sne.s32 s20, $0x1;
	s20 =	sadd.s32 $0xFFFFFFFF, s20;
	[sflag:s4] =	ssyncadd.s32 $0xFFFFC000  }
0x52: {  	[tilespmem:s3], [sflag:$0x2] =	stream.linear.gather [hbm4b:s5+s3], $0x80, $0x38;
	[tilespmem:$0x4080] =	vst v63  }
0x53: {  	_ =	swait.ge [sflag:s4], $0x80  }
0x54: {  	[sflag:s4] =	ssyncset.done $0x0  }
0x55: {  	[sflag:s4] =	ssyncadd.s32 $0xFFFFFF80  }
0x56: {  	[tilespmem:s7], [sflag:$0x1] =	stream.indirect.gather [hbm4b:s6+s7], $0x80, s3, s7, $0xb8;
	[tilespmem:$0x4080] =	vst v63  }
0x57: {  	_ =	swait.ge [sflag:s8], $0x4000  }
0x58: {  	[sflag:s8] =	ssyncset.done $0x0  }
0x59: {  	[sflag:s8] =	ssyncadd.s32 $0xFFFFC000  }
0x5a: {  	[hbm4b:s9+s3] =	stream.linear.scatter [tilespmem:s7], [sflag:$0x2], $0x4000, $0x38;
	[tilespmem:$0x4080] =	vst v63  }
0x5b: {  	_ =	swait.ge [sflag:s4], $0x4000  }
0x5c: {  	[sflag:s4] =	ssyncset.done $0x0  }
0x5d: {  	[sflag:s4] =	ssyncadd.s32 $0xFFFFC000  }
0x5e: {  	[tilespmem:s3], [sflag:$0x2] =	stream.linear.gather [hbm4b:s10+s3], $0x80, $0x38;
	[tilespmem:$0x4080] =	vst v63  }
0x5f: {  	_ =	swait.ge [sflag:s4], $0x80  }
0x60: {  	[sflag:s4] =	ssyncset.done $0x0  }
0x61: {  	[sflag:s4] =	ssyncadd.s32 $0xFFFFFF80  }
0x62: {  	[tilespmem:s7], [sflag:$0x1] =	stream.indirect.gather [hbm4b:s1+s7], $0x80, s3, s7, $0xb8;
	[tilespmem:$0x4080] =	vst v63  }
0x63: {  	_ =	swait.ge [sflag:s8], $0x4000  }
0x64: {  	[sflag:s8] =	ssyncset.done $0x0  }
0x65: {  	[sflag:s8] =	ssyncadd.s32 $0xFFFFC000  }
0x66: {  	[hbm4b:s11+s3] =	stream.linear.scatter [tilespmem:s7], [sflag:$0x2], $0x4000, $0x38;
	[tilespmem:$0x4080] =	vst v63  }
0x67: {  	_ =	swait.ge [sflag:s4], $0x4000  }
0x68: {  	[sflag:s4] =	ssyncset.done $0x0  }
0x69: {  	[sflag:s4] =	ssyncadd.s32 $0xFFFFC000  }
0x6a: {  	[tilespmem:s3], [sflag:$0x2] =	stream.linear.gather [hbm4b:s12+s3], $0x80, $0x38;
	[tilespmem:$0x4080] =	vst v63  }
0x6b: {  	_ =	swait.ge [sflag:s4], $0x80  }
0x6c: {  	[sflag:s4] =	ssyncset.done $0x0  }
0x6d: {  	[sflag:s4] =	ssyncadd.s32 $0xFFFFFF80  }
0x6e: {  	[tilespmem:s7], [sflag:$0x1] =	stream.indirect.gather [hbm4b:s6+s7], $0x80, s3, s7, $0xb8;
	[tilespmem:$0x4080] =	vst v63  }
0x6f: {  	_ =	swait.ge [sflag:s8], $0x4000  }
0x70: {  	[sflag:s8] =	ssyncset.done $0x0  }
0x71: {  	[sflag:s8] =	ssyncadd.s32 $0xFFFFC000  }
0x72: {  	[hbm4b:s13+s3] =	stream.linear.scatter [tilespmem:s7], [sflag:$0x2], $0x4000, $0x38;
	[tilespmem:$0x4080] =	vst v63  }
0x73: {  	_ =	swait.ge [sflag:s4], $0x4000  }
0x74: {  	[sflag:s4] =	ssyncset.done $0x0  }
0x75: {  	[sflag:s4] =	ssyncadd.s32 $0xFFFFC000  }
0x76: {  	[tilespmem:s3], [sflag:$0x2] =	stream.linear.gather [hbm4b:s14+s3], $0x80, $0x38;
	[tilespmem:$0x4080] =	vst v63  }
0x77: {  	_ =	swait.ge [sflag:s4], $0x80  }
0x78: {  	[sflag:s4] =	ssyncset.done $0x0  }
0x79: {  	[sflag:s4] =	ssyncadd.s32 $0xFFFFFF80  }
0x7a: {  	[tilespmem:s7], [sflag:$0x1] =	stream.indirect.gather [hbm4b:s6+s7], $0x80, s3, s7, $0xb8;
	[tilespmem:$0x4080] =	vst v63  }
0x7b: {  	_ =	swait.ge [sflag:s8], $0x4000  }
0x7c: {  	[sflag:s8] =	ssyncset.done $0x0  }
0x7d: {  	[sflag:s8] =	ssyncadd.s32 $0xFFFFC000  }
0x7e: {  	[hbm4b:s15+s3] =	stream.linear.scatter [tilespmem:s7], [sflag:$0x2], $0x4000, $0x38;
	[tilespmem:$0x4080] =	vst v63  }
0x7f: {  	_ =	swait.ge [sflag:s4], $0x4000  }
0x80: {  	[sflag:s4] =	ssyncset.done $0x0  }
0x81: {  	[sflag:s4] =	ssyncadd.s32 $0xFFFFC000  }
0x82: {  	[tilespmem:s3], [sflag:$0x2] =	stream.linear.gather [hbm4b:s16+s3], $0x80, $0x38;
	[tilespmem:$0x4080] =	vst v63  }
0x83: {  	_ =	swait.ge [sflag:s4], $0x80  }
0x84: {  	[sflag:s4] =	ssyncset.done $0x0  }
0x85: {  	[sflag:s4] =	ssyncadd.s32 $0xFFFFFF80  }
0x86: {  	[tilespmem:s7], [sflag:$0x1] =	stream.indirect.gather [hbm4b:s1+s7], $0x80, s3, s7, $0xb8;
	[tilespmem:$0x4080] =	vst v63  }
0x87: {  	_ =	swait.ge [sflag:s8], $0x4000  }
0x88: {  	[sflag:s8] =	ssyncset.done $0x0  }
0x89: {  	[sflag:s8] =	ssyncadd.s32 $0xFFFFC000  }
0x8a: {  	[hbm4b:s17+s3] =	stream.linear.scatter [tilespmem:s7], [sflag:$0x2], $0x4000, $0x38;
	[tilespmem:$0x4080] =	vst v63  }
0x8b: {  	_ =	swait.ge [sflag:s4], $0x4000  }
0x8c: {  	[sflag:s4] =	ssyncset.done $0x0  }
0x8d: {  	[sflag:s4] =	ssyncadd.s32 $0xFFFFC000  }
0x8e: {  	[tilespmem:s3], [sflag:$0x2] =	stream.linear.gather [hbm4b:s18+s3], $0x80, $0x38;
	[tilespmem:$0x4080] =	vst v63  }
0x8f: {  	_ =	swait.ge [sflag:s4], $0x80  }
0x90: {  	[sflag:s4] =	ssyncset.done $0x0  }
0x91: {  	[sflag:s4] =	ssyncadd.s32 $0xFFFFFF80  }
0x92: {  	[tilespmem:s7], [sflag:$0x1] =	stream.indirect.gather [hbm4b:s6+s7], $0x80, s3, s7, $0xb8;
	[tilespmem:$0x4080] =	vst v63  }
0x93: {  	_ =	swait.ge [sflag:s8], $0x4000  }
.Ltmp1:
0x94: {  	[sflag:s8] =	ssyncset.done $0x0;
	(pc) =	sbr.rel @p0 .LBB2_1-.Ltmp1, $4  }
0x95: {  	[sflag:s8] =	ssyncadd.s32 $0xFFFFC000  }
0x96: {  	[hbm4b:s19+s3] =	stream.linear.scatter [tilespmem:s7], [sflag:$0x2], $0x4000, $0x38;
	[tilespmem:$0x4080] =	vst v63  }
0x97: {  	_ =	swait.ge [sflag:s4], $0x4000  }
0x98: {  	[sflag:s4] =	ssyncset.done $0x0  }
.LBB2_2:
0x99: {  	[sflag:s4] =	ssyncadd.s32 $0xFFFFC000  }
0x9a: {  	_ =	sfence.sel $0x180000  }
0x9b: {  	[bflag:$0x0] =	sbarrier.arrive $0xFFFF  }
0x9c: {  	p0 =	sne.s32 s0, $0x0;
	_ =	strace $0x9000004D  }
0x9d: {  	s0 =	sadd.s32 @!p0 $0x100000, s2;
	[bflag:$0x2] =	sbarrier.arrive $0xFFFF  }
0x9e: {  	[sflag:s0] =	ssyncadd.tile.s32 @!p0 $0x1;
	_ =	shalt  }
.Lfunc_end2:
_tile_overlayer_lowered:
.L_overlay_start_2:
0x9f: {  	(tag) =	ssettag $0x2  }
0xa0: {  	s0 =	rddreg [dreg:$0x0];
	s2 =	stileid.u32  }
0xa1: {  	s1 =	rddreg [dreg:$0x1];
	p0 =	sne.s32 s2, $0x0  }
0xa2: {  	s3 =	rddreg [dreg:$0x2];
	[bflag:$0x3] =	sbarrier.arrive $0xFFFF;
	s2 =	simm.s32 @!p0 $0x1C02  }
0xa3: {  	[timem:s3], [sflag:s2] =	dma.local @!p0 [hbm:s0], s1  }
0xa4: {  	s0 =	simm.s32 @!p0 $0x2  }
0xa5: {  	_ =	swait.ge @!p0 [sflag:s0], s1  }
0xa6: {  	s1 =	ssub.s32 @!p0 $0x0, s1;
	[sflag:s0] =	ssyncset.done @!p0 $0x0  }
0xa7: {  	[sflag:s0] =	ssyncadd.s32 @!p0 s1  }
0xa8: {  	[bflag:$0x3] =	sbarrier.arrive $0xFFFF  }
0xa9: {  	_ =	shalt  }

</sc_bundles>
